<compile_context>
chip_gen: v7x
topology: tpu7x:2x2x1
jax: 0.10.2.dev20260603
libtpu: 0.0.44.dev20260713+nightly
codegen_flags: <defaults>
</compile_context>

<pallas_src>
import functools

import jax
import jax.numpy as jnp
from jax import lax
from jax.experimental import pallas as pl
from jax.experimental.pallas import tpu as pltpu
from jax.experimental.pallas import tpu_sc as plsc

N_NODES = 10000
N_EDGES = 320000
F_IN = 128
H = 16
C = 2

NP = 10240
NC = 2
NS = 16
EPT = N_EDGES // (NC * NS)
CH = 2000
NCH = EPT // CH
NPT = NP // NS
NPW = NP // (NC * NS)


def _sc_mesh():
    return plsc.VectorSubcoreMesh(core_axis_name="c", subcore_axis_name="s",
                                  num_cores=NC, num_subcores=NS)


_SC_PARAMS = pltpu.CompilerParams(use_tc_tiling_on_sc=False,
                                  needs_layout_passes=False)


def _rsqrt16(x):
    i = plsc.bitcast(x, jnp.int32)
    i = jnp.int32(0x5F3759DF) - lax.shift_right_logical(i, 1)
    y = plsc.bitcast(i, jnp.float32)
    hx = x * 0.5
    for _ in range(3):
        y = y * (1.5 - hx * y * y)
    return y


def _mk_dinv(d0_v, d1_v):
    def body(i, _):
        d = d0_v[pl.ds(i * 16, 16)] + d1_v[pl.ds(i * 16, 16)] + 1.0
        d0_v[pl.ds(i * 16, 16)] = _rsqrt16(d)
        return 0
    lax.fori_loop(0, NPT // 16, body, 0)


def _load_edges(src_hbm, dst_hbm, src_v, dst_v, wid, sem):
    del sem
    for j in range(NCH):
        pltpu.sync_copy(src_hbm.at[pl.ds(wid * EPT + j * CH, CH)], src_v.at[j])
        pltpu.sync_copy(dst_hbm.at[pl.ds(wid * EPT + j * CH, CH)], dst_v.at[j])
    return []


def _zero_acc(zbuf_v, acc_sh, s, width):
    def fill(i, _):
        zbuf_v[i] = jnp.zeros((width,), jnp.float32)
        return 0
    lax.fori_loop(0, NPT, fill, 0)
    pltpu.sync_copy(zbuf_v, acc_sh.at[pl.ds(s * NPT, NPT)])


def _edge_pass(tab_ref, src_v, dst_v, rows_v, acc_sh, sems):
    def gather(j):
        return pltpu.async_copy(tab_ref.at[src_v.at[j]], rows_v.at[j % 2],
                                sems[j % 2])

    desc = {0: gather(0)}
    for j in range(NCH):
        if j + 1 < NCH:
            desc[j + 1] = gather(j + 1)
        desc[j].wait()
        pltpu.sync_copy(rows_v.at[j % 2], acc_sh.at[dst_v.at[j]], add=True)


@functools.partial(
    pl.kernel,
    out_type=jax.ShapeDtypeStruct((NC, NP), jnp.float32),
    mesh=_sc_mesh(),
    compiler_params=_SC_PARAMS,
    scratch_types=[
        pltpu.VMEM((NCH, CH), jnp.int32),
        pltpu.VMEM((CH,), jnp.float32),
        pltpu.VMEM((NPT,), jnp.float32),
        pltpu.VMEM_SHARED((NP,), jnp.float32),
        pltpu.SemaphoreType.DMA,
    ],
)
def _deg_kernel(dst_hbm, out_hbm, idx_v, ones_v, buf_v, deg_sh, sem):
    c = lax.axis_index("c")
    s = lax.axis_index("s")
    wid = s * NC + c

    ds = []
    for j in range(NCH):
        ds.append(pltpu.async_copy(
            dst_hbm.at[pl.ds(wid * EPT + j * CH, CH)], idx_v.at[j], sem))

    def fill(i, _):
        buf_v[pl.ds(i * 16, 16)] = jnp.zeros((16,), jnp.float32)
        return 0
    lax.fori_loop(0, NPT // 16, fill, 0)

    def fill1(i, _):
        ones_v[pl.ds(i * 16, 16)] = jnp.ones((16,), jnp.float32)
        return 0
    lax.fori_loop(0, CH // 16, fill1, 0)

    pltpu.sync_copy(buf_v, deg_sh.at[pl.ds(s * NPT, NPT)])
    for d in ds:
        d.wait()
    plsc.subcore_barrier()

    for j in range(NCH):
        pltpu.sync_copy(ones_v, deg_sh.at[idx_v.at[j]], add=True)
    plsc.subcore_barrier()

    pltpu.sync_copy(deg_sh.at[pl.ds(s * NPT, NPT)], buf_v)
    pltpu.sync_copy(buf_v, out_hbm.at[c, pl.ds(s * NPT, NPT)])


@functools.partial(
    pl.kernel,
    out_type=(
        jax.ShapeDtypeStruct((NC, NP, H), jnp.float32),
        jax.ShapeDtypeStruct((NC, NP, H), jnp.float32),
    ),
    mesh=_sc_mesh(),
    compiler_params=_SC_PARAMS,
    scratch_types=[
        pltpu.VMEM((NCH, CH), jnp.int32),
        pltpu.VMEM((NCH, CH), jnp.int32),
        pltpu.VMEM((2, CH, H), jnp.float32),
        pltpu.VMEM((NPT, H), jnp.float32),
        pltpu.VMEM((NPT,), jnp.float32),
        pltpu.VMEM((NPT,), jnp.float32),
        pltpu.VMEM((NPT, H), jnp.float32),
        pltpu.VMEM_SHARED((NP, H), jnp.float32),
        pltpu.SemaphoreType.DMA,
        pltpu.SemaphoreType.DMA,
        pltpu.SemaphoreType.DMA,
    ],
)
def _agg1_kernel(src_hbm, dst_hbm, h1_hbm, degp_hbm,
                 acc_hbm, tab_hbm,
                 src_v, dst_v, rows_v, buf_v, d0_v, d1_v, zbuf_v, acc_sh,
                 sem0, sem1, lsem):
    c = lax.axis_index("c")
    s = lax.axis_index("s")
    wid = s * NC + c

    dh = pltpu.async_copy(h1_hbm.at[pl.ds(s * NPT, NPT)], buf_v, sem0)
    dd0 = pltpu.async_copy(degp_hbm.at[0, pl.ds(s * NPT, NPT)], d0_v, sem1)
    dd1 = pltpu.async_copy(degp_hbm.at[1, pl.ds(s * NPT, NPT)], d1_v, sem1)

    _zero_acc(zbuf_v, acc_sh, s, H)
    _load_edges(src_hbm, dst_hbm, src_v, dst_v, wid, lsem)

    dd0.wait()
    dd1.wait()
    _mk_dinv(d0_v, d1_v)
    dh.wait()

    def scale(i, _):
        dinv = plsc.load_gather(d0_v, [jnp.full((16,), i, jnp.int32)])
        buf_v[i] = buf_v[i] * dinv
        return 0
    lax.fori_loop(0, NPT, scale, 0)
    pltpu.sync_copy(buf_v, tab_hbm.at[c, pl.ds(s * NPT, NPT)])
    plsc.subcore_barrier()

    _edge_pass(tab_hbm.at[c], src_v, dst_v, rows_v, acc_sh, [sem0, sem1])
    plsc.subcore_barrier()

    pltpu.sync_copy(acc_sh.at[pl.ds(s * NPT, NPT)], buf_v)
    pltpu.sync_copy(buf_v, acc_hbm.at[c, pl.ds(s * NPT, NPT)])


@functools.partial(
    pl.kernel,
    out_type=(
        jax.ShapeDtypeStruct((NC, C, NP), jnp.float32),
        jax.ShapeDtypeStruct((NC, NP, H), jnp.float32),
    ),
    mesh=_sc_mesh(),
    compiler_params=_SC_PARAMS,
    scratch_types=[
        pltpu.VMEM((NCH, CH), jnp.int32),
        pltpu.VMEM((NCH, CH), jnp.int32),
        pltpu.VMEM((2, CH, H), jnp.float32),
        pltpu.VMEM((NPT, H), jnp.float32),
        pltpu.VMEM((NPT, H), jnp.float32),
        pltpu.VMEM((NPT, H), jnp.float32),
        pltpu.VMEM((NPT,), jnp.float32),
        pltpu.VMEM((NPT,), jnp.float32),
        pltpu.VMEM((16,), jnp.float32),
        pltpu.VMEM((16,), jnp.float32),
        pltpu.VMEM((16,), jnp.float32),
        pltpu.VMEM((NPT,), jnp.float32),
        pltpu.VMEM((NPT,), jnp.float32),
        pltpu.VMEM_SHARED((NP, H), jnp.float32),
        pltpu.SemaphoreType.DMA,
        pltpu.SemaphoreType.DMA,
        pltpu.SemaphoreType.DMA,
    ],
)
def _agg2_kernel(src_hbm, dst_hbm, h1_hbm, degp_hbm, acc_hbm,
                 b1_hbm, w2a_hbm, w2b_hbm, b2h_hbm,
                 q_hbm, tab_hbm,
                 src_v, dst_v, rows_v, u_v, a0_v, a1_v, d0_v, d1_v,
                 b1_v, w2a_v, w2b_v, qa_v, qb_v, acc_sh,
                 sem0, sem1, lsem):
    c = lax.axis_index("c")
    s = lax.axis_index("s")
    wid = s * NC + c
    sl = pl.ds(s * NPT, NPT)

    _zero_acc(a1_v, acc_sh, s, H)

    dh = pltpu.async_copy(h1_hbm.at[sl], u_v, sem0)
    da0 = pltpu.async_copy(acc_hbm.at[0, sl], a0_v, sem0)
    da1 = pltpu.async_copy(acc_hbm.at[1, sl], a1_v, sem0)
    db = pltpu.async_copy(b1_hbm, b1_v, sem0)
    dwa = pltpu.async_copy(w2a_hbm, w2a_v, sem0)
    dwb = pltpu.async_copy(w2b_hbm, w2b_v, sem0)
    dd0 = pltpu.async_copy(degp_hbm.at[0, sl], d0_v, sem1)
    dd1 = pltpu.async_copy(degp_hbm.at[1, sl], d1_v, sem1)
    _load_edges(src_hbm, dst_hbm, src_v, dst_v, wid, lsem)

    dd0.wait()
    dd1.wait()
    _mk_dinv(d0_v, d1_v)
    for d in (dh, da0, da1, db, dwa, dwb):
        d.wait()
    b1_vec = b1_v[...]

    def mk_u(i, _):
        dinv = plsc.load_gather(d0_v, [jnp.full((16,), i, jnp.int32)])
        h1s = u_v[i] * dinv
        out1 = (a0_v[i] + a1_v[i] + h1s) * dinv + b1_vec
        u_v[i] = jnp.maximum(out1, 0.0) * dinv
        return 0
    lax.fori_loop(0, NPT, mk_u, 0)
    pltpu.sync_copy(u_v, tab_hbm.at[c, pl.ds(s * NPT, NPT)])
    plsc.subcore_barrier()

    _edge_pass(tab_hbm.at[c], src_v, dst_v, rows_v, acc_sh, [sem0, sem1])
    plsc.subcore_barrier()

    pltpu.sync_copy(acc_sh.at[pl.ds(s * NPT, NPT)], a0_v)
    pltpu.sync_copy(b2h_hbm, b1_v)
    flag = jnp.where(c == 0, 1.0, 0.0)
    w2a_vec = w2a_v[...]
    w2b_vec = w2b_v[...]
    b2_vec = b1_v[...]
    iota16 = lax.iota(jnp.int32, 16)

    def mk_q(g, _):
        ridx = iota16 + g * 16
        dinvg = d0_v[pl.ds(g * 16, 16)]
        qa = jnp.zeros((16,), jnp.float32)
        qb = jnp.zeros((16,), jnp.float32)
        for k in range(H):
            kidx = jnp.full((16,), k, jnp.int32)
            col = (plsc.load_gather(a0_v, [ridx, kidx])
                   + plsc.load_gather(u_v, [ridx, kidx]) * flag)
            qa = qa + col * w2a_vec[k]
            qb = qb + col * w2b_vec[k]
        qa_v[pl.ds(g * 16, 16)] = qa * dinvg + b2_vec[0]
        qb_v[pl.ds(g * 16, 16)] = qb * dinvg + b2_vec[1]
        return 0
    lax.fori_loop(0, NPT // 16, mk_q, 0)
    pltpu.sync_copy(qa_v, q_hbm.at[c, 0, pl.ds(s * NPT, NPT)])
    pltpu.sync_copy(qb_v, q_hbm.at[c, 1, pl.ds(s * NPT, NPT)])


@functools.partial(
    pl.kernel,
    out_type=jax.ShapeDtypeStruct((NP * C,), jnp.float32),
    mesh=_sc_mesh(),
    compiler_params=_SC_PARAMS,
    scratch_types=[
        pltpu.VMEM((NPW,), jnp.float32),
        pltpu.VMEM((NPW,), jnp.float32),
        pltpu.VMEM((NPW,), jnp.float32),
        pltpu.VMEM((NPW,), jnp.float32),
        pltpu.VMEM((NPW * C,), jnp.float32),
        pltpu.SemaphoreType.DMA,
    ],
)
def _final_kernel(q_hbm, out_hbm, qa_v, qb_v, t_v, t2_v, out_v, sem):
    c = lax.axis_index("c")
    s = lax.axis_index("s")
    wid = s * NC + c
    base = wid * NPW

    loads = [
        pltpu.async_copy(q_hbm.at[0, 0, pl.ds(base, NPW)], qa_v, sem),
        pltpu.async_copy(q_hbm.at[1, 0, pl.ds(base, NPW)], t_v, sem),
        pltpu.async_copy(q_hbm.at[0, 1, pl.ds(base, NPW)], qb_v, sem),
        pltpu.async_copy(q_hbm.at[1, 1, pl.ds(base, NPW)], t2_v, sem),
    ]
    for d in loads:
        d.wait()

    def add_ab(i, _):
        sl = pl.ds(i * 16, 16)
        qa_v[sl] = qa_v[sl] + t_v[sl]
        qb_v[sl] = qb_v[sl] + t2_v[sl]
        return 0
    lax.fori_loop(0, NPW // 16, add_ab, 0)

    iota16 = lax.iota(jnp.int32, 16)

    def lsm(g, _):
        sl = pl.ds(g * 16, 16)
        a = qa_v[sl]
        b = qb_v[sl]
        m = jnp.maximum(a, b)
        e = jnp.exp(jnp.minimum(a, b) - m)
        t = e / (2.0 + e)
        t2 = t * t
        ln = 2.0 * t * (1.0 + t2 * (1.0 / 3.0 + t2 * (0.2 + t2 * (
            1.0 / 7.0 + t2 * (1.0 / 9.0)))))
        oidx = iota16 * 2 + g * 32
        plsc.store_scatter(out_v, [oidx], a - m - ln)
        plsc.store_scatter(out_v, [oidx + 1], b - m - ln)
        return 0
    lax.fori_loop(0, NPW // 16, lsm, 0)
    pltpu.sync_copy(out_v, out_hbm.at[pl.ds(base * C, NPW * C)])


_EBLK = 65536


def _esplit_body(ei_ref, src_ref, dst_ref):
    src_ref[...] = ei_ref[0]
    dst_ref[...] = ei_ref[1]


def _edge_split(ei):
    return pl.pallas_call(
        _esplit_body,
        grid=(pl.cdiv(N_EDGES, _EBLK),),
        in_specs=[pl.BlockSpec((2, _EBLK), lambda i: (0, i))],
        out_specs=(
            pl.BlockSpec((_EBLK,), lambda i: (i,)),
            pl.BlockSpec((_EBLK,), lambda i: (i,)),
        ),
        out_shape=(
            jax.ShapeDtypeStruct((N_EDGES,), jnp.int32),
            jax.ShapeDtypeStruct((N_EDGES,), jnp.int32),
        ),
    )(ei)


_BLK = 512
_GRID = NP // _BLK


def _mm1_body(x_ref, w1_ref, out_ref):
    out_ref[...] = jnp.dot(x_ref[...], w1_ref[...],
                           preferred_element_type=jnp.float32)


def _mm1(x, W1):
    return pl.pallas_call(
        _mm1_body,
        grid=(_GRID,),
        in_specs=[
            pl.BlockSpec((_BLK, F_IN), lambda i: (i, 0)),
            pl.BlockSpec((F_IN, H), lambda i: (0, 0)),
        ],
        out_specs=pl.BlockSpec((_BLK, H), lambda i: (i, 0)),
        out_shape=jax.ShapeDtypeStruct((NP, H), jnp.float32),
    )(x, W1)


def kernel(x, edge_index, W1, b1, W2, b2):
    ei = edge_index.astype(jnp.int32)
    src, dst = _edge_split(ei)
    b1t = b1.astype(jnp.float32)
    w2a = W2[:, 0].astype(jnp.float32)
    w2b = W2[:, 1].astype(jnp.float32)
    b2h = jnp.tile(b2.astype(jnp.float32) * 0.5, 8)

    degp = _deg_kernel(dst)
    h1 = _mm1(x, W1)
    acc, h1s_tab = _agg1_kernel(src, dst, h1, degp)
    del h1s_tab
    q, u_tab = _agg2_kernel(src, dst, h1, degp, acc, b1t, w2a, w2b, b2h)
    del u_tab
    out = _final_kernel(q)
    return out[:N_NODES * C].reshape(N_NODES, C)

# --- scband reference (transcript-rebuilt; emitter-appended) ---
"""Pipeline reference for scband-gcn-11098195493276 (READ-ONLY COPY).

The authoritative reference and input builder live on the scoring server;
editing this copy changes nothing except your own understanding.
"""

import jax, jax.numpy as jnp
import numpy as np

N_NODES = 10000
N_EDGES = 320000
NUM_FEATURES = 128
HIDDEN = 16
NUM_CLASSES = 2


def gcn_conv(x, edge_index, W, b):
    # Faithful PyG GCNConv: linear -> add self-loops -> sym-normalize -> scatter-add -> bias
    N = x.shape[0]
    src = edge_index[0]
    dst = edge_index[1]
    loop = jnp.arange(N, dtype=edge_index.dtype)
    src = jnp.concatenate([src, loop])
    dst = jnp.concatenate([dst, loop])
    deg = jnp.zeros((N,), dtype=x.dtype).at[dst].add(1.0)
    deg_inv_sqrt = jnp.where(deg > 0, deg ** -0.5, 0.0)
    norm = deg_inv_sqrt[src] * deg_inv_sqrt[dst]
    h = x @ W
    msg = h[src] * norm[:, None]
    out = jnp.zeros((N, W.shape[1]), dtype=x.dtype).at[dst].add(msg)
    return out + b


def setup_inputs(seed: int = 0) -> dict:
    key = jax.random.key(seed)
    k_x, k_ei, k_w1, k_w2 = jax.random.split(key, 4)
    x = jax.random.normal(k_x, (N_NODES, NUM_FEATURES), dtype=jnp.float32)
    edge_index = jax.random.randint(k_ei, (2, N_EDGES), 0, N_NODES, dtype=jnp.int64)
    # Glorot-style init for GCNConv weights
    W1 = jax.random.normal(k_w1, (NUM_FEATURES, HIDDEN), dtype=jnp.float32) * (1.0 / np.sqrt(NUM_FEATURES))
    b1 = jnp.zeros((HIDDEN,), dtype=jnp.float32)
    W2 = jax.random.normal(k_w2, (HIDDEN, NUM_CLASSES), dtype=jnp.float32) * (1.0 / np.sqrt(HIDDEN))
    b2 = jnp.zeros((NUM_CLASSES,), dtype=jnp.float32)
    return {"x": x, "edge_index": edge_index, "W1": W1, "b1": b1, "W2": W2, "b2": b2}


def reference(x, edge_index, W1, b1, W2, b2):
    h = gcn_conv(x, edge_index, W1, b1)
    h = jax.nn.relu(h)
    h = gcn_conv(h, edge_index, W2, b2)
    return jax.nn.log_softmax(h, axis=1)

if __name__ == "__main__":
    import jax
    _d = setup_inputs()
    print(jax.jit(kernel)(*tuple(_d.values())))

</pallas_src>

<mosaic_0001>
#map = affine_map<(d0, d1) -> (0)>
#map1 = affine_map<(d0, d1) -> (0, 0)>
#map2 = affine_map<(d0, d1) -> (0, 0, 0)>
module attributes {stable_mosaic.version = 14 : i64} {
  func.func @_agg1_kernel(%arg0: i32, %arg1: i32, %arg2: memref<320000xi32, #tpu.memory_space<hbm>>, %arg3: memref<320000xi32, #tpu.memory_space<hbm>>, %arg4: memref<10240x16xf32, #tpu.memory_space<hbm>>, %arg5: memref<2x10240xf32, #tpu.memory_space<hbm>>, %arg6: memref<2x10240x16xf32, #tpu.memory_space<hbm>>, %arg7: memref<2x10240x16xf32, #tpu.memory_space<hbm>>, %arg8: memref<5x2000xi32, #tpu.memory_space<vmem>>, %arg9: memref<5x2000xi32, #tpu.memory_space<vmem>>, %arg10: memref<2x2000x16xf32, #tpu.memory_space<vmem>>, %arg11: memref<640x16xf32, #tpu.memory_space<vmem>>, %arg12: memref<640xf32, #tpu.memory_space<vmem>>, %arg13: memref<640xf32, #tpu.memory_space<vmem>>, %arg14: memref<640x16xf32, #tpu.memory_space<vmem>>, %arg15: memref<10240x16xf32, #tpu.memory_space<vmem_shared>>, %arg16: memref<!tpu.dma_semaphore, #tpu.memory_space<semaphore_mem>>, %arg17: memref<!tpu.dma_semaphore, #tpu.memory_space<semaphore_mem>>, %arg18: memref<!tpu.dma_semaphore, #tpu.memory_space<semaphore_mem>>) attributes {dimension_semantics = [#tpu.dimension_semantics<core_parallel>, #tpu.dimension_semantics<subcore_parallel>], iteration_bounds = array<i64: 2, 16>, scalar_prefetch = 0 : i64, scratch_operands = 11 : i64, tpu.core_type = #tpu.core_type<sc_vector_subcore>, window_params = [{transform_indices = #map}, {transform_indices = #map}, {transform_indices = #map1}, {transform_indices = #map1}, {transform_indices = #map2}, {transform_indices = #map2}]} {
    %mul3A = arith.constant 2 : i32
    %mul3A_0 = arith.muli %arg1, %mul3A : i32
    %add3A = arith.addi %mul3A_0, %arg0 : i32
    %mul3A_1 = arith.constant 640 : i32
    %mul3A_2 = arith.muli %arg1, %mul3A_1 : i32
    %dma_start3A = arith.constant 0 : i32
    %dma_start3A_3 = tpu.memref_slice %arg4[%mul3A_2, %dma_start3A] : memref<10240x16xf32, #tpu.memory_space<hbm>> -> memref<640x16xf32, #tpu.memory_space<hbm>>
    %dma_start3A_4 = arith.constant 0 : i32
    %dma_start3A_5 = tpu.memref_slice %arg4[%mul3A_2, %dma_start3A_4] : memref<10240x16xf32, #tpu.memory_space<hbm>> -> memref<640x16xf32, #tpu.memory_space<hbm>>
    tpu.enqueue_dma source(%dma_start3A_5 : memref<640x16xf32, #tpu.memory_space<hbm>>) target(%arg11 : memref<640x16xf32, #tpu.memory_space<vmem>>) target_semaphore(%arg16 : memref<!tpu.dma_semaphore, #tpu.memory_space<semaphore_mem>>)
    %mul3A_6 = arith.constant 640 : i32
    %mul3A_7 = arith.muli %arg1, %mul3A_6 : i32
    %dma_start3A_8 = arith.constant 0 : i32
    %dma_start3A_9 = tpu.memref_slice %arg5[%dma_start3A_8, %mul3A_7] : memref<2x10240xf32, #tpu.memory_space<hbm>> -> memref<1x640xf32, #tpu.memory_space<hbm>>
    %dma_start3A_10 = tpu.memref_squeeze %dma_start3A_9 : memref<1x640xf32, #tpu.memory_space<hbm>> -> memref<640xf32, #tpu.memory_space<hbm>>
    %dma_start3A_11 = tpu.memref_slice %arg5[%dma_start3A_8, %mul3A_7] : memref<2x10240xf32, #tpu.memory_space<hbm>> -> memref<1x640xf32, #tpu.memory_space<hbm>>
    %dma_start3A_12 = tpu.memref_squeeze %dma_start3A_11 : memref<1x640xf32, #tpu.memory_space<hbm>> -> memref<640xf32, #tpu.memory_space<hbm>>
    tpu.enqueue_dma source(%dma_start3A_12 : memref<640xf32, #tpu.memory_space<hbm>>) target(%arg12 : memref<640xf32, #tpu.memory_space<vmem>>) target_semaphore(%arg17 : memref<!tpu.dma_semaphore, #tpu.memory_space<semaphore_mem>>)
    %mul3A_13 = arith.constant 640 : i32
    %mul3A_14 = arith.muli %arg1, %mul3A_13 : i32
    %dma_start3A_15 = arith.constant 1 : i32
    %dma_start3A_16 = tpu.memref_slice %arg5[%dma_start3A_15, %mul3A_14] : memref<2x10240xf32, #tpu.memory_space<hbm>> -> memref<1x640xf32, #tpu.memory_space<hbm>>
    %dma_start3A_17 = tpu.memref_squeeze %dma_start3A_16 : memref<1x640xf32, #tpu.memory_space<hbm>> -> memref<640xf32, #tpu.memory_space<hbm>>
    %dma_start3A_18 = tpu.memref_slice %arg5[%dma_start3A_15, %mul3A_14] : memref<2x10240xf32, #tpu.memory_space<hbm>> -> memref<1x640xf32, #tpu.memory_space<hbm>>
    %dma_start3A_19 = tpu.memref_squeeze %dma_start3A_18 : memref<1x640xf32, #tpu.memory_space<hbm>> -> memref<640xf32, #tpu.memory_space<hbm>>
    tpu.enqueue_dma source(%dma_start3A_19 : memref<640xf32, #tpu.memory_space<hbm>>) target(%arg13 : memref<640xf32, #tpu.memory_space<vmem>>) target_semaphore(%arg17 : memref<!tpu.dma_semaphore, #tpu.memory_space<semaphore_mem>>)
    %scan3A = arith.constant 0 : i32
    %scan3A_20 = arith.constant 0 : i32
    %scan3A_21 = arith.constant 640 : i32
    %scan3A_22 = arith.addi %scan3A_20, %scan3A_21 : i32
    %scan3A_23 = arith.constant 1 : i32
    %scan3A_24 = scf.for %scan3A_281 = %scan3A_20 to %scan3A_22 step %scan3A_23 iter_args(%scan3A_282 = %scan3A) -> (i32)  : i32 {
      %broadcast_in_dim3A = arith.constant 0.000000e+00 : f32
      %broadcast_in_dim3A_283 = vector.broadcast %broadcast_in_dim3A : f32 to vector<16xf32>
      %swap3A = arith.index_cast %scan3A_281 : i32 to index
      %swap3A_284 = arith.constant 0 : index
      %swap3A_285 = tpu.vector_load %arg14[%swap3A, %swap3A_284] {strides = array<i32>} : memref<640x16xf32, #tpu.memory_space<vmem>>, vector<16xf32>,
      tpu.vector_store %arg14[%swap3A, %swap3A_284], %broadcast_in_dim3A_283 {strides = array<i32>} : memref<640x16xf32, #tpu.memory_space<vmem>>, vector<16xf32>,
      %scan3A_286 = arith.constant 0 : i32
      scf.yield %scan3A_286 : i32
    }
    %scan3A_25 = arith.constant 640 : i32
    %mul3A_26 = arith.constant 640 : i32
    %mul3A_27 = arith.muli %arg1, %mul3A_26 : i32
    "tpu.region"() ({
      %run_scoped3A_281 = tpu.sem_alloc : memref<!tpu.dma_semaphore, #tpu.memory_space<semaphore_mem>>
      %dma_start3A_282 = arith.constant 0 : i32
      %dma_start3A_283 = tpu.memref_slice %arg15[%mul3A_27, %dma_start3A_282] : memref<10240x16xf32, #tpu.memory_space<vmem_shared>> -> memref<640x16xf32, #tpu.memory_space<vmem_shared>>
      %dma_start3A_284 = arith.constant 0 : i32
      %dma_start3A_285 = tpu.memref_slice %arg15[%mul3A_27, %dma_start3A_284] : memref<10240x16xf32, #tpu.memory_space<vmem_shared>> -> memref<640x16xf32, #tpu.memory_space<vmem_shared>>
      tpu.enqueue_dma source(%arg14 : memref<640x16xf32, #tpu.memory_space<vmem>>) target(%dma_start3A_285 : memref<640x16xf32, #tpu.memory_space<vmem_shared>>) target_semaphore(%run_scoped3A_281 : memref<!tpu.dma_semaphore, #tpu.memory_space<semaphore_mem>>)
      %dma_wait3A_286 = arith.constant 0 : i32
      %dma_wait3A_287 = tpu.memref_slice %arg15[%mul3A_27, %dma_wait3A_286] : memref<10240x16xf32, #tpu.memory_space<vmem_shared>> -> memref<640x16xf32, #tpu.memory_space<vmem_shared>>
      %dma_wait3A_288 = arith.constant 0 : i32
      %dma_wait3A_289 = tpu.memref_slice %arg15[%mul3A_27, %dma_wait3A_288] : memref<10240x16xf32, #tpu.memory_space<vmem_shared>> -> memref<640x16xf32, #tpu.memory_space<vmem_shared>>
      tpu.wait_dma2 semaphore(%run_scoped3A_281 : memref<!tpu.dma_semaphore, #tpu.memory_space<semaphore_mem>>) src(%arg14 : memref<640x16xf32, #tpu.memory_space<vmem>>) dst(%dma_wait3A_289 : memref<640x16xf32, #tpu.memory_space<vmem_shared>>)
      tpu.yield
    }) : () -> ()
    %mul3A_28 = arith.constant 10000 : i32
    %mul3A_29 = arith.muli %add3A, %mul3A_28 : i32
    %add3A_30 = arith.constant 0 : i32
    %add3A_31 = arith.addi %mul3A_29, %add3A_30 : i32
    %run_scoped3A = arith.constant 0 : i32
    "tpu.region"() ({
      %run_scoped3A_281 = tpu.sem_alloc : memref<!tpu.dma_semaphore, #tpu.memory_space<semaphore_mem>>
      %dma_start3A_282 = arith.constant 0 : i32
      %dma_start3A_283 = tpu.memref_slice %arg8[%run_scoped3A, %dma_start3A_282] : memref<5x2000xi32, #tpu.memory_space<vmem>> -> memref<1x2000xi32, #tpu.memory_space<vmem>>
      %dma_start3A_284 = tpu.memref_squeeze %dma_start3A_283 : memref<1x2000xi32, #tpu.memory_space<vmem>> -> memref<2000xi32, #tpu.memory_space<vmem>>
      %dma_start3A_285 = tpu.memref_slice %arg2[%add3A_31] : memref<320000xi32, #tpu.memory_space<hbm>> -> memref<2000xi32, #tpu.memory_space<hbm>>
      %dma_start3A_286 = arith.constant 0 : i32
      %dma_start3A_287 = tpu.memref_slice %arg8[%run_scoped3A, %dma_start3A_286] : memref<5x2000xi32, #tpu.memory_space<vmem>> -> memref<1x2000xi32, #tpu.memory_space<vmem>>
      %dma_start3A_288 = tpu.memref_squeeze %dma_start3A_287 : memref<1x2000xi32, #tpu.memory_space<vmem>> -> memref<2000xi32, #tpu.memory_space<vmem>>
      %dma_start3A_289 = tpu.memref_slice %arg2[%add3A_31] : memref<320000xi32, #tpu.memory_space<hbm>> -> memref<2000xi32, #tpu.memory_space<hbm>>
      tpu.enqueue_dma source(%dma_start3A_289 : memref<2000xi32, #tpu.memory_space<hbm>>) target(%dma_start3A_288 : memref<2000xi32, #tpu.memory_space<vmem>>) target_semaphore(%run_scoped3A_281 : memref<!tpu.dma_semaphore, #tpu.memory_space<semaphore_mem>>)
      %dma_wait3A_290 = arith.constant 0 : i32
      %dma_wait3A_291 = tpu.memref_slice %arg8[%run_scoped3A, %dma_wait3A_290] : memref<5x2000xi32, #tpu.memory_space<vmem>> -> memref<1x2000xi32, #tpu.memory_space<vmem>>
      %dma_wait3A_292 = tpu.memref_squeeze %dma_wait3A_291 : memref<1x2000xi32, #tpu.memory_space<vmem>> -> memref<2000xi32, #tpu.memory_space<vmem>>
      %dma_wait3A_293 = tpu.memref_slice %arg2[%add3A_31] : memref<320000xi32, #tpu.memory_space<hbm>> -> memref<2000xi32, #tpu.memory_space<hbm>>
      %dma_wait3A_294 = arith.constant 0 : i32
      %dma_wait3A_295 = tpu.memref_slice %arg8[%run_scoped3A, %dma_wait3A_294] : memref<5x2000xi32, #tpu.memory_space<vmem>> -> memref<1x2000xi32, #tpu.memory_space<vmem>>
      %dma_wait3A_296 = tpu.memref_squeeze %dma_wait3A_295 : memref<1x2000xi32, #tpu.memory_space<vmem>> -> memref<2000xi32, #tpu.memory_space<vmem>>
      %dma_wait3A_297 = tpu.memref_slice %arg2[%add3A_31] : memref<320000xi32, #tpu.memory_space<hbm>> -> memref<2000xi32, #tpu.memory_space<hbm>>
      tpu.wait_dma2 semaphore(%run_scoped3A_281 : memref<!tpu.dma_semaphore, #tpu.memory_space<semaphore_mem>>) src(%dma_wait3A_297 : memref<2000xi32, #tpu.memory_space<hbm>>) dst(%dma_wait3A_296 : memref<2000xi32, #tpu.memory_space<vmem>>)
      tpu.yield
    }) : () -> ()
    %mul3A_32 = arith.constant 10000 : i32
    %mul3A_33 = arith.muli %add3A, %mul3A_32 : i32
    %add3A_34 = arith.constant 0 : i32
    %add3A_35 = arith.addi %mul3A_33, %add3A_34 : i32
    %run_scoped3A_36 = arith.constant 0 : i32
    "tpu.region"() ({
      %run_scoped3A_281 = tpu.sem_alloc : memref<!tpu.dma_semaphore, #tpu.memory_space<semaphore_mem>>
      %dma_start3A_282 = arith.constant 0 : i32
      %dma_start3A_283 = tpu.memref_slice %arg9[%run_scoped3A_36, %dma_start3A_282] : memref<5x2000xi32, #tpu.memory_space<vmem>> -> memref<1x2000xi32, #tpu.memory_space<vmem>>
      %dma_start3A_284 = tpu.memref_squeeze %dma_start3A_283 : memref<1x2000xi32, #tpu.memory_space<vmem>> -> memref<2000xi32, #tpu.memory_space<vmem>>
      %dma_start3A_285 = tpu.memref_slice %arg3[%add3A_35] : memref<320000xi32, #tpu.memory_space<hbm>> -> memref<2000xi32, #tpu.memory_space<hbm>>
      %dma_start3A_286 = arith.constant 0 : i32
      %dma_start3A_287 = tpu.memref_slice %arg9[%run_scoped3A_36, %dma_start3A_286] : memref<5x2000xi32, #tpu.memory_space<vmem>> -> memref<1x2000xi32, #tpu.memory_space<vmem>>
      %dma_start3A_288 = tpu.memref_squeeze %dma_start3A_287 : memref<1x2000xi32, #tpu.memory_space<vmem>> -> memref<2000xi32, #tpu.memory_space<vmem>>
      %dma_start3A_289 = tpu.memref_slice %arg3[%add3A_35] : memref<320000xi32, #tpu.memory_space<hbm>> -> memref<2000xi32, #tpu.memory_space<hbm>>
      tpu.enqueue_dma source(%dma_start3A_289 : memref<2000xi32, #tpu.memory_space<hbm>>) target(%dma_start3A_288 : memref<2000xi32, #tpu.memory_space<vmem>>) target_semaphore(%run_scoped3A_281 : memref<!tpu.dma_semaphore, #tpu.memory_space<semaphore_mem>>)
      %dma_wait3A_290 = arith.constant 0 : i32
      %dma_wait3A_291 = tpu.memref_slice %arg9[%run_scoped3A_36, %dma_wait3A_290] : memref<5x2000xi32, #tpu.memory_space<vmem>> -> memref<1x2000xi32, #tpu.memory_space<vmem>>
      %dma_wait3A_292 = tpu.memref_squeeze %dma_wait3A_291 : memref<1x2000xi32, #tpu.memory_space<vmem>> -> memref<2000xi32, #tpu.memory_space<vmem>>
      %dma_wait3A_293 = tpu.memref_slice %arg3[%add3A_35] : memref<320000xi32, #tpu.memory_space<hbm>> -> memref<2000xi32, #tpu.memory_space<hbm>>
      %dma_wait3A_294 = arith.constant 0 : i32
      %dma_wait3A_295 = tpu.memref_slice %arg9[%run_scoped3A_36, %dma_wait3A_294] : memref<5x2000xi32, #tpu.memory_space<vmem>> -> memref<1x2000xi32, #tpu.memory_space<vmem>>
      %dma_wait3A_296 = tpu.memref_squeeze %dma_wait3A_295 : memref<1x2000xi32, #tpu.memory_space<vmem>> -> memref<2000xi32, #tpu.memory_space<vmem>>
      %dma_wait3A_297 = tpu.memref_slice %arg3[%add3A_35] : memref<320000xi32, #tpu.memory_space<hbm>> -> memref<2000xi32, #tpu.memory_space<hbm>>
      tpu.wait_dma2 semaphore(%run_scoped3A_281 : memref<!tpu.dma_semaphore, #tpu.memory_space<semaphore_mem>>) src(%dma_wait3A_297 : memref<2000xi32, #tpu.memory_space<hbm>>) dst(%dma_wait3A_296 : memref<2000xi32, #tpu.memory_space<vmem>>)
      tpu.yield
    }) : () -> ()
    %mul3A_37 = arith.constant 10000 : i32
    %mul3A_38 = arith.muli %add3A, %mul3A_37 : i32
    %add3A_39 = arith.constant 2000 : i32
    %add3A_40 = arith.addi %mul3A_38, %add3A_39 : i32
    %run_scoped3A_41 = arith.constant 1 : i32
    "tpu.region"() ({
      %run_scoped3A_281 = tpu.sem_alloc : memref<!tpu.dma_semaphore, #tpu.memory_space<semaphore_mem>>
      %dma_start3A_282 = arith.constant 0 : i32
      %dma_start3A_283 = tpu.memref_slice %arg8[%run_scoped3A_41, %dma_start3A_282] : memref<5x2000xi32, #tpu.memory_space<vmem>> -> memref<1x2000xi32, #tpu.memory_space<vmem>>
      %dma_start3A_284 = tpu.memref_squeeze %dma_start3A_283 : memref<1x2000xi32, #tpu.memory_space<vmem>> -> memref<2000xi32, #tpu.memory_space<vmem>>
      %dma_start3A_285 = tpu.memref_slice %arg2[%add3A_40] : memref<320000xi32, #tpu.memory_space<hbm>> -> memref<2000xi32, #tpu.memory_space<hbm>>
      %dma_start3A_286 = arith.constant 0 : i32
      %dma_start3A_287 = tpu.memref_slice %arg8[%run_scoped3A_41, %dma_start3A_286] : memref<5x2000xi32, #tpu.memory_space<vmem>> -> memref<1x2000xi32, #tpu.memory_space<vmem>>
      %dma_start3A_288 = tpu.memref_squeeze %dma_start3A_287 : memref<1x2000xi32, #tpu.memory_space<vmem>> -> memref<2000xi32, #tpu.memory_space<vmem>>
      %dma_start3A_289 = tpu.memref_slice %arg2[%add3A_40] : memref<320000xi32, #tpu.memory_space<hbm>> -> memref<2000xi32, #tpu.memory_space<hbm>>
      tpu.enqueue_dma source(%dma_start3A_289 : memref<2000xi32, #tpu.memory_space<hbm>>) target(%dma_start3A_288 : memref<2000xi32, #tpu.memory_space<vmem>>) target_semaphore(%run_scoped3A_281 : memref<!tpu.dma_semaphore, #tpu.memory_space<semaphore_mem>>)
      %dma_wait3A_290 = arith.constant 0 : i32
      %dma_wait3A_291 = tpu.memref_slice %arg8[%run_scoped3A_41, %dma_wait3A_290] : memref<5x2000xi32, #tpu.memory_space<vmem>> -> memref<1x2000xi32, #tpu.memory_space<vmem>>
      %dma_wait3A_292 = tpu.memref_squeeze %dma_wait3A_291 : memref<1x2000xi32, #tpu.memory_space<vmem>> -> memref<2000xi32, #tpu.memory_space<vmem>>
      %dma_wait3A_293 = tpu.memref_slice %arg2[%add3A_40] : memref<320000xi32, #tpu.memory_space<hbm>> -> memref<2000xi32, #tpu.memory_space<hbm>>
      %dma_wait3A_294 = arith.constant 0 : i32
      %dma_wait3A_295 = tpu.memref_slice %arg8[%run_scoped3A_41, %dma_wait3A_294] : memref<5x2000xi32, #tpu.memory_space<vmem>> -> memref<1x2000xi32, #tpu.memory_space<vmem>>
      %dma_wait3A_296 = tpu.memref_squeeze %dma_wait3A_295 : memref<1x2000xi32, #tpu.memory_space<vmem>> -> memref<2000xi32, #tpu.memory_space<vmem>>
      %dma_wait3A_297 = tpu.memref_slice %arg2[%add3A_40] : memref<320000xi32, #tpu.memory_space<hbm>> -> memref<2000xi32, #tpu.memory_space<hbm>>
      tpu.wait_dma2 semaphore(%run_scoped3A_281 : memref<!tpu.dma_semaphore, #tpu.memory_space<semaphore_mem>>) src(%dma_wait3A_297 : memref<2000xi32, #tpu.memory_space<hbm>>) dst(%dma_wait3A_296 : memref<2000xi32, #tpu.memory_space<vmem>>)
      tpu.yield
    }) : () -> ()
    %mul3A_42 = arith.constant 10000 : i32
    %mul3A_43 = arith.muli %add3A, %mul3A_42 : i32
    %add3A_44 = arith.constant 2000 : i32
    %add3A_45 = arith.addi %mul3A_43, %add3A_44 : i32
    %run_scoped3A_46 = arith.constant 1 : i32
    "tpu.region"() ({
      %run_scoped3A_281 = tpu.sem_alloc : memref<!tpu.dma_semaphore, #tpu.memory_space<semaphore_mem>>
      %dma_start3A_282 = arith.constant 0 : i32
      %dma_start3A_283 = tpu.memref_slice %arg9[%run_scoped3A_46, %dma_start3A_282] : memref<5x2000xi32, #tpu.memory_space<vmem>> -> memref<1x2000xi32, #tpu.memory_space<vmem>>
      %dma_start3A_284 = tpu.memref_squeeze %dma_start3A_283 : memref<1x2000xi32, #tpu.memory_space<vmem>> -> memref<2000xi32, #tpu.memory_space<vmem>>
      %dma_start3A_285 = tpu.memref_slice %arg3[%add3A_45] : memref<320000xi32, #tpu.memory_space<hbm>> -> memref<2000xi32, #tpu.memory_space<hbm>>
      %dma_start3A_286 = arith.constant 0 : i32
      %dma_start3A_287 = tpu.memref_slice %arg9[%run_scoped3A_46, %dma_start3A_286] : memref<5x2000xi32, #tpu.memory_space<vmem>> -> memref<1x2000xi32, #tpu.memory_space<vmem>>
      %dma_start3A_288 = tpu.memref_squeeze %dma_start3A_287 : memref<1x2000xi32, #tpu.memory_space<vmem>> -> memref<2000xi32, #tpu.memory_space<vmem>>
      %dma_start3A_289 = tpu.memref_slice %arg3[%add3A_45] : memref<320000xi32, #tpu.memory_space<hbm>> -> memref<2000xi32, #tpu.memory_space<hbm>>
      tpu.enqueue_dma source(%dma_start3A_289 : memref<2000xi32, #tpu.memory_space<hbm>>) target(%dma_start3A_288 : memref<2000xi32, #tpu.memory_space<vmem>>) target_semaphore(%run_scoped3A_281 : memref<!tpu.dma_semaphore, #tpu.memory_space<semaphore_mem>>)
      %dma_wait3A_290 = arith.constant 0 : i32
      %dma_wait3A_291 = tpu.memref_slice %arg9[%run_scoped3A_46, %dma_wait3A_290] : memref<5x2000xi32, #tpu.memory_space<vmem>> -> memref<1x2000xi32, #tpu.memory_space<vmem>>
      %dma_wait3A_292 = tpu.memref_squeeze %dma_wait3A_291 : memref<1x2000xi32, #tpu.memory_space<vmem>> -> memref<2000xi32, #tpu.memory_space<vmem>>
      %dma_wait3A_293 = tpu.memref_slice %arg3[%add3A_45] : memref<320000xi32, #tpu.memory_space<hbm>> -> memref<2000xi32, #tpu.memory_space<hbm>>
      %dma_wait3A_294 = arith.constant 0 : i32
      %dma_wait3A_295 = tpu.memref_slice %arg9[%run_scoped3A_46, %dma_wait3A_294] : memref<5x2000xi32, #tpu.memory_space<vmem>> -> memref<1x2000xi32, #tpu.memory_space<vmem>>
      %dma_wait3A_296 = tpu.memref_squeeze %dma_wait3A_295 : memref<1x2000xi32, #tpu.memory_space<vmem>> -> memref<2000xi32, #tpu.memory_space<vmem>>
      %dma_wait3A_297 = tpu.memref_slice %arg3[%add3A_45] : memref<320000xi32, #tpu.memory_space<hbm>> -> memref<2000xi32, #tpu.memory_space<hbm>>
      tpu.wait_dma2 semaphore(%run_scoped3A_281 : memref<!tpu.dma_semaphore, #tpu.memory_space<semaphore_mem>>) src(%dma_wait3A_297 : memref<2000xi32, #tpu.memory_space<hbm>>) dst(%dma_wait3A_296 : memref<2000xi32, #tpu.memory_space<vmem>>)
      tpu.yield
    }) : () -> ()
    %mul3A_47 = arith.constant 10000 : i32
    %mul3A_48 = arith.muli %add3A, %mul3A_47 : i32
    %add3A_49 = arith.constant 4000 : i32
    %add3A_50 = arith.addi %mul3A_48, %add3A_49 : i32
    %run_scoped3A_51 = arith.constant 2 : i32
    "tpu.region"() ({
      %run_scoped3A_281 = tpu.sem_alloc : memref<!tpu.dma_semaphore, #tpu.memory_space<semaphore_mem>>
      %dma_start3A_282 = arith.constant 0 : i32
      %dma_start3A_283 = tpu.memref_slice %arg8[%run_scoped3A_51, %dma_start3A_282] : memref<5x2000xi32, #tpu.memory_space<vmem>> -> memref<1x2000xi32, #tpu.memory_space<vmem>>
      %dma_start3A_284 = tpu.memref_squeeze %dma_start3A_283 : memref<1x2000xi32, #tpu.memory_space<vmem>> -> memref<2000xi32, #tpu.memory_space<vmem>>
      %dma_start3A_285 = tpu.memref_slice %arg2[%add3A_50] : memref<320000xi32, #tpu.memory_space<hbm>> -> memref<2000xi32, #tpu.memory_space<hbm>>
      %dma_start3A_286 = arith.constant 0 : i32
      %dma_start3A_287 = tpu.memref_slice %arg8[%run_scoped3A_51, %dma_start3A_286] : memref<5x2000xi32, #tpu.memory_space<vmem>> -> memref<1x2000xi32, #tpu.memory_space<vmem>>
      %dma_start3A_288 = tpu.memref_squeeze %dma_start3A_287 : memref<1x2000xi32, #tpu.memory_space<vmem>> -> memref<2000xi32, #tpu.memory_space<vmem>>
      %dma_start3A_289 = tpu.memref_slice %arg2[%add3A_50] : memref<320000xi32, #tpu.memory_space<hbm>> -> memref<2000xi32, #tpu.memory_space<hbm>>
      tpu.enqueue_dma source(%dma_start3A_289 : memref<2000xi32, #tpu.memory_space<hbm>>) target(%dma_start3A_288 : memref<2000xi32, #tpu.memory_space<vmem>>) target_semaphore(%run_scoped3A_281 : memref<!tpu.dma_semaphore, #tpu.memory_space<semaphore_mem>>)
      %dma_wait3A_290 = arith.constant 0 : i32
      %dma_wait3A_291 = tpu.memref_slice %arg8[%run_scoped3A_51, %dma_wait3A_290] : memref<5x2000xi32, #tpu.memory_space<vmem>> -> memref<1x2000xi32, #tpu.memory_space<vmem>>
      %dma_wait3A_292 = tpu.memref_squeeze %dma_wait3A_291 : memref<1x2000xi32, #tpu.memory_space<vmem>> -> memref<2000xi32, #tpu.memory_space<vmem>>
      %dma_wait3A_293 = tpu.memref_slice %arg2[%add3A_50] : memref<320000xi32, #tpu.memory_space<hbm>> -> memref<2000xi32, #tpu.memory_space<hbm>>
      %dma_wait3A_294 = arith.constant 0 : i32
      %dma_wait3A_295 = tpu.memref_slice %arg8[%run_scoped3A_51, %dma_wait3A_294] : memref<5x2000xi32, #tpu.memory_space<vmem>> -> memref<1x2000xi32, #tpu.memory_space<vmem>>
      %dma_wait3A_296 = tpu.memref_squeeze %dma_wait3A_295 : memref<1x2000xi32, #tpu.memory_space<vmem>> -> memref<2000xi32, #tpu.memory_space<vmem>>
      %dma_wait3A_297 = tpu.memref_slice %arg2[%add3A_50] : memref<320000xi32, #tpu.memory_space<hbm>> -> memref<2000xi32, #tpu.memory_space<hbm>>
      tpu.wait_dma2 semaphore(%run_scoped3A_281 : memref<!tpu.dma_semaphore, #tpu.memory_space<semaphore_mem>>) src(%dma_wait3A_297 : memref<2000xi32, #tpu.memory_space<hbm>>) dst(%dma_wait3A_296 : memref<2000xi32, #tpu.memory_space<vmem>>)
      tpu.yield
    }) : () -> ()
    %mul3A_52 = arith.constant 10000 : i32
    %mul3A_53 = arith.muli %add3A, %mul3A_52 : i32
    %add3A_54 = arith.constant 4000 : i32
    %add3A_55 = arith.addi %mul3A_53, %add3A_54 : i32
    %run_scoped3A_56 = arith.constant 2 : i32
    "tpu.region"() ({
      %run_scoped3A_281 = tpu.sem_alloc : memref<!tpu.dma_semaphore, #tpu.memory_space<semaphore_mem>>
      %dma_start3A_282 = arith.constant 0 : i32
      %dma_start3A_283 = tpu.memref_slice %arg9[%run_scoped3A_56, %dma_start3A_282] : memref<5x2000xi32, #tpu.memory_space<vmem>> -> memref<1x2000xi32, #tpu.memory_space<vmem>>
      %dma_start3A_284 = tpu.memref_squeeze %dma_start3A_283 : memref<1x2000xi32, #tpu.memory_space<vmem>> -> memref<2000xi32, #tpu.memory_space<vmem>>
      %dma_start3A_285 = tpu.memref_slice %arg3[%add3A_55] : memref<320000xi32, #tpu.memory_space<hbm>> -> memref<2000xi32, #tpu.memory_space<hbm>>
      %dma_start3A_286 = arith.constant 0 : i32
      %dma_start3A_287 = tpu.memref_slice %arg9[%run_scoped3A_56, %dma_start3A_286] : memref<5x2000xi32, #tpu.memory_space<vmem>> -> memref<1x2000xi32, #tpu.memory_space<vmem>>
      %dma_start3A_288 = tpu.memref_squeeze %dma_start3A_287 : memref<1x2000xi32, #tpu.memory_space<vmem>> -> memref<2000xi32, #tpu.memory_space<vmem>>
      %dma_start3A_289 = tpu.memref_slice %arg3[%add3A_55] : memref<320000xi32, #tpu.memory_space<hbm>> -> memref<2000xi32, #tpu.memory_space<hbm>>
      tpu.enqueue_dma source(%dma_start3A_289 : memref<2000xi32, #tpu.memory_space<hbm>>) target(%dma_start3A_288 : memref<2000xi32, #tpu.memory_space<vmem>>) target_semaphore(%run_scoped3A_281 : memref<!tpu.dma_semaphore, #tpu.memory_space<semaphore_mem>>)
      %dma_wait3A_290 = arith.constant 0 : i32
      %dma_wait3A_291 = tpu.memref_slice %arg9[%run_scoped3A_56, %dma_wait3A_290] : memref<5x2000xi32, #tpu.memory_space<vmem>> -> memref<1x2000xi32, #tpu.memory_space<vmem>>
      %dma_wait3A_292 = tpu.memref_squeeze %dma_wait3A_291 : memref<1x2000xi32, #tpu.memory_space<vmem>> -> memref<2000xi32, #tpu.memory_space<vmem>>
      %dma_wait3A_293 = tpu.memref_slice %arg3[%add3A_55] : memref<320000xi32, #tpu.memory_space<hbm>> -> memref<2000xi32, #tpu.memory_space<hbm>>
      %dma_wait3A_294 = arith.constant 0 : i32
      %dma_wait3A_295 = tpu.memref_slice %arg9[%run_scoped3A_56, %dma_wait3A_294] : memref<5x2000xi32, #tpu.memory_space<vmem>> -> memref<1x2000xi32, #tpu.memory_space<vmem>>
      %dma_wait3A_296 = tpu.memref_squeeze %dma_wait3A_295 : memref<1x2000xi32, #tpu.memory_space<vmem>> -> memref<2000xi32, #tpu.memory_space<vmem>>
      %dma_wait3A_297 = tpu.memref_slice %arg3[%add3A_55] : memref<320000xi32, #tpu.memory_space<hbm>> -> memref<2000xi32, #tpu.memory_space<hbm>>
      tpu.wait_dma2 semaphore(%run_scoped3A_281 : memref<!tpu.dma_semaphore, #tpu.memory_space<semaphore_mem>>) src(%dma_wait3A_297 : memref<2000xi32, #tpu.memory_space<hbm>>) dst(%dma_wait3A_296 : memref<2000xi32, #tpu.memory_space<vmem>>)
      tpu.yield
    }) : () -> ()
    %mul3A_57 = arith.constant 10000 : i32
    %mul3A_58 = arith.muli %add3A, %mul3A_57 : i32
    %add3A_59 = arith.constant 6000 : i32
    %add3A_60 = arith.addi %mul3A_58, %add3A_59 : i32
    %run_scoped3A_61 = arith.constant 3 : i32
    "tpu.region"() ({
      %run_scoped3A_281 = tpu.sem_alloc : memref<!tpu.dma_semaphore, #tpu.memory_space<semaphore_mem>>
      %dma_start3A_282 = arith.constant 0 : i32
      %dma_start3A_283 = tpu.memref_slice %arg8[%run_scoped3A_61, %dma_start3A_282] : memref<5x2000xi32, #tpu.memory_space<vmem>> -> memref<1x2000xi32, #tpu.memory_space<vmem>>
      %dma_start3A_284 = tpu.memref_squeeze %dma_start3A_283 : memref<1x2000xi32, #tpu.memory_space<vmem>> -> memref<2000xi32, #tpu.memory_space<vmem>>
      %dma_start3A_285 = tpu.memref_slice %arg2[%add3A_60] : memref<320000xi32, #tpu.memory_space<hbm>> -> memref<2000xi32, #tpu.memory_space<hbm>>
      %dma_start3A_286 = arith.constant 0 : i32
      %dma_start3A_287 = tpu.memref_slice %arg8[%run_scoped3A_61, %dma_start3A_286] : memref<5x2000xi32, #tpu.memory_space<vmem>> -> memref<1x2000xi32, #tpu.memory_space<vmem>>
      %dma_start3A_288 = tpu.memref_squeeze %dma_start3A_287 : memref<1x2000xi32, #tpu.memory_space<vmem>> -> memref<2000xi32, #tpu.memory_space<vmem>>
      %dma_start3A_289 = tpu.memref_slice %arg2[%add3A_60] : memref<320000xi32, #tpu.memory_space<hbm>> -> memref<2000xi32, #tpu.memory_space<hbm>>
      tpu.enqueue_dma source(%dma_start3A_289 : memref<2000xi32, #tpu.memory_space<hbm>>) target(%dma_start3A_288 : memref<2000xi32, #tpu.memory_space<vmem>>) target_semaphore(%run_scoped3A_281 : memref<!tpu.dma_semaphore, #tpu.memory_space<semaphore_mem>>)
      %dma_wait3A_290 = arith.constant 0 : i32
      %dma_wait3A_291 = tpu.memref_slice %arg8[%run_scoped3A_61, %dma_wait3A_290] : memref<5x2000xi32, #tpu.memory_space<vmem>> -> memref<1x2000xi32, #tpu.memory_space<vmem>>
      %dma_wait3A_292 = tpu.memref_squeeze %dma_wait3A_291 : memref<1x2000xi32, #tpu.memory_space<vmem>> -> memref<2000xi32, #tpu.memory_space<vmem>>
      %dma_wait3A_293 = tpu.memref_slice %arg2[%add3A_60] : memref<320000xi32, #tpu.memory_space<hbm>> -> memref<2000xi32, #tpu.memory_space<hbm>>
      %dma_wait3A_294 = arith.constant 0 : i32
      %dma_wait3A_295 = tpu.memref_slice %arg8[%run_scoped3A_61, %dma_wait3A_294] : memref<5x2000xi32, #tpu.memory_space<vmem>> -> memref<1x2000xi32, #tpu.memory_space<vmem>>
      %dma_wait3A_296 = tpu.memref_squeeze %dma_wait3A_295 : memref<1x2000xi32, #tpu.memory_space<vmem>> -> memref<2000xi32, #tpu.memory_space<vmem>>
      %dma_wait3A_297 = tpu.memref_slice %arg2[%add3A_60] : memref<320000xi32, #tpu.memory_space<hbm>> -> memref<2000xi32, #tpu.memory_space<hbm>>
      tpu.wait_dma2 semaphore(%run_scoped3A_281 : memref<!tpu.dma_semaphore, #tpu.memory_space<semaphore_mem>>) src(%dma_wait3A_297 : memref<2000xi32, #tpu.memory_space<hbm>>) dst(%dma_wait3A_296 : memref<2000xi32, #tpu.memory_space<vmem>>)
      tpu.yield
    }) : () -> ()
    %mul3A_62 = arith.constant 10000 : i32
    %mul3A_63 = arith.muli %add3A, %mul3A_62 : i32
    %add3A_64 = arith.constant 6000 : i32
    %add3A_65 = arith.addi %mul3A_63, %add3A_64 : i32
    %run_scoped3A_66 = arith.constant 3 : i32
    "tpu.region"() ({
      %run_scoped3A_281 = tpu.sem_alloc : memref<!tpu.dma_semaphore, #tpu.memory_space<semaphore_mem>>
      %dma_start3A_282 = arith.constant 0 : i32
      %dma_start3A_283 = tpu.memref_slice %arg9[%run_scoped3A_66, %dma_start3A_282] : memref<5x2000xi32, #tpu.memory_space<vmem>> -> memref<1x2000xi32, #tpu.memory_space<vmem>>
      %dma_start3A_284 = tpu.memref_squeeze %dma_start3A_283 : memref<1x2000xi32, #tpu.memory_space<vmem>> -> memref<2000xi32, #tpu.memory_space<vmem>>
      %dma_start3A_285 = tpu.memref_slice %arg3[%add3A_65] : memref<320000xi32, #tpu.memory_space<hbm>> -> memref<2000xi32, #tpu.memory_space<hbm>>
      %dma_start3A_286 = arith.constant 0 : i32
      %dma_start3A_287 = tpu.memref_slice %arg9[%run_scoped3A_66, %dma_start3A_286] : memref<5x2000xi32, #tpu.memory_space<vmem>> -> memref<1x2000xi32, #tpu.memory_space<vmem>>
      %dma_start3A_288 = tpu.memref_squeeze %dma_start3A_287 : memref<1x2000xi32, #tpu.memory_space<vmem>> -> memref<2000xi32, #tpu.memory_space<vmem>>
      %dma_start3A_289 = tpu.memref_slice %arg3[%add3A_65] : memref<320000xi32, #tpu.memory_space<hbm>> -> memref<2000xi32, #tpu.memory_space<hbm>>
      tpu.enqueue_dma source(%dma_start3A_289 : memref<2000xi32, #tpu.memory_space<hbm>>) target(%dma_start3A_288 : memref<2000xi32, #tpu.memory_space<vmem>>) target_semaphore(%run_scoped3A_281 : memref<!tpu.dma_semaphore, #tpu.memory_space<semaphore_mem>>)
      %dma_wait3A_290 = arith.constant 0 : i32
      %dma_wait3A_291 = tpu.memref_slice %arg9[%run_scoped3A_66, %dma_wait3A_290] : memref<5x2000xi32, #tpu.memory_space<vmem>> -> memref<1x2000xi32, #tpu.memory_space<vmem>>
      %dma_wait3A_292 = tpu.memref_squeeze %dma_wait3A_291 : memref<1x2000xi32, #tpu.memory_space<vmem>> -> memref<2000xi32, #tpu.memory_space<vmem>>
      %dma_wait3A_293 = tpu.memref_slice %arg3[%add3A_65] : memref<320000xi32, #tpu.memory_space<hbm>> -> memref<2000xi32, #tpu.memory_space<hbm>>
      %dma_wait3A_294 = arith.constant 0 : i32
      %dma_wait3A_295 = tpu.memref_slice %arg9[%run_scoped3A_66, %dma_wait3A_294] : memref<5x2000xi32, #tpu.memory_space<vmem>> -> memref<1x2000xi32, #tpu.memory_space<vmem>>
      %dma_wait3A_296 = tpu.memref_squeeze %dma_wait3A_295 : memref<1x2000xi32, #tpu.memory_space<vmem>> -> memref<2000xi32, #tpu.memory_space<vmem>>
      %dma_wait3A_297 = tpu.memref_slice %arg3[%add3A_65] : memref<320000xi32, #tpu.memory_space<hbm>> -> memref<2000xi32, #tpu.memory_space<hbm>>
      tpu.wait_dma2 semaphore(%run_scoped3A_281 : memref<!tpu.dma_semaphore, #tpu.memory_space<semaphore_mem>>) src(%dma_wait3A_297 : memref<2000xi32, #tpu.memory_space<hbm>>) dst(%dma_wait3A_296 : memref<2000xi32, #tpu.memory_space<vmem>>)
      tpu.yield
    }) : () -> ()
    %mul3A_67 = arith.constant 10000 : i32
    %mul3A_68 = arith.muli %add3A, %mul3A_67 : i32
    %add3A_69 = arith.constant 8000 : i32
    %add3A_70 = arith.addi %mul3A_68, %add3A_69 : i32
    %run_scoped3A_71 = arith.constant 4 : i32
    "tpu.region"() ({
      %run_scoped3A_281 = tpu.sem_alloc : memref<!tpu.dma_semaphore, #tpu.memory_space<semaphore_mem>>
      %dma_start3A_282 = arith.constant 0 : i32
      %dma_start3A_283 = tpu.memref_slice %arg8[%run_scoped3A_71, %dma_start3A_282] : memref<5x2000xi32, #tpu.memory_space<vmem>> -> memref<1x2000xi32, #tpu.memory_space<vmem>>
      %dma_start3A_284 = tpu.memref_squeeze %dma_start3A_283 : memref<1x2000xi32, #tpu.memory_space<vmem>> -> memref<2000xi32, #tpu.memory_space<vmem>>
      %dma_start3A_285 = tpu.memref_slice %arg2[%add3A_70] : memref<320000xi32, #tpu.memory_space<hbm>> -> memref<2000xi32, #tpu.memory_space<hbm>>
      %dma_start3A_286 = arith.constant 0 : i32
      %dma_start3A_287 = tpu.memref_slice %arg8[%run_scoped3A_71, %dma_start3A_286] : memref<5x2000xi32, #tpu.memory_space<vmem>> -> memref<1x2000xi32, #tpu.memory_space<vmem>>
      %dma_start3A_288 = tpu.memref_squeeze %dma_start3A_287 : memref<1x2000xi32, #tpu.memory_space<vmem>> -> memref<2000xi32, #tpu.memory_space<vmem>>
      %dma_start3A_289 = tpu.memref_slice %arg2[%add3A_70] : memref<320000xi32, #tpu.memory_space<hbm>> -> memref<2000xi32, #tpu.memory_space<hbm>>
      tpu.enqueue_dma source(%dma_start3A_289 : memref<2000xi32, #tpu.memory_space<hbm>>) target(%dma_start3A_288 : memref<2000xi32, #tpu.memory_space<vmem>>) target_semaphore(%run_scoped3A_281 : memref<!tpu.dma_semaphore, #tpu.memory_space<semaphore_mem>>)
      %dma_wait3A_290 = arith.constant 0 : i32
      %dma_wait3A_291 = tpu.memref_slice %arg8[%run_scoped3A_71, %dma_wait3A_290] : memref<5x2000xi32, #tpu.memory_space<vmem>> -> memref<1x2000xi32, #tpu.memory_space<vmem>>
      %dma_wait3A_292 = tpu.memref_squeeze %dma_wait3A_291 : memref<1x2000xi32, #tpu.memory_space<vmem>> -> memref<2000xi32, #tpu.memory_space<vmem>>
      %dma_wait3A_293 = tpu.memref_slice %arg2[%add3A_70] : memref<320000xi32, #tpu.memory_space<hbm>> -> memref<2000xi32, #tpu.memory_space<hbm>>
      %dma_wait3A_294 = arith.constant 0 : i32
      %dma_wait3A_295 = tpu.memref_slice %arg8[%run_scoped3A_71, %dma_wait3A_294] : memref<5x2000xi32, #tpu.memory_space<vmem>> -> memref<1x2000xi32, #tpu.memory_space<vmem>>
      %dma_wait3A_296 = tpu.memref_squeeze %dma_wait3A_295 : memref<1x2000xi32, #tpu.memory_space<vmem>> -> memref<2000xi32, #tpu.memory_space<vmem>>
      %dma_wait3A_297 = tpu.memref_slice %arg2[%add3A_70] : memref<320000xi32, #tpu.memory_space<hbm>> -> memref<2000xi32, #tpu.memory_space<hbm>>
      tpu.wait_dma2 semaphore(%run_scoped3A_281 : memref<!tpu.dma_semaphore, #tpu.memory_space<semaphore_mem>>) src(%dma_wait3A_297 : memref<2000xi32, #tpu.memory_space<hbm>>) dst(%dma_wait3A_296 : memref<2000xi32, #tpu.memory_space<vmem>>)
      tpu.yield
    }) : () -> ()
    %mul3A_72 = arith.constant 10000 : i32
    %mul3A_73 = arith.muli %add3A, %mul3A_72 : i32
    %add3A_74 = arith.constant 8000 : i32
    %add3A_75 = arith.addi %mul3A_73, %add3A_74 : i32
    %run_scoped3A_76 = arith.constant 4 : i32
    "tpu.region"() ({
      %run_scoped3A_281 = tpu.sem_alloc : memref<!tpu.dma_semaphore, #tpu.memory_space<semaphore_mem>>
      %dma_start3A_282 = arith.constant 0 : i32
      %dma_start3A_283 = tpu.memref_slice %arg9[%run_scoped3A_76, %dma_start3A_282] : memref<5x2000xi32, #tpu.memory_space<vmem>> -> memref<1x2000xi32, #tpu.memory_space<vmem>>
      %dma_start3A_284 = tpu.memref_squeeze %dma_start3A_283 : memref<1x2000xi32, #tpu.memory_space<vmem>> -> memref<2000xi32, #tpu.memory_space<vmem>>
      %dma_start3A_285 = tpu.memref_slice %arg3[%add3A_75] : memref<320000xi32, #tpu.memory_space<hbm>> -> memref<2000xi32, #tpu.memory_space<hbm>>
      %dma_start3A_286 = arith.constant 0 : i32
      %dma_start3A_287 = tpu.memref_slice %arg9[%run_scoped3A_76, %dma_start3A_286] : memref<5x2000xi32, #tpu.memory_space<vmem>> -> memref<1x2000xi32, #tpu.memory_space<vmem>>
      %dma_start3A_288 = tpu.memref_squeeze %dma_start3A_287 : memref<1x2000xi32, #tpu.memory_space<vmem>> -> memref<2000xi32, #tpu.memory_space<vmem>>
      %dma_start3A_289 = tpu.memref_slice %arg3[%add3A_75] : memref<320000xi32, #tpu.memory_space<hbm>> -> memref<2000xi32, #tpu.memory_space<hbm>>
      tpu.enqueue_dma source(%dma_start3A_289 : memref<2000xi32, #tpu.memory_space<hbm>>) target(%dma_start3A_288 : memref<2000xi32, #tpu.memory_space<vmem>>) target_semaphore(%run_scoped3A_281 : memref<!tpu.dma_semaphore, #tpu.memory_space<semaphore_mem>>)
      %dma_wait3A_290 = arith.constant 0 : i32
      %dma_wait3A_291 = tpu.memref_slice %arg9[%run_scoped3A_76, %dma_wait3A_290] : memref<5x2000xi32, #tpu.memory_space<vmem>> -> memref<1x2000xi32, #tpu.memory_space<vmem>>
      %dma_wait3A_292 = tpu.memref_squeeze %dma_wait3A_291 : memref<1x2000xi32, #tpu.memory_space<vmem>> -> memref<2000xi32, #tpu.memory_space<vmem>>
      %dma_wait3A_293 = tpu.memref_slice %arg3[%add3A_75] : memref<320000xi32, #tpu.memory_space<hbm>> -> memref<2000xi32, #tpu.memory_space<hbm>>
      %dma_wait3A_294 = arith.constant 0 : i32
      %dma_wait3A_295 = tpu.memref_slice %arg9[%run_scoped3A_76, %dma_wait3A_294] : memref<5x2000xi32, #tpu.memory_space<vmem>> -> memref<1x2000xi32, #tpu.memory_space<vmem>>
      %dma_wait3A_296 = tpu.memref_squeeze %dma_wait3A_295 : memref<1x2000xi32, #tpu.memory_space<vmem>> -> memref<2000xi32, #tpu.memory_space<vmem>>
      %dma_wait3A_297 = tpu.memref_slice %arg3[%add3A_75] : memref<320000xi32, #tpu.memory_space<hbm>> -> memref<2000xi32, #tpu.memory_space<hbm>>
      tpu.wait_dma2 semaphore(%run_scoped3A_281 : memref<!tpu.dma_semaphore, #tpu.memory_space<semaphore_mem>>) src(%dma_wait3A_297 : memref<2000xi32, #tpu.memory_space<hbm>>) dst(%dma_wait3A_296 : memref<2000xi32, #tpu.memory_space<vmem>>)
      tpu.yield
    }) : () -> ()
    %dma_wait3A = arith.constant 0 : i32
    %dma_wait3A_77 = tpu.memref_slice %arg5[%dma_wait3A, %mul3A_7] : memref<2x10240xf32, #tpu.memory_space<hbm>> -> memref<1x640xf32, #tpu.memory_space<hbm>>
    %dma_wait3A_78 = tpu.memref_squeeze %dma_wait3A_77 : memref<1x640xf32, #tpu.memory_space<hbm>> -> memref<640xf32, #tpu.memory_space<hbm>>
    %dma_wait3A_79 = tpu.memref_slice %arg5[%dma_wait3A, %mul3A_7] : memref<2x10240xf32, #tpu.memory_space<hbm>> -> memref<1x640xf32, #tpu.memory_space<hbm>>
    %dma_wait3A_80 = tpu.memref_squeeze %dma_wait3A_79 : memref<1x640xf32, #tpu.memory_space<hbm>> -> memref<640xf32, #tpu.memory_space<hbm>>
    tpu.wait_dma2 semaphore(%arg17 : memref<!tpu.dma_semaphore, #tpu.memory_space<semaphore_mem>>) src(%dma_wait3A_80 : memref<640xf32, #tpu.memory_space<hbm>>) dst(%arg12 : memref<640xf32, #tpu.memory_space<vmem>>)
    %dma_wait3A_81 = arith.constant 1 : i32
    %dma_wait3A_82 = tpu.memref_slice %arg5[%dma_wait3A_81, %mul3A_14] : memref<2x10240xf32, #tpu.memory_space<hbm>> -> memref<1x640xf32, #tpu.memory_space<hbm>>
    %dma_wait3A_83 = tpu.memref_squeeze %dma_wait3A_82 : memref<1x640xf32, #tpu.memory_space<hbm>> -> memref<640xf32, #tpu.memory_space<hbm>>
    %dma_wait3A_84 = tpu.memref_slice %arg5[%dma_wait3A_81, %mul3A_14] : memref<2x10240xf32, #tpu.memory_space<hbm>> -> memref<1x640xf32, #tpu.memory_space<hbm>>
    %dma_wait3A_85 = tpu.memref_squeeze %dma_wait3A_84 : memref<1x640xf32, #tpu.memory_space<hbm>> -> memref<640xf32, #tpu.memory_space<hbm>>
    tpu.wait_dma2 semaphore(%arg17 : memref<!tpu.dma_semaphore, #tpu.memory_space<semaphore_mem>>) src(%dma_wait3A_85 : memref<640xf32, #tpu.memory_space<hbm>>) dst(%arg13 : memref<640xf32, #tpu.memory_space<vmem>>)
    %scan3A_86 = arith.constant 0 : i32
    %scan3A_87 = arith.constant 0 : i32
    %scan3A_88 = arith.constant 40 : i32
    %scan3A_89 = arith.addi %scan3A_87, %scan3A_88 : i32
    %scan3A_90 = arith.constant 1 : i32
    %scan3A_91 = scf.for %scan3A_281 = %scan3A_87 to %scan3A_89 step %scan3A_90 iter_args(%scan3A_282 = %scan3A_86) -> (i32)  : i32 {
      %mul3A_283 = arith.constant 16 : i32
      %mul3A_284 = arith.muli %scan3A_281, %mul3A_283 : i32
      %get3A = arith.index_cast %mul3A_284 : i32 to index
      %get3A_285 = tpu.vector_load %arg12[%get3A] {strides = array<i32>} : memref<640xf32, #tpu.memory_space<vmem>>, vector<16xf32>,
      %mul3A_286 = arith.constant 16 : i32
      %mul3A_287 = arith.muli %scan3A_281, %mul3A_286 : i32
      %get3A_288 = arith.index_cast %mul3A_287 : i32 to index
      %get3A_289 = tpu.vector_load %arg13[%get3A_288] {strides = array<i32>} : memref<640xf32, #tpu.memory_space<vmem>>, vector<16xf32>,
      %add3A_290 = arith.addf %get3A_285, %get3A_289 : vector<16xf32>
      %add3A_291 = arith.constant 1.000000e+00 : f32
      %add3A_292 = vector.broadcast %add3A_291 : f32 to vector<16xf32>
      %add3A_293 = arith.addf %add3A_290, %add3A_292 : vector<16xf32>
      %bitcast3A = vector.bitcast %add3A_293 : vector<16xf32> to vector<16xi32>
      %shift_right_logical3A = arith.constant 1 : i32
      %shift_right_logical3A_294 = vector.broadcast %shift_right_logical3A : i32 to vector<16xi32>
      %shift_right_logical3A_295 = arith.shrui %bitcast3A, %shift_right_logical3A_294 : vector<16xi32>
      %sub3A = arith.constant 1597463007 : i32
      %sub3A_296 = vector.broadcast %sub3A : i32 to vector<16xi32>
      %sub3A_297 = arith.subi %sub3A_296, %shift_right_logical3A_295 : vector<16xi32>
      %bitcast3A_298 = vector.bitcast %sub3A_297 : vector<16xi32> to vector<16xf32>
      %mul3A_299 = arith.constant 5.000000e-01 : f32
      %mul3A_300 = vector.broadcast %mul3A_299 : f32 to vector<16xf32>
      %mul3A_301 = arith.mulf %add3A_293, %mul3A_300 : vector<16xf32>
      %mul3A_302 = arith.mulf %mul3A_301, %bitcast3A_298 : vector<16xf32>
      %mul3A_303 = arith.mulf %mul3A_302, %bitcast3A_298 : vector<16xf32>
      %sub3A_304 = arith.constant 1.500000e+00 : f32
      %sub3A_305 = vector.broadcast %sub3A_304 : f32 to vector<16xf32>
      %sub3A_306 = arith.subf %sub3A_305, %mul3A_303 : vector<16xf32>
      %mul3A_307 = arith.mulf %bitcast3A_298, %sub3A_306 : vector<16xf32>
      %mul3A_308 = arith.mulf %mul3A_301, %mul3A_307 : vector<16xf32>
      %mul3A_309 = arith.mulf %mul3A_308, %mul3A_307 : vector<16xf32>
      %sub3A_310 = arith.constant 1.500000e+00 : f32
      %sub3A_311 = vector.broadcast %sub3A_310 : f32 to vector<16xf32>
      %sub3A_312 = arith.subf %sub3A_311, %mul3A_309 : vector<16xf32>
      %mul3A_313 = arith.mulf %mul3A_307, %sub3A_312 : vector<16xf32>
      %mul3A_314 = arith.mulf %mul3A_301, %mul3A_313 : vector<16xf32>
      %mul3A_315 = arith.mulf %mul3A_314, %mul3A_313 : vector<16xf32>
      %sub3A_316 = arith.constant 1.500000e+00 : f32
      %sub3A_317 = vector.broadcast %sub3A_316 : f32 to vector<16xf32>
      %sub3A_318 = arith.subf %sub3A_317, %mul3A_315 : vector<16xf32>
      %mul3A_319 = arith.mulf %mul3A_313, %sub3A_318 : vector<16xf32>
      %mul3A_320 = arith.constant 16 : i32
      %mul3A_321 = arith.muli %scan3A_281, %mul3A_320 : i32
      %swap3A = arith.index_cast %mul3A_321 : i32 to index
      %swap3A_322 = tpu.vector_load %arg12[%swap3A] {strides = array<i32>} : memref<640xf32, #tpu.memory_space<vmem>>, vector<16xf32>,
      tpu.vector_store %arg12[%swap3A], %mul3A_319 {strides = array<i32>} : memref<640xf32, #tpu.memory_space<vmem>>, vector<16xf32>,
      %scan3A_323 = arith.constant 0 : i32
      scf.yield %scan3A_323 : i32
    }
    %scan3A_92 = arith.constant 40 : i32
    %dma_wait3A_93 = arith.constant 0 : i32
    %dma_wait3A_94 = tpu.memref_slice %arg4[%mul3A_2, %dma_wait3A_93] : memref<10240x16xf32, #tpu.memory_space<hbm>> -> memref<640x16xf32, #tpu.memory_space<hbm>>
    %dma_wait3A_95 = arith.constant 0 : i32
    %dma_wait3A_96 = tpu.memref_slice %arg4[%mul3A_2, %dma_wait3A_95] : memref<10240x16xf32, #tpu.memory_space<hbm>> -> memref<640x16xf32, #tpu.memory_space<hbm>>
    tpu.wait_dma2 semaphore(%arg16 : memref<!tpu.dma_semaphore, #tpu.memory_space<semaphore_mem>>) src(%dma_wait3A_96 : memref<640x16xf32, #tpu.memory_space<hbm>>) dst(%arg11 : memref<640x16xf32, #tpu.memory_space<vmem>>)
    %scan3A_97 = arith.constant 0 : i32
    %scan3A_98 = arith.constant 0 : i32
    %scan3A_99 = arith.constant 640 : i32
    %scan3A_100 = arith.addi %scan3A_98, %scan3A_99 : i32
    %scan3A_101 = arith.constant 1 : i32
    %scan3A_102 = scf.for %scan3A_281 = %scan3A_98 to %scan3A_100 step %scan3A_101 iter_args(%scan3A_282 = %scan3A_97) -> (i32)  : i32 {
      %broadcast_in_dim3A = vector.broadcast %scan3A_281 : i32 to vector<16xi32>
      %gather3A = tpu.vector_load_idx %arg12[%broadcast_in_dim3A] : memref<640xf32, #tpu.memory_space<vmem>>[vector<16xi32>], vector<16xf32>,
      %get3A = arith.index_cast %scan3A_281 : i32 to index
      %get3A_283 = arith.constant 0 : index
      %get3A_284 = tpu.vector_load %arg11[%get3A, %get3A_283] {strides = array<i32>} : memref<640x16xf32, #tpu.memory_space<vmem>>, vector<16xf32>,
      %mul3A_285 = arith.mulf %get3A_284, %gather3A : vector<16xf32>
      %swap3A = arith.index_cast %scan3A_281 : i32 to index
      %swap3A_286 = arith.constant 0 : index
      %swap3A_287 = tpu.vector_load %arg11[%swap3A, %swap3A_286] {strides = array<i32>} : memref<640x16xf32, #tpu.memory_space<vmem>>, vector<16xf32>,
      tpu.vector_store %arg11[%swap3A, %swap3A_286], %mul3A_285 {strides = array<i32>} : memref<640x16xf32, #tpu.memory_space<vmem>>, vector<16xf32>,
      %scan3A_288 = arith.constant 0 : i32
      scf.yield %scan3A_288 : i32
    }
    %scan3A_103 = arith.constant 640 : i32
    %mul3A_104 = arith.constant 640 : i32
    %mul3A_105 = arith.muli %arg1, %mul3A_104 : i32
    "tpu.region"() ({
      %run_scoped3A_281 = tpu.sem_alloc : memref<!tpu.dma_semaphore, #tpu.memory_space<semaphore_mem>>
      %dma_start3A_282 = arith.constant 0 : i32
      %dma_start3A_283 = tpu.memref_slice %arg7[%arg0, %mul3A_105, %dma_start3A_282] : memref<2x10240x16xf32, #tpu.memory_space<hbm>> -> memref<1x640x16xf32, #tpu.memory_space<hbm>>
      %dma_start3A_284 = tpu.memref_squeeze %dma_start3A_283 : memref<1x640x16xf32, #tpu.memory_space<hbm>> -> memref<640x16xf32, #tpu.memory_space<hbm>>
      %dma_start3A_285 = arith.constant 0 : i32
      %dma_start3A_286 = tpu.memref_slice %arg7[%arg0, %mul3A_105, %dma_start3A_285] : memref<2x10240x16xf32, #tpu.memory_space<hbm>> -> memref<1x640x16xf32, #tpu.memory_space<hbm>>
      %dma_start3A_287 = tpu.memref_squeeze %dma_start3A_286 : memref<1x640x16xf32, #tpu.memory_space<hbm>> -> memref<640x16xf32, #tpu.memory_space<hbm>>
      tpu.enqueue_dma source(%arg11 : memref<640x16xf32, #tpu.memory_space<vmem>>) target(%dma_start3A_287 : memref<640x16xf32, #tpu.memory_space<hbm>>) target_semaphore(%run_scoped3A_281 : memref<!tpu.dma_semaphore, #tpu.memory_space<semaphore_mem>>)
      %dma_wait3A_288 = arith.constant 0 : i32
      %dma_wait3A_289 = tpu.memref_slice %arg7[%arg0, %mul3A_105, %dma_wait3A_288] : memref<2x10240x16xf32, #tpu.memory_space<hbm>> -> memref<1x640x16xf32, #tpu.memory_space<hbm>>
      %dma_wait3A_290 = tpu.memref_squeeze %dma_wait3A_289 : memref<1x640x16xf32, #tpu.memory_space<hbm>> -> memref<640x16xf32, #tpu.memory_space<hbm>>
      %dma_wait3A_291 = arith.constant 0 : i32
      %dma_wait3A_292 = tpu.memref_slice %arg7[%arg0, %mul3A_105, %dma_wait3A_291] : memref<2x10240x16xf32, #tpu.memory_space<hbm>> -> memref<1x640x16xf32, #tpu.memory_space<hbm>>
      %dma_wait3A_293 = tpu.memref_squeeze %dma_wait3A_292 : memref<1x640x16xf32, #tpu.memory_space<hbm>> -> memref<640x16xf32, #tpu.memory_space<hbm>>
      tpu.wait_dma2 semaphore(%run_scoped3A_281 : memref<!tpu.dma_semaphore, #tpu.memory_space<semaphore_mem>>) src(%arg11 : memref<640x16xf32, #tpu.memory_space<vmem>>) dst(%dma_wait3A_293 : memref<640x16xf32, #tpu.memory_space<hbm>>)
      tpu.yield
    }) : () -> ()
    %barrier3A = arith.constant 0 : index
    tpu.barrier barrier_id(%barrier3A)
    %dma_start3A_106 = arith.constant 0 : i32
    %dma_start3A_107 = arith.constant 0 : i32
    %dma_start3A_108 = arith.constant 0 : i32
    %dma_start3A_109 = arith.constant 0 : i32
    %dma_start3A_110 = tpu.memref_slice %arg10[%dma_start3A_107, %dma_start3A_108, %dma_start3A_109] : memref<2x2000x16xf32, #tpu.memory_space<vmem>> -> memref<1x2000x16xf32, #tpu.memory_space<vmem>>
    %dma_start3A_111 = tpu.memref_squeeze %dma_start3A_110 : memref<1x2000x16xf32, #tpu.memory_space<vmem>> -> memref<2000x16xf32, #tpu.memory_space<vmem>>
    %dma_start3A_112 = arith.constant 0 : i32
    %dma_start3A_113 = tpu.memref_slice %arg8[%dma_start3A_106, %dma_start3A_112] : memref<5x2000xi32, #tpu.memory_space<vmem>> -> memref<1x2000xi32, #tpu.memory_space<vmem>>
    %dma_start3A_114 = tpu.memref_squeeze %dma_start3A_113 : memref<1x2000xi32, #tpu.memory_space<vmem>> -> memref<2000xi32, #tpu.memory_space<vmem>>
    %dma_start3A_115 = arith.constant 0 : i32
    %dma_start3A_116 = arith.constant 0 : i32
    %dma_start3A_117 = tpu.memref_slice %arg7[%arg0, %dma_start3A_115, %dma_start3A_116] : memref<2x10240x16xf32, #tpu.memory_space<hbm>> -> memref<1x10240x16xf32, #tpu.memory_space<hbm>>
    %dma_start3A_118 = tpu.memref_squeeze %dma_start3A_117 : memref<1x10240x16xf32, #tpu.memory_space<hbm>> -> memref<10240x16xf32, #tpu.memory_space<hbm>>
    %dma_start3A_119 = arith.constant 0 : i32
    %dma_start3A_120 = arith.constant 0 : i32
    %dma_start3A_121 = tpu.memref_slice %dma_start3A_118[%dma_start3A_119, %dma_start3A_120] : memref<10240x16xf32, #tpu.memory_space<hbm>> -> memref<10240x16xf32, #tpu.memory_space<hbm>>
    tpu.enqueue_indirect_dma source(%dma_start3A_121 : memref<10240x16xf32, #tpu.memory_space<hbm>>) target(%dma_start3A_111 : memref<2000x16xf32, #tpu.memory_space<vmem>>) offsets(%dma_start3A_114 : memref<2000xi32, #tpu.memory_space<vmem>>) semaphore(%arg16 : memref<!tpu.dma_semaphore, #tpu.memory_space<semaphore_mem>>)
    %dma_start3A_122 = arith.constant 1 : i32
    %dma_start3A_123 = arith.constant 1 : i32
    %dma_start3A_124 = arith.constant 0 : i32
    %dma_start3A_125 = arith.constant 0 : i32
    %dma_start3A_126 = tpu.memref_slice %arg10[%dma_start3A_123, %dma_start3A_124, %dma_start3A_125] : memref<2x2000x16xf32, #tpu.memory_space<vmem>> -> memref<1x2000x16xf32, #tpu.memory_space<vmem>>
    %dma_start3A_127 = tpu.memref_squeeze %dma_start3A_126 : memref<1x2000x16xf32, #tpu.memory_space<vmem>> -> memref<2000x16xf32, #tpu.memory_space<vmem>>
    %dma_start3A_128 = arith.constant 0 : i32
    %dma_start3A_129 = tpu.memref_slice %arg8[%dma_start3A_122, %dma_start3A_128] : memref<5x2000xi32, #tpu.memory_space<vmem>> -> memref<1x2000xi32, #tpu.memory_space<vmem>>
    %dma_start3A_130 = tpu.memref_squeeze %dma_start3A_129 : memref<1x2000xi32, #tpu.memory_space<vmem>> -> memref<2000xi32, #tpu.memory_space<vmem>>
    %dma_start3A_131 = arith.constant 0 : i32
    %dma_start3A_132 = arith.constant 0 : i32
    %dma_start3A_133 = tpu.memref_slice %arg7[%arg0, %dma_start3A_131, %dma_start3A_132] : memref<2x10240x16xf32, #tpu.memory_space<hbm>> -> memref<1x10240x16xf32, #tpu.memory_space<hbm>>
    %dma_start3A_134 = tpu.memref_squeeze %dma_start3A_133 : memref<1x10240x16xf32, #tpu.memory_space<hbm>> -> memref<10240x16xf32, #tpu.memory_space<hbm>>
    %dma_start3A_135 = arith.constant 0 : i32
    %dma_start3A_136 = arith.constant 0 : i32
    %dma_start3A_137 = tpu.memref_slice %dma_start3A_134[%dma_start3A_135, %dma_start3A_136] : memref<10240x16xf32, #tpu.memory_space<hbm>> -> memref<10240x16xf32, #tpu.memory_space<hbm>>
    tpu.enqueue_indirect_dma source(%dma_start3A_137 : memref<10240x16xf32, #tpu.memory_space<hbm>>) target(%dma_start3A_127 : memref<2000x16xf32, #tpu.memory_space<vmem>>) offsets(%dma_start3A_130 : memref<2000xi32, #tpu.memory_space<vmem>>) semaphore(%arg17 : memref<!tpu.dma_semaphore, #tpu.memory_space<semaphore_mem>>)
    %dma_wait3A_138 = arith.constant 0 : i32
    %dma_wait3A_139 = arith.constant 0 : i32
    %dma_wait3A_140 = arith.constant 0 : i32
    %dma_wait3A_141 = arith.constant 0 : i32
    %dma_wait3A_142 = tpu.memref_slice %arg10[%dma_wait3A_139, %dma_wait3A_140, %dma_wait3A_141] : memref<2x2000x16xf32, #tpu.memory_space<vmem>> -> memref<1x2000x16xf32, #tpu.memory_space<vmem>>
    %dma_wait3A_143 = tpu.memref_squeeze %dma_wait3A_142 : memref<1x2000x16xf32, #tpu.memory_space<vmem>> -> memref<2000x16xf32, #tpu.memory_space<vmem>>
    %dma_wait3A_144 = arith.constant 0 : i32
    %dma_wait3A_145 = tpu.memref_slice %arg8[%dma_wait3A_138, %dma_wait3A_144] : memref<5x2000xi32, #tpu.memory_space<vmem>> -> memref<1x2000xi32, #tpu.memory_space<vmem>>
    %dma_wait3A_146 = tpu.memref_squeeze %dma_wait3A_145 : memref<1x2000xi32, #tpu.memory_space<vmem>> -> memref<2000xi32, #tpu.memory_space<vmem>>
    %dma_wait3A_147 = arith.constant 0 : i32
    %dma_wait3A_148 = arith.constant 0 : i32
    %dma_wait3A_149 = tpu.memref_slice %arg7[%arg0, %dma_wait3A_147, %dma_wait3A_148] : memref<2x10240x16xf32, #tpu.memory_space<hbm>> -> memref<1x10240x16xf32, #tpu.memory_space<hbm>>
    %dma_wait3A_150 = tpu.memref_squeeze %dma_wait3A_149 : memref<1x10240x16xf32, #tpu.memory_space<hbm>> -> memref<10240x16xf32, #tpu.memory_space<hbm>>
    %dma_wait3A_151 = arith.constant 0 : i32
    %dma_wait3A_152 = arith.constant 0 : i32
    %dma_wait3A_153 = tpu.memref_slice %dma_wait3A_150[%dma_wait3A_151, %dma_wait3A_152] : memref<10240x16xf32, #tpu.memory_space<hbm>> -> memref<10240x16xf32, #tpu.memory_space<hbm>>
    tpu.wait_indirect_dma semaphore(%arg16 : memref<!tpu.dma_semaphore, #tpu.memory_space<semaphore_mem>>) src(%dma_wait3A_153 : memref<10240x16xf32, #tpu.memory_space<hbm>>) dst(%dma_wait3A_143 : memref<2000x16xf32, #tpu.memory_space<vmem>>)
    %run_scoped3A_154 = arith.constant 0 : i32
    %run_scoped3A_155 = arith.constant 0 : i32
    "tpu.region"() ({
      %run_scoped3A_281 = tpu.sem_alloc : memref<!tpu.dma_semaphore, #tpu.memory_space<semaphore_mem>>
      %dma_start3A_282 = arith.constant 0 : i32
      %dma_start3A_283 = arith.constant 0 : i32
      %dma_start3A_284 = tpu.memref_slice %arg10[%run_scoped3A_154, %dma_start3A_282, %dma_start3A_283] : memref<2x2000x16xf32, #tpu.memory_space<vmem>> -> memref<1x2000x16xf32, #tpu.memory_space<vmem>>
      %dma_start3A_285 = tpu.memref_squeeze %dma_start3A_284 : memref<1x2000x16xf32, #tpu.memory_space<vmem>> -> memref<2000x16xf32, #tpu.memory_space<vmem>>
      %dma_start3A_286 = arith.constant 0 : i32
      %dma_start3A_287 = tpu.memref_slice %arg9[%run_scoped3A_155, %dma_start3A_286] : memref<5x2000xi32, #tpu.memory_space<vmem>> -> memref<1x2000xi32, #tpu.memory_space<vmem>>
      %dma_start3A_288 = tpu.memref_squeeze %dma_start3A_287 : memref<1x2000xi32, #tpu.memory_space<vmem>> -> memref<2000xi32, #tpu.memory_space<vmem>>
      %dma_start3A_289 = arith.constant 0 : i32
      %dma_start3A_290 = arith.constant 0 : i32
      %dma_start3A_291 = tpu.memref_slice %arg15[%dma_start3A_289, %dma_start3A_290] : memref<10240x16xf32, #tpu.memory_space<vmem_shared>> -> memref<10240x16xf32, #tpu.memory_space<vmem_shared>>
      tpu.enqueue_indirect_dma source(%dma_start3A_285 : memref<2000x16xf32, #tpu.memory_space<vmem>>) target(%dma_start3A_291 : memref<10240x16xf32, #tpu.memory_space<vmem_shared>>) offsets(%dma_start3A_288 : memref<2000xi32, #tpu.memory_space<vmem>>) semaphore(%run_scoped3A_281 : memref<!tpu.dma_semaphore, #tpu.memory_space<semaphore_mem>>) {add = true}
      %dma_wait3A_292 = arith.constant 0 : i32
      %dma_wait3A_293 = arith.constant 0 : i32
      %dma_wait3A_294 = tpu.memref_slice %arg10[%run_scoped3A_154, %dma_wait3A_292, %dma_wait3A_293] : memref<2x2000x16xf32, #tpu.memory_space<vmem>> -> memref<1x2000x16xf32, #tpu.memory_space<vmem>>
      %dma_wait3A_295 = tpu.memref_squeeze %dma_wait3A_294 : memref<1x2000x16xf32, #tpu.memory_space<vmem>> -> memref<2000x16xf32, #tpu.memory_space<vmem>>
      %dma_wait3A_296 = arith.constant 0 : i32
      %dma_wait3A_297 = tpu.memref_slice %arg9[%run_scoped3A_155, %dma_wait3A_296] : memref<5x2000xi32, #tpu.memory_space<vmem>> -> memref<1x2000xi32, #tpu.memory_space<vmem>>
      %dma_wait3A_298 = tpu.memref_squeeze %dma_wait3A_297 : memref<1x2000xi32, #tpu.memory_space<vmem>> -> memref<2000xi32, #tpu.memory_space<vmem>>
      %dma_wait3A_299 = arith.constant 0 : i32
      %dma_wait3A_300 = arith.constant 0 : i32
      %dma_wait3A_301 = tpu.memref_slice %arg15[%dma_wait3A_299, %dma_wait3A_300] : memref<10240x16xf32, #tpu.memory_space<vmem_shared>> -> memref<10240x16xf32, #tpu.memory_space<vmem_shared>>
      tpu.wait_indirect_dma semaphore(%run_scoped3A_281 : memref<!tpu.dma_semaphore, #tpu.memory_space<semaphore_mem>>) src(%dma_wait3A_295 : memref<2000x16xf32, #tpu.memory_space<vmem>>) dst(%dma_wait3A_301 : memref<10240x16xf32, #tpu.memory_space<vmem_shared>>)
      tpu.yield
    }) : () -> ()
    %dma_start3A_156 = arith.constant 2 : i32
    %dma_start3A_157 = arith.constant 0 : i32
    %dma_start3A_158 = arith.constant 0 : i32
    %dma_start3A_159 = arith.constant 0 : i32
    %dma_start3A_160 = tpu.memref_slice %arg10[%dma_start3A_157, %dma_start3A_158, %dma_start3A_159] : memref<2x2000x16xf32, #tpu.memory_space<vmem>> -> memref<1x2000x16xf32, #tpu.memory_space<vmem>>
    %dma_start3A_161 = tpu.memref_squeeze %dma_start3A_160 : memref<1x2000x16xf32, #tpu.memory_space<vmem>> -> memref<2000x16xf32, #tpu.memory_space<vmem>>
    %dma_start3A_162 = arith.constant 0 : i32
    %dma_start3A_163 = tpu.memref_slice %arg8[%dma_start3A_156, %dma_start3A_162] : memref<5x2000xi32, #tpu.memory_space<vmem>> -> memref<1x2000xi32, #tpu.memory_space<vmem>>
    %dma_start3A_164 = tpu.memref_squeeze %dma_start3A_163 : memref<1x2000xi32, #tpu.memory_space<vmem>> -> memref<2000xi32, #tpu.memory_space<vmem>>
    %dma_start3A_165 = arith.constant 0 : i32
    %dma_start3A_166 = arith.constant 0 : i32
    %dma_start3A_167 = tpu.memref_slice %arg7[%arg0, %dma_start3A_165, %dma_start3A_166] : memref<2x10240x16xf32, #tpu.memory_space<hbm>> -> memref<1x10240x16xf32, #tpu.memory_space<hbm>>
    %dma_start3A_168 = tpu.memref_squeeze %dma_start3A_167 : memref<1x10240x16xf32, #tpu.memory_space<hbm>> -> memref<10240x16xf32, #tpu.memory_space<hbm>>
    %dma_start3A_169 = arith.constant 0 : i32
    %dma_start3A_170 = arith.constant 0 : i32
    %dma_start3A_171 = tpu.memref_slice %dma_start3A_168[%dma_start3A_169, %dma_start3A_170] : memref<10240x16xf32, #tpu.memory_space<hbm>> -> memref<10240x16xf32, #tpu.memory_space<hbm>>
    tpu.enqueue_indirect_dma source(%dma_start3A_171 : memref<10240x16xf32, #tpu.memory_space<hbm>>) target(%dma_start3A_161 : memref<2000x16xf32, #tpu.memory_space<vmem>>) offsets(%dma_start3A_164 : memref<2000xi32, #tpu.memory_space<vmem>>) semaphore(%arg16 : memref<!tpu.dma_semaphore, #tpu.memory_space<semaphore_mem>>)
    %dma_wait3A_172 = arith.constant 1 : i32
    %dma_wait3A_173 = arith.constant 1 : i32
    %dma_wait3A_174 = arith.constant 0 : i32
    %dma_wait3A_175 = arith.constant 0 : i32
    %dma_wait3A_176 = tpu.memref_slice %arg10[%dma_wait3A_173, %dma_wait3A_174, %dma_wait3A_175] : memref<2x2000x16xf32, #tpu.memory_space<vmem>> -> memref<1x2000x16xf32, #tpu.memory_space<vmem>>
    %dma_wait3A_177 = tpu.memref_squeeze %dma_wait3A_176 : memref<1x2000x16xf32, #tpu.memory_space<vmem>> -> memref<2000x16xf32, #tpu.memory_space<vmem>>
    %dma_wait3A_178 = arith.constant 0 : i32
    %dma_wait3A_179 = tpu.memref_slice %arg8[%dma_wait3A_172, %dma_wait3A_178] : memref<5x2000xi32, #tpu.memory_space<vmem>> -> memref<1x2000xi32, #tpu.memory_space<vmem>>
    %dma_wait3A_180 = tpu.memref_squeeze %dma_wait3A_179 : memref<1x2000xi32, #tpu.memory_space<vmem>> -> memref<2000xi32, #tpu.memory_space<vmem>>
    %dma_wait3A_181 = arith.constant 0 : i32
    %dma_wait3A_182 = arith.constant 0 : i32
    %dma_wait3A_183 = tpu.memref_slice %arg7[%arg0, %dma_wait3A_181, %dma_wait3A_182] : memref<2x10240x16xf32, #tpu.memory_space<hbm>> -> memref<1x10240x16xf32, #tpu.memory_space<hbm>>
    %dma_wait3A_184 = tpu.memref_squeeze %dma_wait3A_183 : memref<1x10240x16xf32, #tpu.memory_space<hbm>> -> memref<10240x16xf32, #tpu.memory_space<hbm>>
    %dma_wait3A_185 = arith.constant 0 : i32
    %dma_wait3A_186 = arith.constant 0 : i32
    %dma_wait3A_187 = tpu.memref_slice %dma_wait3A_184[%dma_wait3A_185, %dma_wait3A_186] : memref<10240x16xf32, #tpu.memory_space<hbm>> -> memref<10240x16xf32, #tpu.memory_space<hbm>>
    tpu.wait_indirect_dma semaphore(%arg17 : memref<!tpu.dma_semaphore, #tpu.memory_space<semaphore_mem>>) src(%dma_wait3A_187 : memref<10240x16xf32, #tpu.memory_space<hbm>>) dst(%dma_wait3A_177 : memref<2000x16xf32, #tpu.memory_space<vmem>>)
    %run_scoped3A_188 = arith.constant 1 : i32
    %run_scoped3A_189 = arith.constant 1 : i32
    "tpu.region"() ({
      %run_scoped3A_281 = tpu.sem_alloc : memref<!tpu.dma_semaphore, #tpu.memory_space<semaphore_mem>>
      %dma_start3A_282 = arith.constant 0 : i32
      %dma_start3A_283 = arith.constant 0 : i32
      %dma_start3A_284 = tpu.memref_slice %arg10[%run_scoped3A_188, %dma_start3A_282, %dma_start3A_283] : memref<2x2000x16xf32, #tpu.memory_space<vmem>> -> memref<1x2000x16xf32, #tpu.memory_space<vmem>>
      %dma_start3A_285 = tpu.memref_squeeze %dma_start3A_284 : memref<1x2000x16xf32, #tpu.memory_space<vmem>> -> memref<2000x16xf32, #tpu.memory_space<vmem>>
      %dma_start3A_286 = arith.constant 0 : i32
      %dma_start3A_287 = tpu.memref_slice %arg9[%run_scoped3A_189, %dma_start3A_286] : memref<5x2000xi32, #tpu.memory_space<vmem>> -> memref<1x2000xi32, #tpu.memory_space<vmem>>
      %dma_start3A_288 = tpu.memref_squeeze %dma_start3A_287 : memref<1x2000xi32, #tpu.memory_space<vmem>> -> memref<2000xi32, #tpu.memory_space<vmem>>
      %dma_start3A_289 = arith.constant 0 : i32
      %dma_start3A_290 = arith.constant 0 : i32
      %dma_start3A_291 = tpu.memref_slice %arg15[%dma_start3A_289, %dma_start3A_290] : memref<10240x16xf32, #tpu.memory_space<vmem_shared>> -> memref<10240x16xf32, #tpu.memory_space<vmem_shared>>
      tpu.enqueue_indirect_dma source(%dma_start3A_285 : memref<2000x16xf32, #tpu.memory_space<vmem>>) target(%dma_start3A_291 : memref<10240x16xf32, #tpu.memory_space<vmem_shared>>) offsets(%dma_start3A_288 : memref<2000xi32, #tpu.memory_space<vmem>>) semaphore(%run_scoped3A_281 : memref<!tpu.dma_semaphore, #tpu.memory_space<semaphore_mem>>) {add = true}
      %dma_wait3A_292 = arith.constant 0 : i32
      %dma_wait3A_293 = arith.constant 0 : i32
      %dma_wait3A_294 = tpu.memref_slice %arg10[%run_scoped3A_188, %dma_wait3A_292, %dma_wait3A_293] : memref<2x2000x16xf32, #tpu.memory_space<vmem>> -> memref<1x2000x16xf32, #tpu.memory_space<vmem>>
      %dma_wait3A_295 = tpu.memref_squeeze %dma_wait3A_294 : memref<1x2000x16xf32, #tpu.memory_space<vmem>> -> memref<2000x16xf32, #tpu.memory_space<vmem>>
      %dma_wait3A_296 = arith.constant 0 : i32
      %dma_wait3A_297 = tpu.memref_slice %arg9[%run_scoped3A_189, %dma_wait3A_296] : memref<5x2000xi32, #tpu.memory_space<vmem>> -> memref<1x2000xi32, #tpu.memory_space<vmem>>
      %dma_wait3A_298 = tpu.memref_squeeze %dma_wait3A_297 : memref<1x2000xi32, #tpu.memory_space<vmem>> -> memref<2000xi32, #tpu.memory_space<vmem>>
      %dma_wait3A_299 = arith.constant 0 : i32
      %dma_wait3A_300 = arith.constant 0 : i32
      %dma_wait3A_301 = tpu.memref_slice %arg15[%dma_wait3A_299, %dma_wait3A_300] : memref<10240x16xf32, #tpu.memory_space<vmem_shared>> -> memref<10240x16xf32, #tpu.memory_space<vmem_shared>>
      tpu.wait_indirect_dma semaphore(%run_scoped3A_281 : memref<!tpu.dma_semaphore, #tpu.memory_space<semaphore_mem>>) src(%dma_wait3A_295 : memref<2000x16xf32, #tpu.memory_space<vmem>>) dst(%dma_wait3A_301 : memref<10240x16xf32, #tpu.memory_space<vmem_shared>>)
      tpu.yield
    }) : () -> ()
    %dma_start3A_190 = arith.constant 3 : i32
    %dma_start3A_191 = arith.constant 1 : i32
    %dma_start3A_192 = arith.constant 0 : i32
    %dma_start3A_193 = arith.constant 0 : i32
    %dma_start3A_194 = tpu.memref_slice %arg10[%dma_start3A_191, %dma_start3A_192, %dma_start3A_193] : memref<2x2000x16xf32, #tpu.memory_space<vmem>> -> memref<1x2000x16xf32, #tpu.memory_space<vmem>>
    %dma_start3A_195 = tpu.memref_squeeze %dma_start3A_194 : memref<1x2000x16xf32, #tpu.memory_space<vmem>> -> memref<2000x16xf32, #tpu.memory_space<vmem>>
    %dma_start3A_196 = arith.constant 0 : i32
    %dma_start3A_197 = tpu.memref_slice %arg8[%dma_start3A_190, %dma_start3A_196] : memref<5x2000xi32, #tpu.memory_space<vmem>> -> memref<1x2000xi32, #tpu.memory_space<vmem>>
    %dma_start3A_198 = tpu.memref_squeeze %dma_start3A_197 : memref<1x2000xi32, #tpu.memory_space<vmem>> -> memref<2000xi32, #tpu.memory_space<vmem>>
    %dma_start3A_199 = arith.constant 0 : i32
    %dma_start3A_200 = arith.constant 0 : i32
    %dma_start3A_201 = tpu.memref_slice %arg7[%arg0, %dma_start3A_199, %dma_start3A_200] : memref<2x10240x16xf32, #tpu.memory_space<hbm>> -> memref<1x10240x16xf32, #tpu.memory_space<hbm>>
    %dma_start3A_202 = tpu.memref_squeeze %dma_start3A_201 : memref<1x10240x16xf32, #tpu.memory_space<hbm>> -> memref<10240x16xf32, #tpu.memory_space<hbm>>
    %dma_start3A_203 = arith.constant 0 : i32
    %dma_start3A_204 = arith.constant 0 : i32
    %dma_start3A_205 = tpu.memref_slice %dma_start3A_202[%dma_start3A_203, %dma_start3A_204] : memref<10240x16xf32, #tpu.memory_space<hbm>> -> memref<10240x16xf32, #tpu.memory_space<hbm>>
    tpu.enqueue_indirect_dma source(%dma_start3A_205 : memref<10240x16xf32, #tpu.memory_space<hbm>>) target(%dma_start3A_195 : memref<2000x16xf32, #tpu.memory_space<vmem>>) offsets(%dma_start3A_198 : memref<2000xi32, #tpu.memory_space<vmem>>) semaphore(%arg17 : memref<!tpu.dma_semaphore, #tpu.memory_space<semaphore_mem>>)
    %dma_wait3A_206 = arith.constant 2 : i32
    %dma_wait3A_207 = arith.constant 0 : i32
    %dma_wait3A_208 = arith.constant 0 : i32
    %dma_wait3A_209 = arith.constant 0 : i32
    %dma_wait3A_210 = tpu.memref_slice %arg10[%dma_wait3A_207, %dma_wait3A_208, %dma_wait3A_209] : memref<2x2000x16xf32, #tpu.memory_space<vmem>> -> memref<1x2000x16xf32, #tpu.memory_space<vmem>>
    %dma_wait3A_211 = tpu.memref_squeeze %dma_wait3A_210 : memref<1x2000x16xf32, #tpu.memory_space<vmem>> -> memref<2000x16xf32, #tpu.memory_space<vmem>>
    %dma_wait3A_212 = arith.constant 0 : i32
    %dma_wait3A_213 = tpu.memref_slice %arg8[%dma_wait3A_206, %dma_wait3A_212] : memref<5x2000xi32, #tpu.memory_space<vmem>> -> memref<1x2000xi32, #tpu.memory_space<vmem>>
    %dma_wait3A_214 = tpu.memref_squeeze %dma_wait3A_213 : memref<1x2000xi32, #tpu.memory_space<vmem>> -> memref<2000xi32, #tpu.memory_space<vmem>>
    %dma_wait3A_215 = arith.constant 0 : i32
    %dma_wait3A_216 = arith.constant 0 : i32
    %dma_wait3A_217 = tpu.memref_slice %arg7[%arg0, %dma_wait3A_215, %dma_wait3A_216] : memref<2x10240x16xf32, #tpu.memory_space<hbm>> -> memref<1x10240x16xf32, #tpu.memory_space<hbm>>
    %dma_wait3A_218 = tpu.memref_squeeze %dma_wait3A_217 : memref<1x10240x16xf32, #tpu.memory_space<hbm>> -> memref<10240x16xf32, #tpu.memory_space<hbm>>
    %dma_wait3A_219 = arith.constant 0 : i32
    %dma_wait3A_220 = arith.constant 0 : i32
    %dma_wait3A_221 = tpu.memref_slice %dma_wait3A_218[%dma_wait3A_219, %dma_wait3A_220] : memref<10240x16xf32, #tpu.memory_space<hbm>> -> memref<10240x16xf32, #tpu.memory_space<hbm>>
    tpu.wait_indirect_dma semaphore(%arg16 : memref<!tpu.dma_semaphore, #tpu.memory_space<semaphore_mem>>) src(%dma_wait3A_221 : memref<10240x16xf32, #tpu.memory_space<hbm>>) dst(%dma_wait3A_211 : memref<2000x16xf32, #tpu.memory_space<vmem>>)
    %run_scoped3A_222 = arith.constant 0 : i32
    %run_scoped3A_223 = arith.constant 2 : i32
    "tpu.region"() ({
      %run_scoped3A_281 = tpu.sem_alloc : memref<!tpu.dma_semaphore, #tpu.memory_space<semaphore_mem>>
      %dma_start3A_282 = arith.constant 0 : i32
      %dma_start3A_283 = arith.constant 0 : i32
      %dma_start3A_284 = tpu.memref_slice %arg10[%run_scoped3A_222, %dma_start3A_282, %dma_start3A_283] : memref<2x2000x16xf32, #tpu.memory_space<vmem>> -> memref<1x2000x16xf32, #tpu.memory_space<vmem>>
      %dma_start3A_285 = tpu.memref_squeeze %dma_start3A_284 : memref<1x2000x16xf32, #tpu.memory_space<vmem>> -> memref<2000x16xf32, #tpu.memory_space<vmem>>
      %dma_start3A_286 = arith.constant 0 : i32
      %dma_start3A_287 = tpu.memref_slice %arg9[%run_scoped3A_223, %dma_start3A_286] : memref<5x2000xi32, #tpu.memory_space<vmem>> -> memref<1x2000xi32, #tpu.memory_space<vmem>>
      %dma_start3A_288 = tpu.memref_squeeze %dma_start3A_287 : memref<1x2000xi32, #tpu.memory_space<vmem>> -> memref<2000xi32, #tpu.memory_space<vmem>>
      %dma_start3A_289 = arith.constant 0 : i32
      %dma_start3A_290 = arith.constant 0 : i32
      %dma_start3A_291 = tpu.memref_slice %arg15[%dma_start3A_289, %dma_start3A_290] : memref<10240x16xf32, #tpu.memory_space<vmem_shared>> -> memref<10240x16xf32, #tpu.memory_space<vmem_shared>>
      tpu.enqueue_indirect_dma source(%dma_start3A_285 : memref<2000x16xf32, #tpu.memory_space<vmem>>) target(%dma_start3A_291 : memref<10240x16xf32, #tpu.memory_space<vmem_shared>>) offsets(%dma_start3A_288 : memref<2000xi32, #tpu.memory_space<vmem>>) semaphore(%run_scoped3A_281 : memref<!tpu.dma_semaphore, #tpu.memory_space<semaphore_mem>>) {add = true}
      %dma_wait3A_292 = arith.constant 0 : i32
      %dma_wait3A_293 = arith.constant 0 : i32
      %dma_wait3A_294 = tpu.memref_slice %arg10[%run_scoped3A_222, %dma_wait3A_292, %dma_wait3A_293] : memref<2x2000x16xf32, #tpu.memory_space<vmem>> -> memref<1x2000x16xf32, #tpu.memory_space<vmem>>
      %dma_wait3A_295 = tpu.memref_squeeze %dma_wait3A_294 : memref<1x2000x16xf32, #tpu.memory_space<vmem>> -> memref<2000x16xf32, #tpu.memory_space<vmem>>
      %dma_wait3A_296 = arith.constant 0 : i32
      %dma_wait3A_297 = tpu.memref_slice %arg9[%run_scoped3A_223, %dma_wait3A_296] : memref<5x2000xi32, #tpu.memory_space<vmem>> -> memref<1x2000xi32, #tpu.memory_space<vmem>>
      %dma_wait3A_298 = tpu.memref_squeeze %dma_wait3A_297 : memref<1x2000xi32, #tpu.memory_space<vmem>> -> memref<2000xi32, #tpu.memory_space<vmem>>
      %dma_wait3A_299 = arith.constant 0 : i32
      %dma_wait3A_300 = arith.constant 0 : i32
      %dma_wait3A_301 = tpu.memref_slice %arg15[%dma_wait3A_299, %dma_wait3A_300] : memref<10240x16xf32, #tpu.memory_space<vmem_shared>> -> memref<10240x16xf32, #tpu.memory_space<vmem_shared>>
      tpu.wait_indirect_dma semaphore(%run_scoped3A_281 : memref<!tpu.dma_semaphore, #tpu.memory_space<semaphore_mem>>) src(%dma_wait3A_295 : memref<2000x16xf32, #tpu.memory_space<vmem>>) dst(%dma_wait3A_301 : memref<10240x16xf32, #tpu.memory_space<vmem_shared>>)
      tpu.yield
    }) : () -> ()
    %dma_start3A_224 = arith.constant 4 : i32
    %dma_start3A_225 = arith.constant 0 : i32
    %dma_start3A_226 = arith.constant 0 : i32
    %dma_start3A_227 = arith.constant 0 : i32
    %dma_start3A_228 = tpu.memref_slice %arg10[%dma_start3A_225, %dma_start3A_226, %dma_start3A_227] : memref<2x2000x16xf32, #tpu.memory_space<vmem>> -> memref<1x2000x16xf32, #tpu.memory_space<vmem>>
    %dma_start3A_229 = tpu.memref_squeeze %dma_start3A_228 : memref<1x2000x16xf32, #tpu.memory_space<vmem>> -> memref<2000x16xf32, #tpu.memory_space<vmem>>
    %dma_start3A_230 = arith.constant 0 : i32
    %dma_start3A_231 = tpu.memref_slice %arg8[%dma_start3A_224, %dma_start3A_230] : memref<5x2000xi32, #tpu.memory_space<vmem>> -> memref<1x2000xi32, #tpu.memory_space<vmem>>
    %dma_start3A_232 = tpu.memref_squeeze %dma_start3A_231 : memref<1x2000xi32, #tpu.memory_space<vmem>> -> memref<2000xi32, #tpu.memory_space<vmem>>
    %dma_start3A_233 = arith.constant 0 : i32
    %dma_start3A_234 = arith.constant 0 : i32
    %dma_start3A_235 = tpu.memref_slice %arg7[%arg0, %dma_start3A_233, %dma_start3A_234] : memref<2x10240x16xf32, #tpu.memory_space<hbm>> -> memref<1x10240x16xf32, #tpu.memory_space<hbm>>
    %dma_start3A_236 = tpu.memref_squeeze %dma_start3A_235 : memref<1x10240x16xf32, #tpu.memory_space<hbm>> -> memref<10240x16xf32, #tpu.memory_space<hbm>>
    %dma_start3A_237 = arith.constant 0 : i32
    %dma_start3A_238 = arith.constant 0 : i32
    %dma_start3A_239 = tpu.memref_slice %dma_start3A_236[%dma_start3A_237, %dma_start3A_238] : memref<10240x16xf32, #tpu.memory_space<hbm>> -> memref<10240x16xf32, #tpu.memory_space<hbm>>
    tpu.enqueue_indirect_dma source(%dma_start3A_239 : memref<10240x16xf32, #tpu.memory_space<hbm>>) target(%dma_start3A_229 : memref<2000x16xf32, #tpu.memory_space<vmem>>) offsets(%dma_start3A_232 : memref<2000xi32, #tpu.memory_space<vmem>>) semaphore(%arg16 : memref<!tpu.dma_semaphore, #tpu.memory_space<semaphore_mem>>)
    %dma_wait3A_240 = arith.constant 3 : i32
    %dma_wait3A_241 = arith.constant 1 : i32
    %dma_wait3A_242 = arith.constant 0 : i32
    %dma_wait3A_243 = arith.constant 0 : i32
    %dma_wait3A_244 = tpu.memref_slice %arg10[%dma_wait3A_241, %dma_wait3A_242, %dma_wait3A_243] : memref<2x2000x16xf32, #tpu.memory_space<vmem>> -> memref<1x2000x16xf32, #tpu.memory_space<vmem>>
    %dma_wait3A_245 = tpu.memref_squeeze %dma_wait3A_244 : memref<1x2000x16xf32, #tpu.memory_space<vmem>> -> memref<2000x16xf32, #tpu.memory_space<vmem>>
    %dma_wait3A_246 = arith.constant 0 : i32
    %dma_wait3A_247 = tpu.memref_slice %arg8[%dma_wait3A_240, %dma_wait3A_246] : memref<5x2000xi32, #tpu.memory_space<vmem>> -> memref<1x2000xi32, #tpu.memory_space<vmem>>
    %dma_wait3A_248 = tpu.memref_squeeze %dma_wait3A_247 : memref<1x2000xi32, #tpu.memory_space<vmem>> -> memref<2000xi32, #tpu.memory_space<vmem>>
    %dma_wait3A_249 = arith.constant 0 : i32
    %dma_wait3A_250 = arith.constant 0 : i32
    %dma_wait3A_251 = tpu.memref_slice %arg7[%arg0, %dma_wait3A_249, %dma_wait3A_250] : memref<2x10240x16xf32, #tpu.memory_space<hbm>> -> memref<1x10240x16xf32, #tpu.memory_space<hbm>>
    %dma_wait3A_252 = tpu.memref_squeeze %dma_wait3A_251 : memref<1x10240x16xf32, #tpu.memory_space<hbm>> -> memref<10240x16xf32, #tpu.memory_space<hbm>>
    %dma_wait3A_253 = arith.constant 0 : i32
    %dma_wait3A_254 = arith.constant 0 : i32
    %dma_wait3A_255 = tpu.memref_slice %dma_wait3A_252[%dma_wait3A_253, %dma_wait3A_254] : memref<10240x16xf32, #tpu.memory_space<hbm>> -> memref<10240x16xf32, #tpu.memory_space<hbm>>
    tpu.wait_indirect_dma semaphore(%arg17 : memref<!tpu.dma_semaphore, #tpu.memory_space<semaphore_mem>>) src(%dma_wait3A_255 : memref<10240x16xf32, #tpu.memory_space<hbm>>) dst(%dma_wait3A_245 : memref<2000x16xf32, #tpu.memory_space<vmem>>)
    %run_scoped3A_256 = arith.constant 1 : i32
    %run_scoped3A_257 = arith.constant 3 : i32
    "tpu.region"() ({
      %run_scoped3A_281 = tpu.sem_alloc : memref<!tpu.dma_semaphore, #tpu.memory_space<semaphore_mem>>
      %dma_start3A_282 = arith.constant 0 : i32
      %dma_start3A_283 = arith.constant 0 : i32
      %dma_start3A_284 = tpu.memref_slice %arg10[%run_scoped3A_256, %dma_start3A_282, %dma_start3A_283] : memref<2x2000x16xf32, #tpu.memory_space<vmem>> -> memref<1x2000x16xf32, #tpu.memory_space<vmem>>
      %dma_start3A_285 = tpu.memref_squeeze %dma_start3A_284 : memref<1x2000x16xf32, #tpu.memory_space<vmem>> -> memref<2000x16xf32, #tpu.memory_space<vmem>>
      %dma_start3A_286 = arith.constant 0 : i32
      %dma_start3A_287 = tpu.memref_slice %arg9[%run_scoped3A_257, %dma_start3A_286] : memref<5x2000xi32, #tpu.memory_space<vmem>> -> memref<1x2000xi32, #tpu.memory_space<vmem>>
      %dma_start3A_288 = tpu.memref_squeeze %dma_start3A_287 : memref<1x2000xi32, #tpu.memory_space<vmem>> -> memref<2000xi32, #tpu.memory_space<vmem>>
      %dma_start3A_289 = arith.constant 0 : i32
      %dma_start3A_290 = arith.constant 0 : i32
      %dma_start3A_291 = tpu.memref_slice %arg15[%dma_start3A_289, %dma_start3A_290] : memref<10240x16xf32, #tpu.memory_space<vmem_shared>> -> memref<10240x16xf32, #tpu.memory_space<vmem_shared>>
      tpu.enqueue_indirect_dma source(%dma_start3A_285 : memref<2000x16xf32, #tpu.memory_space<vmem>>) target(%dma_start3A_291 : memref<10240x16xf32, #tpu.memory_space<vmem_shared>>) offsets(%dma_start3A_288 : memref<2000xi32, #tpu.memory_space<vmem>>) semaphore(%run_scoped3A_281 : memref<!tpu.dma_semaphore, #tpu.memory_space<semaphore_mem>>) {add = true}
      %dma_wait3A_292 = arith.constant 0 : i32
      %dma_wait3A_293 = arith.constant 0 : i32
      %dma_wait3A_294 = tpu.memref_slice %arg10[%run_scoped3A_256, %dma_wait3A_292, %dma_wait3A_293] : memref<2x2000x16xf32, #tpu.memory_space<vmem>> -> memref<1x2000x16xf32, #tpu.memory_space<vmem>>
      %dma_wait3A_295 = tpu.memref_squeeze %dma_wait3A_294 : memref<1x2000x16xf32, #tpu.memory_space<vmem>> -> memref<2000x16xf32, #tpu.memory_space<vmem>>
      %dma_wait3A_296 = arith.constant 0 : i32
      %dma_wait3A_297 = tpu.memref_slice %arg9[%run_scoped3A_257, %dma_wait3A_296] : memref<5x2000xi32, #tpu.memory_space<vmem>> -> memref<1x2000xi32, #tpu.memory_space<vmem>>
      %dma_wait3A_298 = tpu.memref_squeeze %dma_wait3A_297 : memref<1x2000xi32, #tpu.memory_space<vmem>> -> memref<2000xi32, #tpu.memory_space<vmem>>
      %dma_wait3A_299 = arith.constant 0 : i32
      %dma_wait3A_300 = arith.constant 0 : i32
      %dma_wait3A_301 = tpu.memref_slice %arg15[%dma_wait3A_299, %dma_wait3A_300] : memref<10240x16xf32, #tpu.memory_space<vmem_shared>> -> memref<10240x16xf32, #tpu.memory_space<vmem_shared>>
      tpu.wait_indirect_dma semaphore(%run_scoped3A_281 : memref<!tpu.dma_semaphore, #tpu.memory_space<semaphore_mem>>) src(%dma_wait3A_295 : memref<2000x16xf32, #tpu.memory_space<vmem>>) dst(%dma_wait3A_301 : memref<10240x16xf32, #tpu.memory_space<vmem_shared>>)
      tpu.yield
    }) : () -> ()
    %dma_wait3A_258 = arith.constant 4 : i32
    %dma_wait3A_259 = arith.constant 0 : i32
    %dma_wait3A_260 = arith.constant 0 : i32
    %dma_wait3A_261 = arith.constant 0 : i32
    %dma_wait3A_262 = tpu.memref_slice %arg10[%dma_wait3A_259, %dma_wait3A_260, %dma_wait3A_261] : memref<2x2000x16xf32, #tpu.memory_space<vmem>> -> memref<1x2000x16xf32, #tpu.memory_space<vmem>>
    %dma_wait3A_263 = tpu.memref_squeeze %dma_wait3A_262 : memref<1x2000x16xf32, #tpu.memory_space<vmem>> -> memref<2000x16xf32, #tpu.memory_space<vmem>>
    %dma_wait3A_264 = arith.constant 0 : i32
    %dma_wait3A_265 = tpu.memref_slice %arg8[%dma_wait3A_258, %dma_wait3A_264] : memref<5x2000xi32, #tpu.memory_space<vmem>> -> memref<1x2000xi32, #tpu.memory_space<vmem>>
    %dma_wait3A_266 = tpu.memref_squeeze %dma_wait3A_265 : memref<1x2000xi32, #tpu.memory_space<vmem>> -> memref<2000xi32, #tpu.memory_space<vmem>>
    %dma_wait3A_267 = arith.constant 0 : i32
    %dma_wait3A_268 = arith.constant 0 : i32
    %dma_wait3A_269 = tpu.memref_slice %arg7[%arg0, %dma_wait3A_267, %dma_wait3A_268] : memref<2x10240x16xf32, #tpu.memory_space<hbm>> -> memref<1x10240x16xf32, #tpu.memory_space<hbm>>
    %dma_wait3A_270 = tpu.memref_squeeze %dma_wait3A_269 : memref<1x10240x16xf32, #tpu.memory_space<hbm>> -> memref<10240x16xf32, #tpu.memory_space<hbm>>
    %dma_wait3A_271 = arith.constant 0 : i32
    %dma_wait3A_272 = arith.constant 0 : i32
    %dma_wait3A_273 = tpu.memref_slice %dma_wait3A_270[%dma_wait3A_271, %dma_wait3A_272] : memref<10240x16xf32, #tpu.memory_space<hbm>> -> memref<10240x16xf32, #tpu.memory_space<hbm>>
    tpu.wait_indirect_dma semaphore(%arg16 : memref<!tpu.dma_semaphore, #tpu.memory_space<semaphore_mem>>) src(%dma_wait3A_273 : memref<10240x16xf32, #tpu.memory_space<hbm>>) dst(%dma_wait3A_263 : memref<2000x16xf32, #tpu.memory_space<vmem>>)
    %run_scoped3A_274 = arith.constant 0 : i32
    %run_scoped3A_275 = arith.constant 4 : i32
    "tpu.region"() ({
      %run_scoped3A_281 = tpu.sem_alloc : memref<!tpu.dma_semaphore, #tpu.memory_space<semaphore_mem>>
      %dma_start3A_282 = arith.constant 0 : i32
      %dma_start3A_283 = arith.constant 0 : i32
      %dma_start3A_284 = tpu.memref_slice %arg10[%run_scoped3A_274, %dma_start3A_282, %dma_start3A_283] : memref<2x2000x16xf32, #tpu.memory_space<vmem>> -> memref<1x2000x16xf32, #tpu.memory_space<vmem>>
      %dma_start3A_285 = tpu.memref_squeeze %dma_start3A_284 : memref<1x2000x16xf32, #tpu.memory_space<vmem>> -> memref<2000x16xf32, #tpu.memory_space<vmem>>
      %dma_start3A_286 = arith.constant 0 : i32
      %dma_start3A_287 = tpu.memref_slice %arg9[%run_scoped3A_275, %dma_start3A_286] : memref<5x2000xi32, #tpu.memory_space<vmem>> -> memref<1x2000xi32, #tpu.memory_space<vmem>>
      %dma_start3A_288 = tpu.memref_squeeze %dma_start3A_287 : memref<1x2000xi32, #tpu.memory_space<vmem>> -> memref<2000xi32, #tpu.memory_space<vmem>>
      %dma_start3A_289 = arith.constant 0 : i32
      %dma_start3A_290 = arith.constant 0 : i32
      %dma_start3A_291 = tpu.memref_slice %arg15[%dma_start3A_289, %dma_start3A_290] : memref<10240x16xf32, #tpu.memory_space<vmem_shared>> -> memref<10240x16xf32, #tpu.memory_space<vmem_shared>>
      tpu.enqueue_indirect_dma source(%dma_start3A_285 : memref<2000x16xf32, #tpu.memory_space<vmem>>) target(%dma_start3A_291 : memref<10240x16xf32, #tpu.memory_space<vmem_shared>>) offsets(%dma_start3A_288 : memref<2000xi32, #tpu.memory_space<vmem>>) semaphore(%run_scoped3A_281 : memref<!tpu.dma_semaphore, #tpu.memory_space<semaphore_mem>>) {add = true}
      %dma_wait3A_292 = arith.constant 0 : i32
      %dma_wait3A_293 = arith.constant 0 : i32
      %dma_wait3A_294 = tpu.memref_slice %arg10[%run_scoped3A_274, %dma_wait3A_292, %dma_wait3A_293] : memref<2x2000x16xf32, #tpu.memory_space<vmem>> -> memref<1x2000x16xf32, #tpu.memory_space<vmem>>
      %dma_wait3A_295 = tpu.memref_squeeze %dma_wait3A_294 : memref<1x2000x16xf32, #tpu.memory_space<vmem>> -> memref<2000x16xf32, #tpu.memory_space<vmem>>
      %dma_wait3A_296 = arith.constant 0 : i32
      %dma_wait3A_297 = tpu.memref_slice %arg9[%run_scoped3A_275, %dma_wait3A_296] : memref<5x2000xi32, #tpu.memory_space<vmem>> -> memref<1x2000xi32, #tpu.memory_space<vmem>>
      %dma_wait3A_298 = tpu.memref_squeeze %dma_wait3A_297 : memref<1x2000xi32, #tpu.memory_space<vmem>> -> memref<2000xi32, #tpu.memory_space<vmem>>
      %dma_wait3A_299 = arith.constant 0 : i32
      %dma_wait3A_300 = arith.constant 0 : i32
      %dma_wait3A_301 = tpu.memref_slice %arg15[%dma_wait3A_299, %dma_wait3A_300] : memref<10240x16xf32, #tpu.memory_space<vmem_shared>> -> memref<10240x16xf32, #tpu.memory_space<vmem_shared>>
      tpu.wait_indirect_dma semaphore(%run_scoped3A_281 : memref<!tpu.dma_semaphore, #tpu.memory_space<semaphore_mem>>) src(%dma_wait3A_295 : memref<2000x16xf32, #tpu.memory_space<vmem>>) dst(%dma_wait3A_301 : memref<10240x16xf32, #tpu.memory_space<vmem_shared>>)
      tpu.yield
    }) : () -> ()
    %barrier3A_276 = arith.constant 0 : index
    tpu.barrier barrier_id(%barrier3A_276)
    %mul3A_277 = arith.constant 640 : i32
    %mul3A_278 = arith.muli %arg1, %mul3A_277 : i32
    "tpu.region"() ({
      %run_scoped3A_281 = tpu.sem_alloc : memref<!tpu.dma_semaphore, #tpu.memory_space<semaphore_mem>>
      %dma_start3A_282 = arith.constant 0 : i32
      %dma_start3A_283 = tpu.memref_slice %arg15[%mul3A_278, %dma_start3A_282] : memref<10240x16xf32, #tpu.memory_space<vmem_shared>> -> memref<640x16xf32, #tpu.memory_space<vmem_shared>>
      %dma_start3A_284 = arith.constant 0 : i32
      %dma_start3A_285 = tpu.memref_slice %arg15[%mul3A_278, %dma_start3A_284] : memref<10240x16xf32, #tpu.memory_space<vmem_shared>> -> memref<640x16xf32, #tpu.memory_space<vmem_shared>>
      tpu.enqueue_dma source(%dma_start3A_285 : memref<640x16xf32, #tpu.memory_space<vmem_shared>>) target(%arg11 : memref<640x16xf32, #tpu.memory_space<vmem>>) target_semaphore(%run_scoped3A_281 : memref<!tpu.dma_semaphore, #tpu.memory_space<semaphore_mem>>)
      %dma_wait3A_286 = arith.constant 0 : i32
      %dma_wait3A_287 = tpu.memref_slice %arg15[%mul3A_278, %dma_wait3A_286] : memref<10240x16xf32, #tpu.memory_space<vmem_shared>> -> memref<640x16xf32, #tpu.memory_space<vmem_shared>>
      %dma_wait3A_288 = arith.constant 0 : i32
      %dma_wait3A_289 = tpu.memref_slice %arg15[%mul3A_278, %dma_wait3A_288] : memref<10240x16xf32, #tpu.memory_space<vmem_shared>> -> memref<640x16xf32, #tpu.memory_space<vmem_shared>>
      tpu.wait_dma2 semaphore(%run_scoped3A_281 : memref<!tpu.dma_semaphore, #tpu.memory_space<semaphore_mem>>) src(%dma_wait3A_289 : memref<640x16xf32, #tpu.memory_space<vmem_shared>>) dst(%arg11 : memref<640x16xf32, #tpu.memory_space<vmem>>)
      tpu.yield
    }) : () -> ()
    %mul3A_279 = arith.constant 640 : i32
    %mul3A_280 = arith.muli %arg1, %mul3A_279 : i32
    "tpu.region"() ({
      %run_scoped3A_281 = tpu.sem_alloc : memref<!tpu.dma_semaphore, #tpu.memory_space<semaphore_mem>>
      %dma_start3A_282 = arith.constant 0 : i32
      %dma_start3A_283 = tpu.memref_slice %arg6[%arg0, %mul3A_280, %dma_start3A_282] : memref<2x10240x16xf32, #tpu.memory_space<hbm>> -> memref<1x640x16xf32, #tpu.memory_space<hbm>>
      %dma_start3A_284 = tpu.memref_squeeze %dma_start3A_283 : memref<1x640x16xf32, #tpu.memory_space<hbm>> -> memref<640x16xf32, #tpu.memory_space<hbm>>
      %dma_start3A_285 = arith.constant 0 : i32
      %dma_start3A_286 = tpu.memref_slice %arg6[%arg0, %mul3A_280, %dma_start3A_285] : memref<2x10240x16xf32, #tpu.memory_space<hbm>> -> memref<1x640x16xf32, #tpu.memory_space<hbm>>
      %dma_start3A_287 = tpu.memref_squeeze %dma_start3A_286 : memref<1x640x16xf32, #tpu.memory_space<hbm>> -> memref<640x16xf32, #tpu.memory_space<hbm>>
      tpu.enqueue_dma source(%arg11 : memref<640x16xf32, #tpu.memory_space<vmem>>) target(%dma_start3A_287 : memref<640x16xf32, #tpu.memory_space<hbm>>) target_semaphore(%run_scoped3A_281 : memref<!tpu.dma_semaphore, #tpu.memory_space<semaphore_mem>>)
      %dma_wait3A_288 = arith.constant 0 : i32
      %dma_wait3A_289 = tpu.memref_slice %arg6[%arg0, %mul3A_280, %dma_wait3A_288] : memref<2x10240x16xf32, #tpu.memory_space<hbm>> -> memref<1x640x16xf32, #tpu.memory_space<hbm>>
      %dma_wait3A_290 = tpu.memref_squeeze %dma_wait3A_289 : memref<1x640x16xf32, #tpu.memory_space<hbm>> -> memref<640x16xf32, #tpu.memory_space<hbm>>
      %dma_wait3A_291 = arith.constant 0 : i32
      %dma_wait3A_292 = tpu.memref_slice %arg6[%arg0, %mul3A_280, %dma_wait3A_291] : memref<2x10240x16xf32, #tpu.memory_space<hbm>> -> memref<1x640x16xf32, #tpu.memory_space<hbm>>
      %dma_wait3A_293 = tpu.memref_squeeze %dma_wait3A_292 : memref<1x640x16xf32, #tpu.memory_space<hbm>> -> memref<640x16xf32, #tpu.memory_space<hbm>>
      tpu.wait_dma2 semaphore(%run_scoped3A_281 : memref<!tpu.dma_semaphore, #tpu.memory_space<semaphore_mem>>) src(%arg11 : memref<640x16xf32, #tpu.memory_space<vmem>>) dst(%dma_wait3A_293 : memref<640x16xf32, #tpu.memory_space<hbm>>)
      tpu.yield
    }) : () -> ()
    return
  }
}

#map = affine_map<(d0, d1) -> (0, 0, 0)>
#map1 = affine_map<(d0, d1) -> (0)>
module attributes {stable_mosaic.version = 14 : i64} {
  func.func @_final_kernel(%arg0: i32, %arg1: i32, %arg2: memref<2x2x10240xf32, #tpu.memory_space<hbm>>, %arg3: memref<20480xf32, #tpu.memory_space<hbm>>, %arg4: memref<320xf32, #tpu.memory_space<vmem>>, %arg5: memref<320xf32, #tpu.memory_space<vmem>>, %arg6: memref<320xf32, #tpu.memory_space<vmem>>, %arg7: memref<320xf32, #tpu.memory_space<vmem>>, %arg8: memref<640xf32, #tpu.memory_space<vmem>>, %arg9: memref<!tpu.dma_semaphore, #tpu.memory_space<semaphore_mem>>) attributes {dimension_semantics = [#tpu.dimension_semantics<core_parallel>, #tpu.dimension_semantics<subcore_parallel>], iteration_bounds = array<i64: 2, 16>, scalar_prefetch = 0 : i64, scratch_operands = 6 : i64, tpu.core_type = #tpu.core_type<sc_vector_subcore>, window_params = [{transform_indices = #map}, {transform_indices = #map1}]} {
    %mul3A = arith.constant 2 : i32
    %mul3A_0 = arith.muli %arg1, %mul3A : i32
    %add3A = arith.addi %mul3A_0, %arg0 : i32
    %mul3A_1 = arith.constant 320 : i32
    %mul3A_2 = arith.muli %add3A, %mul3A_1 : i32
    %dma_start3A = arith.constant 0 : i32
    %dma_start3A_3 = arith.constant 0 : i32
    %dma_start3A_4 = tpu.memref_slice %arg2[%dma_start3A, %dma_start3A_3, %mul3A_2] : memref<2x2x10240xf32, #tpu.memory_space<hbm>> -> memref<1x1x320xf32, #tpu.memory_space<hbm>>
    %dma_start3A_5 = tpu.memref_squeeze %dma_start3A_4 : memref<1x1x320xf32, #tpu.memory_space<hbm>> -> memref<320xf32, #tpu.memory_space<hbm>>
    %dma_start3A_6 = tpu.memref_slice %arg2[%dma_start3A, %dma_start3A_3, %mul3A_2] : memref<2x2x10240xf32, #tpu.memory_space<hbm>> -> memref<1x1x320xf32, #tpu.memory_space<hbm>>
    %dma_start3A_7 = tpu.memref_squeeze %dma_start3A_6 : memref<1x1x320xf32, #tpu.memory_space<hbm>> -> memref<320xf32, #tpu.memory_space<hbm>>
    tpu.enqueue_dma source(%dma_start3A_7 : memref<320xf32, #tpu.memory_space<hbm>>) target(%arg4 : memref<320xf32, #tpu.memory_space<vmem>>) target_semaphore(%arg9 : memref<!tpu.dma_semaphore, #tpu.memory_space<semaphore_mem>>)
    %dma_start3A_8 = arith.constant 1 : i32
    %dma_start3A_9 = arith.constant 0 : i32
    %dma_start3A_10 = tpu.memref_slice %arg2[%dma_start3A_8, %dma_start3A_9, %mul3A_2] : memref<2x2x10240xf32, #tpu.memory_space<hbm>> -> memref<1x1x320xf32, #tpu.memory_space<hbm>>
    %dma_start3A_11 = tpu.memref_squeeze %dma_start3A_10 : memref<1x1x320xf32, #tpu.memory_space<hbm>> -> memref<320xf32, #tpu.memory_space<hbm>>
    %dma_start3A_12 = tpu.memref_slice %arg2[%dma_start3A_8, %dma_start3A_9, %mul3A_2] : memref<2x2x10240xf32, #tpu.memory_space<hbm>> -> memref<1x1x320xf32, #tpu.memory_space<hbm>>
    %dma_start3A_13 = tpu.memref_squeeze %dma_start3A_12 : memref<1x1x320xf32, #tpu.memory_space<hbm>> -> memref<320xf32, #tpu.memory_space<hbm>>
    tpu.enqueue_dma source(%dma_start3A_13 : memref<320xf32, #tpu.memory_space<hbm>>) target(%arg6 : memref<320xf32, #tpu.memory_space<vmem>>) target_semaphore(%arg9 : memref<!tpu.dma_semaphore, #tpu.memory_space<semaphore_mem>>)
    %dma_start3A_14 = arith.constant 0 : i32
    %dma_start3A_15 = arith.constant 1 : i32
    %dma_start3A_16 = tpu.memref_slice %arg2[%dma_start3A_14, %dma_start3A_15, %mul3A_2] : memref<2x2x10240xf32, #tpu.memory_space<hbm>> -> memref<1x1x320xf32, #tpu.memory_space<hbm>>
    %dma_start3A_17 = tpu.memref_squeeze %dma_start3A_16 : memref<1x1x320xf32, #tpu.memory_space<hbm>> -> memref<320xf32, #tpu.memory_space<hbm>>
    %dma_start3A_18 = tpu.memref_slice %arg2[%dma_start3A_14, %dma_start3A_15, %mul3A_2] : memref<2x2x10240xf32, #tpu.memory_space<hbm>> -> memref<1x1x320xf32, #tpu.memory_space<hbm>>
    %dma_start3A_19 = tpu.memref_squeeze %dma_start3A_18 : memref<1x1x320xf32, #tpu.memory_space<hbm>> -> memref<320xf32, #tpu.memory_space<hbm>>
    tpu.enqueue_dma source(%dma_start3A_19 : memref<320xf32, #tpu.memory_space<hbm>>) target(%arg5 : memref<320xf32, #tpu.memory_space<vmem>>) target_semaphore(%arg9 : memref<!tpu.dma_semaphore, #tpu.memory_space<semaphore_mem>>)
    %dma_start3A_20 = arith.constant 1 : i32
    %dma_start3A_21 = arith.constant 1 : i32
    %dma_start3A_22 = tpu.memref_slice %arg2[%dma_start3A_20, %dma_start3A_21, %mul3A_2] : memref<2x2x10240xf32, #tpu.memory_space<hbm>> -> memref<1x1x320xf32, #tpu.memory_space<hbm>>
    %dma_start3A_23 = tpu.memref_squeeze %dma_start3A_22 : memref<1x1x320xf32, #tpu.memory_space<hbm>> -> memref<320xf32, #tpu.memory_space<hbm>>
    %dma_start3A_24 = tpu.memref_slice %arg2[%dma_start3A_20, %dma_start3A_21, %mul3A_2] : memref<2x2x10240xf32, #tpu.memory_space<hbm>> -> memref<1x1x320xf32, #tpu.memory_space<hbm>>
    %dma_start3A_25 = tpu.memref_squeeze %dma_start3A_24 : memref<1x1x320xf32, #tpu.memory_space<hbm>> -> memref<320xf32, #tpu.memory_space<hbm>>
    tpu.enqueue_dma source(%dma_start3A_25 : memref<320xf32, #tpu.memory_space<hbm>>) target(%arg7 : memref<320xf32, #tpu.memory_space<vmem>>) target_semaphore(%arg9 : memref<!tpu.dma_semaphore, #tpu.memory_space<semaphore_mem>>)
    %dma_wait3A = arith.constant 0 : i32
    %dma_wait3A_26 = arith.constant 0 : i32
    %dma_wait3A_27 = tpu.memref_slice %arg2[%dma_wait3A, %dma_wait3A_26, %mul3A_2] : memref<2x2x10240xf32, #tpu.memory_space<hbm>> -> memref<1x1x320xf32, #tpu.memory_space<hbm>>
    %dma_wait3A_28 = tpu.memref_squeeze %dma_wait3A_27 : memref<1x1x320xf32, #tpu.memory_space<hbm>> -> memref<320xf32, #tpu.memory_space<hbm>>
    %dma_wait3A_29 = tpu.memref_slice %arg2[%dma_wait3A, %dma_wait3A_26, %mul3A_2] : memref<2x2x10240xf32, #tpu.memory_space<hbm>> -> memref<1x1x320xf32, #tpu.memory_space<hbm>>
    %dma_wait3A_30 = tpu.memref_squeeze %dma_wait3A_29 : memref<1x1x320xf32, #tpu.memory_space<hbm>> -> memref<320xf32, #tpu.memory_space<hbm>>
    tpu.wait_dma2 semaphore(%arg9 : memref<!tpu.dma_semaphore, #tpu.memory_space<semaphore_mem>>) src(%dma_wait3A_30 : memref<320xf32, #tpu.memory_space<hbm>>) dst(%arg4 : memref<320xf32, #tpu.memory_space<vmem>>)
    %dma_wait3A_31 = arith.constant 1 : i32
    %dma_wait3A_32 = arith.constant 0 : i32
    %dma_wait3A_33 = tpu.memref_slice %arg2[%dma_wait3A_31, %dma_wait3A_32, %mul3A_2] : memref<2x2x10240xf32, #tpu.memory_space<hbm>> -> memref<1x1x320xf32, #tpu.memory_space<hbm>>
    %dma_wait3A_34 = tpu.memref_squeeze %dma_wait3A_33 : memref<1x1x320xf32, #tpu.memory_space<hbm>> -> memref<320xf32, #tpu.memory_space<hbm>>
    %dma_wait3A_35 = tpu.memref_slice %arg2[%dma_wait3A_31, %dma_wait3A_32, %mul3A_2] : memref<2x2x10240xf32, #tpu.memory_space<hbm>> -> memref<1x1x320xf32, #tpu.memory_space<hbm>>
    %dma_wait3A_36 = tpu.memref_squeeze %dma_wait3A_35 : memref<1x1x320xf32, #tpu.memory_space<hbm>> -> memref<320xf32, #tpu.memory_space<hbm>>
    tpu.wait_dma2 semaphore(%arg9 : memref<!tpu.dma_semaphore, #tpu.memory_space<semaphore_mem>>) src(%dma_wait3A_36 : memref<320xf32, #tpu.memory_space<hbm>>) dst(%arg6 : memref<320xf32, #tpu.memory_space<vmem>>)
    %dma_wait3A_37 = arith.constant 0 : i32
    %dma_wait3A_38 = arith.constant 1 : i32
    %dma_wait3A_39 = tpu.memref_slice %arg2[%dma_wait3A_37, %dma_wait3A_38, %mul3A_2] : memref<2x2x10240xf32, #tpu.memory_space<hbm>> -> memref<1x1x320xf32, #tpu.memory_space<hbm>>
    %dma_wait3A_40 = tpu.memref_squeeze %dma_wait3A_39 : memref<1x1x320xf32, #tpu.memory_space<hbm>> -> memref<320xf32, #tpu.memory_space<hbm>>
    %dma_wait3A_41 = tpu.memref_slice %arg2[%dma_wait3A_37, %dma_wait3A_38, %mul3A_2] : memref<2x2x10240xf32, #tpu.memory_space<hbm>> -> memref<1x1x320xf32, #tpu.memory_space<hbm>>
    %dma_wait3A_42 = tpu.memref_squeeze %dma_wait3A_41 : memref<1x1x320xf32, #tpu.memory_space<hbm>> -> memref<320xf32, #tpu.memory_space<hbm>>
    tpu.wait_dma2 semaphore(%arg9 : memref<!tpu.dma_semaphore, #tpu.memory_space<semaphore_mem>>) src(%dma_wait3A_42 : memref<320xf32, #tpu.memory_space<hbm>>) dst(%arg5 : memref<320xf32, #tpu.memory_space<vmem>>)
    %dma_wait3A_43 = arith.constant 1 : i32
    %dma_wait3A_44 = arith.constant 1 : i32
    %dma_wait3A_45 = tpu.memref_slice %arg2[%dma_wait3A_43, %dma_wait3A_44, %mul3A_2] : memref<2x2x10240xf32, #tpu.memory_space<hbm>> -> memref<1x1x320xf32, #tpu.memory_space<hbm>>
    %dma_wait3A_46 = tpu.memref_squeeze %dma_wait3A_45 : memref<1x1x320xf32, #tpu.memory_space<hbm>> -> memref<320xf32, #tpu.memory_space<hbm>>
    %dma_wait3A_47 = tpu.memref_slice %arg2[%dma_wait3A_43, %dma_wait3A_44, %mul3A_2] : memref<2x2x10240xf32, #tpu.memory_space<hbm>> -> memref<1x1x320xf32, #tpu.memory_space<hbm>>
    %dma_wait3A_48 = tpu.memref_squeeze %dma_wait3A_47 : memref<1x1x320xf32, #tpu.memory_space<hbm>> -> memref<320xf32, #tpu.memory_space<hbm>>
    tpu.wait_dma2 semaphore(%arg9 : memref<!tpu.dma_semaphore, #tpu.memory_space<semaphore_mem>>) src(%dma_wait3A_48 : memref<320xf32, #tpu.memory_space<hbm>>) dst(%arg7 : memref<320xf32, #tpu.memory_space<vmem>>)
    %scan3A = arith.constant 0 : i32
    %scan3A_49 = arith.constant 0 : i32
    %scan3A_50 = arith.constant 20 : i32
    %scan3A_51 = arith.addi %scan3A_49, %scan3A_50 : i32
    %scan3A_52 = arith.constant 1 : i32
    %scan3A_53 = scf.for %scan3A_64 = %scan3A_49 to %scan3A_51 step %scan3A_52 iter_args(%scan3A_65 = %scan3A) -> (i32)  : i32 {
      %mul3A_66 = arith.constant 16 : i32
      %mul3A_67 = arith.muli %scan3A_64, %mul3A_66 : i32
      %get3A = arith.index_cast %mul3A_67 : i32 to index
      %get3A_68 = tpu.vector_load %arg4[%get3A] {strides = array<i32>} : memref<320xf32, #tpu.memory_space<vmem>>, vector<16xf32>,
      %get3A_69 = arith.index_cast %mul3A_67 : i32 to index
      %get3A_70 = tpu.vector_load %arg6[%get3A_69] {strides = array<i32>} : memref<320xf32, #tpu.memory_space<vmem>>, vector<16xf32>,
      %add3A_71 = arith.addf %get3A_68, %get3A_70 : vector<16xf32>
      %swap3A = arith.index_cast %mul3A_67 : i32 to index
      %swap3A_72 = tpu.vector_load %arg4[%swap3A] {strides = array<i32>} : memref<320xf32, #tpu.memory_space<vmem>>, vector<16xf32>,
      tpu.vector_store %arg4[%swap3A], %add3A_71 {strides = array<i32>} : memref<320xf32, #tpu.memory_space<vmem>>, vector<16xf32>,
      %get3A_73 = arith.index_cast %mul3A_67 : i32 to index
      %get3A_74 = tpu.vector_load %arg5[%get3A_73] {strides = array<i32>} : memref<320xf32, #tpu.memory_space<vmem>>, vector<16xf32>,
      %get3A_75 = arith.index_cast %mul3A_67 : i32 to index
      %get3A_76 = tpu.vector_load %arg7[%get3A_75] {strides = array<i32>} : memref<320xf32, #tpu.memory_space<vmem>>, vector<16xf32>,
      %add3A_77 = arith.addf %get3A_74, %get3A_76 : vector<16xf32>
      %swap3A_78 = arith.index_cast %mul3A_67 : i32 to index
      %swap3A_79 = tpu.vector_load %arg5[%swap3A_78] {strides = array<i32>} : memref<320xf32, #tpu.memory_space<vmem>>, vector<16xf32>,
      tpu.vector_store %arg5[%swap3A_78], %add3A_77 {strides = array<i32>} : memref<320xf32, #tpu.memory_space<vmem>>, vector<16xf32>,
      %scan3A_80 = arith.constant 0 : i32
      scf.yield %scan3A_80 : i32
    }
    %scan3A_54 = arith.constant 20 : i32
    %iota3A = tpu.iota {dimensions = array<i32: 0>} : vector<16xi32>
    %scan3A_55 = arith.constant 0 : i32
    %scan3A_56 = arith.constant 0 : i32
    %scan3A_57 = arith.constant 20 : i32
    %scan3A_58 = arith.addi %scan3A_56, %scan3A_57 : i32
    %scan3A_59 = arith.constant 1 : i32
    %scan3A_60 = scf.for %scan3A_64 = %scan3A_56 to %scan3A_58 step %scan3A_59 iter_args(%scan3A_65 = %scan3A_55) -> (i32)  : i32 {
      %mul3A_66 = arith.constant 16 : i32
      %mul3A_67 = arith.muli %scan3A_64, %mul3A_66 : i32
      %get3A = arith.index_cast %mul3A_67 : i32 to index
      %get3A_68 = tpu.vector_load %arg4[%get3A] {strides = array<i32>} : memref<320xf32, #tpu.memory_space<vmem>>, vector<16xf32>,
      %get3A_69 = arith.index_cast %mul3A_67 : i32 to index
      %get3A_70 = tpu.vector_load %arg5[%get3A_69] {strides = array<i32>} : memref<320xf32, #tpu.memory_space<vmem>>, vector<16xf32>,
      %max3A = arith.maximumf %get3A_68, %get3A_70 : vector<16xf32>
      %min3A = arith.minimumf %get3A_68, %get3A_70 : vector<16xf32>
      %sub3A = arith.subf %min3A, %max3A : vector<16xf32>
      %exp3A = math.exp %sub3A : vector<16xf32>
      %add3A_71 = arith.constant 2.000000e+00 : f32
      %add3A_72 = vector.broadcast %add3A_71 : f32 to vector<16xf32>
      %add3A_73 = arith.addf %add3A_72, %exp3A : vector<16xf32>
      %div3A = arith.divf %exp3A, %add3A_73 : vector<16xf32>
      %mul3A_74 = arith.mulf %div3A, %div3A : vector<16xf32>
      %mul3A_75 = arith.constant 2.000000e+00 : f32
      %mul3A_76 = vector.broadcast %mul3A_75 : f32 to vector<16xf32>
      %mul3A_77 = arith.mulf %mul3A_76, %div3A : vector<16xf32>
      %mul3A_78 = arith.constant 0.111111112 : f32
      %mul3A_79 = vector.broadcast %mul3A_78 : f32 to vector<16xf32>
      %mul3A_80 = arith.mulf %mul3A_74, %mul3A_79 : vector<16xf32>
      %add3A_81 = arith.constant 0.142857149 : f32
      %add3A_82 = vector.broadcast %add3A_81 : f32 to vector<16xf32>
      %add3A_83 = arith.addf %add3A_82, %mul3A_80 : vector<16xf32>
      %mul3A_84 = arith.mulf %mul3A_74, %add3A_83 : vector<16xf32>
      %add3A_85 = arith.constant 2.000000e-01 : f32
      %add3A_86 = vector.broadcast %add3A_85 : f32 to vector<16xf32>
      %add3A_87 = arith.addf %add3A_86, %mul3A_84 : vector<16xf32>
      %mul3A_88 = arith.mulf %mul3A_74, %add3A_87 : vector<16xf32>
      %add3A_89 = arith.constant 0.333333343 : f32
      %add3A_90 = vector.broadcast %add3A_89 : f32 to vector<16xf32>
      %add3A_91 = arith.addf %add3A_90, %mul3A_88 : vector<16xf32>
      %mul3A_92 = arith.mulf %mul3A_74, %add3A_91 : vector<16xf32>
      %add3A_93 = arith.constant 1.000000e+00 : f32
      %add3A_94 = vector.broadcast %add3A_93 : f32 to vector<16xf32>
      %add3A_95 = arith.addf %add3A_94, %mul3A_92 : vector<16xf32>
      %mul3A_96 = arith.mulf %mul3A_77, %add3A_95 : vector<16xf32>
      %mul3A_97 = arith.constant 2 : i32
      %mul3A_98 = vector.broadcast %mul3A_97 : i32 to vector<16xi32>
      %mul3A_99 = arith.muli %iota3A, %mul3A_98 : vector<16xi32>
      %mul3A_100 = arith.constant 32 : i32
      %mul3A_101 = arith.muli %scan3A_64, %mul3A_100 : i32
      %add3A_102 = vector.broadcast %mul3A_101 : i32 to vector<16xi32>
      %add3A_103 = arith.addi %mul3A_99, %add3A_102 : vector<16xi32>
      %sub3A_104 = arith.subf %get3A_68, %max3A : vector<16xf32>
      %sub3A_105 = arith.subf %sub3A_104, %mul3A_96 : vector<16xf32>
      tpu.vector_store_idx %arg8[%add3A_103], %sub3A_105 : memref<640xf32, #tpu.memory_space<vmem>>[vector<16xi32>], vector<16xf32>,
      %add3A_106 = arith.constant 1 : i32
      %add3A_107 = vector.broadcast %add3A_106 : i32 to vector<16xi32>
      %add3A_108 = arith.addi %add3A_103, %add3A_107 : vector<16xi32>
      %sub3A_109 = arith.subf %get3A_70, %max3A : vector<16xf32>
      %sub3A_110 = arith.subf %sub3A_109, %mul3A_96 : vector<16xf32>
      tpu.vector_store_idx %arg8[%add3A_108], %sub3A_110 : memref<640xf32, #tpu.memory_space<vmem>>[vector<16xi32>], vector<16xf32>,
      %scan3A_111 = arith.constant 0 : i32
      scf.yield %scan3A_111 : i32
    }
    %scan3A_61 = arith.constant 20 : i32
    %mul3A_62 = arith.constant 2 : i32
    %mul3A_63 = arith.muli %mul3A_2, %mul3A_62 : i32
    "tpu.region"() ({
      %run_scoped3A = tpu.sem_alloc : memref<!tpu.dma_semaphore, #tpu.memory_space<semaphore_mem>>
      %dma_start3A_64 = tpu.memref_slice %arg3[%mul3A_63] : memref<20480xf32, #tpu.memory_space<hbm>> -> memref<640xf32, #tpu.memory_space<hbm>>
      %dma_start3A_65 = tpu.memref_slice %arg3[%mul3A_63] : memref<20480xf32, #tpu.memory_space<hbm>> -> memref<640xf32, #tpu.memory_space<hbm>>
      tpu.enqueue_dma source(%arg8 : memref<640xf32, #tpu.memory_space<vmem>>) target(%dma_start3A_65 : memref<640xf32, #tpu.memory_space<hbm>>) target_semaphore(%run_scoped3A : memref<!tpu.dma_semaphore, #tpu.memory_space<semaphore_mem>>)
      %dma_wait3A_66 = tpu.memref_slice %arg3[%mul3A_63] : memref<20480xf32, #tpu.memory_space<hbm>> -> memref<640xf32, #tpu.memory_space<hbm>>
      %dma_wait3A_67 = tpu.memref_slice %arg3[%mul3A_63] : memref<20480xf32, #tpu.memory_space<hbm>> -> memref<640xf32, #tpu.memory_space<hbm>>
      tpu.wait_dma2 semaphore(%run_scoped3A : memref<!tpu.dma_semaphore, #tpu.memory_space<semaphore_mem>>) src(%arg8 : memref<640xf32, #tpu.memory_space<vmem>>) dst(%dma_wait3A_67 : memref<640xf32, #tpu.memory_space<hbm>>)
      tpu.yield
    }) : () -> ()
    return
  }
}

#map = affine_map<(d0, d1) -> (0)>
#map1 = affine_map<(d0, d1) -> (0, 0)>
module attributes {stable_mosaic.version = 14 : i64} {
  func.func @_deg_kernel(%arg0: i32, %arg1: i32, %arg2: memref<320000xi32, #tpu.memory_space<hbm>>, %arg3: memref<2x10240xf32, #tpu.memory_space<hbm>>, %arg4: memref<5x2000xi32, #tpu.memory_space<vmem>>, %arg5: memref<2000xf32, #tpu.memory_space<vmem>>, %arg6: memref<640xf32, #tpu.memory_space<vmem>>, %arg7: memref<10240xf32, #tpu.memory_space<vmem_shared>>, %arg8: memref<!tpu.dma_semaphore, #tpu.memory_space<semaphore_mem>>) attributes {dimension_semantics = [#tpu.dimension_semantics<core_parallel>, #tpu.dimension_semantics<subcore_parallel>], iteration_bounds = array<i64: 2, 16>, scalar_prefetch = 0 : i64, scratch_operands = 5 : i64, tpu.core_type = #tpu.core_type<sc_vector_subcore>, window_params = [{transform_indices = #map}, {transform_indices = #map1}]} {
    %mul3A = arith.constant 2 : i32
    %mul3A_0 = arith.muli %arg1, %mul3A : i32
    %add3A = arith.addi %mul3A_0, %arg0 : i32
    %mul3A_1 = arith.constant 10000 : i32
    %mul3A_2 = arith.muli %add3A, %mul3A_1 : i32
    %add3A_3 = arith.constant 0 : i32
    %add3A_4 = arith.addi %mul3A_2, %add3A_3 : i32
    %dma_start3A = arith.constant 0 : i32
    %dma_start3A_5 = arith.constant 0 : i32
    %dma_start3A_6 = tpu.memref_slice %arg4[%dma_start3A, %dma_start3A_5] : memref<5x2000xi32, #tpu.memory_space<vmem>> -> memref<1x2000xi32, #tpu.memory_space<vmem>>
    %dma_start3A_7 = tpu.memref_squeeze %dma_start3A_6 : memref<1x2000xi32, #tpu.memory_space<vmem>> -> memref<2000xi32, #tpu.memory_space<vmem>>
    %dma_start3A_8 = tpu.memref_slice %arg2[%add3A_4] : memref<320000xi32, #tpu.memory_space<hbm>> -> memref<2000xi32, #tpu.memory_space<hbm>>
    %dma_start3A_9 = arith.constant 0 : i32
    %dma_start3A_10 = tpu.memref_slice %arg4[%dma_start3A, %dma_start3A_9] : memref<5x2000xi32, #tpu.memory_space<vmem>> -> memref<1x2000xi32, #tpu.memory_space<vmem>>
    %dma_start3A_11 = tpu.memref_squeeze %dma_start3A_10 : memref<1x2000xi32, #tpu.memory_space<vmem>> -> memref<2000xi32, #tpu.memory_space<vmem>>
    %dma_start3A_12 = tpu.memref_slice %arg2[%add3A_4] : memref<320000xi32, #tpu.memory_space<hbm>> -> memref<2000xi32, #tpu.memory_space<hbm>>
    tpu.enqueue_dma source(%dma_start3A_12 : memref<2000xi32, #tpu.memory_space<hbm>>) target(%dma_start3A_11 : memref<2000xi32, #tpu.memory_space<vmem>>) target_semaphore(%arg8 : memref<!tpu.dma_semaphore, #tpu.memory_space<semaphore_mem>>)
    %mul3A_13 = arith.constant 10000 : i32
    %mul3A_14 = arith.muli %add3A, %mul3A_13 : i32
    %add3A_15 = arith.constant 2000 : i32
    %add3A_16 = arith.addi %mul3A_14, %add3A_15 : i32
    %dma_start3A_17 = arith.constant 1 : i32
    %dma_start3A_18 = arith.constant 0 : i32
    %dma_start3A_19 = tpu.memref_slice %arg4[%dma_start3A_17, %dma_start3A_18] : memref<5x2000xi32, #tpu.memory_space<vmem>> -> memref<1x2000xi32, #tpu.memory_space<vmem>>
    %dma_start3A_20 = tpu.memref_squeeze %dma_start3A_19 : memref<1x2000xi32, #tpu.memory_space<vmem>> -> memref<2000xi32, #tpu.memory_space<vmem>>
    %dma_start3A_21 = tpu.memref_slice %arg2[%add3A_16] : memref<320000xi32, #tpu.memory_space<hbm>> -> memref<2000xi32, #tpu.memory_space<hbm>>
    %dma_start3A_22 = arith.constant 0 : i32
    %dma_start3A_23 = tpu.memref_slice %arg4[%dma_start3A_17, %dma_start3A_22] : memref<5x2000xi32, #tpu.memory_space<vmem>> -> memref<1x2000xi32, #tpu.memory_space<vmem>>
    %dma_start3A_24 = tpu.memref_squeeze %dma_start3A_23 : memref<1x2000xi32, #tpu.memory_space<vmem>> -> memref<2000xi32, #tpu.memory_space<vmem>>
    %dma_start3A_25 = tpu.memref_slice %arg2[%add3A_16] : memref<320000xi32, #tpu.memory_space<hbm>> -> memref<2000xi32, #tpu.memory_space<hbm>>
    tpu.enqueue_dma source(%dma_start3A_25 : memref<2000xi32, #tpu.memory_space<hbm>>) target(%dma_start3A_24 : memref<2000xi32, #tpu.memory_space<vmem>>) target_semaphore(%arg8 : memref<!tpu.dma_semaphore, #tpu.memory_space<semaphore_mem>>)
    %mul3A_26 = arith.constant 10000 : i32
    %mul3A_27 = arith.muli %add3A, %mul3A_26 : i32
    %add3A_28 = arith.constant 4000 : i32
    %add3A_29 = arith.addi %mul3A_27, %add3A_28 : i32
    %dma_start3A_30 = arith.constant 2 : i32
    %dma_start3A_31 = arith.constant 0 : i32
    %dma_start3A_32 = tpu.memref_slice %arg4[%dma_start3A_30, %dma_start3A_31] : memref<5x2000xi32, #tpu.memory_space<vmem>> -> memref<1x2000xi32, #tpu.memory_space<vmem>>
    %dma_start3A_33 = tpu.memref_squeeze %dma_start3A_32 : memref<1x2000xi32, #tpu.memory_space<vmem>> -> memref<2000xi32, #tpu.memory_space<vmem>>
    %dma_start3A_34 = tpu.memref_slice %arg2[%add3A_29] : memref<320000xi32, #tpu.memory_space<hbm>> -> memref<2000xi32, #tpu.memory_space<hbm>>
    %dma_start3A_35 = arith.constant 0 : i32
    %dma_start3A_36 = tpu.memref_slice %arg4[%dma_start3A_30, %dma_start3A_35] : memref<5x2000xi32, #tpu.memory_space<vmem>> -> memref<1x2000xi32, #tpu.memory_space<vmem>>
    %dma_start3A_37 = tpu.memref_squeeze %dma_start3A_36 : memref<1x2000xi32, #tpu.memory_space<vmem>> -> memref<2000xi32, #tpu.memory_space<vmem>>
    %dma_start3A_38 = tpu.memref_slice %arg2[%add3A_29] : memref<320000xi32, #tpu.memory_space<hbm>> -> memref<2000xi32, #tpu.memory_space<hbm>>
    tpu.enqueue_dma source(%dma_start3A_38 : memref<2000xi32, #tpu.memory_space<hbm>>) target(%dma_start3A_37 : memref<2000xi32, #tpu.memory_space<vmem>>) target_semaphore(%arg8 : memref<!tpu.dma_semaphore, #tpu.memory_space<semaphore_mem>>)
    %mul3A_39 = arith.constant 10000 : i32
    %mul3A_40 = arith.muli %add3A, %mul3A_39 : i32
    %add3A_41 = arith.constant 6000 : i32
    %add3A_42 = arith.addi %mul3A_40, %add3A_41 : i32
    %dma_start3A_43 = arith.constant 3 : i32
    %dma_start3A_44 = arith.constant 0 : i32
    %dma_start3A_45 = tpu.memref_slice %arg4[%dma_start3A_43, %dma_start3A_44] : memref<5x2000xi32, #tpu.memory_space<vmem>> -> memref<1x2000xi32, #tpu.memory_space<vmem>>
    %dma_start3A_46 = tpu.memref_squeeze %dma_start3A_45 : memref<1x2000xi32, #tpu.memory_space<vmem>> -> memref<2000xi32, #tpu.memory_space<vmem>>
    %dma_start3A_47 = tpu.memref_slice %arg2[%add3A_42] : memref<320000xi32, #tpu.memory_space<hbm>> -> memref<2000xi32, #tpu.memory_space<hbm>>
    %dma_start3A_48 = arith.constant 0 : i32
    %dma_start3A_49 = tpu.memref_slice %arg4[%dma_start3A_43, %dma_start3A_48] : memref<5x2000xi32, #tpu.memory_space<vmem>> -> memref<1x2000xi32, #tpu.memory_space<vmem>>
    %dma_start3A_50 = tpu.memref_squeeze %dma_start3A_49 : memref<1x2000xi32, #tpu.memory_space<vmem>> -> memref<2000xi32, #tpu.memory_space<vmem>>
    %dma_start3A_51 = tpu.memref_slice %arg2[%add3A_42] : memref<320000xi32, #tpu.memory_space<hbm>> -> memref<2000xi32, #tpu.memory_space<hbm>>
    tpu.enqueue_dma source(%dma_start3A_51 : memref<2000xi32, #tpu.memory_space<hbm>>) target(%dma_start3A_50 : memref<2000xi32, #tpu.memory_space<vmem>>) target_semaphore(%arg8 : memref<!tpu.dma_semaphore, #tpu.memory_space<semaphore_mem>>)
    %mul3A_52 = arith.constant 10000 : i32
    %mul3A_53 = arith.muli %add3A, %mul3A_52 : i32
    %add3A_54 = arith.constant 8000 : i32
    %add3A_55 = arith.addi %mul3A_53, %add3A_54 : i32
    %dma_start3A_56 = arith.constant 4 : i32
    %dma_start3A_57 = arith.constant 0 : i32
    %dma_start3A_58 = tpu.memref_slice %arg4[%dma_start3A_56, %dma_start3A_57] : memref<5x2000xi32, #tpu.memory_space<vmem>> -> memref<1x2000xi32, #tpu.memory_space<vmem>>
    %dma_start3A_59 = tpu.memref_squeeze %dma_start3A_58 : memref<1x2000xi32, #tpu.memory_space<vmem>> -> memref<2000xi32, #tpu.memory_space<vmem>>
    %dma_start3A_60 = tpu.memref_slice %arg2[%add3A_55] : memref<320000xi32, #tpu.memory_space<hbm>> -> memref<2000xi32, #tpu.memory_space<hbm>>
    %dma_start3A_61 = arith.constant 0 : i32
    %dma_start3A_62 = tpu.memref_slice %arg4[%dma_start3A_56, %dma_start3A_61] : memref<5x2000xi32, #tpu.memory_space<vmem>> -> memref<1x2000xi32, #tpu.memory_space<vmem>>
    %dma_start3A_63 = tpu.memref_squeeze %dma_start3A_62 : memref<1x2000xi32, #tpu.memory_space<vmem>> -> memref<2000xi32, #tpu.memory_space<vmem>>
    %dma_start3A_64 = tpu.memref_slice %arg2[%add3A_55] : memref<320000xi32, #tpu.memory_space<hbm>> -> memref<2000xi32, #tpu.memory_space<hbm>>
    tpu.enqueue_dma source(%dma_start3A_64 : memref<2000xi32, #tpu.memory_space<hbm>>) target(%dma_start3A_63 : memref<2000xi32, #tpu.memory_space<vmem>>) target_semaphore(%arg8 : memref<!tpu.dma_semaphore, #tpu.memory_space<semaphore_mem>>)
    %scan3A = arith.constant 0 : i32
    %scan3A_65 = arith.constant 0 : i32
    %scan3A_66 = arith.constant 40 : i32
    %scan3A_67 = arith.addi %scan3A_65, %scan3A_66 : i32
    %scan3A_68 = arith.constant 1 : i32
    %scan3A_69 = scf.for %scan3A_133 = %scan3A_65 to %scan3A_67 step %scan3A_68 iter_args(%scan3A_134 = %scan3A) -> (i32)  : i32 {
      %broadcast_in_dim3A = arith.constant 0.000000e+00 : f32
      %broadcast_in_dim3A_135 = vector.broadcast %broadcast_in_dim3A : f32 to vector<16xf32>
      %mul3A_136 = arith.constant 16 : i32
      %mul3A_137 = arith.muli %scan3A_133, %mul3A_136 : i32
      %swap3A = arith.index_cast %mul3A_137 : i32 to index
      %swap3A_138 = tpu.vector_load %arg6[%swap3A] {strides = array<i32>} : memref<640xf32, #tpu.memory_space<vmem>>, vector<16xf32>,
      tpu.vector_store %arg6[%swap3A], %broadcast_in_dim3A_135 {strides = array<i32>} : memref<640xf32, #tpu.memory_space<vmem>>, vector<16xf32>,
      %scan3A_139 = arith.constant 0 : i32
      scf.yield %scan3A_139 : i32
    }
    %scan3A_70 = arith.constant 40 : i32
    %scan3A_71 = arith.constant 0 : i32
    %scan3A_72 = arith.constant 0 : i32
    %scan3A_73 = arith.constant 125 : i32
    %scan3A_74 = arith.addi %scan3A_72, %scan3A_73 : i32
    %scan3A_75 = arith.constant 1 : i32
    %scan3A_76 = scf.for %scan3A_133 = %scan3A_72 to %scan3A_74 step %scan3A_75 iter_args(%scan3A_134 = %scan3A_71) -> (i32)  : i32 {
      %broadcast_in_dim3A = arith.constant 1.000000e+00 : f32
      %broadcast_in_dim3A_135 = vector.broadcast %broadcast_in_dim3A : f32 to vector<16xf32>
      %mul3A_136 = arith.constant 16 : i32
      %mul3A_137 = arith.muli %scan3A_133, %mul3A_136 : i32
      %swap3A = arith.index_cast %mul3A_137 : i32 to index
      %swap3A_138 = tpu.vector_load %arg5[%swap3A] {strides = array<i32>} : memref<2000xf32, #tpu.memory_space<vmem>>, vector<16xf32>,
      tpu.vector_store %arg5[%swap3A], %broadcast_in_dim3A_135 {strides = array<i32>} : memref<2000xf32, #tpu.memory_space<vmem>>, vector<16xf32>,
      %scan3A_139 = arith.constant 0 : i32
      scf.yield %scan3A_139 : i32
    }
    %scan3A_77 = arith.constant 125 : i32
    %mul3A_78 = arith.constant 640 : i32
    %mul3A_79 = arith.muli %arg1, %mul3A_78 : i32
    "tpu.region"() ({
      %run_scoped3A_133 = tpu.sem_alloc : memref<!tpu.dma_semaphore, #tpu.memory_space<semaphore_mem>>
      %dma_start3A_134 = tpu.memref_slice %arg7[%mul3A_79] : memref<10240xf32, #tpu.memory_space<vmem_shared>> -> memref<640xf32, #tpu.memory_space<vmem_shared>>
      %dma_start3A_135 = tpu.memref_slice %arg7[%mul3A_79] : memref<10240xf32, #tpu.memory_space<vmem_shared>> -> memref<640xf32, #tpu.memory_space<vmem_shared>>
      tpu.enqueue_dma source(%arg6 : memref<640xf32, #tpu.memory_space<vmem>>) target(%dma_start3A_135 : memref<640xf32, #tpu.memory_space<vmem_shared>>) target_semaphore(%run_scoped3A_133 : memref<!tpu.dma_semaphore, #tpu.memory_space<semaphore_mem>>)
      %dma_wait3A_136 = tpu.memref_slice %arg7[%mul3A_79] : memref<10240xf32, #tpu.memory_space<vmem_shared>> -> memref<640xf32, #tpu.memory_space<vmem_shared>>
      %dma_wait3A_137 = tpu.memref_slice %arg7[%mul3A_79] : memref<10240xf32, #tpu.memory_space<vmem_shared>> -> memref<640xf32, #tpu.memory_space<vmem_shared>>
      tpu.wait_dma2 semaphore(%run_scoped3A_133 : memref<!tpu.dma_semaphore, #tpu.memory_space<semaphore_mem>>) src(%arg6 : memref<640xf32, #tpu.memory_space<vmem>>) dst(%dma_wait3A_137 : memref<640xf32, #tpu.memory_space<vmem_shared>>)
      tpu.yield
    }) : () -> ()
    %dma_wait3A = arith.constant 0 : i32
    %dma_wait3A_80 = arith.constant 0 : i32
    %dma_wait3A_81 = tpu.memref_slice %arg4[%dma_wait3A, %dma_wait3A_80] : memref<5x2000xi32, #tpu.memory_space<vmem>> -> memref<1x2000xi32, #tpu.memory_space<vmem>>
    %dma_wait3A_82 = tpu.memref_squeeze %dma_wait3A_81 : memref<1x2000xi32, #tpu.memory_space<vmem>> -> memref<2000xi32, #tpu.memory_space<vmem>>
    %dma_wait3A_83 = tpu.memref_slice %arg2[%add3A_4] : memref<320000xi32, #tpu.memory_space<hbm>> -> memref<2000xi32, #tpu.memory_space<hbm>>
    %dma_wait3A_84 = arith.constant 0 : i32
    %dma_wait3A_85 = tpu.memref_slice %arg4[%dma_wait3A, %dma_wait3A_84] : memref<5x2000xi32, #tpu.memory_space<vmem>> -> memref<1x2000xi32, #tpu.memory_space<vmem>>
    %dma_wait3A_86 = tpu.memref_squeeze %dma_wait3A_85 : memref<1x2000xi32, #tpu.memory_space<vmem>> -> memref<2000xi32, #tpu.memory_space<vmem>>
    %dma_wait3A_87 = tpu.memref_slice %arg2[%add3A_4] : memref<320000xi32, #tpu.memory_space<hbm>> -> memref<2000xi32, #tpu.memory_space<hbm>>
    tpu.wait_dma2 semaphore(%arg8 : memref<!tpu.dma_semaphore, #tpu.memory_space<semaphore_mem>>) src(%dma_wait3A_87 : memref<2000xi32, #tpu.memory_space<hbm>>) dst(%dma_wait3A_86 : memref<2000xi32, #tpu.memory_space<vmem>>)
    %dma_wait3A_88 = arith.constant 1 : i32
    %dma_wait3A_89 = arith.constant 0 : i32
    %dma_wait3A_90 = tpu.memref_slice %arg4[%dma_wait3A_88, %dma_wait3A_89] : memref<5x2000xi32, #tpu.memory_space<vmem>> -> memref<1x2000xi32, #tpu.memory_space<vmem>>
    %dma_wait3A_91 = tpu.memref_squeeze %dma_wait3A_90 : memref<1x2000xi32, #tpu.memory_space<vmem>> -> memref<2000xi32, #tpu.memory_space<vmem>>
    %dma_wait3A_92 = tpu.memref_slice %arg2[%add3A_16] : memref<320000xi32, #tpu.memory_space<hbm>> -> memref<2000xi32, #tpu.memory_space<hbm>>
    %dma_wait3A_93 = arith.constant 0 : i32
    %dma_wait3A_94 = tpu.memref_slice %arg4[%dma_wait3A_88, %dma_wait3A_93] : memref<5x2000xi32, #tpu.memory_space<vmem>> -> memref<1x2000xi32, #tpu.memory_space<vmem>>
    %dma_wait3A_95 = tpu.memref_squeeze %dma_wait3A_94 : memref<1x2000xi32, #tpu.memory_space<vmem>> -> memref<2000xi32, #tpu.memory_space<vmem>>
    %dma_wait3A_96 = tpu.memref_slice %arg2[%add3A_16] : memref<320000xi32, #tpu.memory_space<hbm>> -> memref<2000xi32, #tpu.memory_space<hbm>>
    tpu.wait_dma2 semaphore(%arg8 : memref<!tpu.dma_semaphore, #tpu.memory_space<semaphore_mem>>) src(%dma_wait3A_96 : memref<2000xi32, #tpu.memory_space<hbm>>) dst(%dma_wait3A_95 : memref<2000xi32, #tpu.memory_space<vmem>>)
    %dma_wait3A_97 = arith.constant 2 : i32
    %dma_wait3A_98 = arith.constant 0 : i32
    %dma_wait3A_99 = tpu.memref_slice %arg4[%dma_wait3A_97, %dma_wait3A_98] : memref<5x2000xi32, #tpu.memory_space<vmem>> -> memref<1x2000xi32, #tpu.memory_space<vmem>>
    %dma_wait3A_100 = tpu.memref_squeeze %dma_wait3A_99 : memref<1x2000xi32, #tpu.memory_space<vmem>> -> memref<2000xi32, #tpu.memory_space<vmem>>
    %dma_wait3A_101 = tpu.memref_slice %arg2[%add3A_29] : memref<320000xi32, #tpu.memory_space<hbm>> -> memref<2000xi32, #tpu.memory_space<hbm>>
    %dma_wait3A_102 = arith.constant 0 : i32
    %dma_wait3A_103 = tpu.memref_slice %arg4[%dma_wait3A_97, %dma_wait3A_102] : memref<5x2000xi32, #tpu.memory_space<vmem>> -> memref<1x2000xi32, #tpu.memory_space<vmem>>
    %dma_wait3A_104 = tpu.memref_squeeze %dma_wait3A_103 : memref<1x2000xi32, #tpu.memory_space<vmem>> -> memref<2000xi32, #tpu.memory_space<vmem>>
    %dma_wait3A_105 = tpu.memref_slice %arg2[%add3A_29] : memref<320000xi32, #tpu.memory_space<hbm>> -> memref<2000xi32, #tpu.memory_space<hbm>>
    tpu.wait_dma2 semaphore(%arg8 : memref<!tpu.dma_semaphore, #tpu.memory_space<semaphore_mem>>) src(%dma_wait3A_105 : memref<2000xi32, #tpu.memory_space<hbm>>) dst(%dma_wait3A_104 : memref<2000xi32, #tpu.memory_space<vmem>>)
    %dma_wait3A_106 = arith.constant 3 : i32
    %dma_wait3A_107 = arith.constant 0 : i32
    %dma_wait3A_108 = tpu.memref_slice %arg4[%dma_wait3A_106, %dma_wait3A_107] : memref<5x2000xi32, #tpu.memory_space<vmem>> -> memref<1x2000xi32, #tpu.memory_space<vmem>>
    %dma_wait3A_109 = tpu.memref_squeeze %dma_wait3A_108 : memref<1x2000xi32, #tpu.memory_space<vmem>> -> memref<2000xi32, #tpu.memory_space<vmem>>
    %dma_wait3A_110 = tpu.memref_slice %arg2[%add3A_42] : memref<320000xi32, #tpu.memory_space<hbm>> -> memref<2000xi32, #tpu.memory_space<hbm>>
    %dma_wait3A_111 = arith.constant 0 : i32
    %dma_wait3A_112 = tpu.memref_slice %arg4[%dma_wait3A_106, %dma_wait3A_111] : memref<5x2000xi32, #tpu.memory_space<vmem>> -> memref<1x2000xi32, #tpu.memory_space<vmem>>
    %dma_wait3A_113 = tpu.memref_squeeze %dma_wait3A_112 : memref<1x2000xi32, #tpu.memory_space<vmem>> -> memref<2000xi32, #tpu.memory_space<vmem>>
    %dma_wait3A_114 = tpu.memref_slice %arg2[%add3A_42] : memref<320000xi32, #tpu.memory_space<hbm>> -> memref<2000xi32, #tpu.memory_space<hbm>>
    tpu.wait_dma2 semaphore(%arg8 : memref<!tpu.dma_semaphore, #tpu.memory_space<semaphore_mem>>) src(%dma_wait3A_114 : memref<2000xi32, #tpu.memory_space<hbm>>) dst(%dma_wait3A_113 : memref<2000xi32, #tpu.memory_space<vmem>>)
    %dma_wait3A_115 = arith.constant 4 : i32
    %dma_wait3A_116 = arith.constant 0 : i32
    %dma_wait3A_117 = tpu.memref_slice %arg4[%dma_wait3A_115, %dma_wait3A_116] : memref<5x2000xi32, #tpu.memory_space<vmem>> -> memref<1x2000xi32, #tpu.memory_space<vmem>>
    %dma_wait3A_118 = tpu.memref_squeeze %dma_wait3A_117 : memref<1x2000xi32, #tpu.memory_space<vmem>> -> memref<2000xi32, #tpu.memory_space<vmem>>
    %dma_wait3A_119 = tpu.memref_slice %arg2[%add3A_55] : memref<320000xi32, #tpu.memory_space<hbm>> -> memref<2000xi32, #tpu.memory_space<hbm>>
    %dma_wait3A_120 = arith.constant 0 : i32
    %dma_wait3A_121 = tpu.memref_slice %arg4[%dma_wait3A_115, %dma_wait3A_120] : memref<5x2000xi32, #tpu.memory_space<vmem>> -> memref<1x2000xi32, #tpu.memory_space<vmem>>
    %dma_wait3A_122 = tpu.memref_squeeze %dma_wait3A_121 : memref<1x2000xi32, #tpu.memory_space<vmem>> -> memref<2000xi32, #tpu.memory_space<vmem>>
    %dma_wait3A_123 = tpu.memref_slice %arg2[%add3A_55] : memref<320000xi32, #tpu.memory_space<hbm>> -> memref<2000xi32, #tpu.memory_space<hbm>>
    tpu.wait_dma2 semaphore(%arg8 : memref<!tpu.dma_semaphore, #tpu.memory_space<semaphore_mem>>) src(%dma_wait3A_123 : memref<2000xi32, #tpu.memory_space<hbm>>) dst(%dma_wait3A_122 : memref<2000xi32, #tpu.memory_space<vmem>>)
    %barrier3A = arith.constant 0 : index
    tpu.barrier barrier_id(%barrier3A)
    %run_scoped3A = arith.constant 0 : i32
    "tpu.region"() ({
      %run_scoped3A_133 = tpu.sem_alloc : memref<!tpu.dma_semaphore, #tpu.memory_space<semaphore_mem>>
      %dma_start3A_134 = arith.constant 0 : i32
      %dma_start3A_135 = tpu.memref_slice %arg4[%run_scoped3A, %dma_start3A_134] : memref<5x2000xi32, #tpu.memory_space<vmem>> -> memref<1x2000xi32, #tpu.memory_space<vmem>>
      %dma_start3A_136 = tpu.memref_squeeze %dma_start3A_135 : memref<1x2000xi32, #tpu.memory_space<vmem>> -> memref<2000xi32, #tpu.memory_space<vmem>>
      %dma_start3A_137 = arith.constant 0 : i32
      %dma_start3A_138 = tpu.memref_slice %arg7[%dma_start3A_137] : memref<10240xf32, #tpu.memory_space<vmem_shared>> -> memref<10240xf32, #tpu.memory_space<vmem_shared>>
      tpu.enqueue_indirect_dma source(%arg5 : memref<2000xf32, #tpu.memory_space<vmem>>) target(%dma_start3A_138 : memref<10240xf32, #tpu.memory_space<vmem_shared>>) offsets(%dma_start3A_136 : memref<2000xi32, #tpu.memory_space<vmem>>) semaphore(%run_scoped3A_133 : memref<!tpu.dma_semaphore, #tpu.memory_space<semaphore_mem>>) {add = true}
      %dma_wait3A_139 = arith.constant 0 : i32
      %dma_wait3A_140 = tpu.memref_slice %arg4[%run_scoped3A, %dma_wait3A_139] : memref<5x2000xi32, #tpu.memory_space<vmem>> -> memref<1x2000xi32, #tpu.memory_space<vmem>>
      %dma_wait3A_141 = tpu.memref_squeeze %dma_wait3A_140 : memref<1x2000xi32, #tpu.memory_space<vmem>> -> memref<2000xi32, #tpu.memory_space<vmem>>
      %dma_wait3A_142 = arith.constant 0 : i32
      %dma_wait3A_143 = tpu.memref_slice %arg7[%dma_wait3A_142] : memref<10240xf32, #tpu.memory_space<vmem_shared>> -> memref<10240xf32, #tpu.memory_space<vmem_shared>>
      tpu.wait_indirect_dma semaphore(%run_scoped3A_133 : memref<!tpu.dma_semaphore, #tpu.memory_space<semaphore_mem>>) src(%arg5 : memref<2000xf32, #tpu.memory_space<vmem>>) dst(%dma_wait3A_143 : memref<10240xf32, #tpu.memory_space<vmem_shared>>)
      tpu.yield
    }) : () -> ()
    %run_scoped3A_124 = arith.constant 1 : i32
    "tpu.region"() ({
      %run_scoped3A_133 = tpu.sem_alloc : memref<!tpu.dma_semaphore, #tpu.memory_space<semaphore_mem>>
      %dma_start3A_134 = arith.constant 0 : i32
      %dma_start3A_135 = tpu.memref_slice %arg4[%run_scoped3A_124, %dma_start3A_134] : memref<5x2000xi32, #tpu.memory_space<vmem>> -> memref<1x2000xi32, #tpu.memory_space<vmem>>
      %dma_start3A_136 = tpu.memref_squeeze %dma_start3A_135 : memref<1x2000xi32, #tpu.memory_space<vmem>> -> memref<2000xi32, #tpu.memory_space<vmem>>
      %dma_start3A_137 = arith.constant 0 : i32
      %dma_start3A_138 = tpu.memref_slice %arg7[%dma_start3A_137] : memref<10240xf32, #tpu.memory_space<vmem_shared>> -> memref<10240xf32, #tpu.memory_space<vmem_shared>>
      tpu.enqueue_indirect_dma source(%arg5 : memref<2000xf32, #tpu.memory_space<vmem>>) target(%dma_start3A_138 : memref<10240xf32, #tpu.memory_space<vmem_shared>>) offsets(%dma_start3A_136 : memref<2000xi32, #tpu.memory_space<vmem>>) semaphore(%run_scoped3A_133 : memref<!tpu.dma_semaphore, #tpu.memory_space<semaphore_mem>>) {add = true}
      %dma_wait3A_139 = arith.constant 0 : i32
      %dma_wait3A_140 = tpu.memref_slice %arg4[%run_scoped3A_124, %dma_wait3A_139] : memref<5x2000xi32, #tpu.memory_space<vmem>> -> memref<1x2000xi32, #tpu.memory_space<vmem>>
      %dma_wait3A_141 = tpu.memref_squeeze %dma_wait3A_140 : memref<1x2000xi32, #tpu.memory_space<vmem>> -> memref<2000xi32, #tpu.memory_space<vmem>>
      %dma_wait3A_142 = arith.constant 0 : i32
      %dma_wait3A_143 = tpu.memref_slice %arg7[%dma_wait3A_142] : memref<10240xf32, #tpu.memory_space<vmem_shared>> -> memref<10240xf32, #tpu.memory_space<vmem_shared>>
      tpu.wait_indirect_dma semaphore(%run_scoped3A_133 : memref<!tpu.dma_semaphore, #tpu.memory_space<semaphore_mem>>) src(%arg5 : memref<2000xf32, #tpu.memory_space<vmem>>) dst(%dma_wait3A_143 : memref<10240xf32, #tpu.memory_space<vmem_shared>>)
      tpu.yield
    }) : () -> ()
    %run_scoped3A_125 = arith.constant 2 : i32
    "tpu.region"() ({
      %run_scoped3A_133 = tpu.sem_alloc : memref<!tpu.dma_semaphore, #tpu.memory_space<semaphore_mem>>
      %dma_start3A_134 = arith.constant 0 : i32
      %dma_start3A_135 = tpu.memref_slice %arg4[%run_scoped3A_125, %dma_start3A_134] : memref<5x2000xi32, #tpu.memory_space<vmem>> -> memref<1x2000xi32, #tpu.memory_space<vmem>>
      %dma_start3A_136 = tpu.memref_squeeze %dma_start3A_135 : memref<1x2000xi32, #tpu.memory_space<vmem>> -> memref<2000xi32, #tpu.memory_space<vmem>>
      %dma_start3A_137 = arith.constant 0 : i32
      %dma_start3A_138 = tpu.memref_slice %arg7[%dma_start3A_137] : memref<10240xf32, #tpu.memory_space<vmem_shared>> -> memref<10240xf32, #tpu.memory_space<vmem_shared>>
      tpu.enqueue_indirect_dma source(%arg5 : memref<2000xf32, #tpu.memory_space<vmem>>) target(%dma_start3A_138 : memref<10240xf32, #tpu.memory_space<vmem_shared>>) offsets(%dma_start3A_136 : memref<2000xi32, #tpu.memory_space<vmem>>) semaphore(%run_scoped3A_133 : memref<!tpu.dma_semaphore, #tpu.memory_space<semaphore_mem>>) {add = true}
      %dma_wait3A_139 = arith.constant 0 : i32
      %dma_wait3A_140 = tpu.memref_slice %arg4[%run_scoped3A_125, %dma_wait3A_139] : memref<5x2000xi32, #tpu.memory_space<vmem>> -> memref<1x2000xi32, #tpu.memory_space<vmem>>
      %dma_wait3A_141 = tpu.memref_squeeze %dma_wait3A_140 : memref<1x2000xi32, #tpu.memory_space<vmem>> -> memref<2000xi32, #tpu.memory_space<vmem>>
      %dma_wait3A_142 = arith.constant 0 : i32
      %dma_wait3A_143 = tpu.memref_slice %arg7[%dma_wait3A_142] : memref<10240xf32, #tpu.memory_space<vmem_shared>> -> memref<10240xf32, #tpu.memory_space<vmem_shared>>
      tpu.wait_indirect_dma semaphore(%run_scoped3A_133 : memref<!tpu.dma_semaphore, #tpu.memory_space<semaphore_mem>>) src(%arg5 : memref<2000xf32, #tpu.memory_space<vmem>>) dst(%dma_wait3A_143 : memref<10240xf32, #tpu.memory_space<vmem_shared>>)
      tpu.yield
    }) : () -> ()
    %run_scoped3A_126 = arith.constant 3 : i32
    "tpu.region"() ({
      %run_scoped3A_133 = tpu.sem_alloc : memref<!tpu.dma_semaphore, #tpu.memory_space<semaphore_mem>>
      %dma_start3A_134 = arith.constant 0 : i32
      %dma_start3A_135 = tpu.memref_slice %arg4[%run_scoped3A_126, %dma_start3A_134] : memref<5x2000xi32, #tpu.memory_space<vmem>> -> memref<1x2000xi32, #tpu.memory_space<vmem>>
      %dma_start3A_136 = tpu.memref_squeeze %dma_start3A_135 : memref<1x2000xi32, #tpu.memory_space<vmem>> -> memref<2000xi32, #tpu.memory_space<vmem>>
      %dma_start3A_137 = arith.constant 0 : i32
      %dma_start3A_138 = tpu.memref_slice %arg7[%dma_start3A_137] : memref<10240xf32, #tpu.memory_space<vmem_shared>> -> memref<10240xf32, #tpu.memory_space<vmem_shared>>
      tpu.enqueue_indirect_dma source(%arg5 : memref<2000xf32, #tpu.memory_space<vmem>>) target(%dma_start3A_138 : memref<10240xf32, #tpu.memory_space<vmem_shared>>) offsets(%dma_start3A_136 : memref<2000xi32, #tpu.memory_space<vmem>>) semaphore(%run_scoped3A_133 : memref<!tpu.dma_semaphore, #tpu.memory_space<semaphore_mem>>) {add = true}
      %dma_wait3A_139 = arith.constant 0 : i32
      %dma_wait3A_140 = tpu.memref_slice %arg4[%run_scoped3A_126, %dma_wait3A_139] : memref<5x2000xi32, #tpu.memory_space<vmem>> -> memref<1x2000xi32, #tpu.memory_space<vmem>>
      %dma_wait3A_141 = tpu.memref_squeeze %dma_wait3A_140 : memref<1x2000xi32, #tpu.memory_space<vmem>> -> memref<2000xi32, #tpu.memory_space<vmem>>
      %dma_wait3A_142 = arith.constant 0 : i32
      %dma_wait3A_143 = tpu.memref_slice %arg7[%dma_wait3A_142] : memref<10240xf32, #tpu.memory_space<vmem_shared>> -> memref<10240xf32, #tpu.memory_space<vmem_shared>>
      tpu.wait_indirect_dma semaphore(%run_scoped3A_133 : memref<!tpu.dma_semaphore, #tpu.memory_space<semaphore_mem>>) src(%arg5 : memref<2000xf32, #tpu.memory_space<vmem>>) dst(%dma_wait3A_143 : memref<10240xf32, #tpu.memory_space<vmem_shared>>)
      tpu.yield
    }) : () -> ()
    %run_scoped3A_127 = arith.constant 4 : i32
    "tpu.region"() ({
      %run_scoped3A_133 = tpu.sem_alloc : memref<!tpu.dma_semaphore, #tpu.memory_space<semaphore_mem>>
      %dma_start3A_134 = arith.constant 0 : i32
      %dma_start3A_135 = tpu.memref_slice %arg4[%run_scoped3A_127, %dma_start3A_134] : memref<5x2000xi32, #tpu.memory_space<vmem>> -> memref<1x2000xi32, #tpu.memory_space<vmem>>
      %dma_start3A_136 = tpu.memref_squeeze %dma_start3A_135 : memref<1x2000xi32, #tpu.memory_space<vmem>> -> memref<2000xi32, #tpu.memory_space<vmem>>
      %dma_start3A_137 = arith.constant 0 : i32
      %dma_start3A_138 = tpu.memref_slice %arg7[%dma_start3A_137] : memref<10240xf32, #tpu.memory_space<vmem_shared>> -> memref<10240xf32, #tpu.memory_space<vmem_shared>>
      tpu.enqueue_indirect_dma source(%arg5 : memref<2000xf32, #tpu.memory_space<vmem>>) target(%dma_start3A_138 : memref<10240xf32, #tpu.memory_space<vmem_shared>>) offsets(%dma_start3A_136 : memref<2000xi32, #tpu.memory_space<vmem>>) semaphore(%run_scoped3A_133 : memref<!tpu.dma_semaphore, #tpu.memory_space<semaphore_mem>>) {add = true}
      %dma_wait3A_139 = arith.constant 0 : i32
      %dma_wait3A_140 = tpu.memref_slice %arg4[%run_scoped3A_127, %dma_wait3A_139] : memref<5x2000xi32, #tpu.memory_space<vmem>> -> memref<1x2000xi32, #tpu.memory_space<vmem>>
      %dma_wait3A_141 = tpu.memref_squeeze %dma_wait3A_140 : memref<1x2000xi32, #tpu.memory_space<vmem>> -> memref<2000xi32, #tpu.memory_space<vmem>>
      %dma_wait3A_142 = arith.constant 0 : i32
      %dma_wait3A_143 = tpu.memref_slice %arg7[%dma_wait3A_142] : memref<10240xf32, #tpu.memory_space<vmem_shared>> -> memref<10240xf32, #tpu.memory_space<vmem_shared>>
      tpu.wait_indirect_dma semaphore(%run_scoped3A_133 : memref<!tpu.dma_semaphore, #tpu.memory_space<semaphore_mem>>) src(%arg5 : memref<2000xf32, #tpu.memory_space<vmem>>) dst(%dma_wait3A_143 : memref<10240xf32, #tpu.memory_space<vmem_shared>>)
      tpu.yield
    }) : () -> ()
    %barrier3A_128 = arith.constant 0 : index
    tpu.barrier barrier_id(%barrier3A_128)
    %mul3A_129 = arith.constant 640 : i32
    %mul3A_130 = arith.muli %arg1, %mul3A_129 : i32
    "tpu.region"() ({
      %run_scoped3A_133 = tpu.sem_alloc : memref<!tpu.dma_semaphore, #tpu.memory_space<semaphore_mem>>
      %dma_start3A_134 = tpu.memref_slice %arg7[%mul3A_130] : memref<10240xf32, #tpu.memory_space<vmem_shared>> -> memref<640xf32, #tpu.memory_space<vmem_shared>>
      %dma_start3A_135 = tpu.memref_slice %arg7[%mul3A_130] : memref<10240xf32, #tpu.memory_space<vmem_shared>> -> memref<640xf32, #tpu.memory_space<vmem_shared>>
      tpu.enqueue_dma source(%dma_start3A_135 : memref<640xf32, #tpu.memory_space<vmem_shared>>) target(%arg6 : memref<640xf32, #tpu.memory_space<vmem>>) target_semaphore(%run_scoped3A_133 : memref<!tpu.dma_semaphore, #tpu.memory_space<semaphore_mem>>)
      %dma_wait3A_136 = tpu.memref_slice %arg7[%mul3A_130] : memref<10240xf32, #tpu.memory_space<vmem_shared>> -> memref<640xf32, #tpu.memory_space<vmem_shared>>
      %dma_wait3A_137 = tpu.memref_slice %arg7[%mul3A_130] : memref<10240xf32, #tpu.memory_space<vmem_shared>> -> memref<640xf32, #tpu.memory_space<vmem_shared>>
      tpu.wait_dma2 semaphore(%run_scoped3A_133 : memref<!tpu.dma_semaphore, #tpu.memory_space<semaphore_mem>>) src(%dma_wait3A_137 : memref<640xf32, #tpu.memory_space<vmem_shared>>) dst(%arg6 : memref<640xf32, #tpu.memory_space<vmem>>)
      tpu.yield
    }) : () -> ()
    %mul3A_131 = arith.constant 640 : i32
    %mul3A_132 = arith.muli %arg1, %mul3A_131 : i32
    "tpu.region"() ({
      %run_scoped3A_133 = tpu.sem_alloc : memref<!tpu.dma_semaphore, #tpu.memory_space<semaphore_mem>>
      %dma_start3A_134 = tpu.memref_slice %arg3[%arg0, %mul3A_132] : memref<2x10240xf32, #tpu.memory_space<hbm>> -> memref<1x640xf32, #tpu.memory_space<hbm>>
      %dma_start3A_135 = tpu.memref_squeeze %dma_start3A_134 : memref<1x640xf32, #tpu.memory_space<hbm>> -> memref<640xf32, #tpu.memory_space<hbm>>
      %dma_start3A_136 = tpu.memref_slice %arg3[%arg0, %mul3A_132] : memref<2x10240xf32, #tpu.memory_space<hbm>> -> memref<1x640xf32, #tpu.memory_space<hbm>>
      %dma_start3A_137 = tpu.memref_squeeze %dma_start3A_136 : memref<1x640xf32, #tpu.memory_space<hbm>> -> memref<640xf32, #tpu.memory_space<hbm>>
      tpu.enqueue_dma source(%arg6 : memref<640xf32, #tpu.memory_space<vmem>>) target(%dma_start3A_137 : memref<640xf32, #tpu.memory_space<hbm>>) target_semaphore(%run_scoped3A_133 : memref<!tpu.dma_semaphore, #tpu.memory_space<semaphore_mem>>)
      %dma_wait3A_138 = tpu.memref_slice %arg3[%arg0, %mul3A_132] : memref<2x10240xf32, #tpu.memory_space<hbm>> -> memref<1x640xf32, #tpu.memory_space<hbm>>
      %dma_wait3A_139 = tpu.memref_squeeze %dma_wait3A_138 : memref<1x640xf32, #tpu.memory_space<hbm>> -> memref<640xf32, #tpu.memory_space<hbm>>
      %dma_wait3A_140 = tpu.memref_slice %arg3[%arg0, %mul3A_132] : memref<2x10240xf32, #tpu.memory_space<hbm>> -> memref<1x640xf32, #tpu.memory_space<hbm>>
      %dma_wait3A_141 = tpu.memref_squeeze %dma_wait3A_140 : memref<1x640xf32, #tpu.memory_space<hbm>> -> memref<640xf32, #tpu.memory_space<hbm>>
      tpu.wait_dma2 semaphore(%run_scoped3A_133 : memref<!tpu.dma_semaphore, #tpu.memory_space<semaphore_mem>>) src(%arg6 : memref<640xf32, #tpu.memory_space<vmem>>) dst(%dma_wait3A_141 : memref<640xf32, #tpu.memory_space<hbm>>)
      tpu.yield
    }) : () -> ()
    return
  }
}

#map = affine_map<(d0, d1) -> (0)>
#map1 = affine_map<(d0, d1) -> (0, 0)>
#map2 = affine_map<(d0, d1) -> (0, 0, 0)>
module attributes {stable_mosaic.version = 14 : i64} {
  func.func @_agg2_kernel(%arg0: i32, %arg1: i32, %arg2: memref<320000xi32, #tpu.memory_space<hbm>>, %arg3: memref<320000xi32, #tpu.memory_space<hbm>>, %arg4: memref<10240x16xf32, #tpu.memory_space<hbm>>, %arg5: memref<2x10240xf32, #tpu.memory_space<hbm>>, %arg6: memref<2x10240x16xf32, #tpu.memory_space<hbm>>, %arg7: memref<16xf32, #tpu.memory_space<hbm>>, %arg8: memref<16xf32, #tpu.memory_space<hbm>>, %arg9: memref<16xf32, #tpu.memory_space<hbm>>, %arg10: memref<16xf32, #tpu.memory_space<hbm>>, %arg11: memref<2x2x10240xf32, #tpu.memory_space<hbm>>, %arg12: memref<2x10240x16xf32, #tpu.memory_space<hbm>>, %arg13: memref<5x2000xi32, #tpu.memory_space<vmem>>, %arg14: memref<5x2000xi32, #tpu.memory_space<vmem>>, %arg15: memref<2x2000x16xf32, #tpu.memory_space<vmem>>, %arg16: memref<640x16xf32, #tpu.memory_space<vmem>>, %arg17: memref<640x16xf32, #tpu.memory_space<vmem>>, %arg18: memref<640x16xf32, #tpu.memory_space<vmem>>, %arg19: memref<640xf32, #tpu.memory_space<vmem>>, %arg20: memref<640xf32, #tpu.memory_space<vmem>>, %arg21: memref<16xf32, #tpu.memory_space<vmem>>, %arg22: memref<16xf32, #tpu.memory_space<vmem>>, %arg23: memref<16xf32, #tpu.memory_space<vmem>>, %arg24: memref<640xf32, #tpu.memory_space<vmem>>, %arg25: memref<640xf32, #tpu.memory_space<vmem>>, %arg26: memref<10240x16xf32, #tpu.memory_space<vmem_shared>>, %arg27: memref<!tpu.dma_semaphore, #tpu.memory_space<semaphore_mem>>, %arg28: memref<!tpu.dma_semaphore, #tpu.memory_space<semaphore_mem>>, %arg29: memref<!tpu.dma_semaphore, #tpu.memory_space<semaphore_mem>>) attributes {dimension_semantics = [#tpu.dimension_semantics<core_parallel>, #tpu.dimension_semantics<subcore_parallel>], iteration_bounds = array<i64: 2, 16>, scalar_prefetch = 0 : i64, scratch_operands = 17 : i64, tpu.core_type = #tpu.core_type<sc_vector_subcore>, window_params = [{transform_indices = #map}, {transform_indices = #map}, {transform_indices = #map1}, {transform_indices = #map1}, {transform_indices = #map2}, {transform_indices = #map}, {transform_indices = #map}, {transform_indices = #map}, {transform_indices = #map}, {transform_indices = #map2}, {transform_indices = #map2}]} {
    %mul3A = arith.constant 2 : i32
    %mul3A_0 = arith.muli %arg1, %mul3A : i32
    %add3A = arith.addi %mul3A_0, %arg0 : i32
    %mul3A_1 = arith.constant 640 : i32
    %mul3A_2 = arith.muli %arg1, %mul3A_1 : i32
    %scan3A = arith.constant 0 : i32
    %scan3A_3 = arith.constant 0 : i32
    %scan3A_4 = arith.constant 640 : i32
    %scan3A_5 = arith.addi %scan3A_3, %scan3A_4 : i32
    %scan3A_6 = arith.constant 1 : i32
    %scan3A_7 = scf.for %scan3A_325 = %scan3A_3 to %scan3A_5 step %scan3A_6 iter_args(%scan3A_326 = %scan3A) -> (i32)  : i32 {
      %broadcast_in_dim3A = arith.constant 0.000000e+00 : f32
      %broadcast_in_dim3A_327 = vector.broadcast %broadcast_in_dim3A : f32 to vector<16xf32>
      %swap3A = arith.index_cast %scan3A_325 : i32 to index
      %swap3A_328 = arith.constant 0 : index
      %swap3A_329 = tpu.vector_load %arg18[%swap3A, %swap3A_328] {strides = array<i32>} : memref<640x16xf32, #tpu.memory_space<vmem>>, vector<16xf32>,
      tpu.vector_store %arg18[%swap3A, %swap3A_328], %broadcast_in_dim3A_327 {strides = array<i32>} : memref<640x16xf32, #tpu.memory_space<vmem>>, vector<16xf32>,
      %scan3A_330 = arith.constant 0 : i32
      scf.yield %scan3A_330 : i32
    }
    %scan3A_8 = arith.constant 640 : i32
    %mul3A_9 = arith.constant 640 : i32
    %mul3A_10 = arith.muli %arg1, %mul3A_9 : i32
    "tpu.region"() ({
      %run_scoped3A_325 = tpu.sem_alloc : memref<!tpu.dma_semaphore, #tpu.memory_space<semaphore_mem>>
      %dma_start3A_326 = arith.constant 0 : i32
      %dma_start3A_327 = tpu.memref_slice %arg26[%mul3A_10, %dma_start3A_326] : memref<10240x16xf32, #tpu.memory_space<vmem_shared>> -> memref<640x16xf32, #tpu.memory_space<vmem_shared>>
      %dma_start3A_328 = arith.constant 0 : i32
      %dma_start3A_329 = tpu.memref_slice %arg26[%mul3A_10, %dma_start3A_328] : memref<10240x16xf32, #tpu.memory_space<vmem_shared>> -> memref<640x16xf32, #tpu.memory_space<vmem_shared>>
      tpu.enqueue_dma source(%arg18 : memref<640x16xf32, #tpu.memory_space<vmem>>) target(%dma_start3A_329 : memref<640x16xf32, #tpu.memory_space<vmem_shared>>) target_semaphore(%run_scoped3A_325 : memref<!tpu.dma_semaphore, #tpu.memory_space<semaphore_mem>>)
      %dma_wait3A_330 = arith.constant 0 : i32
      %dma_wait3A_331 = tpu.memref_slice %arg26[%mul3A_10, %dma_wait3A_330] : memref<10240x16xf32, #tpu.memory_space<vmem_shared>> -> memref<640x16xf32, #tpu.memory_space<vmem_shared>>
      %dma_wait3A_332 = arith.constant 0 : i32
      %dma_wait3A_333 = tpu.memref_slice %arg26[%mul3A_10, %dma_wait3A_332] : memref<10240x16xf32, #tpu.memory_space<vmem_shared>> -> memref<640x16xf32, #tpu.memory_space<vmem_shared>>
      tpu.wait_dma2 semaphore(%run_scoped3A_325 : memref<!tpu.dma_semaphore, #tpu.memory_space<semaphore_mem>>) src(%arg18 : memref<640x16xf32, #tpu.memory_space<vmem>>) dst(%dma_wait3A_333 : memref<640x16xf32, #tpu.memory_space<vmem_shared>>)
      tpu.yield
    }) : () -> ()
    %dma_start3A = arith.constant 0 : i32
    %dma_start3A_11 = tpu.memref_slice %arg4[%mul3A_2, %dma_start3A] : memref<10240x16xf32, #tpu.memory_space<hbm>> -> memref<640x16xf32, #tpu.memory_space<hbm>>
    %dma_start3A_12 = arith.constant 0 : i32
    %dma_start3A_13 = tpu.memref_slice %arg4[%mul3A_2, %dma_start3A_12] : memref<10240x16xf32, #tpu.memory_space<hbm>> -> memref<640x16xf32, #tpu.memory_space<hbm>>
    tpu.enqueue_dma source(%dma_start3A_13 : memref<640x16xf32, #tpu.memory_space<hbm>>) target(%arg16 : memref<640x16xf32, #tpu.memory_space<vmem>>) target_semaphore(%arg27 : memref<!tpu.dma_semaphore, #tpu.memory_space<semaphore_mem>>)
    %dma_start3A_14 = arith.constant 0 : i32
    %dma_start3A_15 = arith.constant 0 : i32
    %dma_start3A_16 = tpu.memref_slice %arg6[%dma_start3A_14, %mul3A_2, %dma_start3A_15] : memref<2x10240x16xf32, #tpu.memory_space<hbm>> -> memref<1x640x16xf32, #tpu.memory_space<hbm>>
    %dma_start3A_17 = tpu.memref_squeeze %dma_start3A_16 : memref<1x640x16xf32, #tpu.memory_space<hbm>> -> memref<640x16xf32, #tpu.memory_space<hbm>>
    %dma_start3A_18 = arith.constant 0 : i32
    %dma_start3A_19 = tpu.memref_slice %arg6[%dma_start3A_14, %mul3A_2, %dma_start3A_18] : memref<2x10240x16xf32, #tpu.memory_space<hbm>> -> memref<1x640x16xf32, #tpu.memory_space<hbm>>
    %dma_start3A_20 = tpu.memref_squeeze %dma_start3A_19 : memref<1x640x16xf32, #tpu.memory_space<hbm>> -> memref<640x16xf32, #tpu.memory_space<hbm>>
    tpu.enqueue_dma source(%dma_start3A_20 : memref<640x16xf32, #tpu.memory_space<hbm>>) target(%arg17 : memref<640x16xf32, #tpu.memory_space<vmem>>) target_semaphore(%arg27 : memref<!tpu.dma_semaphore, #tpu.memory_space<semaphore_mem>>)
    %dma_start3A_21 = arith.constant 1 : i32
    %dma_start3A_22 = arith.constant 0 : i32
    %dma_start3A_23 = tpu.memref_slice %arg6[%dma_start3A_21, %mul3A_2, %dma_start3A_22] : memref<2x10240x16xf32, #tpu.memory_space<hbm>> -> memref<1x640x16xf32, #tpu.memory_space<hbm>>
    %dma_start3A_24 = tpu.memref_squeeze %dma_start3A_23 : memref<1x640x16xf32, #tpu.memory_space<hbm>> -> memref<640x16xf32, #tpu.memory_space<hbm>>
    %dma_start3A_25 = arith.constant 0 : i32
    %dma_start3A_26 = tpu.memref_slice %arg6[%dma_start3A_21, %mul3A_2, %dma_start3A_25] : memref<2x10240x16xf32, #tpu.memory_space<hbm>> -> memref<1x640x16xf32, #tpu.memory_space<hbm>>
    %dma_start3A_27 = tpu.memref_squeeze %dma_start3A_26 : memref<1x640x16xf32, #tpu.memory_space<hbm>> -> memref<640x16xf32, #tpu.memory_space<hbm>>
    tpu.enqueue_dma source(%dma_start3A_27 : memref<640x16xf32, #tpu.memory_space<hbm>>) target(%arg18 : memref<640x16xf32, #tpu.memory_space<vmem>>) target_semaphore(%arg27 : memref<!tpu.dma_semaphore, #tpu.memory_space<semaphore_mem>>)
    tpu.enqueue_dma source(%arg7 : memref<16xf32, #tpu.memory_space<hbm>>) target(%arg21 : memref<16xf32, #tpu.memory_space<vmem>>) target_semaphore(%arg27 : memref<!tpu.dma_semaphore, #tpu.memory_space<semaphore_mem>>)
    tpu.enqueue_dma source(%arg8 : memref<16xf32, #tpu.memory_space<hbm>>) target(%arg22 : memref<16xf32, #tpu.memory_space<vmem>>) target_semaphore(%arg27 : memref<!tpu.dma_semaphore, #tpu.memory_space<semaphore_mem>>)
    tpu.enqueue_dma source(%arg9 : memref<16xf32, #tpu.memory_space<hbm>>) target(%arg23 : memref<16xf32, #tpu.memory_space<vmem>>) target_semaphore(%arg27 : memref<!tpu.dma_semaphore, #tpu.memory_space<semaphore_mem>>)
    %dma_start3A_28 = arith.constant 0 : i32
    %dma_start3A_29 = tpu.memref_slice %arg5[%dma_start3A_28, %mul3A_2] : memref<2x10240xf32, #tpu.memory_space<hbm>> -> memref<1x640xf32, #tpu.memory_space<hbm>>
    %dma_start3A_30 = tpu.memref_squeeze %dma_start3A_29 : memref<1x640xf32, #tpu.memory_space<hbm>> -> memref<640xf32, #tpu.memory_space<hbm>>
    %dma_start3A_31 = tpu.memref_slice %arg5[%dma_start3A_28, %mul3A_2] : memref<2x10240xf32, #tpu.memory_space<hbm>> -> memref<1x640xf32, #tpu.memory_space<hbm>>
    %dma_start3A_32 = tpu.memref_squeeze %dma_start3A_31 : memref<1x640xf32, #tpu.memory_space<hbm>> -> memref<640xf32, #tpu.memory_space<hbm>>
    tpu.enqueue_dma source(%dma_start3A_32 : memref<640xf32, #tpu.memory_space<hbm>>) target(%arg19 : memref<640xf32, #tpu.memory_space<vmem>>) target_semaphore(%arg28 : memref<!tpu.dma_semaphore, #tpu.memory_space<semaphore_mem>>)
    %dma_start3A_33 = arith.constant 1 : i32
    %dma_start3A_34 = tpu.memref_slice %arg5[%dma_start3A_33, %mul3A_2] : memref<2x10240xf32, #tpu.memory_space<hbm>> -> memref<1x640xf32, #tpu.memory_space<hbm>>
    %dma_start3A_35 = tpu.memref_squeeze %dma_start3A_34 : memref<1x640xf32, #tpu.memory_space<hbm>> -> memref<640xf32, #tpu.memory_space<hbm>>
    %dma_start3A_36 = tpu.memref_slice %arg5[%dma_start3A_33, %mul3A_2] : memref<2x10240xf32, #tpu.memory_space<hbm>> -> memref<1x640xf32, #tpu.memory_space<hbm>>
    %dma_start3A_37 = tpu.memref_squeeze %dma_start3A_36 : memref<1x640xf32, #tpu.memory_space<hbm>> -> memref<640xf32, #tpu.memory_space<hbm>>
    tpu.enqueue_dma source(%dma_start3A_37 : memref<640xf32, #tpu.memory_space<hbm>>) target(%arg20 : memref<640xf32, #tpu.memory_space<vmem>>) target_semaphore(%arg28 : memref<!tpu.dma_semaphore, #tpu.memory_space<semaphore_mem>>)
    %mul3A_38 = arith.constant 10000 : i32
    %mul3A_39 = arith.muli %add3A, %mul3A_38 : i32
    %add3A_40 = arith.constant 0 : i32
    %add3A_41 = arith.addi %mul3A_39, %add3A_40 : i32
    %run_scoped3A = arith.constant 0 : i32
    "tpu.region"() ({
      %run_scoped3A_325 = tpu.sem_alloc : memref<!tpu.dma_semaphore, #tpu.memory_space<semaphore_mem>>
      %dma_start3A_326 = arith.constant 0 : i32
      %dma_start3A_327 = tpu.memref_slice %arg13[%run_scoped3A, %dma_start3A_326] : memref<5x2000xi32, #tpu.memory_space<vmem>> -> memref<1x2000xi32, #tpu.memory_space<vmem>>
      %dma_start3A_328 = tpu.memref_squeeze %dma_start3A_327 : memref<1x2000xi32, #tpu.memory_space<vmem>> -> memref<2000xi32, #tpu.memory_space<vmem>>
      %dma_start3A_329 = tpu.memref_slice %arg2[%add3A_41] : memref<320000xi32, #tpu.memory_space<hbm>> -> memref<2000xi32, #tpu.memory_space<hbm>>
      %dma_start3A_330 = arith.constant 0 : i32
      %dma_start3A_331 = tpu.memref_slice %arg13[%run_scoped3A, %dma_start3A_330] : memref<5x2000xi32, #tpu.memory_space<vmem>> -> memref<1x2000xi32, #tpu.memory_space<vmem>>
      %dma_start3A_332 = tpu.memref_squeeze %dma_start3A_331 : memref<1x2000xi32, #tpu.memory_space<vmem>> -> memref<2000xi32, #tpu.memory_space<vmem>>
      %dma_start3A_333 = tpu.memref_slice %arg2[%add3A_41] : memref<320000xi32, #tpu.memory_space<hbm>> -> memref<2000xi32, #tpu.memory_space<hbm>>
      tpu.enqueue_dma source(%dma_start3A_333 : memref<2000xi32, #tpu.memory_space<hbm>>) target(%dma_start3A_332 : memref<2000xi32, #tpu.memory_space<vmem>>) target_semaphore(%run_scoped3A_325 : memref<!tpu.dma_semaphore, #tpu.memory_space<semaphore_mem>>)
      %dma_wait3A_334 = arith.constant 0 : i32
      %dma_wait3A_335 = tpu.memref_slice %arg13[%run_scoped3A, %dma_wait3A_334] : memref<5x2000xi32, #tpu.memory_space<vmem>> -> memref<1x2000xi32, #tpu.memory_space<vmem>>
      %dma_wait3A_336 = tpu.memref_squeeze %dma_wait3A_335 : memref<1x2000xi32, #tpu.memory_space<vmem>> -> memref<2000xi32, #tpu.memory_space<vmem>>
      %dma_wait3A_337 = tpu.memref_slice %arg2[%add3A_41] : memref<320000xi32, #tpu.memory_space<hbm>> -> memref<2000xi32, #tpu.memory_space<hbm>>
      %dma_wait3A_338 = arith.constant 0 : i32
      %dma_wait3A_339 = tpu.memref_slice %arg13[%run_scoped3A, %dma_wait3A_338] : memref<5x2000xi32, #tpu.memory_space<vmem>> -> memref<1x2000xi32, #tpu.memory_space<vmem>>
      %dma_wait3A_340 = tpu.memref_squeeze %dma_wait3A_339 : memref<1x2000xi32, #tpu.memory_space<vmem>> -> memref<2000xi32, #tpu.memory_space<vmem>>
      %dma_wait3A_341 = tpu.memref_slice %arg2[%add3A_41] : memref<320000xi32, #tpu.memory_space<hbm>> -> memref<2000xi32, #tpu.memory_space<hbm>>
      tpu.wait_dma2 semaphore(%run_scoped3A_325 : memref<!tpu.dma_semaphore, #tpu.memory_space<semaphore_mem>>) src(%dma_wait3A_341 : memref<2000xi32, #tpu.memory_space<hbm>>) dst(%dma_wait3A_340 : memref<2000xi32, #tpu.memory_space<vmem>>)
      tpu.yield
    }) : () -> ()
    %mul3A_42 = arith.constant 10000 : i32
    %mul3A_43 = arith.muli %add3A, %mul3A_42 : i32
    %add3A_44 = arith.constant 0 : i32
    %add3A_45 = arith.addi %mul3A_43, %add3A_44 : i32
    %run_scoped3A_46 = arith.constant 0 : i32
    "tpu.region"() ({
      %run_scoped3A_325 = tpu.sem_alloc : memref<!tpu.dma_semaphore, #tpu.memory_space<semaphore_mem>>
      %dma_start3A_326 = arith.constant 0 : i32
      %dma_start3A_327 = tpu.memref_slice %arg14[%run_scoped3A_46, %dma_start3A_326] : memref<5x2000xi32, #tpu.memory_space<vmem>> -> memref<1x2000xi32, #tpu.memory_space<vmem>>
      %dma_start3A_328 = tpu.memref_squeeze %dma_start3A_327 : memref<1x2000xi32, #tpu.memory_space<vmem>> -> memref<2000xi32, #tpu.memory_space<vmem>>
      %dma_start3A_329 = tpu.memref_slice %arg3[%add3A_45] : memref<320000xi32, #tpu.memory_space<hbm>> -> memref<2000xi32, #tpu.memory_space<hbm>>
      %dma_start3A_330 = arith.constant 0 : i32
      %dma_start3A_331 = tpu.memref_slice %arg14[%run_scoped3A_46, %dma_start3A_330] : memref<5x2000xi32, #tpu.memory_space<vmem>> -> memref<1x2000xi32, #tpu.memory_space<vmem>>
      %dma_start3A_332 = tpu.memref_squeeze %dma_start3A_331 : memref<1x2000xi32, #tpu.memory_space<vmem>> -> memref<2000xi32, #tpu.memory_space<vmem>>
      %dma_start3A_333 = tpu.memref_slice %arg3[%add3A_45] : memref<320000xi32, #tpu.memory_space<hbm>> -> memref<2000xi32, #tpu.memory_space<hbm>>
      tpu.enqueue_dma source(%dma_start3A_333 : memref<2000xi32, #tpu.memory_space<hbm>>) target(%dma_start3A_332 : memref<2000xi32, #tpu.memory_space<vmem>>) target_semaphore(%run_scoped3A_325 : memref<!tpu.dma_semaphore, #tpu.memory_space<semaphore_mem>>)
      %dma_wait3A_334 = arith.constant 0 : i32
      %dma_wait3A_335 = tpu.memref_slice %arg14[%run_scoped3A_46, %dma_wait3A_334] : memref<5x2000xi32, #tpu.memory_space<vmem>> -> memref<1x2000xi32, #tpu.memory_space<vmem>>
      %dma_wait3A_336 = tpu.memref_squeeze %dma_wait3A_335 : memref<1x2000xi32, #tpu.memory_space<vmem>> -> memref<2000xi32, #tpu.memory_space<vmem>>
      %dma_wait3A_337 = tpu.memref_slice %arg3[%add3A_45] : memref<320000xi32, #tpu.memory_space<hbm>> -> memref<2000xi32, #tpu.memory_space<hbm>>
      %dma_wait3A_338 = arith.constant 0 : i32
      %dma_wait3A_339 = tpu.memref_slice %arg14[%run_scoped3A_46, %dma_wait3A_338] : memref<5x2000xi32, #tpu.memory_space<vmem>> -> memref<1x2000xi32, #tpu.memory_space<vmem>>
      %dma_wait3A_340 = tpu.memref_squeeze %dma_wait3A_339 : memref<1x2000xi32, #tpu.memory_space<vmem>> -> memref<2000xi32, #tpu.memory_space<vmem>>
      %dma_wait3A_341 = tpu.memref_slice %arg3[%add3A_45] : memref<320000xi32, #tpu.memory_space<hbm>> -> memref<2000xi32, #tpu.memory_space<hbm>>
      tpu.wait_dma2 semaphore(%run_scoped3A_325 : memref<!tpu.dma_semaphore, #tpu.memory_space<semaphore_mem>>) src(%dma_wait3A_341 : memref<2000xi32, #tpu.memory_space<hbm>>) dst(%dma_wait3A_340 : memref<2000xi32, #tpu.memory_space<vmem>>)
      tpu.yield
    }) : () -> ()
    %mul3A_47 = arith.constant 10000 : i32
    %mul3A_48 = arith.muli %add3A, %mul3A_47 : i32
    %add3A_49 = arith.constant 2000 : i32
    %add3A_50 = arith.addi %mul3A_48, %add3A_49 : i32
    %run_scoped3A_51 = arith.constant 1 : i32
    "tpu.region"() ({
      %run_scoped3A_325 = tpu.sem_alloc : memref<!tpu.dma_semaphore, #tpu.memory_space<semaphore_mem>>
      %dma_start3A_326 = arith.constant 0 : i32
      %dma_start3A_327 = tpu.memref_slice %arg13[%run_scoped3A_51, %dma_start3A_326] : memref<5x2000xi32, #tpu.memory_space<vmem>> -> memref<1x2000xi32, #tpu.memory_space<vmem>>
      %dma_start3A_328 = tpu.memref_squeeze %dma_start3A_327 : memref<1x2000xi32, #tpu.memory_space<vmem>> -> memref<2000xi32, #tpu.memory_space<vmem>>
      %dma_start3A_329 = tpu.memref_slice %arg2[%add3A_50] : memref<320000xi32, #tpu.memory_space<hbm>> -> memref<2000xi32, #tpu.memory_space<hbm>>
      %dma_start3A_330 = arith.constant 0 : i32
      %dma_start3A_331 = tpu.memref_slice %arg13[%run_scoped3A_51, %dma_start3A_330] : memref<5x2000xi32, #tpu.memory_space<vmem>> -> memref<1x2000xi32, #tpu.memory_space<vmem>>
      %dma_start3A_332 = tpu.memref_squeeze %dma_start3A_331 : memref<1x2000xi32, #tpu.memory_space<vmem>> -> memref<2000xi32, #tpu.memory_space<vmem>>
      %dma_start3A_333 = tpu.memref_slice %arg2[%add3A_50] : memref<320000xi32, #tpu.memory_space<hbm>> -> memref<2000xi32, #tpu.memory_space<hbm>>
      tpu.enqueue_dma source(%dma_start3A_333 : memref<2000xi32, #tpu.memory_space<hbm>>) target(%dma_start3A_332 : memref<2000xi32, #tpu.memory_space<vmem>>) target_semaphore(%run_scoped3A_325 : memref<!tpu.dma_semaphore, #tpu.memory_space<semaphore_mem>>)
      %dma_wait3A_334 = arith.constant 0 : i32
      %dma_wait3A_335 = tpu.memref_slice %arg13[%run_scoped3A_51, %dma_wait3A_334] : memref<5x2000xi32, #tpu.memory_space<vmem>> -> memref<1x2000xi32, #tpu.memory_space<vmem>>
      %dma_wait3A_336 = tpu.memref_squeeze %dma_wait3A_335 : memref<1x2000xi32, #tpu.memory_space<vmem>> -> memref<2000xi32, #tpu.memory_space<vmem>>
      %dma_wait3A_337 = tpu.memref_slice %arg2[%add3A_50] : memref<320000xi32, #tpu.memory_space<hbm>> -> memref<2000xi32, #tpu.memory_space<hbm>>
      %dma_wait3A_338 = arith.constant 0 : i32
      %dma_wait3A_339 = tpu.memref_slice %arg13[%run_scoped3A_51, %dma_wait3A_338] : memref<5x2000xi32, #tpu.memory_space<vmem>> -> memref<1x2000xi32, #tpu.memory_space<vmem>>
      %dma_wait3A_340 = tpu.memref_squeeze %dma_wait3A_339 : memref<1x2000xi32, #tpu.memory_space<vmem>> -> memref<2000xi32, #tpu.memory_space<vmem>>
      %dma_wait3A_341 = tpu.memref_slice %arg2[%add3A_50] : memref<320000xi32, #tpu.memory_space<hbm>> -> memref<2000xi32, #tpu.memory_space<hbm>>
      tpu.wait_dma2 semaphore(%run_scoped3A_325 : memref<!tpu.dma_semaphore, #tpu.memory_space<semaphore_mem>>) src(%dma_wait3A_341 : memref<2000xi32, #tpu.memory_space<hbm>>) dst(%dma_wait3A_340 : memref<2000xi32, #tpu.memory_space<vmem>>)
      tpu.yield
    }) : () -> ()
    %mul3A_52 = arith.constant 10000 : i32
    %mul3A_53 = arith.muli %add3A, %mul3A_52 : i32
    %add3A_54 = arith.constant 2000 : i32
    %add3A_55 = arith.addi %mul3A_53, %add3A_54 : i32
    %run_scoped3A_56 = arith.constant 1 : i32
    "tpu.region"() ({
      %run_scoped3A_325 = tpu.sem_alloc : memref<!tpu.dma_semaphore, #tpu.memory_space<semaphore_mem>>
      %dma_start3A_326 = arith.constant 0 : i32
      %dma_start3A_327 = tpu.memref_slice %arg14[%run_scoped3A_56, %dma_start3A_326] : memref<5x2000xi32, #tpu.memory_space<vmem>> -> memref<1x2000xi32, #tpu.memory_space<vmem>>
      %dma_start3A_328 = tpu.memref_squeeze %dma_start3A_327 : memref<1x2000xi32, #tpu.memory_space<vmem>> -> memref<2000xi32, #tpu.memory_space<vmem>>
      %dma_start3A_329 = tpu.memref_slice %arg3[%add3A_55] : memref<320000xi32, #tpu.memory_space<hbm>> -> memref<2000xi32, #tpu.memory_space<hbm>>
      %dma_start3A_330 = arith.constant 0 : i32
      %dma_start3A_331 = tpu.memref_slice %arg14[%run_scoped3A_56, %dma_start3A_330] : memref<5x2000xi32, #tpu.memory_space<vmem>> -> memref<1x2000xi32, #tpu.memory_space<vmem>>
      %dma_start3A_332 = tpu.memref_squeeze %dma_start3A_331 : memref<1x2000xi32, #tpu.memory_space<vmem>> -> memref<2000xi32, #tpu.memory_space<vmem>>
      %dma_start3A_333 = tpu.memref_slice %arg3[%add3A_55] : memref<320000xi32, #tpu.memory_space<hbm>> -> memref<2000xi32, #tpu.memory_space<hbm>>
      tpu.enqueue_dma source(%dma_start3A_333 : memref<2000xi32, #tpu.memory_space<hbm>>) target(%dma_start3A_332 : memref<2000xi32, #tpu.memory_space<vmem>>) target_semaphore(%run_scoped3A_325 : memref<!tpu.dma_semaphore, #tpu.memory_space<semaphore_mem>>)
      %dma_wait3A_334 = arith.constant 0 : i32
      %dma_wait3A_335 = tpu.memref_slice %arg14[%run_scoped3A_56, %dma_wait3A_334] : memref<5x2000xi32, #tpu.memory_space<vmem>> -> memref<1x2000xi32, #tpu.memory_space<vmem>>
      %dma_wait3A_336 = tpu.memref_squeeze %dma_wait3A_335 : memref<1x2000xi32, #tpu.memory_space<vmem>> -> memref<2000xi32, #tpu.memory_space<vmem>>
      %dma_wait3A_337 = tpu.memref_slice %arg3[%add3A_55] : memref<320000xi32, #tpu.memory_space<hbm>> -> memref<2000xi32, #tpu.memory_space<hbm>>
      %dma_wait3A_338 = arith.constant 0 : i32
      %dma_wait3A_339 = tpu.memref_slice %arg14[%run_scoped3A_56, %dma_wait3A_338] : memref<5x2000xi32, #tpu.memory_space<vmem>> -> memref<1x2000xi32, #tpu.memory_space<vmem>>
      %dma_wait3A_340 = tpu.memref_squeeze %dma_wait3A_339 : memref<1x2000xi32, #tpu.memory_space<vmem>> -> memref<2000xi32, #tpu.memory_space<vmem>>
      %dma_wait3A_341 = tpu.memref_slice %arg3[%add3A_55] : memref<320000xi32, #tpu.memory_space<hbm>> -> memref<2000xi32, #tpu.memory_space<hbm>>
      tpu.wait_dma2 semaphore(%run_scoped3A_325 : memref<!tpu.dma_semaphore, #tpu.memory_space<semaphore_mem>>) src(%dma_wait3A_341 : memref<2000xi32, #tpu.memory_space<hbm>>) dst(%dma_wait3A_340 : memref<2000xi32, #tpu.memory_space<vmem>>)
      tpu.yield
    }) : () -> ()
    %mul3A_57 = arith.constant 10000 : i32
    %mul3A_58 = arith.muli %add3A, %mul3A_57 : i32
    %add3A_59 = arith.constant 4000 : i32
    %add3A_60 = arith.addi %mul3A_58, %add3A_59 : i32
    %run_scoped3A_61 = arith.constant 2 : i32
    "tpu.region"() ({
      %run_scoped3A_325 = tpu.sem_alloc : memref<!tpu.dma_semaphore, #tpu.memory_space<semaphore_mem>>
      %dma_start3A_326 = arith.constant 0 : i32
      %dma_start3A_327 = tpu.memref_slice %arg13[%run_scoped3A_61, %dma_start3A_326] : memref<5x2000xi32, #tpu.memory_space<vmem>> -> memref<1x2000xi32, #tpu.memory_space<vmem>>
      %dma_start3A_328 = tpu.memref_squeeze %dma_start3A_327 : memref<1x2000xi32, #tpu.memory_space<vmem>> -> memref<2000xi32, #tpu.memory_space<vmem>>
      %dma_start3A_329 = tpu.memref_slice %arg2[%add3A_60] : memref<320000xi32, #tpu.memory_space<hbm>> -> memref<2000xi32, #tpu.memory_space<hbm>>
      %dma_start3A_330 = arith.constant 0 : i32
      %dma_start3A_331 = tpu.memref_slice %arg13[%run_scoped3A_61, %dma_start3A_330] : memref<5x2000xi32, #tpu.memory_space<vmem>> -> memref<1x2000xi32, #tpu.memory_space<vmem>>
      %dma_start3A_332 = tpu.memref_squeeze %dma_start3A_331 : memref<1x2000xi32, #tpu.memory_space<vmem>> -> memref<2000xi32, #tpu.memory_space<vmem>>
      %dma_start3A_333 = tpu.memref_slice %arg2[%add3A_60] : memref<320000xi32, #tpu.memory_space<hbm>> -> memref<2000xi32, #tpu.memory_space<hbm>>
      tpu.enqueue_dma source(%dma_start3A_333 : memref<2000xi32, #tpu.memory_space<hbm>>) target(%dma_start3A_332 : memref<2000xi32, #tpu.memory_space<vmem>>) target_semaphore(%run_scoped3A_325 : memref<!tpu.dma_semaphore, #tpu.memory_space<semaphore_mem>>)
      %dma_wait3A_334 = arith.constant 0 : i32
      %dma_wait3A_335 = tpu.memref_slice %arg13[%run_scoped3A_61, %dma_wait3A_334] : memref<5x2000xi32, #tpu.memory_space<vmem>> -> memref<1x2000xi32, #tpu.memory_space<vmem>>
      %dma_wait3A_336 = tpu.memref_squeeze %dma_wait3A_335 : memref<1x2000xi32, #tpu.memory_space<vmem>> -> memref<2000xi32, #tpu.memory_space<vmem>>
      %dma_wait3A_337 = tpu.memref_slice %arg2[%add3A_60] : memref<320000xi32, #tpu.memory_space<hbm>> -> memref<2000xi32, #tpu.memory_space<hbm>>
      %dma_wait3A_338 = arith.constant 0 : i32
      %dma_wait3A_339 = tpu.memref_slice %arg13[%run_scoped3A_61, %dma_wait3A_338] : memref<5x2000xi32, #tpu.memory_space<vmem>> -> memref<1x2000xi32, #tpu.memory_space<vmem>>
      %dma_wait3A_340 = tpu.memref_squeeze %dma_wait3A_339 : memref<1x2000xi32, #tpu.memory_space<vmem>> -> memref<2000xi32, #tpu.memory_space<vmem>>
      %dma_wait3A_341 = tpu.memref_slice %arg2[%add3A_60] : memref<320000xi32, #tpu.memory_space<hbm>> -> memref<2000xi32, #tpu.memory_space<hbm>>
      tpu.wait_dma2 semaphore(%run_scoped3A_325 : memref<!tpu.dma_semaphore, #tpu.memory_space<semaphore_mem>>) src(%dma_wait3A_341 : memref<2000xi32, #tpu.memory_space<hbm>>) dst(%dma_wait3A_340 : memref<2000xi32, #tpu.memory_space<vmem>>)
      tpu.yield
    }) : () -> ()
    %mul3A_62 = arith.constant 10000 : i32
    %mul3A_63 = arith.muli %add3A, %mul3A_62 : i32
    %add3A_64 = arith.constant 4000 : i32
    %add3A_65 = arith.addi %mul3A_63, %add3A_64 : i32
    %run_scoped3A_66 = arith.constant 2 : i32
    "tpu.region"() ({
      %run_scoped3A_325 = tpu.sem_alloc : memref<!tpu.dma_semaphore, #tpu.memory_space<semaphore_mem>>
      %dma_start3A_326 = arith.constant 0 : i32
      %dma_start3A_327 = tpu.memref_slice %arg14[%run_scoped3A_66, %dma_start3A_326] : memref<5x2000xi32, #tpu.memory_space<vmem>> -> memref<1x2000xi32, #tpu.memory_space<vmem>>
      %dma_start3A_328 = tpu.memref_squeeze %dma_start3A_327 : memref<1x2000xi32, #tpu.memory_space<vmem>> -> memref<2000xi32, #tpu.memory_space<vmem>>
      %dma_start3A_329 = tpu.memref_slice %arg3[%add3A_65] : memref<320000xi32, #tpu.memory_space<hbm>> -> memref<2000xi32, #tpu.memory_space<hbm>>
      %dma_start3A_330 = arith.constant 0 : i32
      %dma_start3A_331 = tpu.memref_slice %arg14[%run_scoped3A_66, %dma_start3A_330] : memref<5x2000xi32, #tpu.memory_space<vmem>> -> memref<1x2000xi32, #tpu.memory_space<vmem>>
      %dma_start3A_332 = tpu.memref_squeeze %dma_start3A_331 : memref<1x2000xi32, #tpu.memory_space<vmem>> -> memref<2000xi32, #tpu.memory_space<vmem>>
      %dma_start3A_333 = tpu.memref_slice %arg3[%add3A_65] : memref<320000xi32, #tpu.memory_space<hbm>> -> memref<2000xi32, #tpu.memory_space<hbm>>
      tpu.enqueue_dma source(%dma_start3A_333 : memref<2000xi32, #tpu.memory_space<hbm>>) target(%dma_start3A_332 : memref<2000xi32, #tpu.memory_space<vmem>>) target_semaphore(%run_scoped3A_325 : memref<!tpu.dma_semaphore, #tpu.memory_space<semaphore_mem>>)
      %dma_wait3A_334 = arith.constant 0 : i32
      %dma_wait3A_335 = tpu.memref_slice %arg14[%run_scoped3A_66, %dma_wait3A_334] : memref<5x2000xi32, #tpu.memory_space<vmem>> -> memref<1x2000xi32, #tpu.memory_space<vmem>>
      %dma_wait3A_336 = tpu.memref_squeeze %dma_wait3A_335 : memref<1x2000xi32, #tpu.memory_space<vmem>> -> memref<2000xi32, #tpu.memory_space<vmem>>
      %dma_wait3A_337 = tpu.memref_slice %arg3[%add3A_65] : memref<320000xi32, #tpu.memory_space<hbm>> -> memref<2000xi32, #tpu.memory_space<hbm>>
      %dma_wait3A_338 = arith.constant 0 : i32
      %dma_wait3A_339 = tpu.memref_slice %arg14[%run_scoped3A_66, %dma_wait3A_338] : memref<5x2000xi32, #tpu.memory_space<vmem>> -> memref<1x2000xi32, #tpu.memory_space<vmem>>
      %dma_wait3A_340 = tpu.memref_squeeze %dma_wait3A_339 : memref<1x2000xi32, #tpu.memory_space<vmem>> -> memref<2000xi32, #tpu.memory_space<vmem>>
      %dma_wait3A_341 = tpu.memref_slice %arg3[%add3A_65] : memref<320000xi32, #tpu.memory_space<hbm>> -> memref<2000xi32, #tpu.memory_space<hbm>>
      tpu.wait_dma2 semaphore(%run_scoped3A_325 : memref<!tpu.dma_semaphore, #tpu.memory_space<semaphore_mem>>) src(%dma_wait3A_341 : memref<2000xi32, #tpu.memory_space<hbm>>) dst(%dma_wait3A_340 : memref<2000xi32, #tpu.memory_space<vmem>>)
      tpu.yield
    }) : () -> ()
    %mul3A_67 = arith.constant 10000 : i32
    %mul3A_68 = arith.muli %add3A, %mul3A_67 : i32
    %add3A_69 = arith.constant 6000 : i32
    %add3A_70 = arith.addi %mul3A_68, %add3A_69 : i32
    %run_scoped3A_71 = arith.constant 3 : i32
    "tpu.region"() ({
      %run_scoped3A_325 = tpu.sem_alloc : memref<!tpu.dma_semaphore, #tpu.memory_space<semaphore_mem>>
      %dma_start3A_326 = arith.constant 0 : i32
      %dma_start3A_327 = tpu.memref_slice %arg13[%run_scoped3A_71, %dma_start3A_326] : memref<5x2000xi32, #tpu.memory_space<vmem>> -> memref<1x2000xi32, #tpu.memory_space<vmem>>
      %dma_start3A_328 = tpu.memref_squeeze %dma_start3A_327 : memref<1x2000xi32, #tpu.memory_space<vmem>> -> memref<2000xi32, #tpu.memory_space<vmem>>
      %dma_start3A_329 = tpu.memref_slice %arg2[%add3A_70] : memref<320000xi32, #tpu.memory_space<hbm>> -> memref<2000xi32, #tpu.memory_space<hbm>>
      %dma_start3A_330 = arith.constant 0 : i32
      %dma_start3A_331 = tpu.memref_slice %arg13[%run_scoped3A_71, %dma_start3A_330] : memref<5x2000xi32, #tpu.memory_space<vmem>> -> memref<1x2000xi32, #tpu.memory_space<vmem>>
      %dma_start3A_332 = tpu.memref_squeeze %dma_start3A_331 : memref<1x2000xi32, #tpu.memory_space<vmem>> -> memref<2000xi32, #tpu.memory_space<vmem>>
      %dma_start3A_333 = tpu.memref_slice %arg2[%add3A_70] : memref<320000xi32, #tpu.memory_space<hbm>> -> memref<2000xi32, #tpu.memory_space<hbm>>
      tpu.enqueue_dma source(%dma_start3A_333 : memref<2000xi32, #tpu.memory_space<hbm>>) target(%dma_start3A_332 : memref<2000xi32, #tpu.memory_space<vmem>>) target_semaphore(%run_scoped3A_325 : memref<!tpu.dma_semaphore, #tpu.memory_space<semaphore_mem>>)
      %dma_wait3A_334 = arith.constant 0 : i32
      %dma_wait3A_335 = tpu.memref_slice %arg13[%run_scoped3A_71, %dma_wait3A_334] : memref<5x2000xi32, #tpu.memory_space<vmem>> -> memref<1x2000xi32, #tpu.memory_space<vmem>>
      %dma_wait3A_336 = tpu.memref_squeeze %dma_wait3A_335 : memref<1x2000xi32, #tpu.memory_space<vmem>> -> memref<2000xi32, #tpu.memory_space<vmem>>
      %dma_wait3A_337 = tpu.memref_slice %arg2[%add3A_70] : memref<320000xi32, #tpu.memory_space<hbm>> -> memref<2000xi32, #tpu.memory_space<hbm>>
      %dma_wait3A_338 = arith.constant 0 : i32
      %dma_wait3A_339 = tpu.memref_slice %arg13[%run_scoped3A_71, %dma_wait3A_338] : memref<5x2000xi32, #tpu.memory_space<vmem>> -> memref<1x2000xi32, #tpu.memory_space<vmem>>
      %dma_wait3A_340 = tpu.memref_squeeze %dma_wait3A_339 : memref<1x2000xi32, #tpu.memory_space<vmem>> -> memref<2000xi32, #tpu.memory_space<vmem>>
      %dma_wait3A_341 = tpu.memref_slice %arg2[%add3A_70] : memref<320000xi32, #tpu.memory_space<hbm>> -> memref<2000xi32, #tpu.memory_space<hbm>>
      tpu.wait_dma2 semaphore(%run_scoped3A_325 : memref<!tpu.dma_semaphore, #tpu.memory_space<semaphore_mem>>) src(%dma_wait3A_341 : memref<2000xi32, #tpu.memory_space<hbm>>) dst(%dma_wait3A_340 : memref<2000xi32, #tpu.memory_space<vmem>>)
      tpu.yield
    }) : () -> ()
    %mul3A_72 = arith.constant 10000 : i32
    %mul3A_73 = arith.muli %add3A, %mul3A_72 : i32
    %add3A_74 = arith.constant 6000 : i32
    %add3A_75 = arith.addi %mul3A_73, %add3A_74 : i32
    %run_scoped3A_76 = arith.constant 3 : i32
    "tpu.region"() ({
      %run_scoped3A_325 = tpu.sem_alloc : memref<!tpu.dma_semaphore, #tpu.memory_space<semaphore_mem>>
      %dma_start3A_326 = arith.constant 0 : i32
      %dma_start3A_327 = tpu.memref_slice %arg14[%run_scoped3A_76, %dma_start3A_326] : memref<5x2000xi32, #tpu.memory_space<vmem>> -> memref<1x2000xi32, #tpu.memory_space<vmem>>
      %dma_start3A_328 = tpu.memref_squeeze %dma_start3A_327 : memref<1x2000xi32, #tpu.memory_space<vmem>> -> memref<2000xi32, #tpu.memory_space<vmem>>
      %dma_start3A_329 = tpu.memref_slice %arg3[%add3A_75] : memref<320000xi32, #tpu.memory_space<hbm>> -> memref<2000xi32, #tpu.memory_space<hbm>>
      %dma_start3A_330 = arith.constant 0 : i32
      %dma_start3A_331 = tpu.memref_slice %arg14[%run_scoped3A_76, %dma_start3A_330] : memref<5x2000xi32, #tpu.memory_space<vmem>> -> memref<1x2000xi32, #tpu.memory_space<vmem>>
      %dma_start3A_332 = tpu.memref_squeeze %dma_start3A_331 : memref<1x2000xi32, #tpu.memory_space<vmem>> -> memref<2000xi32, #tpu.memory_space<vmem>>
      %dma_start3A_333 = tpu.memref_slice %arg3[%add3A_75] : memref<320000xi32, #tpu.memory_space<hbm>> -> memref<2000xi32, #tpu.memory_space<hbm>>
      tpu.enqueue_dma source(%dma_start3A_333 : memref<2000xi32, #tpu.memory_space<hbm>>) target(%dma_start3A_332 : memref<2000xi32, #tpu.memory_space<vmem>>) target_semaphore(%run_scoped3A_325 : memref<!tpu.dma_semaphore, #tpu.memory_space<semaphore_mem>>)
      %dma_wait3A_334 = arith.constant 0 : i32
      %dma_wait3A_335 = tpu.memref_slice %arg14[%run_scoped3A_76, %dma_wait3A_334] : memref<5x2000xi32, #tpu.memory_space<vmem>> -> memref<1x2000xi32, #tpu.memory_space<vmem>>
      %dma_wait3A_336 = tpu.memref_squeeze %dma_wait3A_335 : memref<1x2000xi32, #tpu.memory_space<vmem>> -> memref<2000xi32, #tpu.memory_space<vmem>>
      %dma_wait3A_337 = tpu.memref_slice %arg3[%add3A_75] : memref<320000xi32, #tpu.memory_space<hbm>> -> memref<2000xi32, #tpu.memory_space<hbm>>
      %dma_wait3A_338 = arith.constant 0 : i32
      %dma_wait3A_339 = tpu.memref_slice %arg14[%run_scoped3A_76, %dma_wait3A_338] : memref<5x2000xi32, #tpu.memory_space<vmem>> -> memref<1x2000xi32, #tpu.memory_space<vmem>>
      %dma_wait3A_340 = tpu.memref_squeeze %dma_wait3A_339 : memref<1x2000xi32, #tpu.memory_space<vmem>> -> memref<2000xi32, #tpu.memory_space<vmem>>
      %dma_wait3A_341 = tpu.memref_slice %arg3[%add3A_75] : memref<320000xi32, #tpu.memory_space<hbm>> -> memref<2000xi32, #tpu.memory_space<hbm>>
      tpu.wait_dma2 semaphore(%run_scoped3A_325 : memref<!tpu.dma_semaphore, #tpu.memory_space<semaphore_mem>>) src(%dma_wait3A_341 : memref<2000xi32, #tpu.memory_space<hbm>>) dst(%dma_wait3A_340 : memref<2000xi32, #tpu.memory_space<vmem>>)
      tpu.yield
    }) : () -> ()
    %mul3A_77 = arith.constant 10000 : i32
    %mul3A_78 = arith.muli %add3A, %mul3A_77 : i32
    %add3A_79 = arith.constant 8000 : i32
    %add3A_80 = arith.addi %mul3A_78, %add3A_79 : i32
    %run_scoped3A_81 = arith.constant 4 : i32
    "tpu.region"() ({
      %run_scoped3A_325 = tpu.sem_alloc : memref<!tpu.dma_semaphore, #tpu.memory_space<semaphore_mem>>
      %dma_start3A_326 = arith.constant 0 : i32
      %dma_start3A_327 = tpu.memref_slice %arg13[%run_scoped3A_81, %dma_start3A_326] : memref<5x2000xi32, #tpu.memory_space<vmem>> -> memref<1x2000xi32, #tpu.memory_space<vmem>>
      %dma_start3A_328 = tpu.memref_squeeze %dma_start3A_327 : memref<1x2000xi32, #tpu.memory_space<vmem>> -> memref<2000xi32, #tpu.memory_space<vmem>>
      %dma_start3A_329 = tpu.memref_slice %arg2[%add3A_80] : memref<320000xi32, #tpu.memory_space<hbm>> -> memref<2000xi32, #tpu.memory_space<hbm>>
      %dma_start3A_330 = arith.constant 0 : i32
      %dma_start3A_331 = tpu.memref_slice %arg13[%run_scoped3A_81, %dma_start3A_330] : memref<5x2000xi32, #tpu.memory_space<vmem>> -> memref<1x2000xi32, #tpu.memory_space<vmem>>
      %dma_start3A_332 = tpu.memref_squeeze %dma_start3A_331 : memref<1x2000xi32, #tpu.memory_space<vmem>> -> memref<2000xi32, #tpu.memory_space<vmem>>
      %dma_start3A_333 = tpu.memref_slice %arg2[%add3A_80] : memref<320000xi32, #tpu.memory_space<hbm>> -> memref<2000xi32, #tpu.memory_space<hbm>>
      tpu.enqueue_dma source(%dma_start3A_333 : memref<2000xi32, #tpu.memory_space<hbm>>) target(%dma_start3A_332 : memref<2000xi32, #tpu.memory_space<vmem>>) target_semaphore(%run_scoped3A_325 : memref<!tpu.dma_semaphore, #tpu.memory_space<semaphore_mem>>)
      %dma_wait3A_334 = arith.constant 0 : i32
      %dma_wait3A_335 = tpu.memref_slice %arg13[%run_scoped3A_81, %dma_wait3A_334] : memref<5x2000xi32, #tpu.memory_space<vmem>> -> memref<1x2000xi32, #tpu.memory_space<vmem>>
      %dma_wait3A_336 = tpu.memref_squeeze %dma_wait3A_335 : memref<1x2000xi32, #tpu.memory_space<vmem>> -> memref<2000xi32, #tpu.memory_space<vmem>>
      %dma_wait3A_337 = tpu.memref_slice %arg2[%add3A_80] : memref<320000xi32, #tpu.memory_space<hbm>> -> memref<2000xi32, #tpu.memory_space<hbm>>
      %dma_wait3A_338 = arith.constant 0 : i32
      %dma_wait3A_339 = tpu.memref_slice %arg13[%run_scoped3A_81, %dma_wait3A_338] : memref<5x2000xi32, #tpu.memory_space<vmem>> -> memref<1x2000xi32, #tpu.memory_space<vmem>>
      %dma_wait3A_340 = tpu.memref_squeeze %dma_wait3A_339 : memref<1x2000xi32, #tpu.memory_space<vmem>> -> memref<2000xi32, #tpu.memory_space<vmem>>
      %dma_wait3A_341 = tpu.memref_slice %arg2[%add3A_80] : memref<320000xi32, #tpu.memory_space<hbm>> -> memref<2000xi32, #tpu.memory_space<hbm>>
      tpu.wait_dma2 semaphore(%run_scoped3A_325 : memref<!tpu.dma_semaphore, #tpu.memory_space<semaphore_mem>>) src(%dma_wait3A_341 : memref<2000xi32, #tpu.memory_space<hbm>>) dst(%dma_wait3A_340 : memref<2000xi32, #tpu.memory_space<vmem>>)
      tpu.yield
    }) : () -> ()
    %mul3A_82 = arith.constant 10000 : i32
    %mul3A_83 = arith.muli %add3A, %mul3A_82 : i32
    %add3A_84 = arith.constant 8000 : i32
    %add3A_85 = arith.addi %mul3A_83, %add3A_84 : i32
    %run_scoped3A_86 = arith.constant 4 : i32
    "tpu.region"() ({
      %run_scoped3A_325 = tpu.sem_alloc : memref<!tpu.dma_semaphore, #tpu.memory_space<semaphore_mem>>
      %dma_start3A_326 = arith.constant 0 : i32
      %dma_start3A_327 = tpu.memref_slice %arg14[%run_scoped3A_86, %dma_start3A_326] : memref<5x2000xi32, #tpu.memory_space<vmem>> -> memref<1x2000xi32, #tpu.memory_space<vmem>>
      %dma_start3A_328 = tpu.memref_squeeze %dma_start3A_327 : memref<1x2000xi32, #tpu.memory_space<vmem>> -> memref<2000xi32, #tpu.memory_space<vmem>>
      %dma_start3A_329 = tpu.memref_slice %arg3[%add3A_85] : memref<320000xi32, #tpu.memory_space<hbm>> -> memref<2000xi32, #tpu.memory_space<hbm>>
      %dma_start3A_330 = arith.constant 0 : i32
      %dma_start3A_331 = tpu.memref_slice %arg14[%run_scoped3A_86, %dma_start3A_330] : memref<5x2000xi32, #tpu.memory_space<vmem>> -> memref<1x2000xi32, #tpu.memory_space<vmem>>
      %dma_start3A_332 = tpu.memref_squeeze %dma_start3A_331 : memref<1x2000xi32, #tpu.memory_space<vmem>> -> memref<2000xi32, #tpu.memory_space<vmem>>
      %dma_start3A_333 = tpu.memref_slice %arg3[%add3A_85] : memref<320000xi32, #tpu.memory_space<hbm>> -> memref<2000xi32, #tpu.memory_space<hbm>>
      tpu.enqueue_dma source(%dma_start3A_333 : memref<2000xi32, #tpu.memory_space<hbm>>) target(%dma_start3A_332 : memref<2000xi32, #tpu.memory_space<vmem>>) target_semaphore(%run_scoped3A_325 : memref<!tpu.dma_semaphore, #tpu.memory_space<semaphore_mem>>)
      %dma_wait3A_334 = arith.constant 0 : i32
      %dma_wait3A_335 = tpu.memref_slice %arg14[%run_scoped3A_86, %dma_wait3A_334] : memref<5x2000xi32, #tpu.memory_space<vmem>> -> memref<1x2000xi32, #tpu.memory_space<vmem>>
      %dma_wait3A_336 = tpu.memref_squeeze %dma_wait3A_335 : memref<1x2000xi32, #tpu.memory_space<vmem>> -> memref<2000xi32, #tpu.memory_space<vmem>>
      %dma_wait3A_337 = tpu.memref_slice %arg3[%add3A_85] : memref<320000xi32, #tpu.memory_space<hbm>> -> memref<2000xi32, #tpu.memory_space<hbm>>
      %dma_wait3A_338 = arith.constant 0 : i32
      %dma_wait3A_339 = tpu.memref_slice %arg14[%run_scoped3A_86, %dma_wait3A_338] : memref<5x2000xi32, #tpu.memory_space<vmem>> -> memref<1x2000xi32, #tpu.memory_space<vmem>>
      %dma_wait3A_340 = tpu.memref_squeeze %dma_wait3A_339 : memref<1x2000xi32, #tpu.memory_space<vmem>> -> memref<2000xi32, #tpu.memory_space<vmem>>
      %dma_wait3A_341 = tpu.memref_slice %arg3[%add3A_85] : memref<320000xi32, #tpu.memory_space<hbm>> -> memref<2000xi32, #tpu.memory_space<hbm>>
      tpu.wait_dma2 semaphore(%run_scoped3A_325 : memref<!tpu.dma_semaphore, #tpu.memory_space<semaphore_mem>>) src(%dma_wait3A_341 : memref<2000xi32, #tpu.memory_space<hbm>>) dst(%dma_wait3A_340 : memref<2000xi32, #tpu.memory_space<vmem>>)
      tpu.yield
    }) : () -> ()
    %dma_wait3A = arith.constant 0 : i32
    %dma_wait3A_87 = tpu.memref_slice %arg5[%dma_wait3A, %mul3A_2] : memref<2x10240xf32, #tpu.memory_space<hbm>> -> memref<1x640xf32, #tpu.memory_space<hbm>>
    %dma_wait3A_88 = tpu.memref_squeeze %dma_wait3A_87 : memref<1x640xf32, #tpu.memory_space<hbm>> -> memref<640xf32, #tpu.memory_space<hbm>>
    %dma_wait3A_89 = tpu.memref_slice %arg5[%dma_wait3A, %mul3A_2] : memref<2x10240xf32, #tpu.memory_space<hbm>> -> memref<1x640xf32, #tpu.memory_space<hbm>>
    %dma_wait3A_90 = tpu.memref_squeeze %dma_wait3A_89 : memref<1x640xf32, #tpu.memory_space<hbm>> -> memref<640xf32, #tpu.memory_space<hbm>>
    tpu.wait_dma2 semaphore(%arg28 : memref<!tpu.dma_semaphore, #tpu.memory_space<semaphore_mem>>) src(%dma_wait3A_90 : memref<640xf32, #tpu.memory_space<hbm>>) dst(%arg19 : memref<640xf32, #tpu.memory_space<vmem>>)
    %dma_wait3A_91 = arith.constant 1 : i32
    %dma_wait3A_92 = tpu.memref_slice %arg5[%dma_wait3A_91, %mul3A_2] : memref<2x10240xf32, #tpu.memory_space<hbm>> -> memref<1x640xf32, #tpu.memory_space<hbm>>
    %dma_wait3A_93 = tpu.memref_squeeze %dma_wait3A_92 : memref<1x640xf32, #tpu.memory_space<hbm>> -> memref<640xf32, #tpu.memory_space<hbm>>
    %dma_wait3A_94 = tpu.memref_slice %arg5[%dma_wait3A_91, %mul3A_2] : memref<2x10240xf32, #tpu.memory_space<hbm>> -> memref<1x640xf32, #tpu.memory_space<hbm>>
    %dma_wait3A_95 = tpu.memref_squeeze %dma_wait3A_94 : memref<1x640xf32, #tpu.memory_space<hbm>> -> memref<640xf32, #tpu.memory_space<hbm>>
    tpu.wait_dma2 semaphore(%arg28 : memref<!tpu.dma_semaphore, #tpu.memory_space<semaphore_mem>>) src(%dma_wait3A_95 : memref<640xf32, #tpu.memory_space<hbm>>) dst(%arg20 : memref<640xf32, #tpu.memory_space<vmem>>)
    %scan3A_96 = arith.constant 0 : i32
    %scan3A_97 = arith.constant 0 : i32
    %scan3A_98 = arith.constant 40 : i32
    %scan3A_99 = arith.addi %scan3A_97, %scan3A_98 : i32
    %scan3A_100 = arith.constant 1 : i32
    %scan3A_101 = scf.for %scan3A_325 = %scan3A_97 to %scan3A_99 step %scan3A_100 iter_args(%scan3A_326 = %scan3A_96) -> (i32)  : i32 {
      %mul3A_327 = arith.constant 16 : i32
      %mul3A_328 = arith.muli %scan3A_325, %mul3A_327 : i32
      %get3A_329 = arith.index_cast %mul3A_328 : i32 to index
      %get3A_330 = tpu.vector_load %arg19[%get3A_329] {strides = array<i32>} : memref<640xf32, #tpu.memory_space<vmem>>, vector<16xf32>,
      %mul3A_331 = arith.constant 16 : i32
      %mul3A_332 = arith.muli %scan3A_325, %mul3A_331 : i32
      %get3A_333 = arith.index_cast %mul3A_332 : i32 to index
      %get3A_334 = tpu.vector_load %arg20[%get3A_333] {strides = array<i32>} : memref<640xf32, #tpu.memory_space<vmem>>, vector<16xf32>,
      %add3A_335 = arith.addf %get3A_330, %get3A_334 : vector<16xf32>
      %add3A_336 = arith.constant 1.000000e+00 : f32
      %add3A_337 = vector.broadcast %add3A_336 : f32 to vector<16xf32>
      %add3A_338 = arith.addf %add3A_335, %add3A_337 : vector<16xf32>
      %bitcast3A = vector.bitcast %add3A_338 : vector<16xf32> to vector<16xi32>
      %shift_right_logical3A = arith.constant 1 : i32
      %shift_right_logical3A_339 = vector.broadcast %shift_right_logical3A : i32 to vector<16xi32>
      %shift_right_logical3A_340 = arith.shrui %bitcast3A, %shift_right_logical3A_339 : vector<16xi32>
      %sub3A = arith.constant 1597463007 : i32
      %sub3A_341 = vector.broadcast %sub3A : i32 to vector<16xi32>
      %sub3A_342 = arith.subi %sub3A_341, %shift_right_logical3A_340 : vector<16xi32>
      %bitcast3A_343 = vector.bitcast %sub3A_342 : vector<16xi32> to vector<16xf32>
      %mul3A_344 = arith.constant 5.000000e-01 : f32
      %mul3A_345 = vector.broadcast %mul3A_344 : f32 to vector<16xf32>
      %mul3A_346 = arith.mulf %add3A_338, %mul3A_345 : vector<16xf32>
      %mul3A_347 = arith.mulf %mul3A_346, %bitcast3A_343 : vector<16xf32>
      %mul3A_348 = arith.mulf %mul3A_347, %bitcast3A_343 : vector<16xf32>
      %sub3A_349 = arith.constant 1.500000e+00 : f32
      %sub3A_350 = vector.broadcast %sub3A_349 : f32 to vector<16xf32>
      %sub3A_351 = arith.subf %sub3A_350, %mul3A_348 : vector<16xf32>
      %mul3A_352 = arith.mulf %bitcast3A_343, %sub3A_351 : vector<16xf32>
      %mul3A_353 = arith.mulf %mul3A_346, %mul3A_352 : vector<16xf32>
      %mul3A_354 = arith.mulf %mul3A_353, %mul3A_352 : vector<16xf32>
      %sub3A_355 = arith.constant 1.500000e+00 : f32
      %sub3A_356 = vector.broadcast %sub3A_355 : f32 to vector<16xf32>
      %sub3A_357 = arith.subf %sub3A_356, %mul3A_354 : vector<16xf32>
      %mul3A_358 = arith.mulf %mul3A_352, %sub3A_357 : vector<16xf32>
      %mul3A_359 = arith.mulf %mul3A_346, %mul3A_358 : vector<16xf32>
      %mul3A_360 = arith.mulf %mul3A_359, %mul3A_358 : vector<16xf32>
      %sub3A_361 = arith.constant 1.500000e+00 : f32
      %sub3A_362 = vector.broadcast %sub3A_361 : f32 to vector<16xf32>
      %sub3A_363 = arith.subf %sub3A_362, %mul3A_360 : vector<16xf32>
      %mul3A_364 = arith.mulf %mul3A_358, %sub3A_363 : vector<16xf32>
      %mul3A_365 = arith.constant 16 : i32
      %mul3A_366 = arith.muli %scan3A_325, %mul3A_365 : i32
      %swap3A = arith.index_cast %mul3A_366 : i32 to index
      %swap3A_367 = tpu.vector_load %arg19[%swap3A] {strides = array<i32>} : memref<640xf32, #tpu.memory_space<vmem>>, vector<16xf32>,
      tpu.vector_store %arg19[%swap3A], %mul3A_364 {strides = array<i32>} : memref<640xf32, #tpu.memory_space<vmem>>, vector<16xf32>,
      %scan3A_368 = arith.constant 0 : i32
      scf.yield %scan3A_368 : i32
    }
    %scan3A_102 = arith.constant 40 : i32
    %dma_wait3A_103 = arith.constant 0 : i32
    %dma_wait3A_104 = tpu.memref_slice %arg4[%mul3A_2, %dma_wait3A_103] : memref<10240x16xf32, #tpu.memory_space<hbm>> -> memref<640x16xf32, #tpu.memory_space<hbm>>
    %dma_wait3A_105 = arith.constant 0 : i32
    %dma_wait3A_106 = tpu.memref_slice %arg4[%mul3A_2, %dma_wait3A_105] : memref<10240x16xf32, #tpu.memory_space<hbm>> -> memref<640x16xf32, #tpu.memory_space<hbm>>
    tpu.wait_dma2 semaphore(%arg27 : memref<!tpu.dma_semaphore, #tpu.memory_space<semaphore_mem>>) src(%dma_wait3A_106 : memref<640x16xf32, #tpu.memory_space<hbm>>) dst(%arg16 : memref<640x16xf32, #tpu.memory_space<vmem>>)
    %dma_wait3A_107 = arith.constant 0 : i32
    %dma_wait3A_108 = arith.constant 0 : i32
    %dma_wait3A_109 = tpu.memref_slice %arg6[%dma_wait3A_107, %mul3A_2, %dma_wait3A_108] : memref<2x10240x16xf32, #tpu.memory_space<hbm>> -> memref<1x640x16xf32, #tpu.memory_space<hbm>>
    %dma_wait3A_110 = tpu.memref_squeeze %dma_wait3A_109 : memref<1x640x16xf32, #tpu.memory_space<hbm>> -> memref<640x16xf32, #tpu.memory_space<hbm>>
    %dma_wait3A_111 = arith.constant 0 : i32
    %dma_wait3A_112 = tpu.memref_slice %arg6[%dma_wait3A_107, %mul3A_2, %dma_wait3A_111] : memref<2x10240x16xf32, #tpu.memory_space<hbm>> -> memref<1x640x16xf32, #tpu.memory_space<hbm>>
    %dma_wait3A_113 = tpu.memref_squeeze %dma_wait3A_112 : memref<1x640x16xf32, #tpu.memory_space<hbm>> -> memref<640x16xf32, #tpu.memory_space<hbm>>
    tpu.wait_dma2 semaphore(%arg27 : memref<!tpu.dma_semaphore, #tpu.memory_space<semaphore_mem>>) src(%dma_wait3A_113 : memref<640x16xf32, #tpu.memory_space<hbm>>) dst(%arg17 : memref<640x16xf32, #tpu.memory_space<vmem>>)
    %dma_wait3A_114 = arith.constant 1 : i32
    %dma_wait3A_115 = arith.constant 0 : i32
    %dma_wait3A_116 = tpu.memref_slice %arg6[%dma_wait3A_114, %mul3A_2, %dma_wait3A_115] : memref<2x10240x16xf32, #tpu.memory_space<hbm>> -> memref<1x640x16xf32, #tpu.memory_space<hbm>>
    %dma_wait3A_117 = tpu.memref_squeeze %dma_wait3A_116 : memref<1x640x16xf32, #tpu.memory_space<hbm>> -> memref<640x16xf32, #tpu.memory_space<hbm>>
    %dma_wait3A_118 = arith.constant 0 : i32
    %dma_wait3A_119 = tpu.memref_slice %arg6[%dma_wait3A_114, %mul3A_2, %dma_wait3A_118] : memref<2x10240x16xf32, #tpu.memory_space<hbm>> -> memref<1x640x16xf32, #tpu.memory_space<hbm>>
    %dma_wait3A_120 = tpu.memref_squeeze %dma_wait3A_119 : memref<1x640x16xf32, #tpu.memory_space<hbm>> -> memref<640x16xf32, #tpu.memory_space<hbm>>
    tpu.wait_dma2 semaphore(%arg27 : memref<!tpu.dma_semaphore, #tpu.memory_space<semaphore_mem>>) src(%dma_wait3A_120 : memref<640x16xf32, #tpu.memory_space<hbm>>) dst(%arg18 : memref<640x16xf32, #tpu.memory_space<vmem>>)
    tpu.wait_dma2 semaphore(%arg27 : memref<!tpu.dma_semaphore, #tpu.memory_space<semaphore_mem>>) src(%arg7 : memref<16xf32, #tpu.memory_space<hbm>>) dst(%arg21 : memref<16xf32, #tpu.memory_space<vmem>>)
    tpu.wait_dma2 semaphore(%arg27 : memref<!tpu.dma_semaphore, #tpu.memory_space<semaphore_mem>>) src(%arg8 : memref<16xf32, #tpu.memory_space<hbm>>) dst(%arg22 : memref<16xf32, #tpu.memory_space<vmem>>)
    tpu.wait_dma2 semaphore(%arg27 : memref<!tpu.dma_semaphore, #tpu.memory_space<semaphore_mem>>) src(%arg9 : memref<16xf32, #tpu.memory_space<hbm>>) dst(%arg23 : memref<16xf32, #tpu.memory_space<vmem>>)
    %get3A = arith.constant 0 : index
    %get3A_121 = tpu.vector_load %arg21[%get3A] {strides = array<i32>} : memref<16xf32, #tpu.memory_space<vmem>>, vector<16xf32>,
    %scan3A_122 = arith.constant 0 : i32
    %scan3A_123 = arith.constant 0 : i32
    %scan3A_124 = arith.constant 640 : i32
    %scan3A_125 = arith.addi %scan3A_123, %scan3A_124 : i32
    %scan3A_126 = arith.constant 1 : i32
    %scan3A_127 = scf.for %scan3A_325 = %scan3A_123 to %scan3A_125 step %scan3A_126 iter_args(%scan3A_326 = %scan3A_122) -> (i32)  : i32 {
      %broadcast_in_dim3A = vector.broadcast %scan3A_325 : i32 to vector<16xi32>
      %gather3A = tpu.vector_load_idx %arg19[%broadcast_in_dim3A] : memref<640xf32, #tpu.memory_space<vmem>>[vector<16xi32>], vector<16xf32>,
      %get3A_327 = arith.index_cast %scan3A_325 : i32 to index
      %get3A_328 = arith.constant 0 : index
      %get3A_329 = tpu.vector_load %arg16[%get3A_327, %get3A_328] {strides = array<i32>} : memref<640x16xf32, #tpu.memory_space<vmem>>, vector<16xf32>,
      %mul3A_330 = arith.mulf %get3A_329, %gather3A : vector<16xf32>
      %get3A_331 = arith.index_cast %scan3A_325 : i32 to index
      %get3A_332 = arith.constant 0 : index
      %get3A_333 = tpu.vector_load %arg17[%get3A_331, %get3A_332] {strides = array<i32>} : memref<640x16xf32, #tpu.memory_space<vmem>>, vector<16xf32>,
      %get3A_334 = arith.index_cast %scan3A_325 : i32 to index
      %get3A_335 = arith.constant 0 : index
      %get3A_336 = tpu.vector_load %arg18[%get3A_334, %get3A_335] {strides = array<i32>} : memref<640x16xf32, #tpu.memory_space<vmem>>, vector<16xf32>,
      %add3A_337 = arith.addf %get3A_333, %get3A_336 : vector<16xf32>
      %add3A_338 = arith.addf %add3A_337, %mul3A_330 : vector<16xf32>
      %mul3A_339 = arith.mulf %add3A_338, %gather3A : vector<16xf32>
      %add3A_340 = arith.addf %mul3A_339, %get3A_121 : vector<16xf32>
      %max3A = arith.constant 0.000000e+00 : f32
      %max3A_341 = vector.broadcast %max3A : f32 to vector<16xf32>
      %max3A_342 = arith.maximumf %add3A_340, %max3A_341 : vector<16xf32>
      %mul3A_343 = arith.mulf %max3A_342, %gather3A : vector<16xf32>
      %swap3A = arith.index_cast %scan3A_325 : i32 to index
      %swap3A_344 = arith.constant 0 : index
      %swap3A_345 = tpu.vector_load %arg16[%swap3A, %swap3A_344] {strides = array<i32>} : memref<640x16xf32, #tpu.memory_space<vmem>>, vector<16xf32>,
      tpu.vector_store %arg16[%swap3A, %swap3A_344], %mul3A_343 {strides = array<i32>} : memref<640x16xf32, #tpu.memory_space<vmem>>, vector<16xf32>,
      %scan3A_346 = arith.constant 0 : i32
      scf.yield %scan3A_346 : i32
    }
    %scan3A_128 = arith.constant 640 : i32
    %mul3A_129 = arith.constant 640 : i32
    %mul3A_130 = arith.muli %arg1, %mul3A_129 : i32
    "tpu.region"() ({
      %run_scoped3A_325 = tpu.sem_alloc : memref<!tpu.dma_semaphore, #tpu.memory_space<semaphore_mem>>
      %dma_start3A_326 = arith.constant 0 : i32
      %dma_start3A_327 = tpu.memref_slice %arg12[%arg0, %mul3A_130, %dma_start3A_326] : memref<2x10240x16xf32, #tpu.memory_space<hbm>> -> memref<1x640x16xf32, #tpu.memory_space<hbm>>
      %dma_start3A_328 = tpu.memref_squeeze %dma_start3A_327 : memref<1x640x16xf32, #tpu.memory_space<hbm>> -> memref<640x16xf32, #tpu.memory_space<hbm>>
      %dma_start3A_329 = arith.constant 0 : i32
      %dma_start3A_330 = tpu.memref_slice %arg12[%arg0, %mul3A_130, %dma_start3A_329] : memref<2x10240x16xf32, #tpu.memory_space<hbm>> -> memref<1x640x16xf32, #tpu.memory_space<hbm>>
      %dma_start3A_331 = tpu.memref_squeeze %dma_start3A_330 : memref<1x640x16xf32, #tpu.memory_space<hbm>> -> memref<640x16xf32, #tpu.memory_space<hbm>>
      tpu.enqueue_dma source(%arg16 : memref<640x16xf32, #tpu.memory_space<vmem>>) target(%dma_start3A_331 : memref<640x16xf32, #tpu.memory_space<hbm>>) target_semaphore(%run_scoped3A_325 : memref<!tpu.dma_semaphore, #tpu.memory_space<semaphore_mem>>)
      %dma_wait3A_332 = arith.constant 0 : i32
      %dma_wait3A_333 = tpu.memref_slice %arg12[%arg0, %mul3A_130, %dma_wait3A_332] : memref<2x10240x16xf32, #tpu.memory_space<hbm>> -> memref<1x640x16xf32, #tpu.memory_space<hbm>>
      %dma_wait3A_334 = tpu.memref_squeeze %dma_wait3A_333 : memref<1x640x16xf32, #tpu.memory_space<hbm>> -> memref<640x16xf32, #tpu.memory_space<hbm>>
      %dma_wait3A_335 = arith.constant 0 : i32
      %dma_wait3A_336 = tpu.memref_slice %arg12[%arg0, %mul3A_130, %dma_wait3A_335] : memref<2x10240x16xf32, #tpu.memory_space<hbm>> -> memref<1x640x16xf32, #tpu.memory_space<hbm>>
      %dma_wait3A_337 = tpu.memref_squeeze %dma_wait3A_336 : memref<1x640x16xf32, #tpu.memory_space<hbm>> -> memref<640x16xf32, #tpu.memory_space<hbm>>
      tpu.wait_dma2 semaphore(%run_scoped3A_325 : memref<!tpu.dma_semaphore, #tpu.memory_space<semaphore_mem>>) src(%arg16 : memref<640x16xf32, #tpu.memory_space<vmem>>) dst(%dma_wait3A_337 : memref<640x16xf32, #tpu.memory_space<hbm>>)
      tpu.yield
    }) : () -> ()
    %barrier3A = arith.constant 0 : index
    tpu.barrier barrier_id(%barrier3A)
    %dma_start3A_131 = arith.constant 0 : i32
    %dma_start3A_132 = arith.constant 0 : i32
    %dma_start3A_133 = arith.constant 0 : i32
    %dma_start3A_134 = arith.constant 0 : i32
    %dma_start3A_135 = tpu.memref_slice %arg15[%dma_start3A_132, %dma_start3A_133, %dma_start3A_134] : memref<2x2000x16xf32, #tpu.memory_space<vmem>> -> memref<1x2000x16xf32, #tpu.memory_space<vmem>>
    %dma_start3A_136 = tpu.memref_squeeze %dma_start3A_135 : memref<1x2000x16xf32, #tpu.memory_space<vmem>> -> memref<2000x16xf32, #tpu.memory_space<vmem>>
    %dma_start3A_137 = arith.constant 0 : i32
    %dma_start3A_138 = tpu.memref_slice %arg13[%dma_start3A_131, %dma_start3A_137] : memref<5x2000xi32, #tpu.memory_space<vmem>> -> memref<1x2000xi32, #tpu.memory_space<vmem>>
    %dma_start3A_139 = tpu.memref_squeeze %dma_start3A_138 : memref<1x2000xi32, #tpu.memory_space<vmem>> -> memref<2000xi32, #tpu.memory_space<vmem>>
    %dma_start3A_140 = arith.constant 0 : i32
    %dma_start3A_141 = arith.constant 0 : i32
    %dma_start3A_142 = tpu.memref_slice %arg12[%arg0, %dma_start3A_140, %dma_start3A_141] : memref<2x10240x16xf32, #tpu.memory_space<hbm>> -> memref<1x10240x16xf32, #tpu.memory_space<hbm>>
    %dma_start3A_143 = tpu.memref_squeeze %dma_start3A_142 : memref<1x10240x16xf32, #tpu.memory_space<hbm>> -> memref<10240x16xf32, #tpu.memory_space<hbm>>
    %dma_start3A_144 = arith.constant 0 : i32
    %dma_start3A_145 = arith.constant 0 : i32
    %dma_start3A_146 = tpu.memref_slice %dma_start3A_143[%dma_start3A_144, %dma_start3A_145] : memref<10240x16xf32, #tpu.memory_space<hbm>> -> memref<10240x16xf32, #tpu.memory_space<hbm>>
    tpu.enqueue_indirect_dma source(%dma_start3A_146 : memref<10240x16xf32, #tpu.memory_space<hbm>>) target(%dma_start3A_136 : memref<2000x16xf32, #tpu.memory_space<vmem>>) offsets(%dma_start3A_139 : memref<2000xi32, #tpu.memory_space<vmem>>) semaphore(%arg27 : memref<!tpu.dma_semaphore, #tpu.memory_space<semaphore_mem>>)
    %dma_start3A_147 = arith.constant 1 : i32
    %dma_start3A_148 = arith.constant 1 : i32
    %dma_start3A_149 = arith.constant 0 : i32
    %dma_start3A_150 = arith.constant 0 : i32
    %dma_start3A_151 = tpu.memref_slice %arg15[%dma_start3A_148, %dma_start3A_149, %dma_start3A_150] : memref<2x2000x16xf32, #tpu.memory_space<vmem>> -> memref<1x2000x16xf32, #tpu.memory_space<vmem>>
    %dma_start3A_152 = tpu.memref_squeeze %dma_start3A_151 : memref<1x2000x16xf32, #tpu.memory_space<vmem>> -> memref<2000x16xf32, #tpu.memory_space<vmem>>
    %dma_start3A_153 = arith.constant 0 : i32
    %dma_start3A_154 = tpu.memref_slice %arg13[%dma_start3A_147, %dma_start3A_153] : memref<5x2000xi32, #tpu.memory_space<vmem>> -> memref<1x2000xi32, #tpu.memory_space<vmem>>
    %dma_start3A_155 = tpu.memref_squeeze %dma_start3A_154 : memref<1x2000xi32, #tpu.memory_space<vmem>> -> memref<2000xi32, #tpu.memory_space<vmem>>
    %dma_start3A_156 = arith.constant 0 : i32
    %dma_start3A_157 = arith.constant 0 : i32
    %dma_start3A_158 = tpu.memref_slice %arg12[%arg0, %dma_start3A_156, %dma_start3A_157] : memref<2x10240x16xf32, #tpu.memory_space<hbm>> -> memref<1x10240x16xf32, #tpu.memory_space<hbm>>
    %dma_start3A_159 = tpu.memref_squeeze %dma_start3A_158 : memref<1x10240x16xf32, #tpu.memory_space<hbm>> -> memref<10240x16xf32, #tpu.memory_space<hbm>>
    %dma_start3A_160 = arith.constant 0 : i32
    %dma_start3A_161 = arith.constant 0 : i32
    %dma_start3A_162 = tpu.memref_slice %dma_start3A_159[%dma_start3A_160, %dma_start3A_161] : memref<10240x16xf32, #tpu.memory_space<hbm>> -> memref<10240x16xf32, #tpu.memory_space<hbm>>
    tpu.enqueue_indirect_dma source(%dma_start3A_162 : memref<10240x16xf32, #tpu.memory_space<hbm>>) target(%dma_start3A_152 : memref<2000x16xf32, #tpu.memory_space<vmem>>) offsets(%dma_start3A_155 : memref<2000xi32, #tpu.memory_space<vmem>>) semaphore(%arg28 : memref<!tpu.dma_semaphore, #tpu.memory_space<semaphore_mem>>)
    %dma_wait3A_163 = arith.constant 0 : i32
    %dma_wait3A_164 = arith.constant 0 : i32
    %dma_wait3A_165 = arith.constant 0 : i32
    %dma_wait3A_166 = arith.constant 0 : i32
    %dma_wait3A_167 = tpu.memref_slice %arg15[%dma_wait3A_164, %dma_wait3A_165, %dma_wait3A_166] : memref<2x2000x16xf32, #tpu.memory_space<vmem>> -> memref<1x2000x16xf32, #tpu.memory_space<vmem>>
    %dma_wait3A_168 = tpu.memref_squeeze %dma_wait3A_167 : memref<1x2000x16xf32, #tpu.memory_space<vmem>> -> memref<2000x16xf32, #tpu.memory_space<vmem>>
    %dma_wait3A_169 = arith.constant 0 : i32
    %dma_wait3A_170 = tpu.memref_slice %arg13[%dma_wait3A_163, %dma_wait3A_169] : memref<5x2000xi32, #tpu.memory_space<vmem>> -> memref<1x2000xi32, #tpu.memory_space<vmem>>
    %dma_wait3A_171 = tpu.memref_squeeze %dma_wait3A_170 : memref<1x2000xi32, #tpu.memory_space<vmem>> -> memref<2000xi32, #tpu.memory_space<vmem>>
    %dma_wait3A_172 = arith.constant 0 : i32
    %dma_wait3A_173 = arith.constant 0 : i32
    %dma_wait3A_174 = tpu.memref_slice %arg12[%arg0, %dma_wait3A_172, %dma_wait3A_173] : memref<2x10240x16xf32, #tpu.memory_space<hbm>> -> memref<1x10240x16xf32, #tpu.memory_space<hbm>>
    %dma_wait3A_175 = tpu.memref_squeeze %dma_wait3A_174 : memref<1x10240x16xf32, #tpu.memory_space<hbm>> -> memref<10240x16xf32, #tpu.memory_space<hbm>>
    %dma_wait3A_176 = arith.constant 0 : i32
    %dma_wait3A_177 = arith.constant 0 : i32
    %dma_wait3A_178 = tpu.memref_slice %dma_wait3A_175[%dma_wait3A_176, %dma_wait3A_177] : memref<10240x16xf32, #tpu.memory_space<hbm>> -> memref<10240x16xf32, #tpu.memory_space<hbm>>
    tpu.wait_indirect_dma semaphore(%arg27 : memref<!tpu.dma_semaphore, #tpu.memory_space<semaphore_mem>>) src(%dma_wait3A_178 : memref<10240x16xf32, #tpu.memory_space<hbm>>) dst(%dma_wait3A_168 : memref<2000x16xf32, #tpu.memory_space<vmem>>)
    %run_scoped3A_179 = arith.constant 0 : i32
    %run_scoped3A_180 = arith.constant 0 : i32
    "tpu.region"() ({
      %run_scoped3A_325 = tpu.sem_alloc : memref<!tpu.dma_semaphore, #tpu.memory_space<semaphore_mem>>
      %dma_start3A_326 = arith.constant 0 : i32
      %dma_start3A_327 = arith.constant 0 : i32
      %dma_start3A_328 = tpu.memref_slice %arg15[%run_scoped3A_179, %dma_start3A_326, %dma_start3A_327] : memref<2x2000x16xf32, #tpu.memory_space<vmem>> -> memref<1x2000x16xf32, #tpu.memory_space<vmem>>
      %dma_start3A_329 = tpu.memref_squeeze %dma_start3A_328 : memref<1x2000x16xf32, #tpu.memory_space<vmem>> -> memref<2000x16xf32, #tpu.memory_space<vmem>>
      %dma_start3A_330 = arith.constant 0 : i32
      %dma_start3A_331 = tpu.memref_slice %arg14[%run_scoped3A_180, %dma_start3A_330] : memref<5x2000xi32, #tpu.memory_space<vmem>> -> memref<1x2000xi32, #tpu.memory_space<vmem>>
      %dma_start3A_332 = tpu.memref_squeeze %dma_start3A_331 : memref<1x2000xi32, #tpu.memory_space<vmem>> -> memref<2000xi32, #tpu.memory_space<vmem>>
      %dma_start3A_333 = arith.constant 0 : i32
      %dma_start3A_334 = arith.constant 0 : i32
      %dma_start3A_335 = tpu.memref_slice %arg26[%dma_start3A_333, %dma_start3A_334] : memref<10240x16xf32, #tpu.memory_space<vmem_shared>> -> memref<10240x16xf32, #tpu.memory_space<vmem_shared>>
      tpu.enqueue_indirect_dma source(%dma_start3A_329 : memref<2000x16xf32, #tpu.memory_space<vmem>>) target(%dma_start3A_335 : memref<10240x16xf32, #tpu.memory_space<vmem_shared>>) offsets(%dma_start3A_332 : memref<2000xi32, #tpu.memory_space<vmem>>) semaphore(%run_scoped3A_325 : memref<!tpu.dma_semaphore, #tpu.memory_space<semaphore_mem>>) {add = true}
      %dma_wait3A_336 = arith.constant 0 : i32
      %dma_wait3A_337 = arith.constant 0 : i32
      %dma_wait3A_338 = tpu.memref_slice %arg15[%run_scoped3A_179, %dma_wait3A_336, %dma_wait3A_337] : memref<2x2000x16xf32, #tpu.memory_space<vmem>> -> memref<1x2000x16xf32, #tpu.memory_space<vmem>>
      %dma_wait3A_339 = tpu.memref_squeeze %dma_wait3A_338 : memref<1x2000x16xf32, #tpu.memory_space<vmem>> -> memref<2000x16xf32, #tpu.memory_space<vmem>>
      %dma_wait3A_340 = arith.constant 0 : i32
      %dma_wait3A_341 = tpu.memref_slice %arg14[%run_scoped3A_180, %dma_wait3A_340] : memref<5x2000xi32, #tpu.memory_space<vmem>> -> memref<1x2000xi32, #tpu.memory_space<vmem>>
      %dma_wait3A_342 = tpu.memref_squeeze %dma_wait3A_341 : memref<1x2000xi32, #tpu.memory_space<vmem>> -> memref<2000xi32, #tpu.memory_space<vmem>>
      %dma_wait3A_343 = arith.constant 0 : i32
      %dma_wait3A_344 = arith.constant 0 : i32
      %dma_wait3A_345 = tpu.memref_slice %arg26[%dma_wait3A_343, %dma_wait3A_344] : memref<10240x16xf32, #tpu.memory_space<vmem_shared>> -> memref<10240x16xf32, #tpu.memory_space<vmem_shared>>
      tpu.wait_indirect_dma semaphore(%run_scoped3A_325 : memref<!tpu.dma_semaphore, #tpu.memory_space<semaphore_mem>>) src(%dma_wait3A_339 : memref<2000x16xf32, #tpu.memory_space<vmem>>) dst(%dma_wait3A_345 : memref<10240x16xf32, #tpu.memory_space<vmem_shared>>)
      tpu.yield
    }) : () -> ()
    %dma_start3A_181 = arith.constant 2 : i32
    %dma_start3A_182 = arith.constant 0 : i32
    %dma_start3A_183 = arith.constant 0 : i32
    %dma_start3A_184 = arith.constant 0 : i32
    %dma_start3A_185 = tpu.memref_slice %arg15[%dma_start3A_182, %dma_start3A_183, %dma_start3A_184] : memref<2x2000x16xf32, #tpu.memory_space<vmem>> -> memref<1x2000x16xf32, #tpu.memory_space<vmem>>
    %dma_start3A_186 = tpu.memref_squeeze %dma_start3A_185 : memref<1x2000x16xf32, #tpu.memory_space<vmem>> -> memref<2000x16xf32, #tpu.memory_space<vmem>>
    %dma_start3A_187 = arith.constant 0 : i32
    %dma_start3A_188 = tpu.memref_slice %arg13[%dma_start3A_181, %dma_start3A_187] : memref<5x2000xi32, #tpu.memory_space<vmem>> -> memref<1x2000xi32, #tpu.memory_space<vmem>>
    %dma_start3A_189 = tpu.memref_squeeze %dma_start3A_188 : memref<1x2000xi32, #tpu.memory_space<vmem>> -> memref<2000xi32, #tpu.memory_space<vmem>>
    %dma_start3A_190 = arith.constant 0 : i32
    %dma_start3A_191 = arith.constant 0 : i32
    %dma_start3A_192 = tpu.memref_slice %arg12[%arg0, %dma_start3A_190, %dma_start3A_191] : memref<2x10240x16xf32, #tpu.memory_space<hbm>> -> memref<1x10240x16xf32, #tpu.memory_space<hbm>>
    %dma_start3A_193 = tpu.memref_squeeze %dma_start3A_192 : memref<1x10240x16xf32, #tpu.memory_space<hbm>> -> memref<10240x16xf32, #tpu.memory_space<hbm>>
    %dma_start3A_194 = arith.constant 0 : i32
    %dma_start3A_195 = arith.constant 0 : i32
    %dma_start3A_196 = tpu.memref_slice %dma_start3A_193[%dma_start3A_194, %dma_start3A_195] : memref<10240x16xf32, #tpu.memory_space<hbm>> -> memref<10240x16xf32, #tpu.memory_space<hbm>>
    tpu.enqueue_indirect_dma source(%dma_start3A_196 : memref<10240x16xf32, #tpu.memory_space<hbm>>) target(%dma_start3A_186 : memref<2000x16xf32, #tpu.memory_space<vmem>>) offsets(%dma_start3A_189 : memref<2000xi32, #tpu.memory_space<vmem>>) semaphore(%arg27 : memref<!tpu.dma_semaphore, #tpu.memory_space<semaphore_mem>>)
    %dma_wait3A_197 = arith.constant 1 : i32
    %dma_wait3A_198 = arith.constant 1 : i32
    %dma_wait3A_199 = arith.constant 0 : i32
    %dma_wait3A_200 = arith.constant 0 : i32
    %dma_wait3A_201 = tpu.memref_slice %arg15[%dma_wait3A_198, %dma_wait3A_199, %dma_wait3A_200] : memref<2x2000x16xf32, #tpu.memory_space<vmem>> -> memref<1x2000x16xf32, #tpu.memory_space<vmem>>
    %dma_wait3A_202 = tpu.memref_squeeze %dma_wait3A_201 : memref<1x2000x16xf32, #tpu.memory_space<vmem>> -> memref<2000x16xf32, #tpu.memory_space<vmem>>
    %dma_wait3A_203 = arith.constant 0 : i32
    %dma_wait3A_204 = tpu.memref_slice %arg13[%dma_wait3A_197, %dma_wait3A_203] : memref<5x2000xi32, #tpu.memory_space<vmem>> -> memref<1x2000xi32, #tpu.memory_space<vmem>>
    %dma_wait3A_205 = tpu.memref_squeeze %dma_wait3A_204 : memref<1x2000xi32, #tpu.memory_space<vmem>> -> memref<2000xi32, #tpu.memory_space<vmem>>
    %dma_wait3A_206 = arith.constant 0 : i32
    %dma_wait3A_207 = arith.constant 0 : i32
    %dma_wait3A_208 = tpu.memref_slice %arg12[%arg0, %dma_wait3A_206, %dma_wait3A_207] : memref<2x10240x16xf32, #tpu.memory_space<hbm>> -> memref<1x10240x16xf32, #tpu.memory_space<hbm>>
    %dma_wait3A_209 = tpu.memref_squeeze %dma_wait3A_208 : memref<1x10240x16xf32, #tpu.memory_space<hbm>> -> memref<10240x16xf32, #tpu.memory_space<hbm>>
    %dma_wait3A_210 = arith.constant 0 : i32
    %dma_wait3A_211 = arith.constant 0 : i32
    %dma_wait3A_212 = tpu.memref_slice %dma_wait3A_209[%dma_wait3A_210, %dma_wait3A_211] : memref<10240x16xf32, #tpu.memory_space<hbm>> -> memref<10240x16xf32, #tpu.memory_space<hbm>>
    tpu.wait_indirect_dma semaphore(%arg28 : memref<!tpu.dma_semaphore, #tpu.memory_space<semaphore_mem>>) src(%dma_wait3A_212 : memref<10240x16xf32, #tpu.memory_space<hbm>>) dst(%dma_wait3A_202 : memref<2000x16xf32, #tpu.memory_space<vmem>>)
    %run_scoped3A_213 = arith.constant 1 : i32
    %run_scoped3A_214 = arith.constant 1 : i32
    "tpu.region"() ({
      %run_scoped3A_325 = tpu.sem_alloc : memref<!tpu.dma_semaphore, #tpu.memory_space<semaphore_mem>>
      %dma_start3A_326 = arith.constant 0 : i32
      %dma_start3A_327 = arith.constant 0 : i32
      %dma_start3A_328 = tpu.memref_slice %arg15[%run_scoped3A_213, %dma_start3A_326, %dma_start3A_327] : memref<2x2000x16xf32, #tpu.memory_space<vmem>> -> memref<1x2000x16xf32, #tpu.memory_space<vmem>>
      %dma_start3A_329 = tpu.memref_squeeze %dma_start3A_328 : memref<1x2000x16xf32, #tpu.memory_space<vmem>> -> memref<2000x16xf32, #tpu.memory_space<vmem>>
      %dma_start3A_330 = arith.constant 0 : i32
      %dma_start3A_331 = tpu.memref_slice %arg14[%run_scoped3A_214, %dma_start3A_330] : memref<5x2000xi32, #tpu.memory_space<vmem>> -> memref<1x2000xi32, #tpu.memory_space<vmem>>
      %dma_start3A_332 = tpu.memref_squeeze %dma_start3A_331 : memref<1x2000xi32, #tpu.memory_space<vmem>> -> memref<2000xi32, #tpu.memory_space<vmem>>
      %dma_start3A_333 = arith.constant 0 : i32
      %dma_start3A_334 = arith.constant 0 : i32
      %dma_start3A_335 = tpu.memref_slice %arg26[%dma_start3A_333, %dma_start3A_334] : memref<10240x16xf32, #tpu.memory_space<vmem_shared>> -> memref<10240x16xf32, #tpu.memory_space<vmem_shared>>
      tpu.enqueue_indirect_dma source(%dma_start3A_329 : memref<2000x16xf32, #tpu.memory_space<vmem>>) target(%dma_start3A_335 : memref<10240x16xf32, #tpu.memory_space<vmem_shared>>) offsets(%dma_start3A_332 : memref<2000xi32, #tpu.memory_space<vmem>>) semaphore(%run_scoped3A_325 : memref<!tpu.dma_semaphore, #tpu.memory_space<semaphore_mem>>) {add = true}
      %dma_wait3A_336 = arith.constant 0 : i32
      %dma_wait3A_337 = arith.constant 0 : i32
      %dma_wait3A_338 = tpu.memref_slice %arg15[%run_scoped3A_213, %dma_wait3A_336, %dma_wait3A_337] : memref<2x2000x16xf32, #tpu.memory_space<vmem>> -> memref<1x2000x16xf32, #tpu.memory_space<vmem>>
      %dma_wait3A_339 = tpu.memref_squeeze %dma_wait3A_338 : memref<1x2000x16xf32, #tpu.memory_space<vmem>> -> memref<2000x16xf32, #tpu.memory_space<vmem>>
      %dma_wait3A_340 = arith.constant 0 : i32
      %dma_wait3A_341 = tpu.memref_slice %arg14[%run_scoped3A_214, %dma_wait3A_340] : memref<5x2000xi32, #tpu.memory_space<vmem>> -> memref<1x2000xi32, #tpu.memory_space<vmem>>
      %dma_wait3A_342 = tpu.memref_squeeze %dma_wait3A_341 : memref<1x2000xi32, #tpu.memory_space<vmem>> -> memref<2000xi32, #tpu.memory_space<vmem>>
      %dma_wait3A_343 = arith.constant 0 : i32
      %dma_wait3A_344 = arith.constant 0 : i32
      %dma_wait3A_345 = tpu.memref_slice %arg26[%dma_wait3A_343, %dma_wait3A_344] : memref<10240x16xf32, #tpu.memory_space<vmem_shared>> -> memref<10240x16xf32, #tpu.memory_space<vmem_shared>>
      tpu.wait_indirect_dma semaphore(%run_scoped3A_325 : memref<!tpu.dma_semaphore, #tpu.memory_space<semaphore_mem>>) src(%dma_wait3A_339 : memref<2000x16xf32, #tpu.memory_space<vmem>>) dst(%dma_wait3A_345 : memref<10240x16xf32, #tpu.memory_space<vmem_shared>>)
      tpu.yield
    }) : () -> ()
    %dma_start3A_215 = arith.constant 3 : i32
    %dma_start3A_216 = arith.constant 1 : i32
    %dma_start3A_217 = arith.constant 0 : i32
    %dma_start3A_218 = arith.constant 0 : i32
    %dma_start3A_219 = tpu.memref_slice %arg15[%dma_start3A_216, %dma_start3A_217, %dma_start3A_218] : memref<2x2000x16xf32, #tpu.memory_space<vmem>> -> memref<1x2000x16xf32, #tpu.memory_space<vmem>>
    %dma_start3A_220 = tpu.memref_squeeze %dma_start3A_219 : memref<1x2000x16xf32, #tpu.memory_space<vmem>> -> memref<2000x16xf32, #tpu.memory_space<vmem>>
    %dma_start3A_221 = arith.constant 0 : i32
    %dma_start3A_222 = tpu.memref_slice %arg13[%dma_start3A_215, %dma_start3A_221] : memref<5x2000xi32, #tpu.memory_space<vmem>> -> memref<1x2000xi32, #tpu.memory_space<vmem>>
    %dma_start3A_223 = tpu.memref_squeeze %dma_start3A_222 : memref<1x2000xi32, #tpu.memory_space<vmem>> -> memref<2000xi32, #tpu.memory_space<vmem>>
    %dma_start3A_224 = arith.constant 0 : i32
    %dma_start3A_225 = arith.constant 0 : i32
    %dma_start3A_226 = tpu.memref_slice %arg12[%arg0, %dma_start3A_224, %dma_start3A_225] : memref<2x10240x16xf32, #tpu.memory_space<hbm>> -> memref<1x10240x16xf32, #tpu.memory_space<hbm>>
    %dma_start3A_227 = tpu.memref_squeeze %dma_start3A_226 : memref<1x10240x16xf32, #tpu.memory_space<hbm>> -> memref<10240x16xf32, #tpu.memory_space<hbm>>
    %dma_start3A_228 = arith.constant 0 : i32
    %dma_start3A_229 = arith.constant 0 : i32
    %dma_start3A_230 = tpu.memref_slice %dma_start3A_227[%dma_start3A_228, %dma_start3A_229] : memref<10240x16xf32, #tpu.memory_space<hbm>> -> memref<10240x16xf32, #tpu.memory_space<hbm>>
    tpu.enqueue_indirect_dma source(%dma_start3A_230 : memref<10240x16xf32, #tpu.memory_space<hbm>>) target(%dma_start3A_220 : memref<2000x16xf32, #tpu.memory_space<vmem>>) offsets(%dma_start3A_223 : memref<2000xi32, #tpu.memory_space<vmem>>) semaphore(%arg28 : memref<!tpu.dma_semaphore, #tpu.memory_space<semaphore_mem>>)
    %dma_wait3A_231 = arith.constant 2 : i32
    %dma_wait3A_232 = arith.constant 0 : i32
    %dma_wait3A_233 = arith.constant 0 : i32
    %dma_wait3A_234 = arith.constant 0 : i32
    %dma_wait3A_235 = tpu.memref_slice %arg15[%dma_wait3A_232, %dma_wait3A_233, %dma_wait3A_234] : memref<2x2000x16xf32, #tpu.memory_space<vmem>> -> memref<1x2000x16xf32, #tpu.memory_space<vmem>>
    %dma_wait3A_236 = tpu.memref_squeeze %dma_wait3A_235 : memref<1x2000x16xf32, #tpu.memory_space<vmem>> -> memref<2000x16xf32, #tpu.memory_space<vmem>>
    %dma_wait3A_237 = arith.constant 0 : i32
    %dma_wait3A_238 = tpu.memref_slice %arg13[%dma_wait3A_231, %dma_wait3A_237] : memref<5x2000xi32, #tpu.memory_space<vmem>> -> memref<1x2000xi32, #tpu.memory_space<vmem>>
    %dma_wait3A_239 = tpu.memref_squeeze %dma_wait3A_238 : memref<1x2000xi32, #tpu.memory_space<vmem>> -> memref<2000xi32, #tpu.memory_space<vmem>>
    %dma_wait3A_240 = arith.constant 0 : i32
    %dma_wait3A_241 = arith.constant 0 : i32
    %dma_wait3A_242 = tpu.memref_slice %arg12[%arg0, %dma_wait3A_240, %dma_wait3A_241] : memref<2x10240x16xf32, #tpu.memory_space<hbm>> -> memref<1x10240x16xf32, #tpu.memory_space<hbm>>
    %dma_wait3A_243 = tpu.memref_squeeze %dma_wait3A_242 : memref<1x10240x16xf32, #tpu.memory_space<hbm>> -> memref<10240x16xf32, #tpu.memory_space<hbm>>
    %dma_wait3A_244 = arith.constant 0 : i32
    %dma_wait3A_245 = arith.constant 0 : i32
    %dma_wait3A_246 = tpu.memref_slice %dma_wait3A_243[%dma_wait3A_244, %dma_wait3A_245] : memref<10240x16xf32, #tpu.memory_space<hbm>> -> memref<10240x16xf32, #tpu.memory_space<hbm>>
    tpu.wait_indirect_dma semaphore(%arg27 : memref<!tpu.dma_semaphore, #tpu.memory_space<semaphore_mem>>) src(%dma_wait3A_246 : memref<10240x16xf32, #tpu.memory_space<hbm>>) dst(%dma_wait3A_236 : memref<2000x16xf32, #tpu.memory_space<vmem>>)
    %run_scoped3A_247 = arith.constant 0 : i32
    %run_scoped3A_248 = arith.constant 2 : i32
    "tpu.region"() ({
      %run_scoped3A_325 = tpu.sem_alloc : memref<!tpu.dma_semaphore, #tpu.memory_space<semaphore_mem>>
      %dma_start3A_326 = arith.constant 0 : i32
      %dma_start3A_327 = arith.constant 0 : i32
      %dma_start3A_328 = tpu.memref_slice %arg15[%run_scoped3A_247, %dma_start3A_326, %dma_start3A_327] : memref<2x2000x16xf32, #tpu.memory_space<vmem>> -> memref<1x2000x16xf32, #tpu.memory_space<vmem>>
      %dma_start3A_329 = tpu.memref_squeeze %dma_start3A_328 : memref<1x2000x16xf32, #tpu.memory_space<vmem>> -> memref<2000x16xf32, #tpu.memory_space<vmem>>
      %dma_start3A_330 = arith.constant 0 : i32
      %dma_start3A_331 = tpu.memref_slice %arg14[%run_scoped3A_248, %dma_start3A_330] : memref<5x2000xi32, #tpu.memory_space<vmem>> -> memref<1x2000xi32, #tpu.memory_space<vmem>>
      %dma_start3A_332 = tpu.memref_squeeze %dma_start3A_331 : memref<1x2000xi32, #tpu.memory_space<vmem>> -> memref<2000xi32, #tpu.memory_space<vmem>>
      %dma_start3A_333 = arith.constant 0 : i32
      %dma_start3A_334 = arith.constant 0 : i32
      %dma_start3A_335 = tpu.memref_slice %arg26[%dma_start3A_333, %dma_start3A_334] : memref<10240x16xf32, #tpu.memory_space<vmem_shared>> -> memref<10240x16xf32, #tpu.memory_space<vmem_shared>>
      tpu.enqueue_indirect_dma source(%dma_start3A_329 : memref<2000x16xf32, #tpu.memory_space<vmem>>) target(%dma_start3A_335 : memref<10240x16xf32, #tpu.memory_space<vmem_shared>>) offsets(%dma_start3A_332 : memref<2000xi32, #tpu.memory_space<vmem>>) semaphore(%run_scoped3A_325 : memref<!tpu.dma_semaphore, #tpu.memory_space<semaphore_mem>>) {add = true}
      %dma_wait3A_336 = arith.constant 0 : i32
      %dma_wait3A_337 = arith.constant 0 : i32
      %dma_wait3A_338 = tpu.memref_slice %arg15[%run_scoped3A_247, %dma_wait3A_336, %dma_wait3A_337] : memref<2x2000x16xf32, #tpu.memory_space<vmem>> -> memref<1x2000x16xf32, #tpu.memory_space<vmem>>
      %dma_wait3A_339 = tpu.memref_squeeze %dma_wait3A_338 : memref<1x2000x16xf32, #tpu.memory_space<vmem>> -> memref<2000x16xf32, #tpu.memory_space<vmem>>
      %dma_wait3A_340 = arith.constant 0 : i32
      %dma_wait3A_341 = tpu.memref_slice %arg14[%run_scoped3A_248, %dma_wait3A_340] : memref<5x2000xi32, #tpu.memory_space<vmem>> -> memref<1x2000xi32, #tpu.memory_space<vmem>>
      %dma_wait3A_342 = tpu.memref_squeeze %dma_wait3A_341 : memref<1x2000xi32, #tpu.memory_space<vmem>> -> memref<2000xi32, #tpu.memory_space<vmem>>
      %dma_wait3A_343 = arith.constant 0 : i32
      %dma_wait3A_344 = arith.constant 0 : i32
      %dma_wait3A_345 = tpu.memref_slice %arg26[%dma_wait3A_343, %dma_wait3A_344] : memref<10240x16xf32, #tpu.memory_space<vmem_shared>> -> memref<10240x16xf32, #tpu.memory_space<vmem_shared>>
      tpu.wait_indirect_dma semaphore(%run_scoped3A_325 : memref<!tpu.dma_semaphore, #tpu.memory_space<semaphore_mem>>) src(%dma_wait3A_339 : memref<2000x16xf32, #tpu.memory_space<vmem>>) dst(%dma_wait3A_345 : memref<10240x16xf32, #tpu.memory_space<vmem_shared>>)
      tpu.yield
    }) : () -> ()
    %dma_start3A_249 = arith.constant 4 : i32
    %dma_start3A_250 = arith.constant 0 : i32
    %dma_start3A_251 = arith.constant 0 : i32
    %dma_start3A_252 = arith.constant 0 : i32
    %dma_start3A_253 = tpu.memref_slice %arg15[%dma_start3A_250, %dma_start3A_251, %dma_start3A_252] : memref<2x2000x16xf32, #tpu.memory_space<vmem>> -> memref<1x2000x16xf32, #tpu.memory_space<vmem>>
    %dma_start3A_254 = tpu.memref_squeeze %dma_start3A_253 : memref<1x2000x16xf32, #tpu.memory_space<vmem>> -> memref<2000x16xf32, #tpu.memory_space<vmem>>
    %dma_start3A_255 = arith.constant 0 : i32
    %dma_start3A_256 = tpu.memref_slice %arg13[%dma_start3A_249, %dma_start3A_255] : memref<5x2000xi32, #tpu.memory_space<vmem>> -> memref<1x2000xi32, #tpu.memory_space<vmem>>
    %dma_start3A_257 = tpu.memref_squeeze %dma_start3A_256 : memref<1x2000xi32, #tpu.memory_space<vmem>> -> memref<2000xi32, #tpu.memory_space<vmem>>
    %dma_start3A_258 = arith.constant 0 : i32
    %dma_start3A_259 = arith.constant 0 : i32
    %dma_start3A_260 = tpu.memref_slice %arg12[%arg0, %dma_start3A_258, %dma_start3A_259] : memref<2x10240x16xf32, #tpu.memory_space<hbm>> -> memref<1x10240x16xf32, #tpu.memory_space<hbm>>
    %dma_start3A_261 = tpu.memref_squeeze %dma_start3A_260 : memref<1x10240x16xf32, #tpu.memory_space<hbm>> -> memref<10240x16xf32, #tpu.memory_space<hbm>>
    %dma_start3A_262 = arith.constant 0 : i32
    %dma_start3A_263 = arith.constant 0 : i32
    %dma_start3A_264 = tpu.memref_slice %dma_start3A_261[%dma_start3A_262, %dma_start3A_263] : memref<10240x16xf32, #tpu.memory_space<hbm>> -> memref<10240x16xf32, #tpu.memory_space<hbm>>
    tpu.enqueue_indirect_dma source(%dma_start3A_264 : memref<10240x16xf32, #tpu.memory_space<hbm>>) target(%dma_start3A_254 : memref<2000x16xf32, #tpu.memory_space<vmem>>) offsets(%dma_start3A_257 : memref<2000xi32, #tpu.memory_space<vmem>>) semaphore(%arg27 : memref<!tpu.dma_semaphore, #tpu.memory_space<semaphore_mem>>)
    %dma_wait3A_265 = arith.constant 3 : i32
    %dma_wait3A_266 = arith.constant 1 : i32
    %dma_wait3A_267 = arith.constant 0 : i32
    %dma_wait3A_268 = arith.constant 0 : i32
    %dma_wait3A_269 = tpu.memref_slice %arg15[%dma_wait3A_266, %dma_wait3A_267, %dma_wait3A_268] : memref<2x2000x16xf32, #tpu.memory_space<vmem>> -> memref<1x2000x16xf32, #tpu.memory_space<vmem>>
    %dma_wait3A_270 = tpu.memref_squeeze %dma_wait3A_269 : memref<1x2000x16xf32, #tpu.memory_space<vmem>> -> memref<2000x16xf32, #tpu.memory_space<vmem>>
    %dma_wait3A_271 = arith.constant 0 : i32
    %dma_wait3A_272 = tpu.memref_slice %arg13[%dma_wait3A_265, %dma_wait3A_271] : memref<5x2000xi32, #tpu.memory_space<vmem>> -> memref<1x2000xi32, #tpu.memory_space<vmem>>
    %dma_wait3A_273 = tpu.memref_squeeze %dma_wait3A_272 : memref<1x2000xi32, #tpu.memory_space<vmem>> -> memref<2000xi32, #tpu.memory_space<vmem>>
    %dma_wait3A_274 = arith.constant 0 : i32
    %dma_wait3A_275 = arith.constant 0 : i32
    %dma_wait3A_276 = tpu.memref_slice %arg12[%arg0, %dma_wait3A_274, %dma_wait3A_275] : memref<2x10240x16xf32, #tpu.memory_space<hbm>> -> memref<1x10240x16xf32, #tpu.memory_space<hbm>>
    %dma_wait3A_277 = tpu.memref_squeeze %dma_wait3A_276 : memref<1x10240x16xf32, #tpu.memory_space<hbm>> -> memref<10240x16xf32, #tpu.memory_space<hbm>>
    %dma_wait3A_278 = arith.constant 0 : i32
    %dma_wait3A_279 = arith.constant 0 : i32
    %dma_wait3A_280 = tpu.memref_slice %dma_wait3A_277[%dma_wait3A_278, %dma_wait3A_279] : memref<10240x16xf32, #tpu.memory_space<hbm>> -> memref<10240x16xf32, #tpu.memory_space<hbm>>
    tpu.wait_indirect_dma semaphore(%arg28 : memref<!tpu.dma_semaphore, #tpu.memory_space<semaphore_mem>>) src(%dma_wait3A_280 : memref<10240x16xf32, #tpu.memory_space<hbm>>) dst(%dma_wait3A_270 : memref<2000x16xf32, #tpu.memory_space<vmem>>)
    %run_scoped3A_281 = arith.constant 1 : i32
    %run_scoped3A_282 = arith.constant 3 : i32
    "tpu.region"() ({
      %run_scoped3A_325 = tpu.sem_alloc : memref<!tpu.dma_semaphore, #tpu.memory_space<semaphore_mem>>
      %dma_start3A_326 = arith.constant 0 : i32
      %dma_start3A_327 = arith.constant 0 : i32
      %dma_start3A_328 = tpu.memref_slice %arg15[%run_scoped3A_281, %dma_start3A_326, %dma_start3A_327] : memref<2x2000x16xf32, #tpu.memory_space<vmem>> -> memref<1x2000x16xf32, #tpu.memory_space<vmem>>
      %dma_start3A_329 = tpu.memref_squeeze %dma_start3A_328 : memref<1x2000x16xf32, #tpu.memory_space<vmem>> -> memref<2000x16xf32, #tpu.memory_space<vmem>>
      %dma_start3A_330 = arith.constant 0 : i32
      %dma_start3A_331 = tpu.memref_slice %arg14[%run_scoped3A_282, %dma_start3A_330] : memref<5x2000xi32, #tpu.memory_space<vmem>> -> memref<1x2000xi32, #tpu.memory_space<vmem>>
      %dma_start3A_332 = tpu.memref_squeeze %dma_start3A_331 : memref<1x2000xi32, #tpu.memory_space<vmem>> -> memref<2000xi32, #tpu.memory_space<vmem>>
      %dma_start3A_333 = arith.constant 0 : i32
      %dma_start3A_334 = arith.constant 0 : i32
      %dma_start3A_335 = tpu.memref_slice %arg26[%dma_start3A_333, %dma_start3A_334] : memref<10240x16xf32, #tpu.memory_space<vmem_shared>> -> memref<10240x16xf32, #tpu.memory_space<vmem_shared>>
      tpu.enqueue_indirect_dma source(%dma_start3A_329 : memref<2000x16xf32, #tpu.memory_space<vmem>>) target(%dma_start3A_335 : memref<10240x16xf32, #tpu.memory_space<vmem_shared>>) offsets(%dma_start3A_332 : memref<2000xi32, #tpu.memory_space<vmem>>) semaphore(%run_scoped3A_325 : memref<!tpu.dma_semaphore, #tpu.memory_space<semaphore_mem>>) {add = true}
      %dma_wait3A_336 = arith.constant 0 : i32
      %dma_wait3A_337 = arith.constant 0 : i32
      %dma_wait3A_338 = tpu.memref_slice %arg15[%run_scoped3A_281, %dma_wait3A_336, %dma_wait3A_337] : memref<2x2000x16xf32, #tpu.memory_space<vmem>> -> memref<1x2000x16xf32, #tpu.memory_space<vmem>>
      %dma_wait3A_339 = tpu.memref_squeeze %dma_wait3A_338 : memref<1x2000x16xf32, #tpu.memory_space<vmem>> -> memref<2000x16xf32, #tpu.memory_space<vmem>>
      %dma_wait3A_340 = arith.constant 0 : i32
      %dma_wait3A_341 = tpu.memref_slice %arg14[%run_scoped3A_282, %dma_wait3A_340] : memref<5x2000xi32, #tpu.memory_space<vmem>> -> memref<1x2000xi32, #tpu.memory_space<vmem>>
      %dma_wait3A_342 = tpu.memref_squeeze %dma_wait3A_341 : memref<1x2000xi32, #tpu.memory_space<vmem>> -> memref<2000xi32, #tpu.memory_space<vmem>>
      %dma_wait3A_343 = arith.constant 0 : i32
      %dma_wait3A_344 = arith.constant 0 : i32
      %dma_wait3A_345 = tpu.memref_slice %arg26[%dma_wait3A_343, %dma_wait3A_344] : memref<10240x16xf32, #tpu.memory_space<vmem_shared>> -> memref<10240x16xf32, #tpu.memory_space<vmem_shared>>
      tpu.wait_indirect_dma semaphore(%run_scoped3A_325 : memref<!tpu.dma_semaphore, #tpu.memory_space<semaphore_mem>>) src(%dma_wait3A_339 : memref<2000x16xf32, #tpu.memory_space<vmem>>) dst(%dma_wait3A_345 : memref<10240x16xf32, #tpu.memory_space<vmem_shared>>)
      tpu.yield
    }) : () -> ()
    %dma_wait3A_283 = arith.constant 4 : i32
    %dma_wait3A_284 = arith.constant 0 : i32
    %dma_wait3A_285 = arith.constant 0 : i32
    %dma_wait3A_286 = arith.constant 0 : i32
    %dma_wait3A_287 = tpu.memref_slice %arg15[%dma_wait3A_284, %dma_wait3A_285, %dma_wait3A_286] : memref<2x2000x16xf32, #tpu.memory_space<vmem>> -> memref<1x2000x16xf32, #tpu.memory_space<vmem>>
    %dma_wait3A_288 = tpu.memref_squeeze %dma_wait3A_287 : memref<1x2000x16xf32, #tpu.memory_space<vmem>> -> memref<2000x16xf32, #tpu.memory_space<vmem>>
    %dma_wait3A_289 = arith.constant 0 : i32
    %dma_wait3A_290 = tpu.memref_slice %arg13[%dma_wait3A_283, %dma_wait3A_289] : memref<5x2000xi32, #tpu.memory_space<vmem>> -> memref<1x2000xi32, #tpu.memory_space<vmem>>
    %dma_wait3A_291 = tpu.memref_squeeze %dma_wait3A_290 : memref<1x2000xi32, #tpu.memory_space<vmem>> -> memref<2000xi32, #tpu.memory_space<vmem>>
    %dma_wait3A_292 = arith.constant 0 : i32
    %dma_wait3A_293 = arith.constant 0 : i32
    %dma_wait3A_294 = tpu.memref_slice %arg12[%arg0, %dma_wait3A_292, %dma_wait3A_293] : memref<2x10240x16xf32, #tpu.memory_space<hbm>> -> memref<1x10240x16xf32, #tpu.memory_space<hbm>>
    %dma_wait3A_295 = tpu.memref_squeeze %dma_wait3A_294 : memref<1x10240x16xf32, #tpu.memory_space<hbm>> -> memref<10240x16xf32, #tpu.memory_space<hbm>>
    %dma_wait3A_296 = arith.constant 0 : i32
    %dma_wait3A_297 = arith.constant 0 : i32
    %dma_wait3A_298 = tpu.memref_slice %dma_wait3A_295[%dma_wait3A_296, %dma_wait3A_297] : memref<10240x16xf32, #tpu.memory_space<hbm>> -> memref<10240x16xf32, #tpu.memory_space<hbm>>
    tpu.wait_indirect_dma semaphore(%arg27 : memref<!tpu.dma_semaphore, #tpu.memory_space<semaphore_mem>>) src(%dma_wait3A_298 : memref<10240x16xf32, #tpu.memory_space<hbm>>) dst(%dma_wait3A_288 : memref<2000x16xf32, #tpu.memory_space<vmem>>)
    %run_scoped3A_299 = arith.constant 0 : i32
    %run_scoped3A_300 = arith.constant 4 : i32
    "tpu.region"() ({
      %run_scoped3A_325 = tpu.sem_alloc : memref<!tpu.dma_semaphore, #tpu.memory_space<semaphore_mem>>
      %dma_start3A_326 = arith.constant 0 : i32
      %dma_start3A_327 = arith.constant 0 : i32
      %dma_start3A_328 = tpu.memref_slice %arg15[%run_scoped3A_299, %dma_start3A_326, %dma_start3A_327] : memref<2x2000x16xf32, #tpu.memory_space<vmem>> -> memref<1x2000x16xf32, #tpu.memory_space<vmem>>
      %dma_start3A_329 = tpu.memref_squeeze %dma_start3A_328 : memref<1x2000x16xf32, #tpu.memory_space<vmem>> -> memref<2000x16xf32, #tpu.memory_space<vmem>>
      %dma_start3A_330 = arith.constant 0 : i32
      %dma_start3A_331 = tpu.memref_slice %arg14[%run_scoped3A_300, %dma_start3A_330] : memref<5x2000xi32, #tpu.memory_space<vmem>> -> memref<1x2000xi32, #tpu.memory_space<vmem>>
      %dma_start3A_332 = tpu.memref_squeeze %dma_start3A_331 : memref<1x2000xi32, #tpu.memory_space<vmem>> -> memref<2000xi32, #tpu.memory_space<vmem>>
      %dma_start3A_333 = arith.constant 0 : i32
      %dma_start3A_334 = arith.constant 0 : i32
      %dma_start3A_335 = tpu.memref_slice %arg26[%dma_start3A_333, %dma_start3A_334] : memref<10240x16xf32, #tpu.memory_space<vmem_shared>> -> memref<10240x16xf32, #tpu.memory_space<vmem_shared>>
      tpu.enqueue_indirect_dma source(%dma_start3A_329 : memref<2000x16xf32, #tpu.memory_space<vmem>>) target(%dma_start3A_335 : memref<10240x16xf32, #tpu.memory_space<vmem_shared>>) offsets(%dma_start3A_332 : memref<2000xi32, #tpu.memory_space<vmem>>) semaphore(%run_scoped3A_325 : memref<!tpu.dma_semaphore, #tpu.memory_space<semaphore_mem>>) {add = true}
      %dma_wait3A_336 = arith.constant 0 : i32
      %dma_wait3A_337 = arith.constant 0 : i32
      %dma_wait3A_338 = tpu.memref_slice %arg15[%run_scoped3A_299, %dma_wait3A_336, %dma_wait3A_337] : memref<2x2000x16xf32, #tpu.memory_space<vmem>> -> memref<1x2000x16xf32, #tpu.memory_space<vmem>>
      %dma_wait3A_339 = tpu.memref_squeeze %dma_wait3A_338 : memref<1x2000x16xf32, #tpu.memory_space<vmem>> -> memref<2000x16xf32, #tpu.memory_space<vmem>>
      %dma_wait3A_340 = arith.constant 0 : i32
      %dma_wait3A_341 = tpu.memref_slice %arg14[%run_scoped3A_300, %dma_wait3A_340] : memref<5x2000xi32, #tpu.memory_space<vmem>> -> memref<1x2000xi32, #tpu.memory_space<vmem>>
      %dma_wait3A_342 = tpu.memref_squeeze %dma_wait3A_341 : memref<1x2000xi32, #tpu.memory_space<vmem>> -> memref<2000xi32, #tpu.memory_space<vmem>>
      %dma_wait3A_343 = arith.constant 0 : i32
      %dma_wait3A_344 = arith.constant 0 : i32
      %dma_wait3A_345 = tpu.memref_slice %arg26[%dma_wait3A_343, %dma_wait3A_344] : memref<10240x16xf32, #tpu.memory_space<vmem_shared>> -> memref<10240x16xf32, #tpu.memory_space<vmem_shared>>
      tpu.wait_indirect_dma semaphore(%run_scoped3A_325 : memref<!tpu.dma_semaphore, #tpu.memory_space<semaphore_mem>>) src(%dma_wait3A_339 : memref<2000x16xf32, #tpu.memory_space<vmem>>) dst(%dma_wait3A_345 : memref<10240x16xf32, #tpu.memory_space<vmem_shared>>)
      tpu.yield
    }) : () -> ()
    %barrier3A_301 = arith.constant 0 : index
    tpu.barrier barrier_id(%barrier3A_301)
    %mul3A_302 = arith.constant 640 : i32
    %mul3A_303 = arith.muli %arg1, %mul3A_302 : i32
    "tpu.region"() ({
      %run_scoped3A_325 = tpu.sem_alloc : memref<!tpu.dma_semaphore, #tpu.memory_space<semaphore_mem>>
      %dma_start3A_326 = arith.constant 0 : i32
      %dma_start3A_327 = tpu.memref_slice %arg26[%mul3A_303, %dma_start3A_326] : memref<10240x16xf32, #tpu.memory_space<vmem_shared>> -> memref<640x16xf32, #tpu.memory_space<vmem_shared>>
      %dma_start3A_328 = arith.constant 0 : i32
      %dma_start3A_329 = tpu.memref_slice %arg26[%mul3A_303, %dma_start3A_328] : memref<10240x16xf32, #tpu.memory_space<vmem_shared>> -> memref<640x16xf32, #tpu.memory_space<vmem_shared>>
      tpu.enqueue_dma source(%dma_start3A_329 : memref<640x16xf32, #tpu.memory_space<vmem_shared>>) target(%arg17 : memref<640x16xf32, #tpu.memory_space<vmem>>) target_semaphore(%run_scoped3A_325 : memref<!tpu.dma_semaphore, #tpu.memory_space<semaphore_mem>>)
      %dma_wait3A_330 = arith.constant 0 : i32
      %dma_wait3A_331 = tpu.memref_slice %arg26[%mul3A_303, %dma_wait3A_330] : memref<10240x16xf32, #tpu.memory_space<vmem_shared>> -> memref<640x16xf32, #tpu.memory_space<vmem_shared>>
      %dma_wait3A_332 = arith.constant 0 : i32
      %dma_wait3A_333 = tpu.memref_slice %arg26[%mul3A_303, %dma_wait3A_332] : memref<10240x16xf32, #tpu.memory_space<vmem_shared>> -> memref<640x16xf32, #tpu.memory_space<vmem_shared>>
      tpu.wait_dma2 semaphore(%run_scoped3A_325 : memref<!tpu.dma_semaphore, #tpu.memory_space<semaphore_mem>>) src(%dma_wait3A_333 : memref<640x16xf32, #tpu.memory_space<vmem_shared>>) dst(%arg17 : memref<640x16xf32, #tpu.memory_space<vmem>>)
      tpu.yield
    }) : () -> ()
    "tpu.region"() ({
      %run_scoped3A_325 = tpu.sem_alloc : memref<!tpu.dma_semaphore, #tpu.memory_space<semaphore_mem>>
      tpu.enqueue_dma source(%arg10 : memref<16xf32, #tpu.memory_space<hbm>>) target(%arg21 : memref<16xf32, #tpu.memory_space<vmem>>) target_semaphore(%run_scoped3A_325 : memref<!tpu.dma_semaphore, #tpu.memory_space<semaphore_mem>>)
      tpu.wait_dma2 semaphore(%run_scoped3A_325 : memref<!tpu.dma_semaphore, #tpu.memory_space<semaphore_mem>>) src(%arg10 : memref<16xf32, #tpu.memory_space<hbm>>) dst(%arg21 : memref<16xf32, #tpu.memory_space<vmem>>)
      tpu.yield
    }) : () -> ()
    %eq3A = arith.constant 0 : i32
    %eq3A_304 = arith.cmpi eq, %arg0, %eq3A : i32
    %jit3A = arith.constant 1.000000e+00 : f32
    %jit3A_305 = arith.constant 0.000000e+00 : f32
    %select_n3A = arith.select %eq3A_304, %jit3A, %jit3A_305 : f32
    %get3A_306 = arith.constant 0 : index
    %get3A_307 = tpu.vector_load %arg22[%get3A_306] {strides = array<i32>} : memref<16xf32, #tpu.memory_space<vmem>>, vector<16xf32>,
    %get3A_308 = arith.constant 0 : index
    %get3A_309 = tpu.vector_load %arg23[%get3A_308] {strides = array<i32>} : memref<16xf32, #tpu.memory_space<vmem>>, vector<16xf32>,
    %get3A_310 = arith.constant 0 : index
    %get3A_311 = tpu.vector_load %arg21[%get3A_310] {strides = array<i32>} : memref<16xf32, #tpu.memory_space<vmem>>, vector<16xf32>,
    %iota3A = tpu.iota {dimensions = array<i32: 0>} : vector<16xi32>
    %scan3A_312 = arith.constant 0 : i32
    %scan3A_313 = arith.constant 0 : i32
    %scan3A_314 = arith.constant 40 : i32
    %scan3A_315 = arith.addi %scan3A_313, %scan3A_314 : i32
    %scan3A_316 = arith.constant 1 : i32
    %scan3A_317 = scf.for %scan3A_325 = %scan3A_313 to %scan3A_315 step %scan3A_316 iter_args(%scan3A_326 = %scan3A_312) -> (i32)  : i32 {
      %mul3A_327 = arith.constant 16 : i32
      %mul3A_328 = arith.muli %scan3A_325, %mul3A_327 : i32
      %add3A_329 = vector.broadcast %mul3A_328 : i32 to vector<16xi32>
      %add3A_330 = arith.addi %iota3A, %add3A_329 : vector<16xi32>
      %mul3A_331 = arith.constant 16 : i32
      %mul3A_332 = arith.muli %scan3A_325, %mul3A_331 : i32
      %get3A_333 = arith.index_cast %mul3A_332 : i32 to index
      %get3A_334 = tpu.vector_load %arg19[%get3A_333] {strides = array<i32>} : memref<640xf32, #tpu.memory_space<vmem>>, vector<16xf32>,
      %broadcast_in_dim3A = arith.constant 0.000000e+00 : f32
      %broadcast_in_dim3A_335 = vector.broadcast %broadcast_in_dim3A : f32 to vector<16xf32>
      %broadcast_in_dim3A_336 = arith.constant 0.000000e+00 : f32
      %broadcast_in_dim3A_337 = vector.broadcast %broadcast_in_dim3A_336 : f32 to vector<16xf32>
      %broadcast_in_dim3A_338 = arith.constant 0 : i32
      %broadcast_in_dim3A_339 = vector.broadcast %broadcast_in_dim3A_338 : i32 to vector<16xi32>
      %gather3A = tpu.vector_load_idx %arg17[%add3A_330, %broadcast_in_dim3A_339] : memref<640x16xf32, #tpu.memory_space<vmem>>[vector<16xi32>, vector<16xi32>], vector<16xf32>,
      %gather3A_340 = tpu.vector_load_idx %arg16[%add3A_330, %broadcast_in_dim3A_339] : memref<640x16xf32, #tpu.memory_space<vmem>>[vector<16xi32>, vector<16xi32>], vector<16xf32>,
      %mul3A_341 = vector.broadcast %select_n3A : f32 to vector<16xf32>
      %mul3A_342 = arith.mulf %gather3A_340, %mul3A_341 : vector<16xf32>
      %add3A_343 = arith.addf %gather3A, %mul3A_342 : vector<16xf32>
      %slice3A = vector.extract_strided_slice %get3A_307 {offsets = [0], sizes = [1], strides = [1]} : vector<16xf32> to vector<1xf32>
      %squeeze3A = vector.extract %slice3A[0] : f32 from vector<1xf32>
      %mul3A_344 = vector.broadcast %squeeze3A : f32 to vector<16xf32>
      %mul3A_345 = arith.mulf %add3A_343, %mul3A_344 : vector<16xf32>
      %add3A_346 = arith.addf %broadcast_in_dim3A_335, %mul3A_345 : vector<16xf32>
      %slice3A_347 = vector.extract_strided_slice %get3A_309 {offsets = [0], sizes = [1], strides = [1]} : vector<16xf32> to vector<1xf32>
      %squeeze3A_348 = vector.extract %slice3A_347[0] : f32 from vector<1xf32>
      %mul3A_349 = vector.broadcast %squeeze3A_348 : f32 to vector<16xf32>
      %mul3A_350 = arith.mulf %add3A_343, %mul3A_349 : vector<16xf32>
      %add3A_351 = arith.addf %broadcast_in_dim3A_337, %mul3A_350 : vector<16xf32>
      %broadcast_in_dim3A_352 = arith.constant 1 : i32
      %broadcast_in_dim3A_353 = vector.broadcast %broadcast_in_dim3A_352 : i32 to vector<16xi32>
      %gather3A_354 = tpu.vector_load_idx %arg17[%add3A_330, %broadcast_in_dim3A_353] : memref<640x16xf32, #tpu.memory_space<vmem>>[vector<16xi32>, vector<16xi32>], vector<16xf32>,
      %gather3A_355 = tpu.vector_load_idx %arg16[%add3A_330, %broadcast_in_dim3A_353] : memref<640x16xf32, #tpu.memory_space<vmem>>[vector<16xi32>, vector<16xi32>], vector<16xf32>,
      %mul3A_356 = vector.broadcast %select_n3A : f32 to vector<16xf32>
      %mul3A_357 = arith.mulf %gather3A_355, %mul3A_356 : vector<16xf32>
      %add3A_358 = arith.addf %gather3A_354, %mul3A_357 : vector<16xf32>
      %slice3A_359 = vector.extract_strided_slice %get3A_307 {offsets = [1], sizes = [1], strides = [1]} : vector<16xf32> to vector<1xf32>
      %squeeze3A_360 = vector.extract %slice3A_359[0] : f32 from vector<1xf32>
      %mul3A_361 = vector.broadcast %squeeze3A_360 : f32 to vector<16xf32>
      %mul3A_362 = arith.mulf %add3A_358, %mul3A_361 : vector<16xf32>
      %add3A_363 = arith.addf %add3A_346, %mul3A_362 : vector<16xf32>
      %slice3A_364 = vector.extract_strided_slice %get3A_309 {offsets = [1], sizes = [1], strides = [1]} : vector<16xf32> to vector<1xf32>
      %squeeze3A_365 = vector.extract %slice3A_364[0] : f32 from vector<1xf32>
      %mul3A_366 = vector.broadcast %squeeze3A_365 : f32 to vector<16xf32>
      %mul3A_367 = arith.mulf %add3A_358, %mul3A_366 : vector<16xf32>
      %add3A_368 = arith.addf %add3A_351, %mul3A_367 : vector<16xf32>
      %broadcast_in_dim3A_369 = arith.constant 2 : i32
      %broadcast_in_dim3A_370 = vector.broadcast %broadcast_in_dim3A_369 : i32 to vector<16xi32>
      %gather3A_371 = tpu.vector_load_idx %arg17[%add3A_330, %broadcast_in_dim3A_370] : memref<640x16xf32, #tpu.memory_space<vmem>>[vector<16xi32>, vector<16xi32>], vector<16xf32>,
      %gather3A_372 = tpu.vector_load_idx %arg16[%add3A_330, %broadcast_in_dim3A_370] : memref<640x16xf32, #tpu.memory_space<vmem>>[vector<16xi32>, vector<16xi32>], vector<16xf32>,
      %mul3A_373 = vector.broadcast %select_n3A : f32 to vector<16xf32>
      %mul3A_374 = arith.mulf %gather3A_372, %mul3A_373 : vector<16xf32>
      %add3A_375 = arith.addf %gather3A_371, %mul3A_374 : vector<16xf32>
      %slice3A_376 = vector.extract_strided_slice %get3A_307 {offsets = [2], sizes = [1], strides = [1]} : vector<16xf32> to vector<1xf32>
      %squeeze3A_377 = vector.extract %slice3A_376[0] : f32 from vector<1xf32>
      %mul3A_378 = vector.broadcast %squeeze3A_377 : f32 to vector<16xf32>
      %mul3A_379 = arith.mulf %add3A_375, %mul3A_378 : vector<16xf32>
      %add3A_380 = arith.addf %add3A_363, %mul3A_379 : vector<16xf32>
      %slice3A_381 = vector.extract_strided_slice %get3A_309 {offsets = [2], sizes = [1], strides = [1]} : vector<16xf32> to vector<1xf32>
      %squeeze3A_382 = vector.extract %slice3A_381[0] : f32 from vector<1xf32>
      %mul3A_383 = vector.broadcast %squeeze3A_382 : f32 to vector<16xf32>
      %mul3A_384 = arith.mulf %add3A_375, %mul3A_383 : vector<16xf32>
      %add3A_385 = arith.addf %add3A_368, %mul3A_384 : vector<16xf32>
      %broadcast_in_dim3A_386 = arith.constant 3 : i32
      %broadcast_in_dim3A_387 = vector.broadcast %broadcast_in_dim3A_386 : i32 to vector<16xi32>
      %gather3A_388 = tpu.vector_load_idx %arg17[%add3A_330, %broadcast_in_dim3A_387] : memref<640x16xf32, #tpu.memory_space<vmem>>[vector<16xi32>, vector<16xi32>], vector<16xf32>,
      %gather3A_389 = tpu.vector_load_idx %arg16[%add3A_330, %broadcast_in_dim3A_387] : memref<640x16xf32, #tpu.memory_space<vmem>>[vector<16xi32>, vector<16xi32>], vector<16xf32>,
      %mul3A_390 = vector.broadcast %select_n3A : f32 to vector<16xf32>
      %mul3A_391 = arith.mulf %gather3A_389, %mul3A_390 : vector<16xf32>
      %add3A_392 = arith.addf %gather3A_388, %mul3A_391 : vector<16xf32>
      %slice3A_393 = vector.extract_strided_slice %get3A_307 {offsets = [3], sizes = [1], strides = [1]} : vector<16xf32> to vector<1xf32>
      %squeeze3A_394 = vector.extract %slice3A_393[0] : f32 from vector<1xf32>
      %mul3A_395 = vector.broadcast %squeeze3A_394 : f32 to vector<16xf32>
      %mul3A_396 = arith.mulf %add3A_392, %mul3A_395 : vector<16xf32>
      %add3A_397 = arith.addf %add3A_380, %mul3A_396 : vector<16xf32>
      %slice3A_398 = vector.extract_strided_slice %get3A_309 {offsets = [3], sizes = [1], strides = [1]} : vector<16xf32> to vector<1xf32>
      %squeeze3A_399 = vector.extract %slice3A_398[0] : f32 from vector<1xf32>
      %mul3A_400 = vector.broadcast %squeeze3A_399 : f32 to vector<16xf32>
      %mul3A_401 = arith.mulf %add3A_392, %mul3A_400 : vector<16xf32>
      %add3A_402 = arith.addf %add3A_385, %mul3A_401 : vector<16xf32>
      %broadcast_in_dim3A_403 = arith.constant 4 : i32
      %broadcast_in_dim3A_404 = vector.broadcast %broadcast_in_dim3A_403 : i32 to vector<16xi32>
      %gather3A_405 = tpu.vector_load_idx %arg17[%add3A_330, %broadcast_in_dim3A_404] : memref<640x16xf32, #tpu.memory_space<vmem>>[vector<16xi32>, vector<16xi32>], vector<16xf32>,
      %gather3A_406 = tpu.vector_load_idx %arg16[%add3A_330, %broadcast_in_dim3A_404] : memref<640x16xf32, #tpu.memory_space<vmem>>[vector<16xi32>, vector<16xi32>], vector<16xf32>,
      %mul3A_407 = vector.broadcast %select_n3A : f32 to vector<16xf32>
      %mul3A_408 = arith.mulf %gather3A_406, %mul3A_407 : vector<16xf32>
      %add3A_409 = arith.addf %gather3A_405, %mul3A_408 : vector<16xf32>
      %slice3A_410 = vector.extract_strided_slice %get3A_307 {offsets = [4], sizes = [1], strides = [1]} : vector<16xf32> to vector<1xf32>
      %squeeze3A_411 = vector.extract %slice3A_410[0] : f32 from vector<1xf32>
      %mul3A_412 = vector.broadcast %squeeze3A_411 : f32 to vector<16xf32>
      %mul3A_413 = arith.mulf %add3A_409, %mul3A_412 : vector<16xf32>
      %add3A_414 = arith.addf %add3A_397, %mul3A_413 : vector<16xf32>
      %slice3A_415 = vector.extract_strided_slice %get3A_309 {offsets = [4], sizes = [1], strides = [1]} : vector<16xf32> to vector<1xf32>
      %squeeze3A_416 = vector.extract %slice3A_415[0] : f32 from vector<1xf32>
      %mul3A_417 = vector.broadcast %squeeze3A_416 : f32 to vector<16xf32>
      %mul3A_418 = arith.mulf %add3A_409, %mul3A_417 : vector<16xf32>
      %add3A_419 = arith.addf %add3A_402, %mul3A_418 : vector<16xf32>
      %broadcast_in_dim3A_420 = arith.constant 5 : i32
      %broadcast_in_dim3A_421 = vector.broadcast %broadcast_in_dim3A_420 : i32 to vector<16xi32>
      %gather3A_422 = tpu.vector_load_idx %arg17[%add3A_330, %broadcast_in_dim3A_421] : memref<640x16xf32, #tpu.memory_space<vmem>>[vector<16xi32>, vector<16xi32>], vector<16xf32>,
      %gather3A_423 = tpu.vector_load_idx %arg16[%add3A_330, %broadcast_in_dim3A_421] : memref<640x16xf32, #tpu.memory_space<vmem>>[vector<16xi32>, vector<16xi32>], vector<16xf32>,
      %mul3A_424 = vector.broadcast %select_n3A : f32 to vector<16xf32>
      %mul3A_425 = arith.mulf %gather3A_423, %mul3A_424 : vector<16xf32>
      %add3A_426 = arith.addf %gather3A_422, %mul3A_425 : vector<16xf32>
      %slice3A_427 = vector.extract_strided_slice %get3A_307 {offsets = [5], sizes = [1], strides = [1]} : vector<16xf32> to vector<1xf32>
      %squeeze3A_428 = vector.extract %slice3A_427[0] : f32 from vector<1xf32>
      %mul3A_429 = vector.broadcast %squeeze3A_428 : f32 to vector<16xf32>
      %mul3A_430 = arith.mulf %add3A_426, %mul3A_429 : vector<16xf32>
      %add3A_431 = arith.addf %add3A_414, %mul3A_430 : vector<16xf32>
      %slice3A_432 = vector.extract_strided_slice %get3A_309 {offsets = [5], sizes = [1], strides = [1]} : vector<16xf32> to vector<1xf32>
      %squeeze3A_433 = vector.extract %slice3A_432[0] : f32 from vector<1xf32>
      %mul3A_434 = vector.broadcast %squeeze3A_433 : f32 to vector<16xf32>
      %mul3A_435 = arith.mulf %add3A_426, %mul3A_434 : vector<16xf32>
      %add3A_436 = arith.addf %add3A_419, %mul3A_435 : vector<16xf32>
      %broadcast_in_dim3A_437 = arith.constant 6 : i32
      %broadcast_in_dim3A_438 = vector.broadcast %broadcast_in_dim3A_437 : i32 to vector<16xi32>
      %gather3A_439 = tpu.vector_load_idx %arg17[%add3A_330, %broadcast_in_dim3A_438] : memref<640x16xf32, #tpu.memory_space<vmem>>[vector<16xi32>, vector<16xi32>], vector<16xf32>,
      %gather3A_440 = tpu.vector_load_idx %arg16[%add3A_330, %broadcast_in_dim3A_438] : memref<640x16xf32, #tpu.memory_space<vmem>>[vector<16xi32>, vector<16xi32>], vector<16xf32>,
      %mul3A_441 = vector.broadcast %select_n3A : f32 to vector<16xf32>
      %mul3A_442 = arith.mulf %gather3A_440, %mul3A_441 : vector<16xf32>
      %add3A_443 = arith.addf %gather3A_439, %mul3A_442 : vector<16xf32>
      %slice3A_444 = vector.extract_strided_slice %get3A_307 {offsets = [6], sizes = [1], strides = [1]} : vector<16xf32> to vector<1xf32>
      %squeeze3A_445 = vector.extract %slice3A_444[0] : f32 from vector<1xf32>
      %mul3A_446 = vector.broadcast %squeeze3A_445 : f32 to vector<16xf32>
      %mul3A_447 = arith.mulf %add3A_443, %mul3A_446 : vector<16xf32>
      %add3A_448 = arith.addf %add3A_431, %mul3A_447 : vector<16xf32>
      %slice3A_449 = vector.extract_strided_slice %get3A_309 {offsets = [6], sizes = [1], strides = [1]} : vector<16xf32> to vector<1xf32>
      %squeeze3A_450 = vector.extract %slice3A_449[0] : f32 from vector<1xf32>
      %mul3A_451 = vector.broadcast %squeeze3A_450 : f32 to vector<16xf32>
      %mul3A_452 = arith.mulf %add3A_443, %mul3A_451 : vector<16xf32>
      %add3A_453 = arith.addf %add3A_436, %mul3A_452 : vector<16xf32>
      %broadcast_in_dim3A_454 = arith.constant 7 : i32
      %broadcast_in_dim3A_455 = vector.broadcast %broadcast_in_dim3A_454 : i32 to vector<16xi32>
      %gather3A_456 = tpu.vector_load_idx %arg17[%add3A_330, %broadcast_in_dim3A_455] : memref<640x16xf32, #tpu.memory_space<vmem>>[vector<16xi32>, vector<16xi32>], vector<16xf32>,
      %gather3A_457 = tpu.vector_load_idx %arg16[%add3A_330, %broadcast_in_dim3A_455] : memref<640x16xf32, #tpu.memory_space<vmem>>[vector<16xi32>, vector<16xi32>], vector<16xf32>,
      %mul3A_458 = vector.broadcast %select_n3A : f32 to vector<16xf32>
      %mul3A_459 = arith.mulf %gather3A_457, %mul3A_458 : vector<16xf32>
      %add3A_460 = arith.addf %gather3A_456, %mul3A_459 : vector<16xf32>
      %slice3A_461 = vector.extract_strided_slice %get3A_307 {offsets = [7], sizes = [1], strides = [1]} : vector<16xf32> to vector<1xf32>
      %squeeze3A_462 = vector.extract %slice3A_461[0] : f32 from vector<1xf32>
      %mul3A_463 = vector.broadcast %squeeze3A_462 : f32 to vector<16xf32>
      %mul3A_464 = arith.mulf %add3A_460, %mul3A_463 : vector<16xf32>
      %add3A_465 = arith.addf %add3A_448, %mul3A_464 : vector<16xf32>
      %slice3A_466 = vector.extract_strided_slice %get3A_309 {offsets = [7], sizes = [1], strides = [1]} : vector<16xf32> to vector<1xf32>
      %squeeze3A_467 = vector.extract %slice3A_466[0] : f32 from vector<1xf32>
      %mul3A_468 = vector.broadcast %squeeze3A_467 : f32 to vector<16xf32>
      %mul3A_469 = arith.mulf %add3A_460, %mul3A_468 : vector<16xf32>
      %add3A_470 = arith.addf %add3A_453, %mul3A_469 : vector<16xf32>
      %broadcast_in_dim3A_471 = arith.constant 8 : i32
      %broadcast_in_dim3A_472 = vector.broadcast %broadcast_in_dim3A_471 : i32 to vector<16xi32>
      %gather3A_473 = tpu.vector_load_idx %arg17[%add3A_330, %broadcast_in_dim3A_472] : memref<640x16xf32, #tpu.memory_space<vmem>>[vector<16xi32>, vector<16xi32>], vector<16xf32>,
      %gather3A_474 = tpu.vector_load_idx %arg16[%add3A_330, %broadcast_in_dim3A_472] : memref<640x16xf32, #tpu.memory_space<vmem>>[vector<16xi32>, vector<16xi32>], vector<16xf32>,
      %mul3A_475 = vector.broadcast %select_n3A : f32 to vector<16xf32>
      %mul3A_476 = arith.mulf %gather3A_474, %mul3A_475 : vector<16xf32>
      %add3A_477 = arith.addf %gather3A_473, %mul3A_476 : vector<16xf32>
      %slice3A_478 = vector.extract_strided_slice %get3A_307 {offsets = [8], sizes = [1], strides = [1]} : vector<16xf32> to vector<1xf32>
      %squeeze3A_479 = vector.extract %slice3A_478[0] : f32 from vector<1xf32>
      %mul3A_480 = vector.broadcast %squeeze3A_479 : f32 to vector<16xf32>
      %mul3A_481 = arith.mulf %add3A_477, %mul3A_480 : vector<16xf32>
      %add3A_482 = arith.addf %add3A_465, %mul3A_481 : vector<16xf32>
      %slice3A_483 = vector.extract_strided_slice %get3A_309 {offsets = [8], sizes = [1], strides = [1]} : vector<16xf32> to vector<1xf32>
      %squeeze3A_484 = vector.extract %slice3A_483[0] : f32 from vector<1xf32>
      %mul3A_485 = vector.broadcast %squeeze3A_484 : f32 to vector<16xf32>
      %mul3A_486 = arith.mulf %add3A_477, %mul3A_485 : vector<16xf32>
      %add3A_487 = arith.addf %add3A_470, %mul3A_486 : vector<16xf32>
      %broadcast_in_dim3A_488 = arith.constant 9 : i32
      %broadcast_in_dim3A_489 = vector.broadcast %broadcast_in_dim3A_488 : i32 to vector<16xi32>
      %gather3A_490 = tpu.vector_load_idx %arg17[%add3A_330, %broadcast_in_dim3A_489] : memref<640x16xf32, #tpu.memory_space<vmem>>[vector<16xi32>, vector<16xi32>], vector<16xf32>,
      %gather3A_491 = tpu.vector_load_idx %arg16[%add3A_330, %broadcast_in_dim3A_489] : memref<640x16xf32, #tpu.memory_space<vmem>>[vector<16xi32>, vector<16xi32>], vector<16xf32>,
      %mul3A_492 = vector.broadcast %select_n3A : f32 to vector<16xf32>
      %mul3A_493 = arith.mulf %gather3A_491, %mul3A_492 : vector<16xf32>
      %add3A_494 = arith.addf %gather3A_490, %mul3A_493 : vector<16xf32>
      %slice3A_495 = vector.extract_strided_slice %get3A_307 {offsets = [9], sizes = [1], strides = [1]} : vector<16xf32> to vector<1xf32>
      %squeeze3A_496 = vector.extract %slice3A_495[0] : f32 from vector<1xf32>
      %mul3A_497 = vector.broadcast %squeeze3A_496 : f32 to vector<16xf32>
      %mul3A_498 = arith.mulf %add3A_494, %mul3A_497 : vector<16xf32>
      %add3A_499 = arith.addf %add3A_482, %mul3A_498 : vector<16xf32>
      %slice3A_500 = vector.extract_strided_slice %get3A_309 {offsets = [9], sizes = [1], strides = [1]} : vector<16xf32> to vector<1xf32>
      %squeeze3A_501 = vector.extract %slice3A_500[0] : f32 from vector<1xf32>
      %mul3A_502 = vector.broadcast %squeeze3A_501 : f32 to vector<16xf32>
      %mul3A_503 = arith.mulf %add3A_494, %mul3A_502 : vector<16xf32>
      %add3A_504 = arith.addf %add3A_487, %mul3A_503 : vector<16xf32>
      %broadcast_in_dim3A_505 = arith.constant 10 : i32
      %broadcast_in_dim3A_506 = vector.broadcast %broadcast_in_dim3A_505 : i32 to vector<16xi32>
      %gather3A_507 = tpu.vector_load_idx %arg17[%add3A_330, %broadcast_in_dim3A_506] : memref<640x16xf32, #tpu.memory_space<vmem>>[vector<16xi32>, vector<16xi32>], vector<16xf32>,
      %gather3A_508 = tpu.vector_load_idx %arg16[%add3A_330, %broadcast_in_dim3A_506] : memref<640x16xf32, #tpu.memory_space<vmem>>[vector<16xi32>, vector<16xi32>], vector<16xf32>,
      %mul3A_509 = vector.broadcast %select_n3A : f32 to vector<16xf32>
      %mul3A_510 = arith.mulf %gather3A_508, %mul3A_509 : vector<16xf32>
      %add3A_511 = arith.addf %gather3A_507, %mul3A_510 : vector<16xf32>
      %slice3A_512 = vector.extract_strided_slice %get3A_307 {offsets = [10], sizes = [1], strides = [1]} : vector<16xf32> to vector<1xf32>
      %squeeze3A_513 = vector.extract %slice3A_512[0] : f32 from vector<1xf32>
      %mul3A_514 = vector.broadcast %squeeze3A_513 : f32 to vector<16xf32>
      %mul3A_515 = arith.mulf %add3A_511, %mul3A_514 : vector<16xf32>
      %add3A_516 = arith.addf %add3A_499, %mul3A_515 : vector<16xf32>
      %slice3A_517 = vector.extract_strided_slice %get3A_309 {offsets = [10], sizes = [1], strides = [1]} : vector<16xf32> to vector<1xf32>
      %squeeze3A_518 = vector.extract %slice3A_517[0] : f32 from vector<1xf32>
      %mul3A_519 = vector.broadcast %squeeze3A_518 : f32 to vector<16xf32>
      %mul3A_520 = arith.mulf %add3A_511, %mul3A_519 : vector<16xf32>
      %add3A_521 = arith.addf %add3A_504, %mul3A_520 : vector<16xf32>
      %broadcast_in_dim3A_522 = arith.constant 11 : i32
      %broadcast_in_dim3A_523 = vector.broadcast %broadcast_in_dim3A_522 : i32 to vector<16xi32>
      %gather3A_524 = tpu.vector_load_idx %arg17[%add3A_330, %broadcast_in_dim3A_523] : memref<640x16xf32, #tpu.memory_space<vmem>>[vector<16xi32>, vector<16xi32>], vector<16xf32>,
      %gather3A_525 = tpu.vector_load_idx %arg16[%add3A_330, %broadcast_in_dim3A_523] : memref<640x16xf32, #tpu.memory_space<vmem>>[vector<16xi32>, vector<16xi32>], vector<16xf32>,
      %mul3A_526 = vector.broadcast %select_n3A : f32 to vector<16xf32>
      %mul3A_527 = arith.mulf %gather3A_525, %mul3A_526 : vector<16xf32>
      %add3A_528 = arith.addf %gather3A_524, %mul3A_527 : vector<16xf32>
      %slice3A_529 = vector.extract_strided_slice %get3A_307 {offsets = [11], sizes = [1], strides = [1]} : vector<16xf32> to vector<1xf32>
      %squeeze3A_530 = vector.extract %slice3A_529[0] : f32 from vector<1xf32>
      %mul3A_531 = vector.broadcast %squeeze3A_530 : f32 to vector<16xf32>
      %mul3A_532 = arith.mulf %add3A_528, %mul3A_531 : vector<16xf32>
      %add3A_533 = arith.addf %add3A_516, %mul3A_532 : vector<16xf32>
      %slice3A_534 = vector.extract_strided_slice %get3A_309 {offsets = [11], sizes = [1], strides = [1]} : vector<16xf32> to vector<1xf32>
      %squeeze3A_535 = vector.extract %slice3A_534[0] : f32 from vector<1xf32>
      %mul3A_536 = vector.broadcast %squeeze3A_535 : f32 to vector<16xf32>
      %mul3A_537 = arith.mulf %add3A_528, %mul3A_536 : vector<16xf32>
      %add3A_538 = arith.addf %add3A_521, %mul3A_537 : vector<16xf32>
      %broadcast_in_dim3A_539 = arith.constant 12 : i32
      %broadcast_in_dim3A_540 = vector.broadcast %broadcast_in_dim3A_539 : i32 to vector<16xi32>
      %gather3A_541 = tpu.vector_load_idx %arg17[%add3A_330, %broadcast_in_dim3A_540] : memref<640x16xf32, #tpu.memory_space<vmem>>[vector<16xi32>, vector<16xi32>], vector<16xf32>,
      %gather3A_542 = tpu.vector_load_idx %arg16[%add3A_330, %broadcast_in_dim3A_540] : memref<640x16xf32, #tpu.memory_space<vmem>>[vector<16xi32>, vector<16xi32>], vector<16xf32>,
      %mul3A_543 = vector.broadcast %select_n3A : f32 to vector<16xf32>
      %mul3A_544 = arith.mulf %gather3A_542, %mul3A_543 : vector<16xf32>
      %add3A_545 = arith.addf %gather3A_541, %mul3A_544 : vector<16xf32>
      %slice3A_546 = vector.extract_strided_slice %get3A_307 {offsets = [12], sizes = [1], strides = [1]} : vector<16xf32> to vector<1xf32>
      %squeeze3A_547 = vector.extract %slice3A_546[0] : f32 from vector<1xf32>
      %mul3A_548 = vector.broadcast %squeeze3A_547 : f32 to vector<16xf32>
      %mul3A_549 = arith.mulf %add3A_545, %mul3A_548 : vector<16xf32>
      %add3A_550 = arith.addf %add3A_533, %mul3A_549 : vector<16xf32>
      %slice3A_551 = vector.extract_strided_slice %get3A_309 {offsets = [12], sizes = [1], strides = [1]} : vector<16xf32> to vector<1xf32>
      %squeeze3A_552 = vector.extract %slice3A_551[0] : f32 from vector<1xf32>
      %mul3A_553 = vector.broadcast %squeeze3A_552 : f32 to vector<16xf32>
      %mul3A_554 = arith.mulf %add3A_545, %mul3A_553 : vector<16xf32>
      %add3A_555 = arith.addf %add3A_538, %mul3A_554 : vector<16xf32>
      %broadcast_in_dim3A_556 = arith.constant 13 : i32
      %broadcast_in_dim3A_557 = vector.broadcast %broadcast_in_dim3A_556 : i32 to vector<16xi32>
      %gather3A_558 = tpu.vector_load_idx %arg17[%add3A_330, %broadcast_in_dim3A_557] : memref<640x16xf32, #tpu.memory_space<vmem>>[vector<16xi32>, vector<16xi32>], vector<16xf32>,
      %gather3A_559 = tpu.vector_load_idx %arg16[%add3A_330, %broadcast_in_dim3A_557] : memref<640x16xf32, #tpu.memory_space<vmem>>[vector<16xi32>, vector<16xi32>], vector<16xf32>,
      %mul3A_560 = vector.broadcast %select_n3A : f32 to vector<16xf32>
      %mul3A_561 = arith.mulf %gather3A_559, %mul3A_560 : vector<16xf32>
      %add3A_562 = arith.addf %gather3A_558, %mul3A_561 : vector<16xf32>
      %slice3A_563 = vector.extract_strided_slice %get3A_307 {offsets = [13], sizes = [1], strides = [1]} : vector<16xf32> to vector<1xf32>
      %squeeze3A_564 = vector.extract %slice3A_563[0] : f32 from vector<1xf32>
      %mul3A_565 = vector.broadcast %squeeze3A_564 : f32 to vector<16xf32>
      %mul3A_566 = arith.mulf %add3A_562, %mul3A_565 : vector<16xf32>
      %add3A_567 = arith.addf %add3A_550, %mul3A_566 : vector<16xf32>
      %slice3A_568 = vector.extract_strided_slice %get3A_309 {offsets = [13], sizes = [1], strides = [1]} : vector<16xf32> to vector<1xf32>
      %squeeze3A_569 = vector.extract %slice3A_568[0] : f32 from vector<1xf32>
      %mul3A_570 = vector.broadcast %squeeze3A_569 : f32 to vector<16xf32>
      %mul3A_571 = arith.mulf %add3A_562, %mul3A_570 : vector<16xf32>
      %add3A_572 = arith.addf %add3A_555, %mul3A_571 : vector<16xf32>
      %broadcast_in_dim3A_573 = arith.constant 14 : i32
      %broadcast_in_dim3A_574 = vector.broadcast %broadcast_in_dim3A_573 : i32 to vector<16xi32>
      %gather3A_575 = tpu.vector_load_idx %arg17[%add3A_330, %broadcast_in_dim3A_574] : memref<640x16xf32, #tpu.memory_space<vmem>>[vector<16xi32>, vector<16xi32>], vector<16xf32>,
      %gather3A_576 = tpu.vector_load_idx %arg16[%add3A_330, %broadcast_in_dim3A_574] : memref<640x16xf32, #tpu.memory_space<vmem>>[vector<16xi32>, vector<16xi32>], vector<16xf32>,
      %mul3A_577 = vector.broadcast %select_n3A : f32 to vector<16xf32>
      %mul3A_578 = arith.mulf %gather3A_576, %mul3A_577 : vector<16xf32>
      %add3A_579 = arith.addf %gather3A_575, %mul3A_578 : vector<16xf32>
      %slice3A_580 = vector.extract_strided_slice %get3A_307 {offsets = [14], sizes = [1], strides = [1]} : vector<16xf32> to vector<1xf32>
      %squeeze3A_581 = vector.extract %slice3A_580[0] : f32 from vector<1xf32>
      %mul3A_582 = vector.broadcast %squeeze3A_581 : f32 to vector<16xf32>
      %mul3A_583 = arith.mulf %add3A_579, %mul3A_582 : vector<16xf32>
      %add3A_584 = arith.addf %add3A_567, %mul3A_583 : vector<16xf32>
      %slice3A_585 = vector.extract_strided_slice %get3A_309 {offsets = [14], sizes = [1], strides = [1]} : vector<16xf32> to vector<1xf32>
      %squeeze3A_586 = vector.extract %slice3A_585[0] : f32 from vector<1xf32>
      %mul3A_587 = vector.broadcast %squeeze3A_586 : f32 to vector<16xf32>
      %mul3A_588 = arith.mulf %add3A_579, %mul3A_587 : vector<16xf32>
      %add3A_589 = arith.addf %add3A_572, %mul3A_588 : vector<16xf32>
      %broadcast_in_dim3A_590 = arith.constant 15 : i32
      %broadcast_in_dim3A_591 = vector.broadcast %broadcast_in_dim3A_590 : i32 to vector<16xi32>
      %gather3A_592 = tpu.vector_load_idx %arg17[%add3A_330, %broadcast_in_dim3A_591] : memref<640x16xf32, #tpu.memory_space<vmem>>[vector<16xi32>, vector<16xi32>], vector<16xf32>,
      %gather3A_593 = tpu.vector_load_idx %arg16[%add3A_330, %broadcast_in_dim3A_591] : memref<640x16xf32, #tpu.memory_space<vmem>>[vector<16xi32>, vector<16xi32>], vector<16xf32>,
      %mul3A_594 = vector.broadcast %select_n3A : f32 to vector<16xf32>
      %mul3A_595 = arith.mulf %gather3A_593, %mul3A_594 : vector<16xf32>
      %add3A_596 = arith.addf %gather3A_592, %mul3A_595 : vector<16xf32>
      %slice3A_597 = vector.extract_strided_slice %get3A_307 {offsets = [15], sizes = [1], strides = [1]} : vector<16xf32> to vector<1xf32>
      %squeeze3A_598 = vector.extract %slice3A_597[0] : f32 from vector<1xf32>
      %mul3A_599 = vector.broadcast %squeeze3A_598 : f32 to vector<16xf32>
      %mul3A_600 = arith.mulf %add3A_596, %mul3A_599 : vector<16xf32>
      %add3A_601 = arith.addf %add3A_584, %mul3A_600 : vector<16xf32>
      %slice3A_602 = vector.extract_strided_slice %get3A_309 {offsets = [15], sizes = [1], strides = [1]} : vector<16xf32> to vector<1xf32>
      %squeeze3A_603 = vector.extract %slice3A_602[0] : f32 from vector<1xf32>
      %mul3A_604 = vector.broadcast %squeeze3A_603 : f32 to vector<16xf32>
      %mul3A_605 = arith.mulf %add3A_596, %mul3A_604 : vector<16xf32>
      %add3A_606 = arith.addf %add3A_589, %mul3A_605 : vector<16xf32>
      %mul3A_607 = arith.mulf %add3A_601, %get3A_334 : vector<16xf32>
      %slice3A_608 = vector.extract_strided_slice %get3A_311 {offsets = [0], sizes = [1], strides = [1]} : vector<16xf32> to vector<1xf32>
      %squeeze3A_609 = vector.extract %slice3A_608[0] : f32 from vector<1xf32>
      %add3A_610 = vector.broadcast %squeeze3A_609 : f32 to vector<16xf32>
      %add3A_611 = arith.addf %mul3A_607, %add3A_610 : vector<16xf32>
      %mul3A_612 = arith.constant 16 : i32
      %mul3A_613 = arith.muli %scan3A_325, %mul3A_612 : i32
      %swap3A = arith.index_cast %mul3A_613 : i32 to index
      %swap3A_614 = tpu.vector_load %arg24[%swap3A] {strides = array<i32>} : memref<640xf32, #tpu.memory_space<vmem>>, vector<16xf32>,
      tpu.vector_store %arg24[%swap3A], %add3A_611 {strides = array<i32>} : memref<640xf32, #tpu.memory_space<vmem>>, vector<16xf32>,
      %mul3A_615 = arith.mulf %add3A_606, %get3A_334 : vector<16xf32>
      %slice3A_616 = vector.extract_strided_slice %get3A_311 {offsets = [1], sizes = [1], strides = [1]} : vector<16xf32> to vector<1xf32>
      %squeeze3A_617 = vector.extract %slice3A_616[0] : f32 from vector<1xf32>
      %add3A_618 = vector.broadcast %squeeze3A_617 : f32 to vector<16xf32>
      %add3A_619 = arith.addf %mul3A_615, %add3A_618 : vector<16xf32>
      %mul3A_620 = arith.constant 16 : i32
      %mul3A_621 = arith.muli %scan3A_325, %mul3A_620 : i32
      %swap3A_622 = arith.index_cast %mul3A_621 : i32 to index
      %swap3A_623 = tpu.vector_load %arg25[%swap3A_622] {strides = array<i32>} : memref<640xf32, #tpu.memory_space<vmem>>, vector<16xf32>,
      tpu.vector_store %arg25[%swap3A_622], %add3A_619 {strides = array<i32>} : memref<640xf32, #tpu.memory_space<vmem>>, vector<16xf32>,
      %scan3A_624 = arith.constant 0 : i32
      scf.yield %scan3A_624 : i32
    }
    %scan3A_318 = arith.constant 40 : i32
    %mul3A_319 = arith.constant 640 : i32
    %mul3A_320 = arith.muli %arg1, %mul3A_319 : i32
    %run_scoped3A_321 = arith.constant 0 : i32
    "tpu.region"() ({
      %run_scoped3A_325 = tpu.sem_alloc : memref<!tpu.dma_semaphore, #tpu.memory_space<semaphore_mem>>
      %dma_start3A_326 = tpu.memref_slice %arg11[%arg0, %run_scoped3A_321, %mul3A_320] : memref<2x2x10240xf32, #tpu.memory_space<hbm>> -> memref<1x1x640xf32, #tpu.memory_space<hbm>>
      %dma_start3A_327 = tpu.memref_squeeze %dma_start3A_326 : memref<1x1x640xf32, #tpu.memory_space<hbm>> -> memref<640xf32, #tpu.memory_space<hbm>>
      %dma_start3A_328 = tpu.memref_slice %arg11[%arg0, %run_scoped3A_321, %mul3A_320] : memref<2x2x10240xf32, #tpu.memory_space<hbm>> -> memref<1x1x640xf32, #tpu.memory_space<hbm>>
      %dma_start3A_329 = tpu.memref_squeeze %dma_start3A_328 : memref<1x1x640xf32, #tpu.memory_space<hbm>> -> memref<640xf32, #tpu.memory_space<hbm>>
      tpu.enqueue_dma source(%arg24 : memref<640xf32, #tpu.memory_space<vmem>>) target(%dma_start3A_329 : memref<640xf32, #tpu.memory_space<hbm>>) target_semaphore(%run_scoped3A_325 : memref<!tpu.dma_semaphore, #tpu.memory_space<semaphore_mem>>)
      %dma_wait3A_330 = tpu.memref_slice %arg11[%arg0, %run_scoped3A_321, %mul3A_320] : memref<2x2x10240xf32, #tpu.memory_space<hbm>> -> memref<1x1x640xf32, #tpu.memory_space<hbm>>
      %dma_wait3A_331 = tpu.memref_squeeze %dma_wait3A_330 : memref<1x1x640xf32, #tpu.memory_space<hbm>> -> memref<640xf32, #tpu.memory_space<hbm>>
      %dma_wait3A_332 = tpu.memref_slice %arg11[%arg0, %run_scoped3A_321, %mul3A_320] : memref<2x2x10240xf32, #tpu.memory_space<hbm>> -> memref<1x1x640xf32, #tpu.memory_space<hbm>>
      %dma_wait3A_333 = tpu.memref_squeeze %dma_wait3A_332 : memref<1x1x640xf32, #tpu.memory_space<hbm>> -> memref<640xf32, #tpu.memory_space<hbm>>
      tpu.wait_dma2 semaphore(%run_scoped3A_325 : memref<!tpu.dma_semaphore, #tpu.memory_space<semaphore_mem>>) src(%arg24 : memref<640xf32, #tpu.memory_space<vmem>>) dst(%dma_wait3A_333 : memref<640xf32, #tpu.memory_space<hbm>>)
      tpu.yield
    }) : () -> ()
    %mul3A_322 = arith.constant 640 : i32
    %mul3A_323 = arith.muli %arg1, %mul3A_322 : i32
    %run_scoped3A_324 = arith.constant 1 : i32
    "tpu.region"() ({
      %run_scoped3A_325 = tpu.sem_alloc : memref<!tpu.dma_semaphore, #tpu.memory_space<semaphore_mem>>
      %dma_start3A_326 = tpu.memref_slice %arg11[%arg0, %run_scoped3A_324, %mul3A_323] : memref<2x2x10240xf32, #tpu.memory_space<hbm>> -> memref<1x1x640xf32, #tpu.memory_space<hbm>>
      %dma_start3A_327 = tpu.memref_squeeze %dma_start3A_326 : memref<1x1x640xf32, #tpu.memory_space<hbm>> -> memref<640xf32, #tpu.memory_space<hbm>>
      %dma_start3A_328 = tpu.memref_slice %arg11[%arg0, %run_scoped3A_324, %mul3A_323] : memref<2x2x10240xf32, #tpu.memory_space<hbm>> -> memref<1x1x640xf32, #tpu.memory_space<hbm>>
      %dma_start3A_329 = tpu.memref_squeeze %dma_start3A_328 : memref<1x1x640xf32, #tpu.memory_space<hbm>> -> memref<640xf32, #tpu.memory_space<hbm>>
      tpu.enqueue_dma source(%arg25 : memref<640xf32, #tpu.memory_space<vmem>>) target(%dma_start3A_329 : memref<640xf32, #tpu.memory_space<hbm>>) target_semaphore(%run_scoped3A_325 : memref<!tpu.dma_semaphore, #tpu.memory_space<semaphore_mem>>)
      %dma_wait3A_330 = tpu.memref_slice %arg11[%arg0, %run_scoped3A_324, %mul3A_323] : memref<2x2x10240xf32, #tpu.memory_space<hbm>> -> memref<1x1x640xf32, #tpu.memory_space<hbm>>
      %dma_wait3A_331 = tpu.memref_squeeze %dma_wait3A_330 : memref<1x1x640xf32, #tpu.memory_space<hbm>> -> memref<640xf32, #tpu.memory_space<hbm>>
      %dma_wait3A_332 = tpu.memref_slice %arg11[%arg0, %run_scoped3A_324, %mul3A_323] : memref<2x2x10240xf32, #tpu.memory_space<hbm>> -> memref<1x1x640xf32, #tpu.memory_space<hbm>>
      %dma_wait3A_333 = tpu.memref_squeeze %dma_wait3A_332 : memref<1x1x640xf32, #tpu.memory_space<hbm>> -> memref<640xf32, #tpu.memory_space<hbm>>
      tpu.wait_dma2 semaphore(%run_scoped3A_325 : memref<!tpu.dma_semaphore, #tpu.memory_space<semaphore_mem>>) src(%arg25 : memref<640xf32, #tpu.memory_space<vmem>>) dst(%dma_wait3A_333 : memref<640xf32, #tpu.memory_space<hbm>>)
      tpu.yield
    }) : () -> ()
    return
  }
}

module attributes {stable_mosaic.version = 14 : i64} {
  func.func @_esplit_body(%arg0: i32, %arg1: memref<2x65536xi32, #tpu.memory_space<vmem>>, %arg2: memref<65536xi32, #tpu.memory_space<vmem>>, %arg3: memref<65536xi32, #tpu.memory_space<vmem>>) attributes {dimension_semantics = [#tpu.dimension_semantics<arbitrary>], iteration_bounds = array<i64: 5>, scalar_prefetch = 0 : i64, scratch_operands = 0 : i64, tpu.core_type = #tpu.core_type<tc>, window_params = [{transform_indices = @transform_0, window_bounds = array<i64: 2, 65536>}, {transform_indices = @transform_1, window_bounds = array<i64: 65536>}, {transform_indices = @transform_2, window_bounds = array<i64: 65536>}]} {
    %get3A = arith.constant 0 : index
    %get3A_0 = arith.constant 0 : index
    %get3A_1 = vector.load %arg1[%get3A, %get3A_0] : memref<2x65536xi32, #tpu.memory_space<vmem>>, vector<1x65536xi32>
    %get3A_2 = vector.shape_cast %get3A_1 : vector<1x65536xi32> to vector<65536xi32>
    %swap3A = arith.constant 0 : index
    %swap3A_3 = vector.load %arg2[%swap3A] : memref<65536xi32, #tpu.memory_space<vmem>>, vector<65536xi32>
    tpu.vector_store %arg2[%swap3A], %get3A_2 {strides = array<i32>} : memref<65536xi32, #tpu.memory_space<vmem>>, vector<65536xi32>,
    %get3A_4 = arith.constant 1 : index
    %get3A_5 = arith.constant 0 : index
    %get3A_6 = vector.load %arg1[%get3A_4, %get3A_5] : memref<2x65536xi32, #tpu.memory_space<vmem>>, vector<1x65536xi32>
    %get3A_7 = vector.shape_cast %get3A_6 : vector<1x65536xi32> to vector<65536xi32>
    %swap3A_8 = arith.constant 0 : index
    %swap3A_9 = vector.load %arg3[%swap3A_8] : memref<65536xi32, #tpu.memory_space<vmem>>, vector<65536xi32>
    tpu.vector_store %arg3[%swap3A_8], %get3A_7 {strides = array<i32>} : memref<65536xi32, #tpu.memory_space<vmem>>, vector<65536xi32>,
    return
  }
  func.func @transform_0(%arg0: i32) -> (i32, i32) {
    %c0_i32 = arith.constant 0 : i32
    %c0_i32_0 = arith.constant 0 : i32
    return %c0_i32, %arg0 : i32, i32
  }
  func.func @transform_1(%arg0: i32) -> i32 {
    %c0_i32 = arith.constant 0 : i32
    return %arg0 : i32
  }
  func.func @transform_2(%arg0: i32) -> i32 {
    %c0_i32 = arith.constant 0 : i32
    return %arg0 : i32
  }
}

module attributes {stable_mosaic.version = 14 : i64} {
  func.func @_mm1_body(%arg0: i32, %arg1: memref<512x128xf32, #tpu.memory_space<vmem>>, %arg2: memref<128x16xf32, #tpu.memory_space<vmem>>, %arg3: memref<512x16xf32, #tpu.memory_space<vmem>>) attributes {dimension_semantics = [#tpu.dimension_semantics<arbitrary>], iteration_bounds = array<i64: 20>, scalar_prefetch = 0 : i64, scratch_operands = 0 : i64, tpu.core_type = #tpu.core_type<tc>, window_params = [{transform_indices = @transform_0, window_bounds = array<i64: 512, 128>}, {pipeline_mode = #tpu.pipeline_mode<synchronous>, transform_indices = @transform_1, window_bounds = array<i64: 128, 16>}, {transform_indices = @transform_2, window_bounds = array<i64: 512, 16>}]} {
    %get3A = arith.constant 0 : index
    %get3A_0 = arith.constant 0 : index
    %get3A_1 = vector.load %arg1[%get3A, %get3A_0] : memref<512x128xf32, #tpu.memory_space<vmem>>, vector<512x128xf32>
    %get3A_2 = arith.constant 0 : index
    %get3A_3 = arith.constant 0 : index
    %get3A_4 = vector.load %arg2[%get3A_2, %get3A_3] : memref<128x16xf32, #tpu.memory_space<vmem>>, vector<128x16xf32>
    %dot_general3A = arith.constant dense<0.000000e+00> : vector<512x16xf32>
    %dot_general3A_5 = tpu.matmul %get3A_1, %get3A_4, %dot_general3A {dimension_numbers = #tpu.dot_dimension_numbers<[1], [0], [0], [1], [0, 0, 1, 1], [], []>, transpose_lhs_hint = false} : vector<512x128xf32>, vector<128x16xf32>, vector<512x16xf32> -> vector<512x16xf32>
    %swap3A = arith.constant 0 : index
    %swap3A_6 = arith.constant 0 : index
    %swap3A_7 = vector.load %arg3[%swap3A, %swap3A_6] : memref<512x16xf32, #tpu.memory_space<vmem>>, vector<512x16xf32>
    tpu.vector_store %arg3[%swap3A, %swap3A_6], %dot_general3A_5 {strides = array<i32>} : memref<512x16xf32, #tpu.memory_space<vmem>>, vector<512x16xf32>,
    return
  }
  func.func @transform_0(%arg0: i32) -> (i32, i32) {
    %c0_i32 = arith.constant 0 : i32
    %c0_i32_0 = arith.constant 0 : i32
    return %arg0, %c0_i32 : i32, i32
  }
  func.func @transform_1(%arg0: i32) -> (i32, i32) {
    %c0_i32 = arith.constant 0 : i32
    %c0_i32_0 = arith.constant 0 : i32
    %c0_i32_1 = arith.constant 0 : i32
    return %c0_i32, %c0_i32_0 : i32, i32
  }
  func.func @transform_2(%arg0: i32) -> (i32, i32) {
    %c0_i32 = arith.constant 0 : i32
    %c0_i32_0 = arith.constant 0 : i32
    return %arg0, %c0_i32 : i32, i32
  }
}

</mosaic_0001>

<sc_bundles>
// kernel: kernel.11.cloned.1.call-start
scs
__scs_entry_jumppad:
0x0: {  	(pc) =	sbr.rel $0x88, $3  }
0x1: {  	(tag) =	ssettag $0x0;
	lr =	simm.s32 $0x1  }
0x2: {  	[smem:$0x3F9B] =	sst lr;
	_ =	strace $0xD0000000  }
0x3: {  	_ = 	snop  }
0x4: {  	_ = 	snop  }
0x5: {  	_ = 	snop  }
0x6: {  	_ = 	snop  }
0x7: {  	_ = 	snop  }
__scs_overlays_trampoline_lowered:
0x8: {  	[smem:$0x3FAA] =	sst s0  }
0x9: {  	[smem:$0x3FAB] =	sst s1  }
0xa: {  	[smem:$0x3FAC] =	sst s2  }
0xb: {  	[smem:$0x3FAD] =	sst s3  }
0xc: {  	[smem:$0x3FAE] =	sst s4  }
0xd: {  	[smem:$0x3FAF] =	sst s5  }
0xe: {  	[smem:$0x3FB0] =	sst s6  }
0xf: {  	[smem:$0x3FB1] =	sst s7  }
0x10: {  	[smem:$0x3FB2] =	sst s8  }
0x11: {  	[smem:$0x3FB3] =	sst s9;
	s0 =	simm.s32 @!p0 $0x0  }
0x12: {  	s1 =	sld [smem:$0x3F99];
	s0 =	simm.s32 @p0 $0x1  }
0x13: {  	[smem:$0x3FB4] =	sst s0;
	s0 =	simm.s32 @!p1 $0x0  }
0x14: {  	s2 =	sld [smem:$0x3F98];
	s0 =	simm.s32 @p1 $0x1  }
0x15: {  	[smem:$0x3FB5] =	sst s0;
	s0 =	simm.s32 @!p2 $0x0  }
0x16: {  	s3 =	sld [smem:$0x3FDB];
	s0 =	simm.s32 @p2 $0x1  }
0x17: {  	s4 =	simm.s32 $0x1BF5;
	[smem:$0x3FB7] =	sst s0  }
0x18: {  	s0 =	sld [smem:$0x3F9A];
	_ =	swait.ge [sflag:s4], $0x0  }
0x19: {  	s7 =	sld [smem:$0x3F9B]  }
0x1a: {  	s8 =	sadd.s32 $0xFFFFE003, lr  }
0x1b: {  	s9 =	sadd.s32 $0xFFFFFEF7, lr;
	s5 =	simm.s32 $0xFFFFFFFF;
	p2 =	slt.u32 s8, $0xFFFFF086  }
0x1c: {  	p1 =	slt.u32 s9, $0xF7A;
	s5 =	simm.s32 @!p2 $0x0  }
0x1d: {  	s5 =	simm.s32 @p1 $0x1;
	p0 =	seq.s32 s7, s2  }
0x1e: {  	s7 =	smul.u32 @!p0 $0xF7A, s2;
	p2 =	seq.s32 @!p0 s5, $0x0  }
0x1f: {  	s9 =	smul.u32 $0xF7A, s1;
	s8 =	simm.s32 @!p0 $0x1BF5;
	p2 =	por !p2, p0  }
0x20: {  	[sflag:s8] =	ssyncset.s32 @!p0 $0xFFFFF086;
	s6 =	sadd.s32 @!p0 s3, s7;
	s7 =	simm.s32 @!p0 $0x108  }
0x21: {  	s3 =	sadd.s32 s3, s9;
	s6 =	sadd.s32 @!p0 $0x88, s6;
	s7 =	simm.s32 @p2 $0x1082  }
0x22: {  	[simem:s7], [sflag:s8] =	dma.local @!p0 [hbm:s6], $0xF7A  }
0x23: {  	s9 =	sor.u32 $0xD0000000, s2;
	s6 =	simm.s32 $0x108;
	_ =	swait.ge @!p0 [sflag:s8], $0x0  }
0x24: {  	s3 =	sadd.s32 $0x88, s3;
	s6 =	simm.s32 @!p1 $0x1082;
	[sflag:s4] =	ssyncset.s32 $0xFFFFF086  }
0x25: {  	[simem:s6], [sflag:s4] =	dma.local [hbm:s3], $0xF7A  }
0x26: {  	[smem:$0x3F9B] =	sst s1;
	(tag) =	ssettag s2;
	_ =	strace s9  }
0x27: {  	s1 =	sld [smem:$0x3FAB]  }
0x28: {  	s2 =	sld [smem:$0x3FAC]  }
0x29: {  	s4 =	sld [smem:$0x3FAE]  }
0x2a: {  	p0 =	seq.s32 s5, $0x0;
	s5 =	sld [smem:$0x3FAF]  }
0x2b: {  	s6 =	sld [smem:$0x3FB0]  }
0x2c: {  	s7 =	sld [smem:$0x3FB1]  }
0x2d: {  	s3 =	simm.s32 $0x108;
	s8 =	sld [smem:$0x3FB2]  }
0x2e: {  	s3 =	simm.s32 @!p0 $0x1082;
	s9 =	sld [smem:$0x3FB3]  }
0x2f: {  	lr =	sadd.s32 s0, s3;
	s0 =	sld [smem:$0x3FAA]  }
0x30: {  	s3 =	sld [smem:$0x3FAD]  }
0x31: {  	[smem:$0x3FB6] =	sst s10  }
0x32: {  	s10 =	sld [smem:$0x3FB4];
	_ =	sdelay $0x3  }
0x33: {  	p0 =	seq.s32 s10, $0x1;
	s10 =	sld [smem:$0x3FB6];
	_ =	sdelay $0x3  }
0x34: {  	[smem:$0x3FB6] =	sst s10  }
0x35: {  	s10 =	sld [smem:$0x3FB5];
	_ =	sdelay $0x3  }
0x36: {  	p1 =	seq.s32 s10, $0x1;
	s10 =	sld [smem:$0x3FB6];
	_ =	sdelay $0x3  }
0x37: {  	[smem:$0x3FB6] =	sst s10  }
0x38: {  	s10 =	sld [smem:$0x3FB7]  }
0x39: {  	_ = 	snop;
	(pc) =	sbr.ind lr, $3  }
0x3a: {  	_ = 	snop  }
0x3b: {  	_ = 	snop  }
0x3c: {  	p2 =	seq.s32 s10, $0x1;
	s10 =	sld [smem:$0x3FB6]  }
0x3d: {  	_ =	shalt  }
0x3e: {  	_ =	shalt  }
0x3f: {  	_ =	shalt  }
0x40: {  	_ =	shalt  }
0x41: {  	_ =	shalt  }
0x42: {  	_ =	shalt  }
0x43: {  	_ =	shalt  }
0x44: {  	_ =	shalt  }
0x45: {  	_ =	shalt  }
0x46: {  	_ =	shalt  }
0x47: {  	_ =	shalt  }
0x48: {  	_ =	shalt  }
0x49: {  	_ =	shalt  }
0x4a: {  	_ =	shalt  }
0x4b: {  	_ =	shalt  }
0x4c: {  	_ =	shalt  }
0x4d: {  	_ =	shalt  }
0x4e: {  	_ =	shalt  }
0x4f: {  	_ =	shalt  }
0x50: {  	_ =	shalt  }
0x51: {  	_ =	shalt  }
0x52: {  	_ =	shalt  }
0x53: {  	_ =	shalt  }
0x54: {  	_ =	shalt  }
0x55: {  	_ =	shalt  }
0x56: {  	_ =	shalt  }
0x57: {  	_ =	shalt  }
0x58: {  	_ =	shalt  }
0x59: {  	_ =	shalt  }
0x5a: {  	_ =	shalt  }
0x5b: {  	_ =	shalt  }
0x5c: {  	_ =	shalt  }
0x5d: {  	_ =	shalt  }
0x5e: {  	_ =	shalt  }
0x5f: {  	_ =	shalt  }
0x60: {  	_ =	shalt  }
0x61: {  	_ =	shalt  }
0x62: {  	_ =	shalt  }
0x63: {  	_ =	shalt  }
0x64: {  	_ =	shalt  }
0x65: {  	_ =	shalt  }
0x66: {  	_ =	shalt  }
0x67: {  	_ =	shalt  }
0x68: {  	_ =	shalt  }
0x69: {  	_ =	shalt  }
0x6a: {  	_ =	shalt  }
0x6b: {  	_ =	shalt  }
0x6c: {  	_ =	shalt  }
0x6d: {  	_ =	shalt  }
0x6e: {  	_ =	shalt  }
0x6f: {  	_ =	shalt  }
0x70: {  	_ =	shalt  }
0x71: {  	_ =	shalt  }
0x72: {  	_ =	shalt  }
0x73: {  	_ =	shalt  }
0x74: {  	_ =	shalt  }
0x75: {  	_ =	shalt  }
0x76: {  	_ =	shalt  }
0x77: {  	_ =	shalt  }
0x78: {  	_ =	shalt  }
0x79: {  	_ =	shalt  }
0x7a: {  	_ =	shalt  }
0x7b: {  	_ =	shalt  }
0x7c: {  	_ =	shalt  }
0x7d: {  	_ =	shalt  }
0x7e: {  	_ =	shalt  }
0x7f: {  	_ =	shalt  }
0x80: {  	_ =	shalt  }
0x81: {  	_ =	shalt  }
0x82: {  	_ =	shalt  }
0x83: {  	_ =	shalt  }
0x84: {  	_ =	shalt  }
0x85: {  	_ =	shalt  }
0x86: {  	_ =	shalt  }
0x87: {  	_ =	shalt  }
.Lfunc_end0:
.L_simem_size_0:
called_computation.1_lowered:
.L_overlay_start_0:
0x88: {  	s2 =	sld [smem:$0x3FD9]  }
0x89: {  	s3 =	sld [smem:$0x3FFE];
	_ =	sdelay $0x1  }
0x8a: {  	s1 =	srdreg.scid  }
0x8b: {  	s0 =	sand.u32 $0x1, s1  }
0x8c: {  	s16 =	sshll.u32 s0, $0xA;
	s2 =	sadd.s32 s3, s2  }
0x8d: {  	s2 =	sadd.s32 s2, s16  }
0x8e: {  	[smem:$0x3FC2] =	sst s2  }
0x8f: {  	_ = 	snop  }
0x90: {  	(tm) =	ssettm $0x1  }
0x91: {  	s17 =	sld [smem:$0x3FFB];
	_ =	sdelay $0x3  }
0x92: {  	_ =	strace s17  }
0x93: {  	s2 =	sld [smem:$0x3FFC];
	_ =	sdelay $0x3  }
0x94: {  	_ =	strace s2  }
0x95: {  	s2 =	sld [smem:$0x3FFD];
	_ =	sdelay $0x3  }
0x96: {  	_ =	strace s2  }
0x97: {  	_ =	strace $0x8FFFFFFF  }
0x98: {  	s18 =	sld [smem:$0x3FDB];
	_ =	sdelay $0x1  }
0x99: {  	s19 =	simm.s32 $_scs_section_size  }
0x9a: {  	s4 =	simm.s32 $_size__tile_overlayer_lowered;
	s5 =	simm.s32 $_tile_overlayer_lowered  }
0x9b: {  	s22 =	simm.s32 $0x1BFF;
	s21 =	sshll.u32 s5, $0x1;
	s2 =	sadd.s32 s19, s18  }
0x9c: {  	s6 =	simm.s32 $0x0;
	s20 =	sshll.u32 s4, $0x1;
	s4 =	sadd.s32 s21, s2  }
0x9d: {  	[timem:s6], [sflag:s22] =	dma.local [hbm:s4], s20  }
0x9e: {  	_ =	swait.ge [sflag:s22], s20  }
0x9f: {  	s3 =	ssub.s32 $0x0, s20;
	[sflag:s22] =	ssyncset.done $0x0  }
0xa0: {  	[sflag:s22] =	ssyncadd.s32 s3;
	_ =	sdelay $0x1  }
0xa1: {  	s23 =	simm.s32 $0x1B8B  }
0xa2: {  	_ =	swait.ge [sflag:s23], $0x1  }
0xa3: {  	[sflag:s23] =	ssyncset.done $0x0  }
0xa4: {  	s25 =	simm.s32 $0x1B8E;
	s24 =	sld [smem:$0x3FFE];
	[sflag:s23] =	ssyncadd.s32 $0xFFFFFFFF  }
0xa5: {  	s26 =	simm.s32 $execute0_lowered;
	[smem:$0x3FD2] =	sst s25  }
0xa6: {  	s4 =	sshll.u32 s26, $0x1;
	_ =	strace $0x80000049;
	[dreg:$0x1] =	wrdreg $0xFFFFFFFF  }
0xa7: {  	s28 =	simm.s32 $_size_execute0_lowered;
	s2 =	sadd.s32 s2, s4;
	[dreg:$0x0] =	wrdreg $0x0  }
0xa8: {  	s4 =	sshll.u32 s28, $0x1;
	[dreg:$0x2] =	wrdreg s2  }
0xa9: {  	[dreg:$0x3] =	wrdreg s4  }
0xaa: {  	[dreg:$0x4] =	wrdreg $0xC0  }
0xab: {  	_ =	task [dreg:s6], $0x5FFFF  }
0xac: {  	[dreg:$0x1] =	wrdreg $0xFFFFFFFF  }
0xad: {  	[dreg:$0x0] =	wrdreg $0x60  }
0xae: {  	[dreg:$0x2] =	wrdreg s24  }
0xaf: {  	[dreg:$0x3] =	wrdreg $0x19D200  }
0xb0: {  	[dreg:$0x4] =	wrdreg $0x9  }
0xb1: {  	_ =	task.clear_ibuf [dreg:s6], $0x5FFFF;
	_ =	strace $0x90000049  }
0xb2: {  	s29 =	simm.s32 $0x9;
	_ =	strace $0x8000004B  }
0xb3: {  	_ =	swait.ge [sflag:s29], $0x1  }
0xb4: {  	[sflag:s29] =	ssyncadd.s32 $0xFFFFFFFF  }
0xb5: {  	_ =	strace $0x9000004B  }
0xb6: {  	_ =	sfence  }
0xb7: {  	s30 =	sld [smem:$0x0];
	_ =	sdelay $0x2  }
0xb8: {  	s31 =	sshll.u32 s1, $0xD;
	s1 =	sshrl.u32 s1, $0x2  }
0xb9: {  	s3 =	sand.u32 $0x4000, s31;
	s1 =	sadd.s32 s1, s30  }
0xba: {  	s0 =	sor.u32 s3, s0;
	s1 =	sshll.u32 s1, $0x11  }
0xbb: {  	s0 =	sor.u32 s1, s0  }
0xbc: {  	s0 =	sadd.s32 $0x8F2B, s0  }
0xbd: {  	[sflag:s0] =	ssyncadd.remote.s32 $0x1  }
0xbe: {  	_ =	sfence.sel $0xFFFF  }
0xbf: {  	[dreg:$0x0] =	wrdreg $0xFFFFFFFF;
	(pc) =	sbr.abs _section_cstart, $3  }
0xc0: {  	[dreg:$0x1] =	wrdreg $0xFFFFFFFF  }
0xc1: {  	_ =	task.clear_ibuf [dreg:s6], $0x2FFFF;
	_ =	strace $0x9FFFFFFF  }
0xc2: {  	(tm) =	ssettm $0x7FFFFFFF  }
0xc3: {  	_ =	shalt  }
tec
execute0_lowered:
.L_overlay_start_1:
0x0: {  	(tag) =	ssettag $0x1  }
0x1: {  	s0 =	rddreg [dreg:$0x0]  }
0x2: {  	s2 =	rddreg [dreg:$0x1]  }
0x3: {  	s3 =	simm.s32 $0x0;
	s11 =	stileid.u32;
	s4 =	srdreg.scid  }
0x4: {  	s28 =	simm.s32 $0x2710;
	s29 =	simm.s32 $0x7D0;
	s30 =	simm.s32 $0x2EE0  }
0x5: {  	s31 =	simm.s32 $0xFA0;
	[smem:$0x7FF] =	sst s3;
	s1 =	smul.u32 $0x2800, s11  }
0x6: {  	s5 =	smul.u32 $0x280, s11;
	s4 =	sand.u32 $0x1, s4;
	s6 =	sadd.s32 $0xC800, s0  }
0x7: {  	s9 =	sadd.s32 $0x2A00, s0;
	s11 =	sshll.u32 s11, $0x1;
	_ =	strace $0x8000004A  }
0x8: {  	s8 =	smul.u32 $0x28000, s4;
	s12 =	ssub.s32 $0x2, s4;
	s4 =	sor.u32 s4, s11  }
0x9: {  	s7 =	sshrl.u32 s1, $0x3;
	s5 =	sshrl.u32 s5, $0x3;
	s13 =	sshrl.u32 s12, $0x1  }
0xa: {  	s4 =	smul.u32 $0x2710, s4;
	s7 =	sadd.s32 s7, s0;
	s5 =	sadd.s32 s5, s0  }
0xb: {  	s10 =	sadd.s32 s1, s8;
	s12 =	ssub.s32 s12, s13;
	s26 =	sshrl.u32 s8, $0x3  }
0xc: {  	s8 =	simm.s32 $0x4E20;
	s10 =	sshrl.u32 s10, $0x3;
	s7 =	sadd.s32 $0x17000, s7  }
0xd: {  	s18 =	sadd.s32 $0x16600, s5;
	s5 =	sadd.s32 $0x16B00, s5;
	[dreg:$0x3] =	wrdreg s7  }
0xe: {  	s4 =	sshrl.u32 s4, $0x3;
	s11 =	sadd.s32 s10, s0;
	[dreg:$0x4] =	wrdreg s18  }
0xf: {  	s0 =	sadd.s32 $0x1C000, s0;
	[dreg:$0x5] =	wrdreg s5;
	s7 =	sadd.s32 s1, s2  }
0x10: {  	s19 =	sadd.s32 s6, s4;
	s20 =	sadd.s32 $0xFA, s4;
	s21 =	sadd.s32 s9, s4  }
0x11: {  	s23 =	sadd.s32 $0x1F4, s4;
	s25 =	sadd.s32 $0x2EE, s4;
	[dreg:$0x6] =	wrdreg s19  }
0x12: {  	s4 =	sadd.s32 $0x3E8, s4;
	[dreg:$0x7] =	wrdreg s21;
	s22 =	sadd.s32 s6, s20  }
0x13: {  	s1 =	sadd.s32 s9, s20;
	s24 =	sadd.s32 s6, s23;
	s5 =	sadd.s32 s9, s23  }
0x14: {  	s14 =	sadd.s32 s6, s25;
	s15 =	sadd.s32 s9, s25;
	s16 =	sadd.s32 s6, s4  }
0x15: {  	s17 =	sadd.s32 s9, s4;
	s18 =	sadd.s32 s0, s10;
	s19 =	sadd.s32 s0, s26  }
0x16: {  	s20 =	sadd.s32 $0x26000, s11;
	s21 =	smax.u32 s12, $0x1;
	s23 =	simm.s32 $0x17020  }
0x17: {  	s26 =	simm.s32 $0x3;
	s0 =	simm.s32 $0x36B0;
	[dreg:$0x8] =	wrdreg s22  }
0x18: {  	s25 =	simm.s32 $0x1F40;
	s4 =	simm.s32 $0x4650;
	[dreg:$0x9] =	wrdreg s1  }
0x19: {  	s6 =	simm.s32 $0x1;
	s9 =	simm.s32 $0xCB20;
	[dreg:$0xa] =	wrdreg s24  }
0x1a: {  	s10 =	simm.s32 $0x0;
	[dreg:$0xb] =	wrdreg s5;
	s22 =	simm.s32 $0x14820  }
0x1b: {  	v0 =	vimm.f32 $0.0e+00;
	s1 =	simm.s32 $0x1770;
	s24 =	simm.s32 $0x3E80;
	s5 =	simm.s32 $0x2  }
.LBB2_1:
0x1c: {  	s11 =	rddreg [dreg:$0x3]  }
0x1d: {  	[tilespmem:s22], [sflag:$0x1] =	stream.linear.gather [hbm4b:s11+s3], $0x2800, $0x38;
	[tilespmem:$0x1C520] =	vst v63  }
0x1e: {  	s12 =	rddreg [dreg:$0x4]  }
0x1f: {  	[tilespmem:s23], [sflag:$0x2] =	stream.linear.gather [hbm4b:s12+s3], $0x280, $0x38;
	[tilespmem:$0x1C520] =	vst v63  }
0x20: {  	s13 =	rddreg [dreg:$0x5];
	s12 =	simm.s32 $0x172A0  }
0x21: {  	[tilespmem:s12], [sflag:$0x2] =	stream.linear.gather [hbm4b:s13+s3], $0x280, $0x38;
	[tilespmem:$0x1C520] =	vst v63  }
0x22: {  	s11 =	simm.s32 $0x40;
	s12 =	simm.s32 $0x0  }
.LBB2_2:
0x23: {  	p0 =	sne.s32 s11, $0x9FC0;
	[tilespmem:s12+$0x17520] =	vst v0;
	s12 =	smov.u32 s11;
	s11 =	sadd.s32 $0x40, s11  }
.Ltmp0:
0x24: {  	(pc) =	sbr.rel @p0 .LBB2_2-.Ltmp0, $2  }
0x25: {  	_ =	sdelay $0x2  }
0x26: {  	s12 =	sshra.s32 s12, $0x2  }
0x27: {  	[tilespmem:s12+$0x17520] =	vst v0;
	s11 =	simm.s32 $0x17520  }
0x28: {  	[spmem:s7] =	stream.linear.scatter [tilespmem:s11], [sflag:$0x3], $0x2800, $0x38;
	[tilespmem:$0x1C520] =	vst v63  }
0x29: {  	_ =	swait.ge [sflag:s26], $0x2800  }
0x2a: {  	[sflag:s26] =	ssyncset.done $0x0  }
0x2b: {  	s11 =	simm.s32 $0x0;
	s13 =	rddreg [dreg:$0x6];
	[sflag:s26] =	ssyncadd.s32 $0xFFFFD800  }
0x2c: {  	[tilespmem:s11], [sflag:$0x3] =	stream.linear.gather [hbm4b:s13+s11], $0x7D0, $0x38;
	[tilespmem:$0x1C520] =	vst v63  }
0x2d: {  	_ =	swait.ge [sflag:s26], $0x7D0  }
0x2e: {  	[sflag:s26] =	ssyncset.done $0x0  }
0x2f: {  	s13 =	rddreg [dreg:$0x7];
	[sflag:s26] =	ssyncadd.s32 $0xFFFFF830  }
0x30: {  	[tilespmem:s28], [sflag:$0x3] =	stream.linear.gather [hbm4b:s13+s11], $0x7D0, $0x38;
	[tilespmem:$0x1C520] =	vst v63  }
0x31: {  	_ =	swait.ge [sflag:s26], $0x7D0  }
0x32: {  	[sflag:s26] =	ssyncset.done $0x0  }
0x33: {  	s13 =	rddreg [dreg:$0x8];
	[sflag:s26] =	ssyncadd.s32 $0xFFFFF830  }
0x34: {  	[tilespmem:s29], [sflag:$0x3] =	stream.linear.gather [hbm4b:s13+s11], $0x7D0, $0x38;
	[tilespmem:$0x1C520] =	vst v63  }
0x35: {  	_ =	swait.ge [sflag:s26], $0x7D0  }
0x36: {  	[sflag:s26] =	ssyncset.done $0x0  }
0x37: {  	s13 =	rddreg [dreg:$0x9];
	[sflag:s26] =	ssyncadd.s32 $0xFFFFF830  }
0x38: {  	[tilespmem:s30], [sflag:$0x3] =	stream.linear.gather [hbm4b:s13+s11], $0x7D0, $0x38;
	[tilespmem:$0x1C520] =	vst v63  }
0x39: {  	_ =	swait.ge [sflag:s26], $0x7D0  }
0x3a: {  	[sflag:s26] =	ssyncset.done $0x0  }
0x3b: {  	s13 =	rddreg [dreg:$0xa];
	[sflag:s26] =	ssyncadd.s32 $0xFFFFF830  }
0x3c: {  	[tilespmem:s31], [sflag:$0x3] =	stream.linear.gather [hbm4b:s13+s11], $0x7D0, $0x38;
	[tilespmem:$0x1C520] =	vst v63  }
0x3d: {  	_ =	swait.ge [sflag:s26], $0x7D0  }
0x3e: {  	[sflag:s26] =	ssyncset.done $0x0  }
0x3f: {  	s13 =	rddreg [dreg:$0xb];
	[sflag:s26] =	ssyncadd.s32 $0xFFFFF830  }
0x40: {  	[tilespmem:s0], [sflag:$0x3] =	stream.linear.gather [hbm4b:s13+s11], $0x7D0, $0x38;
	[tilespmem:$0x1C520] =	vst v63  }
0x41: {  	_ =	swait.ge [sflag:s26], $0x7D0  }
0x42: {  	[sflag:s26] =	ssyncset.done $0x0  }
0x43: {  	[sflag:s26] =	ssyncadd.s32 $0xFFFFF830  }
0x44: {  	[tilespmem:s1], [sflag:$0x3] =	stream.linear.gather [hbm4b:s14+s11], $0x7D0, $0x38;
	[tilespmem:$0x1C520] =	vst v63  }
0x45: {  	_ =	swait.ge [sflag:s26], $0x7D0  }
0x46: {  	[sflag:s26] =	ssyncset.done $0x0  }
0x47: {  	[sflag:s26] =	ssyncadd.s32 $0xFFFFF830  }
0x48: {  	[tilespmem:s24], [sflag:$0x3] =	stream.linear.gather [hbm4b:s15+s11], $0x7D0, $0x38;
	[tilespmem:$0x1C520] =	vst v63  }
0x49: {  	_ =	swait.ge [sflag:s26], $0x7D0  }
0x4a: {  	[sflag:s26] =	ssyncset.done $0x0  }
0x4b: {  	[sflag:s26] =	ssyncadd.s32 $0xFFFFF830  }
0x4c: {  	[tilespmem:s25], [sflag:$0x3] =	stream.linear.gather [hbm4b:s16+s11], $0x7D0, $0x38;
	[tilespmem:$0x1C520] =	vst v63  }
0x4d: {  	_ =	swait.ge [sflag:s26], $0x7D0  }
0x4e: {  	[sflag:s26] =	ssyncset.done $0x0  }
0x4f: {  	[sflag:s26] =	ssyncadd.s32 $0xFFFFF830  }
0x50: {  	[tilespmem:s4], [sflag:$0x3] =	stream.linear.gather [hbm4b:s17+s11], $0x7D0, $0x38;
	[tilespmem:$0x1C520] =	vst v63  }
0x51: {  	_ =	swait.ge [sflag:s26], $0x7D0  }
0x52: {  	[sflag:s26] =	ssyncset.done $0x0  }
0x53: {  	[sflag:s26] =	ssyncadd.s32 $0xFFFFF830  }
0x54: {  	_ =	swait.ge [sflag:s5], $0x280  }
0x55: {  	[sflag:s5] =	ssyncset.done $0x0  }
0x56: {  	[sflag:s5] =	ssyncadd.s32 $0xFFFFFD80  }
0x57: {  	_ =	swait.ge [sflag:s5], $0x280  }
0x58: {  	[sflag:s5] =	ssyncset.done $0x0  }
0x59: {  	s11 =	simm.s32 $0x0;
	[sflag:s5] =	ssyncadd.s32 $0xFFFFFD80  }
0x5a: {  	s12 =	simm.s32 $0x40;
	v1 =	vld [tilespmem:s11+$0x172A0]  }
.LBB2_4:
0x5b: {  	p0 =	sne.s32 s12, $0x9C0;
	v2 =	vld [tilespmem:s11+$0x17020];
	_ =	sdelay $0x4  }
0x5c: {  	v1 =	vadd.f32 v1, v2;
	_ =	sdelay $0x1  }
0x5d: {  	v1 =	vadd.f32 $1.000000000e+00, v1;
	_ =	sdelay $0x1  }
0x5e: {  	v2 =	vshrl.u32 v1, $0x1;
	v1 =	vmul.f32 $5.000000000e-01, v1  }
0x5f: {  	v2 =	vsub.s32 $0x5F3759DF, v2  }
0x60: {  	v3 =	vmul.f32 v2, v1;
	_ =	sdelay $0x1  }
0x61: {  	v3 =	vmul.f32 v2, v3;
	_ =	sdelay $0x1  }
0x62: {  	v3 =	vsub.f32 $1.500000000e+00, v3;
	_ =	sdelay $0x1  }
0x63: {  	v2 =	vmul.f32 v2, v3;
	_ =	sdelay $0x1  }
0x64: {  	v3 =	vmul.f32 v2, v1;
	_ =	sdelay $0x1  }
0x65: {  	v3 =	vmul.f32 v3, v2;
	_ =	sdelay $0x1  }
0x66: {  	v3 =	vsub.f32 $1.500000000e+00, v3;
	_ =	sdelay $0x1  }
0x67: {  	v2 =	vmul.f32 v3, v2;
	_ =	sdelay $0x1  }
0x68: {  	v1 =	vmul.f32 v2, v1;
	_ =	sdelay $0x1  }
0x69: {  	v1 =	vmul.f32 v1, v2;
	_ =	sdelay $0x1  }
.Ltmp1:
0x6a: {  	v1 =	vsub.f32 $1.500000000e+00, v1;
	(pc) =	sbr.rel @p0 .LBB2_4-.Ltmp1, $4  }
0x6b: {  	_ = 	snop  }
0x6c: {  	v2 =	vmul.f32 v1, v2  }
0x6d: {  	s13 =	sshra.s32 s12, $0x2  }
0x6e: {  	s12 =	sadd.s32 $0x40, s12;
	v1 =	vld [tilespmem:s13+$0x172A0];
	[tilespmem:s11+$0x17020] =	vst v2;
	s11 =	smov.u32 s13  }
0x6f: {  	v2 =	vld [tilespmem:s11+$0x17020];
	_ =	sdelay $0x4  }
0x70: {  	v1 =	vadd.f32 v1, v2;
	_ =	sdelay $0x1  }
0x71: {  	v1 =	vadd.f32 $1.000000000e+00, v1;
	_ =	sdelay $0x1  }
0x72: {  	v2 =	vshrl.u32 v1, $0x1;
	v1 =	vmul.f32 $5.000000000e-01, v1  }
0x73: {  	v2 =	vsub.s32 $0x5F3759DF, v2  }
0x74: {  	v3 =	vmul.f32 v2, v1;
	_ =	sdelay $0x1  }
0x75: {  	v3 =	vmul.f32 v2, v3;
	_ =	sdelay $0x1  }
0x76: {  	v3 =	vsub.f32 $1.500000000e+00, v3;
	_ =	sdelay $0x1  }
0x77: {  	v2 =	vmul.f32 v2, v3;
	_ =	sdelay $0x1  }
0x78: {  	v3 =	vmul.f32 v2, v1;
	_ =	sdelay $0x1  }
0x79: {  	v3 =	vmul.f32 v3, v2;
	_ =	sdelay $0x1  }
0x7a: {  	v3 =	vsub.f32 $1.500000000e+00, v3;
	_ =	sdelay $0x1  }
0x7b: {  	v2 =	vmul.f32 v3, v2;
	_ =	sdelay $0x1  }
0x7c: {  	v1 =	vmul.f32 v2, v1;
	_ =	sdelay $0x1  }
0x7d: {  	v1 =	vmul.f32 v1, v2;
	_ =	sdelay $0x1  }
0x7e: {  	v1 =	vsub.f32 $1.500000000e+00, v1;
	_ =	sdelay $0x1  }
0x7f: {  	s12 =	simm.s32 $0x0;
	v1 =	vmul.f32 v1, v2  }
0x80: {  	v2 =	vmov s12  }
0x81: {  	[tilespmem:s11+$0x17020] =	vst v1  }
0x82: {  	_ =	swait.ge [sflag:s6], $0x2800  }
0x83: {  	[sflag:s6] =	ssyncset.done $0x0  }
0x84: {  	[sflag:s6] =	ssyncadd.s32 $0xFFFFD800  }
0x85: {  	s11 =	simm.s32 $0x14820;
	v1 =	vld.idx.msk [tilespmem:v2+s23+$0x0], $0xffff  }
0x86: {  	v3 =	vld [tilespmem:s11+$0x0];
	_ =	sdelay $0x1  }
0x87: {  	s13 =	simm.s32 $0x1  }
0x88: {  	s12 =	simm.s32 $0x2;
	v2 =	vmov s13  }
.LBB2_6:
0x89: {  	p0 =	sne.s32 s12, $0x27F  }
0x8a: {  	v1 =	vmul.f32 v3, v1;
	_ =	sdelay $0x1  }
0x8b: {  	[tilespmem:s11+$0x0] =	vst v1  }
.Ltmp2:
0x8c: {  	s11 =	sadd.s32 $0x10, s11;
	v1 =	vld.idx.msk [tilespmem:v2+s23+$0x0], $0xffff;
	(pc) =	sbr.rel @p0 .LBB2_6-.Ltmp2, $2  }
0x8d: {  	v3 =	vld [tilespmem:s11+$0x0];
	_ =	sdelay $0x2  }
0x8e: {  	v2 =	vmov s12;
	s12 =	sadd.s32 $0x1, s12  }
0x8f: {  	_ = 	snop  }
0x90: {  	v1 =	vmul.f32 v3, v1;
	_ =	sdelay $0x1  }
0x91: {  	[tilespmem:s11+$0x0] =	vst v1  }
0x92: {  	s13 =	sadd.s32 $0x10, s11;
	v1 =	vld.idx.msk [tilespmem:v2+s23+$0x0], $0xffff  }
0x93: {  	v2 =	vld [tilespmem:s13+$0x0];
	_ =	sdelay $0x4  }
0x94: {  	v1 =	vmul.f32 v2, v1;
	_ =	sdelay $0x1  }
0x95: {  	[tilespmem:s13+$0x0] =	vst v1  }
0x96: {  	[hbm4b:s18+s3] =	stream.linear.scatter [tilespmem:s22], [sflag:$0x3], $0x2800, $0x38;
	[tilespmem:$0x1C520] =	vst v63  }
0x97: {  	_ =	swait.ge [sflag:s26], $0x2800  }
0x98: {  	[sflag:s26] =	ssyncset.done $0x0  }
0x99: {  	[sflag:s26] =	ssyncadd.s32 $0xFFFFD800  }
0x9a: {  	[bflag:$0x0] =	sbarrier.arrive $0xFFFF  }
0x9b: {  	[tilespmem:s8], [sflag:$0x1] =	stream.indirect.gather [hbm4b:s19+s29], $0x10, s3, s29, $0xb8;
	[tilespmem:$0x1C520] =	vst v63  }
0x9c: {  	_ = 	snop  }
0x9d: {  	[tilespmem:s9], [sflag:$0x2] =	stream.indirect.gather [hbm4b:s19+s29], $0x10, s29, s29, $0xb8;
	[tilespmem:$0x1C520] =	vst v63  }
0x9e: {  	_ =	swait.ge [sflag:s6], $0x7D00  }
0x9f: {  	[sflag:s6] =	ssyncset.done $0x0  }
0xa0: {  	[sflag:s6] =	ssyncadd.s32 $0xFFFF8300  }
0xa1: {  	[spmem:s2] =	stream.indirect.scatter.add.f32 [tilespmem:s8], [sflag:$0x3], $0x10, s28, s29, $0xb8;
	[tilespmem:$0x1C520] =	vst v63  }
0xa2: {  	_ =	swait.ge [sflag:s26], $0x7D00  }
0xa3: {  	[sflag:s26] =	ssyncset.done $0x0  }
0xa4: {  	[sflag:s26] =	ssyncadd.s32 $0xFFFF8300  }
0xa5: {  	[tilespmem:s8], [sflag:$0x1] =	stream.indirect.gather [hbm4b:s19+s29], $0x10, s31, s29, $0xb8;
	[tilespmem:$0x1C520] =	vst v63  }
0xa6: {  	_ =	swait.ge [sflag:s5], $0x7D00  }
0xa7: {  	[sflag:s5] =	ssyncset.done $0x0  }
0xa8: {  	[sflag:s5] =	ssyncadd.s32 $0xFFFF8300  }
0xa9: {  	[spmem:s2] =	stream.indirect.scatter.add.f32 [tilespmem:s9], [sflag:$0x3], $0x10, s30, s29, $0xb8;
	[tilespmem:$0x1C520] =	vst v63  }
0xaa: {  	_ =	swait.ge [sflag:s26], $0x7D00  }
0xab: {  	[sflag:s26] =	ssyncset.done $0x0  }
0xac: {  	[sflag:s26] =	ssyncadd.s32 $0xFFFF8300  }
0xad: {  	[tilespmem:s9], [sflag:$0x2] =	stream.indirect.gather [hbm4b:s19+s29], $0x10, s1, s29, $0xb8;
	[tilespmem:$0x1C520] =	vst v63  }
0xae: {  	_ =	swait.ge [sflag:s6], $0x7D00  }
0xaf: {  	[sflag:s6] =	ssyncset.done $0x0  }
0xb0: {  	[sflag:s6] =	ssyncadd.s32 $0xFFFF8300  }
0xb1: {  	[spmem:s2] =	stream.indirect.scatter.add.f32 [tilespmem:s8], [sflag:$0x3], $0x10, s0, s29, $0xb8;
	[tilespmem:$0x1C520] =	vst v63  }
0xb2: {  	_ =	swait.ge [sflag:s26], $0x7D00  }
0xb3: {  	[sflag:s26] =	ssyncset.done $0x0  }
0xb4: {  	[sflag:s26] =	ssyncadd.s32 $0xFFFF8300  }
0xb5: {  	[tilespmem:s8], [sflag:$0x1] =	stream.indirect.gather [hbm4b:s19+s29], $0x10, s25, s29, $0xb8;
	[tilespmem:$0x1C520] =	vst v63  }
0xb6: {  	_ =	swait.ge [sflag:s5], $0x7D00  }
0xb7: {  	[sflag:s5] =	ssyncset.done $0x0  }
0xb8: {  	[sflag:s5] =	ssyncadd.s32 $0xFFFF8300  }
0xb9: {  	[spmem:s2] =	stream.indirect.scatter.add.f32 [tilespmem:s9], [sflag:$0x3], $0x10, s24, s29, $0xb8;
	[tilespmem:$0x1C520] =	vst v63  }
0xba: {  	_ =	swait.ge [sflag:s26], $0x7D00  }
0xbb: {  	[sflag:s26] =	ssyncset.done $0x0  }
0xbc: {  	[sflag:s26] =	ssyncadd.s32 $0xFFFF8300  }
0xbd: {  	_ =	swait.ge [sflag:s6], $0x7D00  }
0xbe: {  	[sflag:s6] =	ssyncset.done $0x0  }
0xbf: {  	[sflag:s6] =	ssyncadd.s32 $0xFFFF8300  }
0xc0: {  	[spmem:s2] =	stream.indirect.scatter.add.f32 [tilespmem:s8], [sflag:$0x3], $0x10, s4, s29, $0xb8;
	[tilespmem:$0x1C520] =	vst v63  }
0xc1: {  	_ =	swait.ge [sflag:s26], $0x7D00  }
0xc2: {  	[sflag:s26] =	ssyncset.done $0x0  }
0xc3: {  	[sflag:s26] =	ssyncadd.s32 $0xFFFF8300  }
0xc4: {  	[bflag:$0x0] =	sbarrier.arrive $0xFFFF  }
0xc5: {  	[tilespmem:s22], [sflag:$0x3] =	stream.linear.gather [spmem:s7], $0x2800, $0x38;
	[tilespmem:$0x1C520] =	vst v63  }
0xc6: {  	s10 =	sadd.s32 $0x1, s10;
	_ =	swait.ge [sflag:s26], $0x2800  }
0xc7: {  	p0 =	sne.s32 s10, s21;
	[sflag:s26] =	ssyncset.done $0x0  }
.Ltmp3:
0xc8: {  	[sflag:s26] =	ssyncadd.s32 $0xFFFFD800;
	(pc) =	sbr.rel @p0 .LBB2_1-.Ltmp3, $4  }
0xc9: {  	[hbm4b:s20+s3] =	stream.linear.scatter [tilespmem:s22], [sflag:$0x3], $0x2800, $0x38;
	[tilespmem:$0x1C520] =	vst v63  }
0xca: {  	_ =	swait.ge [sflag:s26], $0x2800  }
0xcb: {  	[sflag:s26] =	ssyncset.done $0x0  }
0xcc: {  	[sflag:s26] =	ssyncadd.s32 $0xFFFFD800  }
0xcd: {  	_ =	sfence.sel $0x180000  }
0xce: {  	[bflag:$0x0] =	sbarrier.arrive $0xFFFF  }
0xcf: {  	_ =	strace $0x9000004A  }
0xd0: {  	s0 =	stileid.u32;
	[bflag:$0x2] =	sbarrier.arrive $0xFFFF  }
0xd1: {  	p0 =	sne.s32 s0, $0x0;
	s0 =	rddreg [dreg:$0x2]  }
0xd2: {  	s0 =	sadd.s32 @!p0 $0x100000, s0  }
0xd3: {  	[sflag:s0] =	ssyncadd.tile.s32 @!p0 $0x1;
	_ =	shalt  }
.Lfunc_end2:
_tile_overlayer_lowered:
.L_overlay_start_2:
0xd4: {  	(tag) =	ssettag $0x2  }
0xd5: {  	s0 =	rddreg [dreg:$0x0];
	s2 =	stileid.u32  }
0xd6: {  	s1 =	rddreg [dreg:$0x1];
	p0 =	sne.s32 s2, $0x0  }
0xd7: {  	s3 =	rddreg [dreg:$0x2];
	[bflag:$0x3] =	sbarrier.arrive $0xFFFF;
	s2 =	simm.s32 @!p0 $0x1C03  }
0xd8: {  	[timem:s3], [sflag:s2] =	dma.local @!p0 [hbm:s0], s1  }
0xd9: {  	s0 =	simm.s32 @!p0 $0x3  }
0xda: {  	_ =	swait.ge @!p0 [sflag:s0], s1  }
0xdb: {  	s1 =	ssub.s32 @!p0 $0x0, s1;
	[sflag:s0] =	ssyncset.done @!p0 $0x0  }
0xdc: {  	[sflag:s0] =	ssyncadd.s32 @!p0 s1  }
0xdd: {  	[bflag:$0x3] =	sbarrier.arrive $0xFFFF  }
0xde: {  	_ =	shalt  }

// kernel: kernel.14.cloned.1.call-start
scs
__scs_entry_jumppad:
0x0: {  	(pc) =	sbr.rel $0x88, $3  }
0x1: {  	(tag) =	ssettag $0x0;
	lr =	simm.s32 $0x1  }
0x2: {  	[smem:$0x3F9B] =	sst lr;
	_ =	strace $0xD0000000  }
0x3: {  	_ = 	snop  }
0x4: {  	_ = 	snop  }
0x5: {  	_ = 	snop  }
0x6: {  	_ = 	snop  }
0x7: {  	_ = 	snop  }
__scs_overlays_trampoline_lowered:
0x8: {  	[smem:$0x3FAA] =	sst s0  }
0x9: {  	[smem:$0x3FAB] =	sst s1  }
0xa: {  	[smem:$0x3FAC] =	sst s2  }
0xb: {  	[smem:$0x3FAD] =	sst s3  }
0xc: {  	[smem:$0x3FAE] =	sst s4  }
0xd: {  	[smem:$0x3FAF] =	sst s5  }
0xe: {  	[smem:$0x3FB0] =	sst s6  }
0xf: {  	[smem:$0x3FB1] =	sst s7  }
0x10: {  	[smem:$0x3FB2] =	sst s8  }
0x11: {  	[smem:$0x3FB3] =	sst s9;
	s0 =	simm.s32 @!p0 $0x0  }
0x12: {  	s1 =	sld [smem:$0x3F99];
	s0 =	simm.s32 @p0 $0x1  }
0x13: {  	[smem:$0x3FB4] =	sst s0;
	s0 =	simm.s32 @!p1 $0x0  }
0x14: {  	s2 =	sld [smem:$0x3F98];
	s0 =	simm.s32 @p1 $0x1  }
0x15: {  	[smem:$0x3FB5] =	sst s0;
	s0 =	simm.s32 @!p2 $0x0  }
0x16: {  	s3 =	sld [smem:$0x3FDB];
	s0 =	simm.s32 @p2 $0x1  }
0x17: {  	s4 =	simm.s32 $0x1BF5;
	[smem:$0x3FB7] =	sst s0  }
0x18: {  	s0 =	sld [smem:$0x3F9A];
	_ =	swait.ge [sflag:s4], $0x0  }
0x19: {  	s7 =	sld [smem:$0x3F9B]  }
0x1a: {  	s8 =	sadd.s32 $0xFFFFE003, lr  }
0x1b: {  	s9 =	sadd.s32 $0xFFFFFEF7, lr;
	s5 =	simm.s32 $0xFFFFFFFF;
	p2 =	slt.u32 s8, $0xFFFFF086  }
0x1c: {  	p1 =	slt.u32 s9, $0xF7A;
	s5 =	simm.s32 @!p2 $0x0  }
0x1d: {  	s5 =	simm.s32 @p1 $0x1;
	p0 =	seq.s32 s7, s2  }
0x1e: {  	s7 =	smul.u32 @!p0 $0xF7A, s2;
	p2 =	seq.s32 @!p0 s5, $0x0  }
0x1f: {  	s9 =	smul.u32 $0xF7A, s1;
	s8 =	simm.s32 @!p0 $0x1BF5;
	p2 =	por !p2, p0  }
0x20: {  	[sflag:s8] =	ssyncset.s32 @!p0 $0xFFFFF086;
	s6 =	sadd.s32 @!p0 s3, s7;
	s7 =	simm.s32 @!p0 $0x108  }
0x21: {  	s3 =	sadd.s32 s3, s9;
	s6 =	sadd.s32 @!p0 $0x88, s6;
	s7 =	simm.s32 @p2 $0x1082  }
0x22: {  	[simem:s7], [sflag:s8] =	dma.local @!p0 [hbm:s6], $0xF7A  }
0x23: {  	s9 =	sor.u32 $0xD0000000, s2;
	s6 =	simm.s32 $0x108;
	_ =	swait.ge @!p0 [sflag:s8], $0x0  }
0x24: {  	s3 =	sadd.s32 $0x88, s3;
	s6 =	simm.s32 @!p1 $0x1082;
	[sflag:s4] =	ssyncset.s32 $0xFFFFF086  }
0x25: {  	[simem:s6], [sflag:s4] =	dma.local [hbm:s3], $0xF7A  }
0x26: {  	[smem:$0x3F9B] =	sst s1;
	(tag) =	ssettag s2;
	_ =	strace s9  }
0x27: {  	s1 =	sld [smem:$0x3FAB]  }
0x28: {  	s2 =	sld [smem:$0x3FAC]  }
0x29: {  	s4 =	sld [smem:$0x3FAE]  }
0x2a: {  	p0 =	seq.s32 s5, $0x0;
	s5 =	sld [smem:$0x3FAF]  }
0x2b: {  	s6 =	sld [smem:$0x3FB0]  }
0x2c: {  	s7 =	sld [smem:$0x3FB1]  }
0x2d: {  	s3 =	simm.s32 $0x108;
	s8 =	sld [smem:$0x3FB2]  }
0x2e: {  	s3 =	simm.s32 @!p0 $0x1082;
	s9 =	sld [smem:$0x3FB3]  }
0x2f: {  	lr =	sadd.s32 s0, s3;
	s0 =	sld [smem:$0x3FAA]  }
0x30: {  	s3 =	sld [smem:$0x3FAD]  }
0x31: {  	[smem:$0x3FB6] =	sst s10  }
0x32: {  	s10 =	sld [smem:$0x3FB4];
	_ =	sdelay $0x3  }
0x33: {  	p0 =	seq.s32 s10, $0x1;
	s10 =	sld [smem:$0x3FB6];
	_ =	sdelay $0x3  }
0x34: {  	[smem:$0x3FB6] =	sst s10  }
0x35: {  	s10 =	sld [smem:$0x3FB5];
	_ =	sdelay $0x3  }
0x36: {  	p1 =	seq.s32 s10, $0x1;
	s10 =	sld [smem:$0x3FB6];
	_ =	sdelay $0x3  }
0x37: {  	[smem:$0x3FB6] =	sst s10  }
0x38: {  	s10 =	sld [smem:$0x3FB7]  }
0x39: {  	_ = 	snop;
	(pc) =	sbr.ind lr, $3  }
0x3a: {  	_ = 	snop  }
0x3b: {  	_ = 	snop  }
0x3c: {  	p2 =	seq.s32 s10, $0x1;
	s10 =	sld [smem:$0x3FB6]  }
0x3d: {  	_ =	shalt  }
0x3e: {  	_ =	shalt  }
0x3f: {  	_ =	shalt  }
0x40: {  	_ =	shalt  }
0x41: {  	_ =	shalt  }
0x42: {  	_ =	shalt  }
0x43: {  	_ =	shalt  }
0x44: {  	_ =	shalt  }
0x45: {  	_ =	shalt  }
0x46: {  	_ =	shalt  }
0x47: {  	_ =	shalt  }
0x48: {  	_ =	shalt  }
0x49: {  	_ =	shalt  }
0x4a: {  	_ =	shalt  }
0x4b: {  	_ =	shalt  }
0x4c: {  	_ =	shalt  }
0x4d: {  	_ =	shalt  }
0x4e: {  	_ =	shalt  }
0x4f: {  	_ =	shalt  }
0x50: {  	_ =	shalt  }
0x51: {  	_ =	shalt  }
0x52: {  	_ =	shalt  }
0x53: {  	_ =	shalt  }
0x54: {  	_ =	shalt  }
0x55: {  	_ =	shalt  }
0x56: {  	_ =	shalt  }
0x57: {  	_ =	shalt  }
0x58: {  	_ =	shalt  }
0x59: {  	_ =	shalt  }
0x5a: {  	_ =	shalt  }
0x5b: {  	_ =	shalt  }
0x5c: {  	_ =	shalt  }
0x5d: {  	_ =	shalt  }
0x5e: {  	_ =	shalt  }
0x5f: {  	_ =	shalt  }
0x60: {  	_ =	shalt  }
0x61: {  	_ =	shalt  }
0x62: {  	_ =	shalt  }
0x63: {  	_ =	shalt  }
0x64: {  	_ =	shalt  }
0x65: {  	_ =	shalt  }
0x66: {  	_ =	shalt  }
0x67: {  	_ =	shalt  }
0x68: {  	_ =	shalt  }
0x69: {  	_ =	shalt  }
0x6a: {  	_ =	shalt  }
0x6b: {  	_ =	shalt  }
0x6c: {  	_ =	shalt  }
0x6d: {  	_ =	shalt  }
0x6e: {  	_ =	shalt  }
0x6f: {  	_ =	shalt  }
0x70: {  	_ =	shalt  }
0x71: {  	_ =	shalt  }
0x72: {  	_ =	shalt  }
0x73: {  	_ =	shalt  }
0x74: {  	_ =	shalt  }
0x75: {  	_ =	shalt  }
0x76: {  	_ =	shalt  }
0x77: {  	_ =	shalt  }
0x78: {  	_ =	shalt  }
0x79: {  	_ =	shalt  }
0x7a: {  	_ =	shalt  }
0x7b: {  	_ =	shalt  }
0x7c: {  	_ =	shalt  }
0x7d: {  	_ =	shalt  }
0x7e: {  	_ =	shalt  }
0x7f: {  	_ =	shalt  }
0x80: {  	_ =	shalt  }
0x81: {  	_ =	shalt  }
0x82: {  	_ =	shalt  }
0x83: {  	_ =	shalt  }
0x84: {  	_ =	shalt  }
0x85: {  	_ =	shalt  }
0x86: {  	_ =	shalt  }
0x87: {  	_ =	shalt  }
.Lfunc_end0:
.L_simem_size_0:
called_computation.2_lowered:
.L_overlay_start_0:
0x88: {  	s2 =	sld [smem:$0x3FD9]  }
0x89: {  	s3 =	sld [smem:$0x3FFE];
	_ =	sdelay $0x1  }
0x8a: {  	s1 =	srdreg.scid  }
0x8b: {  	s0 =	sand.u32 $0x1, s1  }
0x8c: {  	s17 =	sshll.u32 s0, $0xA;
	s2 =	sadd.s32 s3, s2  }
0x8d: {  	s2 =	sadd.s32 s2, s17  }
0x8e: {  	[smem:$0x3FC2] =	sst s2  }
0x8f: {  	_ = 	snop  }
0x90: {  	s2 =	sld [smem:$0x3FC6]  }
0x91: {  	s18 =	sld [smem:$0x3FD0];
	(tm) =	ssettm $0x1  }
0x92: {  	s4 =	sld [smem:$0x3FFB];
	_ =	sdelay $0x3  }
0x93: {  	_ =	strace s4  }
0x94: {  	s4 =	sld [smem:$0x3FFC];
	_ =	sdelay $0x3  }
0x95: {  	_ =	strace s4  }
0x96: {  	s4 =	sld [smem:$0x3FFD];
	_ =	sdelay $0x3  }
0x97: {  	_ =	strace s4  }
0x98: {  	_ =	strace $0x8FFFFFFF  }
0x99: {  	s19 =	sld [smem:$0x3FDB];
	_ =	sdelay $0x1  }
0x9a: {  	s5 =	simm.s32 $_scs_section_size  }
0x9b: {  	s6 =	simm.s32 $_size__tile_overlayer_lowered;
	s7 =	simm.s32 $_tile_overlayer_lowered  }
0x9c: {  	s22 =	simm.s32 $0x1BFF;
	s21 =	sshll.u32 s7, $0x1;
	s4 =	sadd.s32 s5, s19  }
0x9d: {  	s8 =	simm.s32 $0x0;
	s20 =	sshll.u32 s6, $0x1;
	s6 =	sadd.s32 s21, s4  }
0x9e: {  	[timem:s8], [sflag:s22] =	dma.local [hbm:s6], s20  }
0x9f: {  	_ =	swait.ge [sflag:s22], s20  }
0xa0: {  	s5 =	ssub.s32 $0x0, s20;
	[sflag:s22] =	ssyncset.done $0x0  }
0xa1: {  	[sflag:s22] =	ssyncadd.s32 s5;
	_ =	sdelay $0x1  }
0xa2: {  	s23 =	simm.s32 $0x1B8B  }
0xa3: {  	_ =	swait.ge [sflag:s23], $0x1  }
0xa4: {  	[sflag:s23] =	ssyncset.done $0x0  }
0xa5: {  	s25 =	simm.s32 $0x1B8E;
	s24 =	sld [smem:$0x3FFE];
	[sflag:s23] =	ssyncadd.s32 $0xFFFFFFFF  }
0xa6: {  	s26 =	simm.s32 $execute0_lowered;
	[smem:$0x3FD2] =	sst s25  }
0xa7: {  	s6 =	sshll.u32 s26, $0x1;
	_ =	strace $0x8000004C;
	[dreg:$0x1] =	wrdreg $0xFFFFFFFF  }
0xa8: {  	s28 =	simm.s32 $_size_execute0_lowered;
	s4 =	sadd.s32 s4, s6;
	[dreg:$0x0] =	wrdreg $0x0  }
0xa9: {  	s6 =	sshll.u32 s28, $0x1;
	[dreg:$0x2] =	wrdreg s4  }
0xaa: {  	[dreg:$0x3] =	wrdreg s6  }
0xab: {  	[dreg:$0x4] =	wrdreg $0xC0  }
0xac: {  	_ =	task [dreg:s8], $0x5FFFF  }
0xad: {  	[dreg:$0x1] =	wrdreg $0xFFFFFFFF  }
0xae: {  	[dreg:$0x0] =	wrdreg $0x60  }
0xaf: {  	[dreg:$0x2] =	wrdreg s24  }
0xb0: {  	[dreg:$0x3] =	wrdreg s2  }
0xb1: {  	[dreg:$0x4] =	wrdreg s18  }
0xb2: {  	[dreg:$0x5] =	wrdreg $0x1CA500  }
0xb3: {  	[dreg:$0x6] =	wrdreg $0x9  }
0xb4: {  	_ =	task.clear_ibuf [dreg:s8], $0x7FFFF;
	_ =	strace $0x9000004C  }
0xb5: {  	s29 =	simm.s32 $0x9;
	_ =	strace $0x8000004E  }
0xb6: {  	_ =	swait.ge [sflag:s29], $0x1  }
0xb7: {  	[sflag:s29] =	ssyncadd.s32 $0xFFFFFFFF  }
0xb8: {  	_ =	strace $0x9000004E  }
0xb9: {  	_ =	sfence  }
0xba: {  	s30 =	sld [smem:$0x0];
	_ =	sdelay $0x2  }
0xbb: {  	s31 =	sshll.u32 s1, $0xD;
	s1 =	sshrl.u32 s1, $0x2  }
0xbc: {  	s3 =	sand.u32 $0x4000, s31;
	s1 =	sadd.s32 s1, s30  }
0xbd: {  	s0 =	sor.u32 s3, s0;
	s1 =	sshll.u32 s1, $0x11  }
0xbe: {  	s0 =	sor.u32 s1, s0  }
0xbf: {  	s0 =	sadd.s32 $0x8F2B, s0  }
0xc0: {  	[sflag:s0] =	ssyncadd.remote.s32 $0x1  }
0xc1: {  	_ =	sfence.sel $0xFFFF  }
0xc2: {  	[dreg:$0x0] =	wrdreg $0xFFFFFFFF;
	(pc) =	sbr.abs _section_cstart, $3  }
0xc3: {  	[dreg:$0x1] =	wrdreg $0xFFFFFFFF  }
0xc4: {  	_ =	task.clear_ibuf [dreg:s8], $0x2FFFF;
	_ =	strace $0x9FFFFFFF  }
0xc5: {  	(tm) =	ssettm $0x7FFFFFFF  }
tec
execute0_lowered:
.L_overlay_start_1:
0x0: {  	(tag) =	ssettag $0x1  }
0x1: {  	s0 =	rddreg [dreg:$0x0]  }
0x2: {  	s3 =	rddreg [dreg:$0x3]  }
0x3: {  	s1 =	simm.s32 $0x0;
	s6 =	stileid.u32;
	s4 =	srdreg.scid  }
0x4: {  	s31 =	simm.s32 $0x3;
	s30 =	simm.s32 $0x0;
	s2 =	smul.u32 $0x280, s6  }
0x5: {  	[smem:$0x7FF] =	sst s1;
	s21 =	sadd.s32 $0xC800, s0;
	s5 =	smul.u32 $0x2800, s6  }
0x6: {  	s4 =	sand.u32 $0x1, s4;
	s6 =	sshll.u32 s6, $0x1;
	s7 =	sadd.s32 $0x2A00, s0  }
0x7: {  	s18 =	sadd.s32 $0x1C000, s0;
	_ =	strace $0x8000004D;
	s8 =	smul.u32 $0x5000, s4  }
0x8: {  	s6 =	sor.u32 s4, s6;
	s10 =	ssub.s32 $0x2, s4;
	p0 =	seq.s32 s4, $0x0  }
0x9: {  	s9 =	sshrl.u32 s2, $0x3;
	s6 =	smul.u32 $0x2710, s6;
	s11 =	sshrl.u32 s5, $0x3  }
0xa: {  	s12 =	sshrl.u32 s10, $0x1;
	s9 =	sadd.s32 s9, s0;
	s2 =	sadd.s32 s2, s8  }
0xb: {  	s8 =	ssub.s32 s10, s12;
	s19 =	sadd.s32 s11, s0;
	s6 =	sshrl.u32 s6, $0x3  }
0xc: {  	s11 =	simm.s32 $0x3E80;
	s12 =	simm.s32 $0x1F40;
	s22 =	sadd.s32 s21, s6  }
0xd: {  	s23 =	sadd.s32 s7, s6;
	s24 =	sadd.s32 $0xFA, s6;
	[dreg:$0x5] =	wrdreg s22  }
0xe: {  	s29 =	smax.u32 s8, $0x1;
	[dreg:$0x6] =	wrdreg s23;
	s25 =	sadd.s32 s21, s24  }
0xf: {  	s26 =	sadd.s32 $0x1F4, s6;
	s10 =	sadd.s32 s7, s24;
	[dreg:$0x7] =	wrdreg s25  }
0x10: {  	s14 =	sadd.s32 $0x2EE, s6;
	s13 =	sadd.s32 s21, s26;
	[dreg:$0x8] =	wrdreg s10  }
0x11: {  	s8 =	simm.s32 $0xFA0;
	s15 =	sadd.s32 s21, s14;
	[dreg:$0x9] =	wrdreg s13  }
0x12: {  	s6 =	sadd.s32 $0x3E8, s6;
	s16 =	sadd.s32 s7, s14;
	[dreg:$0xb] =	wrdreg s15  }
0x13: {  	s1 =	sadd.s32 s21, s6;
	s6 =	sadd.s32 s7, s6;
	[dreg:$0xc] =	wrdreg s16  }
0x14: {  	s21 =	sadd.s32 $0x30200, s0;
	s22 =	sshrl.u32 s2, $0x3;
	[dreg:$0xd] =	wrdreg s1  }
0x15: {  	s23 =	sadd.s32 $0x17000, s19;
	s24 =	sadd.s32 $0x26000, s19;
	[dreg:$0xe] =	wrdreg s6  }
0x16: {  	s2 =	simm.s32 $0x1C020;
	s14 =	simm.s32 $0x2;
	[dreg:$0x10] =	wrdreg s21  }
0x17: {  	s13 =	smul.u32 $0x28000, s4;
	s10 =	sadd.s32 s7, s26;
	[dreg:$0x12] =	wrdreg s23  }
0x18: {  	[dreg:$0x13] =	wrdreg s24;
	s25 =	sadd.s32 $0x2B000, s19;
	s26 =	sadd.s32 $0x16600, s9  }
0x19: {  	s4 =	simm.s32 $0x17020;
	s23 =	simm.s32 $0x1C520;
	s24 =	simm.s32 $0x2710  }
0x1a: {  	s6 =	simm.s32 $0x7D0;
	s7 =	simm.s32 $0x2EE0;
	[dreg:$0xa] =	wrdreg s10  }
0x1b: {  	s15 =	simm.s32 $0x1;
	s16 =	simm.s32 $0x4E20;
	[dreg:$0x14] =	wrdreg s25  }
0x1c: {  	[dreg:$0x15] =	wrdreg s26;
	s25 =	sadd.s32 $0x16B00, s9;
	s9 =	simm.s32 $0x36B0  }
0x1d: {  	s10 =	simm.s32 $0x1770;
	s17 =	sadd.s32 s5, s13;
	s20 =	sshrl.u32 s13, $0x3  }
0x1e: {  	s13 =	simm.s32 $0x4650;
	s1 =	sshrl.u32 s17, $0x3;
	s17 =	sadd.s32 s18, s20  }
0x1f: {  	s20 =	sadd.s32 s5, s3;
	s5 =	simm.f32 $1.000000000e+00;
	s1 =	sadd.s32 s18, s1  }
0x20: {  	[dreg:$0xf] =	wrdreg s1;
	s1 =	sadd.s32 s22, s0;
	s0 =	sadd.s32 $0x30000, s0  }
0x21: {  	v2 =	vlaneseq.u32;
	s5 =	simm.s32 @!p0 $0x0;
	s18 =	simm.s32 $0xCB20;
	[dreg:$0x11] =	wrdreg s0  }
0x22: {  	v1 =	vimm.f32 $0.0e+00;
	v2 =	vmul.u32 $0x10, v2;
	v0 =	vmov s5;
	s26 =	sadd.s32 $0x30400, s1;
	s28 =	sadd.s32 $0x30900, s1;
	s0 =	simm.s32 $0x14820  }
.LBB2_1:
0x23: {  	s1 =	simm.s32 $0x40;
	s5 =	simm.s32 $0x0  }
.LBB2_2:
0x24: {  	p0 =	sne.s32 s1, $0x9FC0;
	[tilespmem:s5+$0x19820] =	vst v1;
	s5 =	smov.u32 s1;
	s1 =	sadd.s32 $0x40, s1  }
.Ltmp0:
0x25: {  	(pc) =	sbr.rel @p0 .LBB2_2-.Ltmp0, $2  }
0x26: {  	_ =	sdelay $0x2  }
0x27: {  	s5 =	sshra.s32 s5, $0x2  }
0x28: {  	[tilespmem:s5+$0x19820] =	vst v1;
	s19 =	simm.s32 $0x19820  }
0x29: {  	[spmem:s20] =	stream.linear.scatter [tilespmem:s19], [sflag:$0x3], $0x2800, $0x38;
	[tilespmem:$0x1F250] =	vst v63  }
0x2a: {  	_ =	swait.ge [sflag:s31], $0x2800  }
0x2b: {  	[sflag:s31] =	ssyncset.done $0x0  }
0x2c: {  	s1 =	simm.s32 $0x0;
	s22 =	rddreg [dreg:$0x12];
	[sflag:s31] =	ssyncadd.s32 $0xFFFFD800  }
0x2d: {  	[tilespmem:s0], [sflag:$0x1] =	stream.linear.gather [hbm4b:s22+s1], $0x2800, $0x38;
	[tilespmem:$0x1F250] =	vst v63  }
0x2e: {  	s21 =	rddreg [dreg:$0x13]  }
0x2f: {  	[tilespmem:s4], [sflag:$0x1] =	stream.linear.gather [hbm4b:s21+s1], $0x2800, $0x38;
	[tilespmem:$0x1F250] =	vst v63  }
0x30: {  	s22 =	rddreg [dreg:$0x14]  }
0x31: {  	[tilespmem:s19], [sflag:$0x1] =	stream.linear.gather [hbm4b:s22+s1], $0x2800, $0x38;
	[tilespmem:$0x1F250] =	vst v63  }
0x32: {  	s19 =	rddreg [dreg:$0x1]  }
0x33: {  	[tilespmem:s23], [sflag:$0x1] =	stream.linear.gather [hbm4b:s19+s1], $0x10, $0x38;
	[tilespmem:$0x1F250] =	vst v63  }
0x34: {  	s21 =	rddreg [dreg:$0x10];
	s22 =	simm.s32 $0x1C530  }
0x35: {  	[tilespmem:s22], [sflag:$0x1] =	stream.linear.gather [hbm4b:s21+s1], $0x10, $0x38;
	[tilespmem:$0x1F250] =	vst v63  }
0x36: {  	s21 =	rddreg [dreg:$0x2];
	s22 =	simm.s32 $0x1C540  }
0x37: {  	[tilespmem:s22], [sflag:$0x1] =	stream.linear.gather [hbm4b:s21+s1], $0x10, $0x38;
	[tilespmem:$0x1F250] =	vst v63  }
0x38: {  	s19 =	rddreg [dreg:$0x15]  }
0x39: {  	[tilespmem:s2], [sflag:$0x2] =	stream.linear.gather [hbm4b:s19+s1], $0x280, $0x38;
	[tilespmem:$0x1F250] =	vst v63  }
0x3a: {  	s21 =	simm.s32 $0x1C2A0  }
0x3b: {  	[tilespmem:s21], [sflag:$0x2] =	stream.linear.gather [hbm4b:s25+s1], $0x280, $0x38;
	[tilespmem:$0x1F250] =	vst v63  }
0x3c: {  	s22 =	rddreg [dreg:$0x5]  }
0x3d: {  	[tilespmem:s1], [sflag:$0x3] =	stream.linear.gather [hbm4b:s22+s1], $0x7D0, $0x38;
	[tilespmem:$0x1F250] =	vst v63  }
0x3e: {  	_ =	swait.ge [sflag:s31], $0x7D0  }
0x3f: {  	[sflag:s31] =	ssyncset.done $0x0  }
0x40: {  	s19 =	rddreg [dreg:$0x6];
	[sflag:s31] =	ssyncadd.s32 $0xFFFFF830  }
0x41: {  	[tilespmem:s24], [sflag:$0x3] =	stream.linear.gather [hbm4b:s19+s1], $0x7D0, $0x38;
	[tilespmem:$0x1F250] =	vst v63  }
0x42: {  	_ =	swait.ge [sflag:s31], $0x7D0  }
0x43: {  	[sflag:s31] =	ssyncset.done $0x0  }
0x44: {  	s21 =	rddreg [dreg:$0x7];
	[sflag:s31] =	ssyncadd.s32 $0xFFFFF830  }
0x45: {  	[tilespmem:s6], [sflag:$0x3] =	stream.linear.gather [hbm4b:s21+s1], $0x7D0, $0x38;
	[tilespmem:$0x1F250] =	vst v63  }
0x46: {  	_ =	swait.ge [sflag:s31], $0x7D0  }
0x47: {  	[sflag:s31] =	ssyncset.done $0x0  }
0x48: {  	s22 =	rddreg [dreg:$0x8];
	[sflag:s31] =	ssyncadd.s32 $0xFFFFF830  }
0x49: {  	[tilespmem:s7], [sflag:$0x3] =	stream.linear.gather [hbm4b:s22+s1], $0x7D0, $0x38;
	[tilespmem:$0x1F250] =	vst v63  }
0x4a: {  	_ =	swait.ge [sflag:s31], $0x7D0  }
0x4b: {  	[sflag:s31] =	ssyncset.done $0x0  }
0x4c: {  	s19 =	rddreg [dreg:$0x9];
	[sflag:s31] =	ssyncadd.s32 $0xFFFFF830  }
0x4d: {  	[tilespmem:s8], [sflag:$0x3] =	stream.linear.gather [hbm4b:s19+s1], $0x7D0, $0x38;
	[tilespmem:$0x1F250] =	vst v63  }
0x4e: {  	_ =	swait.ge [sflag:s31], $0x7D0  }
0x4f: {  	[sflag:s31] =	ssyncset.done $0x0  }
0x50: {  	s21 =	rddreg [dreg:$0xa];
	[sflag:s31] =	ssyncadd.s32 $0xFFFFF830  }
0x51: {  	[tilespmem:s9], [sflag:$0x3] =	stream.linear.gather [hbm4b:s21+s1], $0x7D0, $0x38;
	[tilespmem:$0x1F250] =	vst v63  }
0x52: {  	_ =	swait.ge [sflag:s31], $0x7D0  }
0x53: {  	[sflag:s31] =	ssyncset.done $0x0  }
0x54: {  	s22 =	rddreg [dreg:$0xb];
	[sflag:s31] =	ssyncadd.s32 $0xFFFFF830  }
0x55: {  	[tilespmem:s10], [sflag:$0x3] =	stream.linear.gather [hbm4b:s22+s1], $0x7D0, $0x38;
	[tilespmem:$0x1F250] =	vst v63  }
0x56: {  	_ =	swait.ge [sflag:s31], $0x7D0  }
0x57: {  	[sflag:s31] =	ssyncset.done $0x0  }
0x58: {  	s19 =	rddreg [dreg:$0xc];
	[sflag:s31] =	ssyncadd.s32 $0xFFFFF830  }
0x59: {  	[tilespmem:s11], [sflag:$0x3] =	stream.linear.gather [hbm4b:s19+s1], $0x7D0, $0x38;
	[tilespmem:$0x1F250] =	vst v63  }
0x5a: {  	_ =	swait.ge [sflag:s31], $0x7D0  }
0x5b: {  	[sflag:s31] =	ssyncset.done $0x0  }
0x5c: {  	s21 =	rddreg [dreg:$0xd];
	[sflag:s31] =	ssyncadd.s32 $0xFFFFF830  }
0x5d: {  	[tilespmem:s12], [sflag:$0x3] =	stream.linear.gather [hbm4b:s21+s1], $0x7D0, $0x38;
	[tilespmem:$0x1F250] =	vst v63  }
0x5e: {  	_ =	swait.ge [sflag:s31], $0x7D0  }
0x5f: {  	[sflag:s31] =	ssyncset.done $0x0  }
0x60: {  	s22 =	rddreg [dreg:$0xe];
	[sflag:s31] =	ssyncadd.s32 $0xFFFFF830  }
0x61: {  	[tilespmem:s13], [sflag:$0x3] =	stream.linear.gather [hbm4b:s22+s1], $0x7D0, $0x38;
	[tilespmem:$0x1F250] =	vst v63  }
0x62: {  	_ =	swait.ge [sflag:s31], $0x7D0  }
0x63: {  	[sflag:s31] =	ssyncset.done $0x0  }
0x64: {  	[sflag:s31] =	ssyncadd.s32 $0xFFFFF830  }
0x65: {  	_ =	swait.ge [sflag:s14], $0x280  }
0x66: {  	[sflag:s14] =	ssyncset.done $0x0  }
0x67: {  	[sflag:s14] =	ssyncadd.s32 $0xFFFFFD80  }
0x68: {  	_ =	swait.ge [sflag:s14], $0x280  }
0x69: {  	[sflag:s14] =	ssyncset.done $0x0  }
0x6a: {  	s1 =	simm.s32 $0x0;
	[sflag:s14] =	ssyncadd.s32 $0xFFFFFD80  }
0x6b: {  	s19 =	simm.s32 $0x40;
	v3 =	vld [tilespmem:s1+$0x1C2A0]  }
.LBB2_4:
0x6c: {  	p0 =	sne.s32 s19, $0x9C0;
	v4 =	vld [tilespmem:s1+$0x1C020];
	_ =	sdelay $0x4  }
0x6d: {  	v3 =	vadd.f32 v3, v4;
	_ =	sdelay $0x1  }
0x6e: {  	v3 =	vadd.f32 $1.000000000e+00, v3;
	_ =	sdelay $0x1  }
0x6f: {  	v4 =	vshrl.u32 v3, $0x1;
	v3 =	vmul.f32 $5.000000000e-01, v3  }
0x70: {  	v4 =	vsub.s32 $0x5F3759DF, v4  }
0x71: {  	v5 =	vmul.f32 v4, v3;
	_ =	sdelay $0x1  }
0x72: {  	v5 =	vmul.f32 v4, v5;
	_ =	sdelay $0x1  }
0x73: {  	v5 =	vsub.f32 $1.500000000e+00, v5;
	_ =	sdelay $0x1  }
0x74: {  	v4 =	vmul.f32 v4, v5;
	_ =	sdelay $0x1  }
0x75: {  	v5 =	vmul.f32 v4, v3;
	_ =	sdelay $0x1  }
0x76: {  	v5 =	vmul.f32 v5, v4;
	_ =	sdelay $0x1  }
0x77: {  	v5 =	vsub.f32 $1.500000000e+00, v5;
	_ =	sdelay $0x1  }
0x78: {  	v4 =	vmul.f32 v5, v4;
	_ =	sdelay $0x1  }
0x79: {  	v3 =	vmul.f32 v4, v3;
	_ =	sdelay $0x1  }
0x7a: {  	v3 =	vmul.f32 v3, v4;
	_ =	sdelay $0x1  }
.Ltmp1:
0x7b: {  	v3 =	vsub.f32 $1.500000000e+00, v3;
	(pc) =	sbr.rel @p0 .LBB2_4-.Ltmp1, $4  }
0x7c: {  	_ = 	snop  }
0x7d: {  	v4 =	vmul.f32 v3, v4  }
0x7e: {  	s5 =	sshra.s32 s19, $0x2  }
0x7f: {  	s19 =	sadd.s32 $0x40, s19;
	v3 =	vld [tilespmem:s5+$0x1C2A0];
	[tilespmem:s1+$0x1C020] =	vst v4;
	s1 =	smov.u32 s5  }
0x80: {  	v4 =	vld [tilespmem:s1+$0x1C020];
	_ =	sdelay $0x4  }
0x81: {  	v3 =	vadd.f32 v3, v4;
	_ =	sdelay $0x1  }
0x82: {  	v3 =	vadd.f32 $1.000000000e+00, v3;
	_ =	sdelay $0x1  }
0x83: {  	v4 =	vshrl.u32 v3, $0x1;
	v3 =	vmul.f32 $5.000000000e-01, v3  }
0x84: {  	v4 =	vsub.s32 $0x5F3759DF, v4  }
0x85: {  	v5 =	vmul.f32 v4, v3;
	_ =	sdelay $0x1  }
0x86: {  	v5 =	vmul.f32 v4, v5;
	_ =	sdelay $0x1  }
0x87: {  	v5 =	vsub.f32 $1.500000000e+00, v5;
	_ =	sdelay $0x1  }
0x88: {  	v4 =	vmul.f32 v4, v5;
	_ =	sdelay $0x1  }
0x89: {  	v5 =	vmul.f32 v4, v3;
	_ =	sdelay $0x1  }
0x8a: {  	v5 =	vmul.f32 v5, v4;
	_ =	sdelay $0x1  }
0x8b: {  	v5 =	vsub.f32 $1.500000000e+00, v5;
	_ =	sdelay $0x1  }
0x8c: {  	v4 =	vmul.f32 v5, v4;
	_ =	sdelay $0x1  }
0x8d: {  	v3 =	vmul.f32 v4, v3;
	_ =	sdelay $0x1  }
0x8e: {  	v3 =	vmul.f32 v3, v4;
	_ =	sdelay $0x1  }
0x8f: {  	v3 =	vsub.f32 $1.500000000e+00, v3;
	_ =	sdelay $0x1  }
0x90: {  	v3 =	vmul.f32 v3, v4;
	_ =	sdelay $0x1  }
0x91: {  	[tilespmem:s1+$0x1C020] =	vst v3  }
0x92: {  	_ =	swait.ge [sflag:s15], $0x2800  }
0x93: {  	[sflag:s15] =	ssyncset.done $0x0  }
0x94: {  	[sflag:s15] =	ssyncadd.s32 $0xFFFFD800  }
0x95: {  	_ =	swait.ge [sflag:s15], $0x2800  }
0x96: {  	[sflag:s15] =	ssyncset.done $0x0  }
0x97: {  	[sflag:s15] =	ssyncadd.s32 $0xFFFFD800  }
0x98: {  	_ =	swait.ge [sflag:s15], $0x2800  }
0x99: {  	[sflag:s15] =	ssyncset.done $0x0  }
0x9a: {  	[sflag:s15] =	ssyncadd.s32 $0xFFFFD800  }
0x9b: {  	_ =	swait.ge [sflag:s15], $0x10  }
0x9c: {  	[sflag:s15] =	ssyncset.done $0x0  }
0x9d: {  	[sflag:s15] =	ssyncadd.s32 $0xFFFFFFF0  }
0x9e: {  	_ =	swait.ge [sflag:s15], $0x10  }
0x9f: {  	s22 =	simm.s32 $0x0;
	[sflag:s15] =	ssyncset.done $0x0  }
0xa0: {  	v3 =	vmov s22;
	[sflag:s15] =	ssyncadd.s32 $0xFFFFFFF0  }
0xa1: {  	_ =	swait.ge [sflag:s15], $0x10  }
0xa2: {  	[sflag:s15] =	ssyncset.done $0x0  }
0xa3: {  	s21 =	simm.s32 $0x14820;
	[sflag:s15] =	ssyncadd.s32 $0xFFFFFFF0  }
0xa4: {  	v4 =	vld [tilespmem:s21+$0x0]  }
0xa5: {  	s1 =	simm.s32 $0x17020;
	v5 =	vld.idx.msk [tilespmem:v3+s2+$0x0], $0xffff  }
0xa6: {  	s19 =	simm.s32 $0x19820;
	v3 =	vld [tilespmem:s1+$0x0]  }
0xa7: {  	v6 =	vld [tilespmem:s19+$0x0];
	_ =	sdelay $0x4  }
0xa8: {  	v4 =	vmul.f32 v4, v5;
	v6 =	vadd.f32 v6, v3  }
0xa9: {  	v3 =	vld [tilespmem:$0x1C520]  }
0xaa: {  	v4 =	vadd.f32 v6, v4;
	_ =	sdelay $0x1  }
0xab: {  	v4 =	vmul.f32 v4, v5;
	_ =	sdelay $0x1  }
0xac: {  	v4 =	vadd.f32 v4, v3  }
0xad: {  	s5 =	simm.s32 $0x1  }
0xae: {  	v6 =	vmax.f32 v4, $0.0e+00;
	v4 =	vmov s5  }
0xaf: {  	s22 =	simm.s32 $0x2;
	v5 =	vmul.f32 v6, v5  }
.LBB2_6:
0xb0: {  	p0 =	sne.s32 s22, $0x27F  }
0xb1: {  	[tilespmem:s21+$0x0] =	vst v5;
	s21 =	sadd.s32 $0x10, s21  }
0xb2: {  	v5 =	vld [tilespmem:s21+$0x0]  }
0xb3: {  	s1 =	sadd.s32 $0x10, s1;
	v6 =	vld.idx.msk [tilespmem:v4+s2+$0x0], $0xffff  }
0xb4: {  	s19 =	sadd.s32 $0x10, s19;
	v4 =	vld [tilespmem:s1+$0x0]  }
0xb5: {  	v7 =	vld [tilespmem:s19+$0x0];
	_ =	sdelay $0x4  }
0xb6: {  	v5 =	vmul.f32 v5, v6;
	v4 =	vadd.f32 v7, v4;
	_ =	sdelay $0x1  }
0xb7: {  	v4 =	vadd.f32 v4, v5;
	_ =	sdelay $0x1  }
0xb8: {  	v4 =	vmul.f32 v4, v6  }
.Ltmp2:
0xb9: {  	(pc) =	sbr.rel @p0 .LBB2_6-.Ltmp2, $3  }
0xba: {  	v5 =	vadd.f32 v4, v3;
	_ =	sdelay $0x1  }
0xbb: {  	v4 =	vmov s22;
	v5 =	vmax.f32 v5, $0.0e+00  }
0xbc: {  	s22 =	sadd.s32 $0x1, s22;
	v5 =	vmul.f32 v5, v6  }
0xbd: {  	_ =	sdelay $0x1  }
0xbe: {  	s5 =	sadd.s32 $0x10, s21;
	[tilespmem:s21+$0x0] =	vst v5  }
0xbf: {  	v5 =	vld [tilespmem:s5+$0x0]  }
0xc0: {  	s1 =	sadd.s32 $0x10, s1;
	v4 =	vld.idx.msk [tilespmem:v4+s2+$0x0], $0xffff  }
0xc1: {  	s22 =	sadd.s32 $0x10, s19;
	v6 =	vld [tilespmem:s1+$0x0]  }
0xc2: {  	v7 =	vld [tilespmem:s22+$0x0];
	_ =	sdelay $0x4  }
0xc3: {  	v5 =	vmul.f32 v5, v4;
	v6 =	vadd.f32 v7, v6;
	_ =	sdelay $0x1  }
0xc4: {  	v5 =	vadd.f32 v6, v5;
	_ =	sdelay $0x1  }
0xc5: {  	v5 =	vmul.f32 v5, v4;
	_ =	sdelay $0x1  }
0xc6: {  	v3 =	vadd.f32 v5, v3;
	_ =	sdelay $0x1  }
0xc7: {  	v3 =	vmax.f32 v3, $0.0e+00  }
0xc8: {  	v3 =	vmul.f32 v3, v4;
	_ =	sdelay $0x1  }
0xc9: {  	s19 =	simm.s32 $0x0;
	s21 =	rddreg [dreg:$0xf];
	[tilespmem:s5+$0x0] =	vst v3  }
0xca: {  	[hbm4b:s21+s19] =	stream.linear.scatter [tilespmem:s0], [sflag:$0x3], $0x2800, $0x38;
	[tilespmem:$0x1F250] =	vst v63  }
0xcb: {  	_ =	swait.ge [sflag:s31], $0x2800  }
0xcc: {  	[sflag:s31] =	ssyncset.done $0x0  }
0xcd: {  	[sflag:s31] =	ssyncadd.s32 $0xFFFFD800  }
0xce: {  	[bflag:$0x0] =	sbarrier.arrive $0xFFFF  }
0xcf: {  	[tilespmem:s16], [sflag:$0x1] =	stream.indirect.gather [hbm4b:s17+s6], $0x10, s19, s6, $0xb8;
	[tilespmem:$0x1F250] =	vst v63  }
0xd0: {  	_ = 	snop  }
0xd1: {  	[tilespmem:s18], [sflag:$0x2] =	stream.indirect.gather [hbm4b:s17+s6], $0x10, s6, s6, $0xb8;
	[tilespmem:$0x1F250] =	vst v63  }
0xd2: {  	_ =	swait.ge [sflag:s15], $0x7D00  }
0xd3: {  	[sflag:s15] =	ssyncset.done $0x0  }
0xd4: {  	[sflag:s15] =	ssyncadd.s32 $0xFFFF8300  }
0xd5: {  	[spmem:s3] =	stream.indirect.scatter.add.f32 [tilespmem:s16], [sflag:$0x3], $0x10, s24, s6, $0xb8;
	[tilespmem:$0x1F250] =	vst v63  }
0xd6: {  	_ =	swait.ge [sflag:s31], $0x7D00  }
0xd7: {  	[sflag:s31] =	ssyncset.done $0x0  }
0xd8: {  	[sflag:s31] =	ssyncadd.s32 $0xFFFF8300  }
0xd9: {  	[tilespmem:s16], [sflag:$0x1] =	stream.indirect.gather [hbm4b:s17+s6], $0x10, s8, s6, $0xb8;
	[tilespmem:$0x1F250] =	vst v63  }
0xda: {  	_ =	swait.ge [sflag:s14], $0x7D00  }
0xdb: {  	[sflag:s14] =	ssyncset.done $0x0  }
0xdc: {  	[sflag:s14] =	ssyncadd.s32 $0xFFFF8300  }
0xdd: {  	[spmem:s3] =	stream.indirect.scatter.add.f32 [tilespmem:s18], [sflag:$0x3], $0x10, s7, s6, $0xb8;
	[tilespmem:$0x1F250] =	vst v63  }
0xde: {  	_ =	swait.ge [sflag:s31], $0x7D00  }
0xdf: {  	[sflag:s31] =	ssyncset.done $0x0  }
0xe0: {  	[sflag:s31] =	ssyncadd.s32 $0xFFFF8300  }
0xe1: {  	[tilespmem:s18], [sflag:$0x2] =	stream.indirect.gather [hbm4b:s17+s6], $0x10, s10, s6, $0xb8;
	[tilespmem:$0x1F250] =	vst v63  }
0xe2: {  	_ =	swait.ge [sflag:s15], $0x7D00  }
0xe3: {  	[sflag:s15] =	ssyncset.done $0x0  }
0xe4: {  	[sflag:s15] =	ssyncadd.s32 $0xFFFF8300  }
0xe5: {  	[spmem:s3] =	stream.indirect.scatter.add.f32 [tilespmem:s16], [sflag:$0x3], $0x10, s9, s6, $0xb8;
	[tilespmem:$0x1F250] =	vst v63  }
0xe6: {  	_ =	swait.ge [sflag:s31], $0x7D00  }
0xe7: {  	[sflag:s31] =	ssyncset.done $0x0  }
0xe8: {  	[sflag:s31] =	ssyncadd.s32 $0xFFFF8300  }
0xe9: {  	[tilespmem:s16], [sflag:$0x1] =	stream.indirect.gather [hbm4b:s17+s6], $0x10, s12, s6, $0xb8;
	[tilespmem:$0x1F250] =	vst v63  }
0xea: {  	_ =	swait.ge [sflag:s14], $0x7D00  }
0xeb: {  	[sflag:s14] =	ssyncset.done $0x0  }
0xec: {  	[sflag:s14] =	ssyncadd.s32 $0xFFFF8300  }
0xed: {  	[spmem:s3] =	stream.indirect.scatter.add.f32 [tilespmem:s18], [sflag:$0x3], $0x10, s11, s6, $0xb8;
	[tilespmem:$0x1F250] =	vst v63  }
0xee: {  	_ =	swait.ge [sflag:s31], $0x7D00  }
0xef: {  	[sflag:s31] =	ssyncset.done $0x0  }
0xf0: {  	[sflag:s31] =	ssyncadd.s32 $0xFFFF8300  }
0xf1: {  	_ =	swait.ge [sflag:s15], $0x7D00  }
0xf2: {  	[sflag:s15] =	ssyncset.done $0x0  }
0xf3: {  	[sflag:s15] =	ssyncadd.s32 $0xFFFF8300  }
0xf4: {  	[spmem:s3] =	stream.indirect.scatter.add.f32 [tilespmem:s16], [sflag:$0x3], $0x10, s13, s6, $0xb8;
	[tilespmem:$0x1F250] =	vst v63  }
0xf5: {  	_ =	swait.ge [sflag:s31], $0x7D00  }
0xf6: {  	[sflag:s31] =	ssyncset.done $0x0  }
0xf7: {  	[sflag:s31] =	ssyncadd.s32 $0xFFFF8300  }
0xf8: {  	[bflag:$0x0] =	sbarrier.arrive $0xFFFF  }
0xf9: {  	[tilespmem:s4], [sflag:$0x3] =	stream.linear.gather [spmem:s20], $0x2800, $0x38;
	[tilespmem:$0x1F250] =	vst v63  }
0xfa: {  	_ =	swait.ge [sflag:s31], $0x2800  }
0xfb: {  	[sflag:s31] =	ssyncset.done $0x0  }
0xfc: {  	s22 =	rddreg [dreg:$0x11];
	[sflag:s31] =	ssyncadd.s32 $0xFFFFD800  }
0xfd: {  	[tilespmem:s23], [sflag:$0x3] =	stream.linear.gather [hbm4b:s22+s19], $0x10, $0x38;
	[tilespmem:$0x1F250] =	vst v63  }
0xfe: {  	_ =	swait.ge [sflag:s31], $0x10  }
0xff: {  	[sflag:s31] =	ssyncset.done $0x0  }
0x100: {  	[sflag:s31] =	ssyncadd.s32 $0xFFFFFFF0  }
0x101: {  	v33 =	vld [tilespmem:$0x1C530]  }
0x102: {  	v34 =	vld [tilespmem:$0x1C540];
	_ =	sdelay $0x2  }
0x103: {  	v3 =	vmov s19  }
0x104: {  	v3 =	vshll.u32 v3, $0x4  }
0x105: {  	v35 =	vor.u32 v2, v3;
	v32 =	vbroadcast v33, $0x0;
	v31 =	vbroadcast v34, $0x0  }
0x106: {  	v36 =	vor.u32 $0x1, v35;
	v30 =	vbroadcast v33, $0x1;
	v29 =	vbroadcast v34, $0x1  }
0x107: {  	v37 =	vor.u32 $0x2, v35;
	v28 =	vbroadcast v33, $0x2;
	v27 =	vbroadcast v34, $0x2  }
0x108: {  	v39 =	vor.u32 $0x3, v35;
	v26 =	vbroadcast v33, $0x3;
	v25 =	vbroadcast v34, $0x3  }
0x109: {  	v41 =	vor.u32 $0x4, v35;
	v24 =	vbroadcast v33, $0x4;
	v23 =	vbroadcast v34, $0x4  }
0x10a: {  	v44 =	vor.u32 $0x5, v35;
	v22 =	vbroadcast v33, $0x5;
	v21 =	vbroadcast v34, $0x5  }
0x10b: {  	v45 =	vor.u32 $0x6, v35;
	v38 =	vld.idx.msk [tilespmem:v35+s0+$0x0], $0xffff;
	v20 =	vbroadcast v33, $0x6;
	v19 =	vbroadcast v34, $0x6  }
0x10c: {  	v46 =	vor.u32 $0x7, v35;
	v40 =	vld.idx.msk [tilespmem:v35+s4+$0x0], $0xffff;
	v18 =	vbroadcast v33, $0x7;
	v17 =	vbroadcast v34, $0x7  }
0x10d: {  	v47 =	vor.u32 $0x8, v35;
	v42 =	vld.idx.msk [tilespmem:v36+s0+$0x0], $0xffff;
	v16 =	vbroadcast v33, $0x8;
	v15 =	vbroadcast v34, $0x8  }
0x10e: {  	v48 =	vor.u32 $0x9, v35;
	v43 =	vld.idx.msk [tilespmem:v37+s0+$0x0], $0xffff;
	v14 =	vbroadcast v33, $0x9;
	v13 =	vbroadcast v34, $0x9  }
0x10f: {  	v49 =	vor.u32 $0xA, v35;
	v36 =	vld.idx.msk [tilespmem:v36+s4+$0x0], $0xffff;
	v12 =	vbroadcast v33, $0xA;
	v11 =	vbroadcast v34, $0xA  }
0x110: {  	v51 =	vor.u32 $0xB, v35;
	v50 =	vld.idx.msk [tilespmem:v39+s0+$0x0], $0xffff;
	v10 =	vbroadcast v33, $0xB;
	v8 =	vbroadcast v34, $0xB  }
0x111: {  	v53 =	vor.u32 $0xD, v35;
	v52 =	vld.idx.msk [tilespmem:v41+s0+$0x0], $0xffff;
	v9 =	vbroadcast v33, $0xC;
	v38 =	vmul.f32 v38, v0  }
0x112: {  	v54 =	vor.u32 $0xE, v35;
	v37 =	vld.idx.msk [tilespmem:v37+s4+$0x0], $0xffff;
	v6 =	vbroadcast v34, $0xC;
	v7 =	vbroadcast v33, $0xD  }
0x113: {  	v39 =	vld.idx.msk [tilespmem:v39+s4+$0x0], $0xffff;
	v5 =	vbroadcast v34, $0xD;
	v60 =	vmul.f32 v42, v0;
	v38 =	vadd.f32 v38, v40  }
0x114: {  	v61 =	vld.idx.msk [tilespmem:v44+s0+$0x0], $0xffff;
	v4 =	vbroadcast v33, $0xE;
	v42 =	vor.u32 $0xC, v35;
	v43 =	vmul.f32 v43, v0  }
0x115: {  	v41 =	vld.idx.msk [tilespmem:v41+s4+$0x0], $0xffff;
	v50 =	vmul.f32 v50, v0;
	v36 =	vadd.f32 v60, v36;
	v55 =	vmul.f32 v38, v32  }
0x116: {  	v44 =	vld.idx.msk [tilespmem:v44+s4+$0x0], $0xffff;
	v35 =	vor.u32 $0xF, v35;
	v52 =	vmul.f32 v52, v0;
	v38 =	vmul.f32 v38, v31  }
0x117: {  	v62 =	vld.idx.msk [tilespmem:v45+s0+$0x0], $0xffff;
	v37 =	vadd.f32 v43, v37;
	v56 =	vmul.f32 v36, v30;
	v55 =	vadd.f32 $0.0e+00, v55  }
0x118: {  	v39 =	vadd.f32 v50, v39;
	v50 =	vld.idx.msk [tilespmem:v46+s0+$0x0], $0xffff;
	v36 =	vmul.f32 v36, v29;
	v38 =	vadd.f32 $0.0e+00, v38  }
0x119: {  	v45 =	vld.idx.msk [tilespmem:v45+s4+$0x0], $0xffff;
	v40 =	vmul.f32 v61, v0;
	v63 =	vmul.f32 v37, v28;
	v55 =	vadd.f32 v56, v55  }
0x11a: {  	v57 =	vadd.f32 v52, v41;
	v46 =	vld.idx.msk [tilespmem:v46+s4+$0x0], $0xffff;
	v37 =	vmul.f32 v37, v27;
	v36 =	vadd.f32 v36, v38  }
0x11b: {  	v59 =	vmul.f32 v39, v26;
	v40 =	vadd.f32 v40, v44;
	v44 =	vld.idx.msk [tilespmem:v48+s0+$0x0], $0xffff;
	v58 =	vadd.f32 v63, v55  }
0x11c: {  	v41 =	vld.idx.msk [tilespmem:v47+s0+$0x0], $0xffff;
	v61 =	vmul.f32 v62, v0;
	v60 =	vmul.f32 v39, v25;
	v36 =	vadd.f32 v37, v36  }
0x11d: {  	v39 =	vld.idx.msk [tilespmem:v49+s0+$0x0], $0xffff;
	v50 =	vmul.f32 v50, v0;
	v63 =	vmul.f32 v57, v24;
	v62 =	vadd.f32 v59, v58  }
0x11e: {  	v43 =	vld.idx.msk [tilespmem:v47+s4+$0x0], $0xffff;
	v56 =	vadd.f32 v61, v45;
	v55 =	vmul.f32 v57, v23;
	v36 =	vadd.f32 v60, v36  }
0x11f: {  	v48 =	vld.idx.msk [tilespmem:v48+s4+$0x0], $0xffff;
	v46 =	vadd.f32 v50, v46;
	v58 =	vmul.f32 v40, v22;
	v57 =	vadd.f32 v63, v62  }
0x120: {  	v61 =	vld.idx.msk [tilespmem:v49+s4+$0x0], $0xffff;
	v44 =	vmul.f32 v44, v0;
	v59 =	vmul.f32 v40, v21;
	v36 =	vadd.f32 v55, v36  }
0x121: {  	v49 =	vld.idx.msk [tilespmem:v51+s0+$0x0], $0xffff;
	v60 =	vmul.f32 v41, v0;
	v62 =	vmul.f32 v56, v20;
	v45 =	vadd.f32 v58, v57  }
0x122: {  	v39 =	vmul.f32 v39, v0;
	v40 =	vld.idx.msk [tilespmem:v42+s0+$0x0], $0xffff;
	v63 =	vmul.f32 v56, v19;
	v36 =	vadd.f32 v59, v36  }
0x123: {  	v42 =	vld.idx.msk [tilespmem:v42+s4+$0x0], $0xffff;
	v50 =	vadd.f32 v60, v43;
	v55 =	vmul.f32 v46, v18;
	v52 =	vadd.f32 v62, v45  }
0x124: {  	v44 =	vadd.f32 v44, v48;
	v56 =	vld.idx.msk [tilespmem:v51+s4+$0x0], $0xffff;
	v57 =	vmul.f32 v46, v17;
	v36 =	vadd.f32 v63, v36  }
0x125: {  	v60 =	vadd.f32 v39, v61;
	v39 =	vld.idx.msk [tilespmem:v54+s0+$0x0], $0xffff;
	v58 =	vmul.f32 v50, v16;
	v43 =	vadd.f32 v55, v52  }
0x126: {  	v3 =	vbroadcast v34, $0xE;
	v46 =	vld.idx.msk [tilespmem:v53+s0+$0x0], $0xffff;
	v59 =	vmul.f32 v50, v15;
	v36 =	vadd.f32 v57, v36  }
0x127: {  	v54 =	vld.idx.msk [tilespmem:v54+s4+$0x0], $0xffff;
	v62 =	vmul.f32 v44, v14;
	v63 =	vmul.f32 v49, v0;
	v61 =	vadd.f32 v58, v43  }
0x128: {  	v40 =	vmul.f32 v40, v0;
	v52 =	vld.idx.msk [tilespmem:v53+s4+$0x0], $0xffff;
	v53 =	vmul.f32 v44, v13;
	v36 =	vadd.f32 v59, v36  }
0x129: {  	v55 =	vmul.f32 v60, v12;
	v45 =	vadd.f32 v63, v56;
	v56 =	vld.idx.msk [tilespmem:v35+s0+$0x0], $0xffff;
	v41 =	vadd.f32 v62, v61  }
0x12a: {  	v57 =	vmul.f32 v60, v11;
	v58 =	vadd.f32 v40, v42;
	v36 =	vadd.f32 v53, v36  }
0x12b: {  	v35 =	vld.idx.msk [tilespmem:v35+s4+$0x0], $0xffff;
	v60 =	vmul.f32 v45, v10;
	v61 =	vmul.f32 v46, v0;
	v59 =	vadd.f32 v55, v41  }
0x12c: {  	v39 =	vmul.f32 v39, v0;
	v62 =	vmul.f32 v45, v8;
	v36 =	vadd.f32 v57, v36  }
0x12d: {  	v63 =	vmul.f32 v58, v9;
	v42 =	vadd.f32 v61, v52;
	v40 =	vadd.f32 v60, v59  }
0x12e: {  	v45 =	vmul.f32 v58, v6;
	v46 =	vadd.f32 v39, v54;
	v50 =	vmul.f32 v56, v0  }
0x12f: {  	v36 =	vadd.f32 v62, v36;
	v49 =	vmul.f32 v42, v7;
	v48 =	vadd.f32 v63, v40  }
0x130: {  	s19 =	simm.s32 $0x1C020;
	v33 =	vbroadcast v33, $0xF;
	v53 =	vmul.f32 v46, v4;
	v35 =	vadd.f32 v50, v35  }
0x131: {  	v54 =	vld [tilespmem:s19+$0x0];
	v51 =	vmul.f32 v42, v5;
	v36 =	vadd.f32 v45, v36;
	v39 =	vadd.f32 v49, v48  }
0x132: {  	v34 =	vbroadcast v34, $0xF;
	v52 =	vld [tilespmem:$0x1C520];
	v55 =	vmul.f32 v46, v3  }
0x133: {  	s24 =	simm.s32 $0x10;
	v57 =	vmul.f32 v35, v33;
	v36 =	vadd.f32 v51, v36;
	v56 =	vadd.f32 v53, v39  }
0x134: {  	v59 =	vmov s24;
	v35 =	vmul.f32 v35, v34  }
0x135: {  	v38 =	vshll.u32 v59, $0x4;
	v36 =	vadd.f32 v55, v36;
	v58 =	vadd.f32 v57, v56  }
0x136: {  	v37 =	vor.u32 v2, v38  }
0x137: {  	v60 =	vadd.f32 v35, v36;
	v35 =	vbroadcast v52, $0x0;
	v61 =	vmul.f32 v58, v54  }
0x138: {  	v44 =	vor.u32 $0x1, v37;
	v43 =	vor.u32 $0x2, v37  }
0x139: {  	v36 =	vbroadcast v52, $0x1;
	v62 =	vmul.f32 v60, v54;
	v63 =	vadd.f32 v61, v35  }
0x13a: {  	s1 =	simm.s32 $0x1C550;
	v42 =	vor.u32 $0x3, v37;
	v41 =	vor.u32 $0x4, v37;
	v40 =	vor.u32 $0x5, v37  }
0x13b: {  	s21 =	simm.s32 $0x1C7E0;
	s22 =	simm.s32 $0x1C7D0;
	s23 =	simm.s32 $0x20;
	v38 =	vor.u32 $0x7, v37;
	v39 =	vor.u32 $0x6, v37;
	v45 =	vadd.f32 v62, v36;
	[tilespmem:s1+$0x0] =	vst v63  }
.LBB2_8:
0x13c: {  	s19 =	sadd.s32 $0x10, s19;
	s1 =	sadd.s32 $0x10, s1  }
0x13d: {  	v46 =	vor.u32 $0x8, v37;
	v47 =	vor.u32 $0x9, v37;
	v48 =	vor.u32 $0xA, v37;
	[tilespmem:s22+$0x0] =	vst v45;
	s24 =	smov.u32 s23;
	s5 =	sadd.s32 $0x10, s23;
	s22 =	smov.u32 s21  }
0x13e: {  	p0 =	sne.s32 s23, $0x270;
	v49 =	vor.u32 $0xB, v37;
	v50 =	vor.u32 $0xC, v37;
	v51 =	vor.u32 $0xD, v37;
	v45 =	vld.idx.msk [tilespmem:v37+s0+$0x0], $0xffff  }
0x13f: {  	v53 =	vor.u32 $0xE, v37;
	v52 =	vld.idx.msk [tilespmem:v37+s4+$0x0], $0xffff;
	v37 =	vor.u32 $0xF, v37  }
0x140: {  	v54 =	vld.idx.msk [tilespmem:v44+s0+$0x0], $0xffff  }
0x141: {  	v55 =	vld.idx.msk [tilespmem:v43+s0+$0x0], $0xffff  }
0x142: {  	v44 =	vld.idx.msk [tilespmem:v44+s4+$0x0], $0xffff  }
0x143: {  	v43 =	vld.idx.msk [tilespmem:v43+s4+$0x0], $0xffff  }
0x144: {  	v45 =	vmul.f32 v45, v0;
	v56 =	vld.idx.msk [tilespmem:v42+s0+$0x0], $0xffff  }
0x145: {  	v57 =	vld.idx.msk [tilespmem:v41+s0+$0x0], $0xffff  }
0x146: {  	v45 =	vadd.f32 v45, v52;
	v52 =	vmul.f32 v54, v0;
	v42 =	vld.idx.msk [tilespmem:v42+s4+$0x0], $0xffff  }
0x147: {  	v54 =	vmul.f32 v55, v0;
	v41 =	vld.idx.msk [tilespmem:v41+s4+$0x0], $0xffff  }
0x148: {  	v55 =	vmul.f32 v45, v32;
	v45 =	vmul.f32 v45, v31;
	v44 =	vadd.f32 v52, v44;
	v52 =	vld.idx.msk [tilespmem:v40+s0+$0x0], $0xffff  }
0x149: {  	v43 =	vadd.f32 v54, v43;
	v54 =	vld.idx.msk [tilespmem:v39+s0+$0x0], $0xffff  }
0x14a: {  	v55 =	vadd.f32 $0.0e+00, v55;
	v58 =	vmul.f32 v44, v30;
	v56 =	vmul.f32 v56, v0;
	v40 =	vld.idx.msk [tilespmem:v40+s4+$0x0], $0xffff  }
0x14b: {  	v45 =	vadd.f32 $0.0e+00, v45;
	v44 =	vmul.f32 v44, v29;
	v57 =	vmul.f32 v57, v0;
	v39 =	vld.idx.msk [tilespmem:v39+s4+$0x0], $0xffff  }
0x14c: {  	v55 =	vadd.f32 v58, v55;
	v58 =	vmul.f32 v43, v28;
	v42 =	vadd.f32 v56, v42;
	v56 =	vld.idx.msk [tilespmem:v38+s0+$0x0], $0xffff  }
0x14d: {  	v44 =	vadd.f32 v44, v45;
	v43 =	vmul.f32 v43, v27;
	v41 =	vadd.f32 v57, v41;
	v45 =	vld.idx.msk [tilespmem:v46+s0+$0x0], $0xffff  }
0x14e: {  	v55 =	vadd.f32 v58, v55;
	v57 =	vmul.f32 v42, v26;
	v52 =	vmul.f32 v52, v0;
	v38 =	vld.idx.msk [tilespmem:v38+s4+$0x0], $0xffff  }
0x14f: {  	v43 =	vadd.f32 v43, v44;
	v42 =	vmul.f32 v42, v25;
	v44 =	vmul.f32 v54, v0;
	v46 =	vld.idx.msk [tilespmem:v46+s4+$0x0], $0xffff  }
0x150: {  	v54 =	vadd.f32 v57, v55;
	v55 =	vmul.f32 v41, v24;
	v40 =	vadd.f32 v52, v40;
	v52 =	vld.idx.msk [tilespmem:v47+s0+$0x0], $0xffff  }
0x151: {  	v42 =	vadd.f32 v42, v43;
	v41 =	vmul.f32 v41, v23;
	v39 =	vadd.f32 v44, v39;
	v43 =	vld.idx.msk [tilespmem:v48+s0+$0x0], $0xffff  }
0x152: {  	v44 =	vadd.f32 v55, v54;
	v54 =	vmul.f32 v40, v22;
	v55 =	vmul.f32 v56, v0;
	v47 =	vld.idx.msk [tilespmem:v47+s4+$0x0], $0xffff  }
0x153: {  	v41 =	vadd.f32 v41, v42;
	v40 =	vmul.f32 v40, v21;
	v42 =	vmul.f32 v45, v0;
	v45 =	vld.idx.msk [tilespmem:v48+s4+$0x0], $0xffff  }
0x154: {  	v44 =	vadd.f32 v54, v44;
	v48 =	vmul.f32 v39, v20;
	v38 =	vadd.f32 v55, v38;
	v54 =	vld.idx.msk [tilespmem:v49+s0+$0x0], $0xffff  }
0x155: {  	v40 =	vadd.f32 v40, v41;
	v39 =	vmul.f32 v39, v19;
	v41 =	vadd.f32 v42, v46;
	v42 =	vld.idx.msk [tilespmem:v50+s0+$0x0], $0xffff  }
0x156: {  	v44 =	vadd.f32 v48, v44;
	v46 =	vmul.f32 v38, v18;
	v48 =	vmul.f32 v52, v0;
	v49 =	vld.idx.msk [tilespmem:v49+s4+$0x0], $0xffff  }
0x157: {  	v39 =	vadd.f32 v39, v40;
	v38 =	vmul.f32 v38, v17;
	v40 =	vmul.f32 v43, v0;
	v43 =	vld.idx.msk [tilespmem:v50+s4+$0x0], $0xffff  }
0x158: {  	v44 =	vadd.f32 v46, v44;
	v46 =	vmul.f32 v41, v16;
	v47 =	vadd.f32 v48, v47;
	v48 =	vld.idx.msk [tilespmem:v51+s0+$0x0], $0xffff  }
0x159: {  	v38 =	vadd.f32 v38, v39;
	v39 =	vmul.f32 v41, v15;
	v40 =	vadd.f32 v40, v45;
	v41 =	vld.idx.msk [tilespmem:v53+s0+$0x0], $0xffff  }
0x15a: {  	v44 =	vadd.f32 v46, v44;
	v45 =	vmul.f32 v47, v14;
	v46 =	vmul.f32 v54, v0;
	v50 =	vld.idx.msk [tilespmem:v51+s4+$0x0], $0xffff  }
0x15b: {  	v38 =	vadd.f32 v39, v38;
	v39 =	vmul.f32 v47, v13;
	v42 =	vmul.f32 v42, v0;
	v47 =	vld.idx.msk [tilespmem:v53+s4+$0x0], $0xffff  }
0x15c: {  	v44 =	vadd.f32 v45, v44;
	v45 =	vmul.f32 v40, v12;
	v46 =	vadd.f32 v46, v49;
	v49 =	vld.idx.msk [tilespmem:v37+s0+$0x0], $0xffff  }
0x15d: {  	v38 =	vadd.f32 v39, v38;
	v39 =	vmul.f32 v40, v11;
	v40 =	vadd.f32 v42, v43  }
0x15e: {  	v42 =	vadd.f32 v45, v44;
	v43 =	vmul.f32 v46, v10;
	v44 =	vmul.f32 v48, v0;
	v37 =	vld.idx.msk [tilespmem:v37+s4+$0x0], $0xffff  }
0x15f: {  	v38 =	vadd.f32 v39, v38;
	v39 =	vmul.f32 v46, v8;
	v41 =	vmul.f32 v41, v0  }
0x160: {  	v42 =	vadd.f32 v43, v42;
	v43 =	vmul.f32 v40, v9;
	v44 =	vadd.f32 v44, v50  }
0x161: {  	v38 =	vadd.f32 v39, v38;
	v39 =	vmul.f32 v40, v6;
	v40 =	vadd.f32 v41, v47  }
0x162: {  	v41 =	vadd.f32 v43, v42;
	v42 =	vmul.f32 v44, v7;
	v43 =	vmul.f32 v49, v0  }
0x163: {  	v38 =	vadd.f32 v39, v38;
	v39 =	vmul.f32 v44, v5  }
0x164: {  	v41 =	vadd.f32 v42, v41;
	v42 =	vmul.f32 v40, v4;
	v37 =	vadd.f32 v43, v37  }
0x165: {  	v38 =	vadd.f32 v39, v38;
	v39 =	vmul.f32 v40, v3;
	v43 =	vld [tilespmem:s19+$0x0]  }
0x166: {  	v40 =	vadd.f32 v42, v41;
	v41 =	vmul.f32 v37, v33  }
0x167: {  	v38 =	vadd.f32 v39, v38;
	v37 =	vmul.f32 v37, v34  }
0x168: {  	v39 =	vadd.f32 v41, v40  }
0x169: {  	v40 =	vmov s24;
	v38 =	vadd.f32 v37, v38  }
.Ltmp3:
0x16a: {  	v37 =	vshll.u32 v40, $0x4;
	v39 =	vmul.f32 v39, v43;
	(pc) =	sbr.rel @p0 .LBB2_8-.Ltmp3, $4  }
0x16b: {  	v37 =	vor.u32 v2, v37;
	v38 =	vmul.f32 v38, v43  }
0x16c: {  	v44 =	vor.u32 $0x1, v37;
	v43 =	vor.u32 $0x2, v37;
	v46 =	vadd.f32 v39, v35  }
0x16d: {  	v42 =	vor.u32 $0x3, v37;
	v41 =	vor.u32 $0x4, v37;
	v45 =	vadd.f32 v38, v36  }
0x16e: {  	s21 =	sadd.s32 $0x10, s21;
	s23 =	smov.u32 s5;
	v40 =	vor.u32 $0x5, v37;
	v39 =	vor.u32 $0x6, v37;
	v38 =	vor.u32 $0x7, v37;
	[tilespmem:s1+$0x0] =	vst v46  }
0x16f: {  	_ =	sdelay $0x2  }
0x170: {  	[tilespmem:s22+$0x0] =	vst v45  }
0x171: {  	v45 =	vld.idx.msk [tilespmem:v37+s0+$0x0], $0xffff  }
0x172: {  	v46 =	vld.idx.msk [tilespmem:v37+s4+$0x0], $0xffff  }
0x173: {  	v47 =	vld.idx.msk [tilespmem:v44+s0+$0x0], $0xffff  }
0x174: {  	v48 =	vld.idx.msk [tilespmem:v43+s0+$0x0], $0xffff  }
0x175: {  	v44 =	vld.idx.msk [tilespmem:v44+s4+$0x0], $0xffff  }
0x176: {  	v52 =	vld.idx.msk [tilespmem:v42+s0+$0x0], $0xffff;
	v45 =	vmul.f32 v45, v0  }
0x177: {  	v49 =	vor.u32 $0x8, v37;
	v50 =	vor.u32 $0x9, v37;
	v51 =	vor.u32 $0xA, v37;
	v60 =	vld.idx.msk [tilespmem:v43+s4+$0x0], $0xffff  }
0x178: {  	v53 =	vor.u32 $0xB, v37;
	v54 =	vld.idx.msk [tilespmem:v41+s0+$0x0], $0xffff;
	v61 =	vmul.f32 v47, v0;
	v45 =	vadd.f32 v45, v46  }
0x179: {  	v55 =	vor.u32 $0xD, v37;
	v56 =	vor.u32 $0xE, v37;
	v62 =	vld.idx.msk [tilespmem:v42+s4+$0x0], $0xffff;
	v47 =	vor.u32 $0xC, v37  }
0x17a: {  	v63 =	vld.idx.msk [tilespmem:v41+s4+$0x0], $0xffff;
	v48 =	vmul.f32 v48, v0;
	v44 =	vadd.f32 v61, v44;
	v32 =	vmul.f32 v45, v32  }
0x17b: {  	v37 =	vor.u32 $0xF, v37;
	v52 =	vmul.f32 v52, v0;
	v31 =	vmul.f32 v45, v31;
	v45 =	vld.idx.msk [tilespmem:v40+s0+$0x0], $0xffff  }
0x17c: {  	v57 =	vld.idx.msk [tilespmem:v40+s4+$0x0], $0xffff;
	v43 =	vadd.f32 v48, v60;
	v30 =	vmul.f32 v44, v30;
	v32 =	vadd.f32 $0.0e+00, v32  }
0x17d: {  	v58 =	vmul.f32 v54, v0;
	v46 =	vld.idx.msk [tilespmem:v39+s0+$0x0], $0xffff;
	v29 =	vmul.f32 v44, v29;
	v31 =	vadd.f32 $0.0e+00, v31  }
0x17e: {  	v60 =	vadd.f32 v52, v62;
	v61 =	vld.idx.msk [tilespmem:v38+s0+$0x0], $0xffff;
	v28 =	vmul.f32 v43, v28;
	v30 =	vadd.f32 v30, v32  }
0x17f: {  	v59 =	vld.idx.msk [tilespmem:v39+s4+$0x0], $0xffff;
	v62 =	vadd.f32 v58, v63;
	v27 =	vmul.f32 v43, v27;
	v29 =	vadd.f32 v29, v31  }
0x180: {  	v63 =	vld.idx.msk [tilespmem:v49+s0+$0x0], $0xffff;
	v26 =	vmul.f32 v60, v26;
	v44 =	vmul.f32 v45, v0;
	v28 =	vadd.f32 v28, v30  }
0x181: {  	v25 =	vmul.f32 v60, v25;
	v24 =	vmul.f32 v62, v24;
	v45 =	vld.idx.msk [tilespmem:v38+s4+$0x0], $0xffff;
	v27 =	vadd.f32 v27, v29  }
0x182: {  	v48 =	vld.idx.msk [tilespmem:v49+s4+$0x0], $0xffff;
	v46 =	vmul.f32 v46, v0;
	v49 =	vadd.f32 v44, v57;
	v26 =	vadd.f32 v26, v28  }
0x183: {  	v52 =	vld.idx.msk [tilespmem:v50+s0+$0x0], $0xffff;
	v23 =	vmul.f32 v62, v23;
	v58 =	vmul.f32 v61, v0;
	v25 =	vadd.f32 v25, v27  }
0x184: {  	v54 =	vadd.f32 v46, v59;
	v59 =	vld.idx.msk [tilespmem:v50+s4+$0x0], $0xffff;
	v22 =	vmul.f32 v49, v22;
	v24 =	vadd.f32 v24, v26  }
0x185: {  	v60 =	vmul.f32 v63, v0;
	v57 =	vld.idx.msk [tilespmem:v51+s0+$0x0], $0xffff;
	v21 =	vmul.f32 v49, v21;
	v23 =	vadd.f32 v23, v25  }
0x186: {  	v63 =	vld.idx.msk [tilespmem:v53+s0+$0x0], $0xffff;
	v20 =	vmul.f32 v54, v20;
	v62 =	vadd.f32 v58, v45;
	v22 =	vadd.f32 v22, v24  }
0x187: {  	v61 =	vld.idx.msk [tilespmem:v51+s4+$0x0], $0xffff;
	v32 =	vadd.f32 v60, v48;
	v19 =	vmul.f32 v54, v19;
	v21 =	vadd.f32 v21, v23  }
0x188: {  	v39 =	vmul.f32 v52, v0;
	v38 =	vld.idx.msk [tilespmem:v47+s0+$0x0], $0xffff;
	v18 =	vmul.f32 v62, v18;
	v20 =	vadd.f32 v20, v22  }
0x189: {  	v40 =	vld.idx.msk [tilespmem:v53+s4+$0x0], $0xffff;
	v16 =	vmul.f32 v32, v16;
	v17 =	vmul.f32 v62, v17;
	v19 =	vadd.f32 v19, v21  }
0x18a: {  	v42 =	vld.idx.msk [tilespmem:v47+s4+$0x0], $0xffff;
	v43 =	vadd.f32 v39, v59;
	v41 =	vmul.f32 v57, v0;
	v18 =	vadd.f32 v18, v20  }
0x18b: {  	v44 =	vld.idx.msk [tilespmem:v55+s0+$0x0], $0xffff;
	v15 =	vmul.f32 v32, v15;
	v47 =	vmul.f32 v63, v0;
	v17 =	vadd.f32 v17, v19  }
0x18c: {  	v46 =	vld.idx.msk [tilespmem:v56+s0+$0x0], $0xffff;
	v14 =	vmul.f32 v43, v14;
	v45 =	vadd.f32 v41, v61;
	v16 =	vadd.f32 v16, v18  }
0x18d: {  	v48 =	vld.idx.msk [tilespmem:v55+s4+$0x0], $0xffff;
	v49 =	vmul.f32 v38, v0;
	v13 =	vmul.f32 v43, v13;
	v15 =	vadd.f32 v15, v17  }
0x18e: {  	v52 =	vld.idx.msk [tilespmem:v37+s0+$0x0], $0xffff;
	v51 =	vadd.f32 v47, v40;
	v12 =	vmul.f32 v45, v12;
	v14 =	vadd.f32 v14, v16  }
0x18f: {  	v50 =	vld.idx.msk [tilespmem:v56+s4+$0x0], $0xffff;
	v53 =	vadd.f32 v49, v42;
	v11 =	vmul.f32 v45, v11;
	v13 =	vadd.f32 v13, v15  }
0x190: {  	v10 =	vmul.f32 v51, v10;
	v54 =	vmul.f32 v44, v0;
	v12 =	vadd.f32 v12, v14  }
0x191: {  	v55 =	vld.idx.msk [tilespmem:v37+s4+$0x0], $0xffff;
	v56 =	vmul.f32 v46, v0;
	v8 =	vmul.f32 v51, v8;
	v11 =	vadd.f32 v11, v13  }
0x192: {  	v9 =	vmul.f32 v53, v9;
	v57 =	vadd.f32 v54, v48;
	v10 =	vadd.f32 v10, v12  }
0x193: {  	v59 =	vmul.f32 v52, v0;
	v6 =	vmul.f32 v53, v6;
	v8 =	vadd.f32 v8, v11  }
0x194: {  	v58 =	vadd.f32 v56, v50;
	v7 =	vmul.f32 v57, v7;
	v9 =	vadd.f32 v9, v10  }
0x195: {  	v5 =	vmul.f32 v57, v5;
	v6 =	vadd.f32 v6, v8  }
0x196: {  	s5 =	sadd.s32 $0x10, s19;
	v60 =	vadd.f32 v59, v55;
	v4 =	vmul.f32 v58, v4;
	v7 =	vadd.f32 v7, v9  }
0x197: {  	v61 =	vld [tilespmem:s5+$0x0];
	v3 =	vmul.f32 v58, v3;
	v5 =	vadd.f32 v5, v6  }
0x198: {  	v62 =	vmul.f32 v60, v33;
	v4 =	vadd.f32 v4, v7  }
0x199: {  	v63 =	vmul.f32 v60, v34;
	v3 =	vadd.f32 v3, v5  }
0x19a: {  	v4 =	vadd.f32 v62, v4  }
0x19b: {  	v3 =	vadd.f32 v63, v3  }
0x19c: {  	v4 =	vmul.f32 v4, v61  }
0x19d: {  	v3 =	vmul.f32 v3, v61  }
0x19e: {  	v4 =	vadd.f32 v4, v35  }
0x19f: {  	s1 =	sadd.s32 $0x10, s1;
	v3 =	vadd.f32 v3, v36  }
0x1a0: {  	[tilespmem:s1+$0x0] =	vst v4  }
0x1a1: {  	s22 =	simm.s32 $0x0;
	s23 =	simm.s32 $0x1C550;
	[tilespmem:s21+$0x0] =	vst v3  }
0x1a2: {  	[hbm4b:s26+s22] =	stream.linear.scatter [tilespmem:s23], [sflag:$0x3], $0x280, $0x38;
	[tilespmem:$0x1F250] =	vst v63  }
0x1a3: {  	s30 =	sadd.s32 $0x1, s30;
	_ =	swait.ge [sflag:s31], $0x280  }
0x1a4: {  	p0 =	sne.s32 s30, s29;
	[sflag:s31] =	ssyncset.done $0x0  }
.Ltmp4:
0x1a5: {  	s24 =	simm.s32 $0x1C7D0;
	[sflag:s31] =	ssyncadd.s32 $0xFFFFFD80;
	(pc) =	sbr.rel @p0 .LBB2_1-.Ltmp4, $4  }
0x1a6: {  	[hbm4b:s28+s22] =	stream.linear.scatter [tilespmem:s24], [sflag:$0x3], $0x280, $0x38;
	[tilespmem:$0x1F250] =	vst v63  }
0x1a7: {  	_ =	swait.ge [sflag:s31], $0x280  }
0x1a8: {  	[sflag:s31] =	ssyncset.done $0x0  }
0x1a9: {  	s23 =	simm.s32 $0x1C520;
	s24 =	simm.s32 $0x2710;
	[sflag:s31] =	ssyncadd.s32 $0xFFFFFD80  }
0x1aa: {  	_ =	sfence.sel $0x180000  }
0x1ab: {  	[bflag:$0x0] =	sbarrier.arrive $0xFFFF  }
0x1ac: {  	_ =	strace $0x9000004D  }
0x1ad: {  	s0 =	stileid.u32;
	[bflag:$0x2] =	sbarrier.arrive $0xFFFF  }
0x1ae: {  	p0 =	sne.s32 s0, $0x0;
	s0 =	rddreg [dreg:$0x4]  }
0x1af: {  	s0 =	sadd.s32 @!p0 $0x100000, s0  }
0x1b0: {  	[sflag:s0] =	ssyncadd.tile.s32 @!p0 $0x1;
	_ =	shalt  }
.Lfunc_end2:
_tile_overlayer_lowered:
.L_overlay_start_2:
0x1b1: {  	(tag) =	ssettag $0x2  }
0x1b2: {  	s0 =	rddreg [dreg:$0x0];
	s2 =	stileid.u32  }
0x1b3: {  	s1 =	rddreg [dreg:$0x1];
	p0 =	sne.s32 s2, $0x0  }
0x1b4: {  	s3 =	rddreg [dreg:$0x2];
	[bflag:$0x3] =	sbarrier.arrive $0xFFFF;
	s2 =	simm.s32 @!p0 $0x1C03  }
0x1b5: {  	[timem:s3], [sflag:s2] =	dma.local @!p0 [hbm:s0], s1  }
0x1b6: {  	s0 =	simm.s32 @!p0 $0x3  }
0x1b7: {  	_ =	swait.ge @!p0 [sflag:s0], s1  }
0x1b8: {  	s1 =	ssub.s32 @!p0 $0x0, s1;
	[sflag:s0] =	ssyncset.done @!p0 $0x0  }
0x1b9: {  	[sflag:s0] =	ssyncadd.s32 @!p0 s1  }
0x1ba: {  	[bflag:$0x3] =	sbarrier.arrive $0xFFFF  }
0x1bb: {  	_ =	shalt  }

// kernel: kernel.17.cloned.1.call-start
scs
__scs_entry_jumppad:
0x0: {  	(pc) =	sbr.rel $0x88, $3  }
0x1: {  	(tag) =	ssettag $0x0;
	lr =	simm.s32 $0x1  }
0x2: {  	[smem:$0x3F9B] =	sst lr;
	_ =	strace $0xD0000000  }
0x3: {  	_ = 	snop  }
0x4: {  	_ = 	snop  }
0x5: {  	_ = 	snop  }
0x6: {  	_ = 	snop  }
0x7: {  	_ = 	snop  }
__scs_overlays_trampoline_lowered:
0x8: {  	[smem:$0x3FAA] =	sst s0  }
0x9: {  	[smem:$0x3FAB] =	sst s1  }
0xa: {  	[smem:$0x3FAC] =	sst s2  }
0xb: {  	[smem:$0x3FAD] =	sst s3  }
0xc: {  	[smem:$0x3FAE] =	sst s4  }
0xd: {  	[smem:$0x3FAF] =	sst s5  }
0xe: {  	[smem:$0x3FB0] =	sst s6  }
0xf: {  	[smem:$0x3FB1] =	sst s7  }
0x10: {  	[smem:$0x3FB2] =	sst s8  }
0x11: {  	[smem:$0x3FB3] =	sst s9;
	s0 =	simm.s32 @!p0 $0x0  }
0x12: {  	s1 =	sld [smem:$0x3F99];
	s0 =	simm.s32 @p0 $0x1  }
0x13: {  	[smem:$0x3FB4] =	sst s0;
	s0 =	simm.s32 @!p1 $0x0  }
0x14: {  	s2 =	sld [smem:$0x3F98];
	s0 =	simm.s32 @p1 $0x1  }
0x15: {  	[smem:$0x3FB5] =	sst s0;
	s0 =	simm.s32 @!p2 $0x0  }
0x16: {  	s3 =	sld [smem:$0x3FDB];
	s0 =	simm.s32 @p2 $0x1  }
0x17: {  	s4 =	simm.s32 $0x1BF5;
	[smem:$0x3FB7] =	sst s0  }
0x18: {  	s0 =	sld [smem:$0x3F9A];
	_ =	swait.ge [sflag:s4], $0x0  }
0x19: {  	s7 =	sld [smem:$0x3F9B]  }
0x1a: {  	s8 =	sadd.s32 $0xFFFFE003, lr  }
0x1b: {  	s9 =	sadd.s32 $0xFFFFFEF7, lr;
	s5 =	simm.s32 $0xFFFFFFFF;
	p2 =	slt.u32 s8, $0xFFFFF086  }
0x1c: {  	p1 =	slt.u32 s9, $0xF7A;
	s5 =	simm.s32 @!p2 $0x0  }
0x1d: {  	s5 =	simm.s32 @p1 $0x1;
	p0 =	seq.s32 s7, s2  }
0x1e: {  	s7 =	smul.u32 @!p0 $0xF7A, s2;
	p2 =	seq.s32 @!p0 s5, $0x0  }
0x1f: {  	s9 =	smul.u32 $0xF7A, s1;
	s8 =	simm.s32 @!p0 $0x1BF5;
	p2 =	por !p2, p0  }
0x20: {  	[sflag:s8] =	ssyncset.s32 @!p0 $0xFFFFF086;
	s6 =	sadd.s32 @!p0 s3, s7;
	s7 =	simm.s32 @!p0 $0x108  }
0x21: {  	s3 =	sadd.s32 s3, s9;
	s6 =	sadd.s32 @!p0 $0x88, s6;
	s7 =	simm.s32 @p2 $0x1082  }
0x22: {  	[simem:s7], [sflag:s8] =	dma.local @!p0 [hbm:s6], $0xF7A  }
0x23: {  	s9 =	sor.u32 $0xD0000000, s2;
	s6 =	simm.s32 $0x108;
	_ =	swait.ge @!p0 [sflag:s8], $0x0  }
0x24: {  	s3 =	sadd.s32 $0x88, s3;
	s6 =	simm.s32 @!p1 $0x1082;
	[sflag:s4] =	ssyncset.s32 $0xFFFFF086  }
0x25: {  	[simem:s6], [sflag:s4] =	dma.local [hbm:s3], $0xF7A  }
0x26: {  	[smem:$0x3F9B] =	sst s1;
	(tag) =	ssettag s2;
	_ =	strace s9  }
0x27: {  	s1 =	sld [smem:$0x3FAB]  }
0x28: {  	s2 =	sld [smem:$0x3FAC]  }
0x29: {  	s4 =	sld [smem:$0x3FAE]  }
0x2a: {  	p0 =	seq.s32 s5, $0x0;
	s5 =	sld [smem:$0x3FAF]  }
0x2b: {  	s6 =	sld [smem:$0x3FB0]  }
0x2c: {  	s7 =	sld [smem:$0x3FB1]  }
0x2d: {  	s3 =	simm.s32 $0x108;
	s8 =	sld [smem:$0x3FB2]  }
0x2e: {  	s3 =	simm.s32 @!p0 $0x1082;
	s9 =	sld [smem:$0x3FB3]  }
0x2f: {  	lr =	sadd.s32 s0, s3;
	s0 =	sld [smem:$0x3FAA]  }
0x30: {  	s3 =	sld [smem:$0x3FAD]  }
0x31: {  	[smem:$0x3FB6] =	sst s10  }
0x32: {  	s10 =	sld [smem:$0x3FB4];
	_ =	sdelay $0x3  }
0x33: {  	p0 =	seq.s32 s10, $0x1;
	s10 =	sld [smem:$0x3FB6];
	_ =	sdelay $0x3  }
0x34: {  	[smem:$0x3FB6] =	sst s10  }
0x35: {  	s10 =	sld [smem:$0x3FB5];
	_ =	sdelay $0x3  }
0x36: {  	p1 =	seq.s32 s10, $0x1;
	s10 =	sld [smem:$0x3FB6];
	_ =	sdelay $0x3  }
0x37: {  	[smem:$0x3FB6] =	sst s10  }
0x38: {  	s10 =	sld [smem:$0x3FB7]  }
0x39: {  	_ = 	snop;
	(pc) =	sbr.ind lr, $3  }
0x3a: {  	_ = 	snop  }
0x3b: {  	_ = 	snop  }
0x3c: {  	p2 =	seq.s32 s10, $0x1;
	s10 =	sld [smem:$0x3FB6]  }
0x3d: {  	_ =	shalt  }
0x3e: {  	_ =	shalt  }
0x3f: {  	_ =	shalt  }
0x40: {  	_ =	shalt  }
0x41: {  	_ =	shalt  }
0x42: {  	_ =	shalt  }
0x43: {  	_ =	shalt  }
0x44: {  	_ =	shalt  }
0x45: {  	_ =	shalt  }
0x46: {  	_ =	shalt  }
0x47: {  	_ =	shalt  }
0x48: {  	_ =	shalt  }
0x49: {  	_ =	shalt  }
0x4a: {  	_ =	shalt  }
0x4b: {  	_ =	shalt  }
0x4c: {  	_ =	shalt  }
0x4d: {  	_ =	shalt  }
0x4e: {  	_ =	shalt  }
0x4f: {  	_ =	shalt  }
0x50: {  	_ =	shalt  }
0x51: {  	_ =	shalt  }
0x52: {  	_ =	shalt  }
0x53: {  	_ =	shalt  }
0x54: {  	_ =	shalt  }
0x55: {  	_ =	shalt  }
0x56: {  	_ =	shalt  }
0x57: {  	_ =	shalt  }
0x58: {  	_ =	shalt  }
0x59: {  	_ =	shalt  }
0x5a: {  	_ =	shalt  }
0x5b: {  	_ =	shalt  }
0x5c: {  	_ =	shalt  }
0x5d: {  	_ =	shalt  }
0x5e: {  	_ =	shalt  }
0x5f: {  	_ =	shalt  }
0x60: {  	_ =	shalt  }
0x61: {  	_ =	shalt  }
0x62: {  	_ =	shalt  }
0x63: {  	_ =	shalt  }
0x64: {  	_ =	shalt  }
0x65: {  	_ =	shalt  }
0x66: {  	_ =	shalt  }
0x67: {  	_ =	shalt  }
0x68: {  	_ =	shalt  }
0x69: {  	_ =	shalt  }
0x6a: {  	_ =	shalt  }
0x6b: {  	_ =	shalt  }
0x6c: {  	_ =	shalt  }
0x6d: {  	_ =	shalt  }
0x6e: {  	_ =	shalt  }
0x6f: {  	_ =	shalt  }
0x70: {  	_ =	shalt  }
0x71: {  	_ =	shalt  }
0x72: {  	_ =	shalt  }
0x73: {  	_ =	shalt  }
0x74: {  	_ =	shalt  }
0x75: {  	_ =	shalt  }
0x76: {  	_ =	shalt  }
0x77: {  	_ =	shalt  }
0x78: {  	_ =	shalt  }
0x79: {  	_ =	shalt  }
0x7a: {  	_ =	shalt  }
0x7b: {  	_ =	shalt  }
0x7c: {  	_ =	shalt  }
0x7d: {  	_ =	shalt  }
0x7e: {  	_ =	shalt  }
0x7f: {  	_ =	shalt  }
0x80: {  	_ =	shalt  }
0x81: {  	_ =	shalt  }
0x82: {  	_ =	shalt  }
0x83: {  	_ =	shalt  }
0x84: {  	_ =	shalt  }
0x85: {  	_ =	shalt  }
0x86: {  	_ =	shalt  }
0x87: {  	_ =	shalt  }
.Lfunc_end0:
.L_simem_size_0:
called_computation.3_lowered:
.L_overlay_start_0:
0x88: {  	s2 =	sld [smem:$0x3FD9]  }
0x89: {  	s3 =	sld [smem:$0x3FFE];
	_ =	sdelay $0x1  }
0x8a: {  	s1 =	srdreg.scid  }
0x8b: {  	s0 =	sand.u32 $0x1, s1  }
0x8c: {  	s16 =	sshll.u32 s0, $0xA;
	s2 =	sadd.s32 s3, s2  }
0x8d: {  	s2 =	sadd.s32 s2, s16  }
0x8e: {  	[smem:$0x3FC2] =	sst s2  }
0x8f: {  	_ = 	snop  }
0x90: {  	(tm) =	ssettm $0x1  }
0x91: {  	s17 =	sld [smem:$0x3FFB];
	_ =	sdelay $0x3  }
0x92: {  	_ =	strace s17  }
0x93: {  	s2 =	sld [smem:$0x3FFC];
	_ =	sdelay $0x3  }
0x94: {  	_ =	strace s2  }
0x95: {  	s2 =	sld [smem:$0x3FFD];
	_ =	sdelay $0x3  }
0x96: {  	_ =	strace s2  }
0x97: {  	_ =	strace $0x8FFFFFFF  }
0x98: {  	s18 =	sld [smem:$0x3FDB];
	_ =	sdelay $0x1  }
0x99: {  	s19 =	simm.s32 $_scs_section_size  }
0x9a: {  	s4 =	simm.s32 $_size__tile_overlayer_lowered;
	s5 =	simm.s32 $_tile_overlayer_lowered  }
0x9b: {  	s22 =	simm.s32 $0x1BFF;
	s21 =	sshll.u32 s5, $0x1;
	s2 =	sadd.s32 s19, s18  }
0x9c: {  	s6 =	simm.s32 $0x0;
	s20 =	sshll.u32 s4, $0x1;
	s4 =	sadd.s32 s21, s2  }
0x9d: {  	[timem:s6], [sflag:s22] =	dma.local [hbm:s4], s20  }
0x9e: {  	_ =	swait.ge [sflag:s22], s20  }
0x9f: {  	s3 =	ssub.s32 $0x0, s20;
	[sflag:s22] =	ssyncset.done $0x0  }
0xa0: {  	[sflag:s22] =	ssyncadd.s32 s3;
	_ =	sdelay $0x1  }
0xa1: {  	s23 =	simm.s32 $0x1B8B  }
0xa2: {  	_ =	swait.ge [sflag:s23], $0x1  }
0xa3: {  	[sflag:s23] =	ssyncset.done $0x0  }
0xa4: {  	s25 =	simm.s32 $0x1B8E;
	s24 =	sld [smem:$0x3FFE];
	[sflag:s23] =	ssyncadd.s32 $0xFFFFFFFF  }
0xa5: {  	s26 =	simm.s32 $execute0_lowered;
	[smem:$0x3FD2] =	sst s25  }
0xa6: {  	s4 =	sshll.u32 s26, $0x1;
	_ =	strace $0x8000004F;
	[dreg:$0x1] =	wrdreg $0xFFFFFFFF  }
0xa7: {  	s28 =	simm.s32 $_size_execute0_lowered;
	s2 =	sadd.s32 s2, s4;
	[dreg:$0x0] =	wrdreg $0x0  }
0xa8: {  	s4 =	sshll.u32 s28, $0x1;
	[dreg:$0x2] =	wrdreg s2  }
0xa9: {  	[dreg:$0x3] =	wrdreg s4  }
0xaa: {  	[dreg:$0x4] =	wrdreg $0xC0  }
0xab: {  	_ =	task [dreg:s6], $0x5FFFF  }
0xac: {  	[dreg:$0x1] =	wrdreg $0xFFFFFFFF  }
0xad: {  	[dreg:$0x0] =	wrdreg $0x60  }
0xae: {  	[dreg:$0x2] =	wrdreg s24  }
0xaf: {  	[dreg:$0x3] =	wrdreg $0x9  }
0xb0: {  	_ =	task.clear_ibuf [dreg:s6], $0x4FFFF;
	_ =	strace $0x9000004F  }
0xb1: {  	s29 =	simm.s32 $0x9;
	_ =	strace $0x80000051  }
0xb2: {  	_ =	swait.ge [sflag:s29], $0x1  }
0xb3: {  	[sflag:s29] =	ssyncadd.s32 $0xFFFFFFFF  }
0xb4: {  	_ =	strace $0x90000051  }
0xb5: {  	_ =	sfence  }
0xb6: {  	s30 =	sld [smem:$0x0];
	_ =	sdelay $0x2  }
0xb7: {  	s31 =	sshll.u32 s1, $0xD;
	s1 =	sshrl.u32 s1, $0x2  }
0xb8: {  	s3 =	sand.u32 $0x4000, s31;
	s1 =	sadd.s32 s1, s30  }
0xb9: {  	s0 =	sor.u32 s3, s0;
	s1 =	sshll.u32 s1, $0x11  }
0xba: {  	s0 =	sor.u32 s1, s0  }
0xbb: {  	s0 =	sadd.s32 $0x8F2B, s0  }
0xbc: {  	[sflag:s0] =	ssyncadd.remote.s32 $0x1  }
0xbd: {  	_ =	sfence.sel $0xFFFF  }
0xbe: {  	[dreg:$0x0] =	wrdreg $0xFFFFFFFF;
	(pc) =	sbr.abs _section_cstart, $3  }
0xbf: {  	[dreg:$0x1] =	wrdreg $0xFFFFFFFF  }
0xc0: {  	_ =	task.clear_ibuf [dreg:s6], $0x2FFFF;
	_ =	strace $0x9FFFFFFF  }
0xc1: {  	(tm) =	ssettm $0x7FFFFFFF  }
tec
execute0_lowered:
.L_overlay_start_1:
0x0: {  	(tag) =	ssettag $0x1  }
0x1: {  	s1 =	srdreg.scid  }
0x2: {  	s0 =	stileid.u32;
	s4 =	rddreg [dreg:$0x0];
	s2 =	simm.s32 $0x0  }
0x3: {  	s10 =	simm.s32 $0x140;
	s3 =	sand.u32 $0x1, s1;
	s31 =	sshll.u32 s0, $0x1  }
0x4: {  	s11 =	simm.s32 $0x3C0;
	s12 =	simm.s32 $0x1;
	s5 =	sor.u32 s3, s31  }
0x5: {  	s13 =	simm.s32 $0x500;
	s14 =	simm.s32 $0x2;
	s6 =	smul.u32 $0x140, s5  }
0x6: {  	s15 =	simm.s32 $0x0;
	[smem:$0x7FF] =	sst s2;
	s5 =	smul.u32 $0x50, s5  }
0x7: {  	v0 =	vlaneseq.u32;
	s1 =	rddreg [dreg:$0x1];
	s3 =	ssub.s32 $0x2, s3;
	_ =	strace $0x80000050  }
0x8: {  	v1 =	vand.u32 $0x3, v0;
	s7 =	sshrl.u32 s3, $0x1;
	s6 =	sshrl.u32 s6, $0x3;
	s8 =	sadd.s32 s5, s4  }
0x9: {  	v0 =	vmul.u32 $0x2, v0;
	v1 =	vmul.u32 $0x2, v1;
	s9 =	ssub.s32 s3, s7;
	s6 =	sadd.s32 s6, s4;
	s7 =	sadd.s32 $0x2A00, s8  }
0xa: {  	s8 =	smax.u32 s9, $0x1;
	s9 =	simm.s32 $0x280;
	s3 =	sadd.s32 $0x30400, s6  }
0xb: {  	v2 =	vor.u32 $0x1, v0;
	v1 =	vor.u32 $0xFFFFFFF8, v1;
	s4 =	sadd.s32 $0x30E00, s6;
	s5 =	sadd.s32 $0x30900, s6;
	s6 =	sadd.s32 $0x31300, s6  }
.LBB2_1:
0xc: {  	[tilespmem:s2], [sflag:$0x1] =	stream.linear.gather [hbm4b:s3+s2], $0x140, $0x38;
	[tilespmem:$0x780] =	vst v63  }
0xd: {  	_ = 	snop  }
0xe: {  	[tilespmem:s9], [sflag:$0x1] =	stream.linear.gather [hbm4b:s4+s2], $0x140, $0x38;
	[tilespmem:$0x780] =	vst v63  }
0xf: {  	_ = 	snop  }
0x10: {  	[tilespmem:s10], [sflag:$0x1] =	stream.linear.gather [hbm4b:s5+s2], $0x140, $0x38;
	[tilespmem:$0x780] =	vst v63  }
0x11: {  	_ = 	snop  }
0x12: {  	[tilespmem:s11], [sflag:$0x1] =	stream.linear.gather [hbm4b:s6+s2], $0x140, $0x38;
	[tilespmem:$0x780] =	vst v63  }
0x13: {  	_ =	swait.ge [sflag:s12], $0x140  }
0x14: {  	[sflag:s12] =	ssyncset.done $0x0  }
0x15: {  	[sflag:s12] =	ssyncadd.s32 $0xFFFFFEC0  }
0x16: {  	_ =	swait.ge [sflag:s12], $0x140  }
0x17: {  	[sflag:s12] =	ssyncset.done $0x0  }
0x18: {  	[sflag:s12] =	ssyncadd.s32 $0xFFFFFEC0  }
0x19: {  	_ =	swait.ge [sflag:s12], $0x140  }
0x1a: {  	[sflag:s12] =	ssyncset.done $0x0  }
0x1b: {  	[sflag:s12] =	ssyncadd.s32 $0xFFFFFEC0  }
0x1c: {  	_ =	swait.ge [sflag:s12], $0x140  }
0x1d: {  	[sflag:s12] =	ssyncset.done $0x0  }
0x1e: {  	s16 =	simm.s32 $0x0;
	[sflag:s12] =	ssyncadd.s32 $0xFFFFFEC0  }
0x1f: {  	v3 =	vld [tilespmem:s16+$0x280]  }
0x20: {  	v4 =	vld [tilespmem:s16+$0x3C0]  }
0x21: {  	s17 =	simm.s32 $0x40;
	v5 =	vld [tilespmem:s16+$0x0]  }
.LBB2_2:
0x22: {  	p0 =	sne.s32 s17, $0x4C0;
	v6 =	vld [tilespmem:s16+$0x140];
	_ =	sdelay $0x2  }
.Ltmp0:
0x23: {  	(pc) =	sbr.rel @p0 .LBB2_2-.Ltmp0, $4  }
0x24: {  	s18 =	sshra.s32 s17, $0x2;
	v5 =	vadd.f32 v3, v5  }
0x25: {  	v3 =	vld [tilespmem:s18+$0x280];
	v6 =	vadd.f32 v4, v6  }
0x26: {  	v4 =	vld [tilespmem:s18+$0x3C0];
	[tilespmem:s16+$0x0] =	vst v5  }
0x27: {  	s17 =	sadd.s32 $0x40, s17;
	v5 =	vld [tilespmem:s18+$0x0];
	[tilespmem:s16+$0x140] =	vst v6;
	s16 =	smov.u32 s18  }
0x28: {  	v6 =	vld [tilespmem:s16+$0x140];
	_ =	sdelay $0x3  }
0x29: {  	v3 =	vadd.f32 v3, v5  }
0x2a: {  	v4 =	vadd.f32 v4, v6  }
0x2b: {  	[tilespmem:s16+$0x0] =	vst v3  }
0x2c: {  	s17 =	simm.s32 $0x140;
	[tilespmem:s16+$0x140] =	vst v4  }
0x2d: {  	s16 =	simm.s32 $0x0;
	v4 =	vld [tilespmem:s17+$0x0]  }
0x2e: {  	v3 =	vld [tilespmem:s16+$0x0]  }
0x2f: {  	s18 =	simm.s32 $0x20;
	s19 =	simm.s32 $0x0  }
.LBB2_4:
0x30: {  	p0 =	sne.s32 s18, $0x260;
	_ =	sdelay $0x2  }
0x31: {  	v5 =	vmax.f32 v3, v4;
	v6 =	vmin.f32 v3, v4  }
0x32: {  	v6 =	vsub.f32 v6, v5;
	v4 =	vsub.f32 v4, v5;
	_ =	sdelay $0x1  }
0x33: {  	v6 =	vmul.f32 $1.442695020e+00, v6;
	_ =	sdelay $0x1  }
0x34: {  	(erf) = vpow2.f32 v6;
	_ =	sdelay $0x8  }
0x35: {  	v6 =	vpop (erf)  }
0x36: {  	v7 =	vadd.f32 $2.000000000e+00, v6;
	_ =	sdelay $0x1  }
0x37: {  	(erf) = vrcp.f32 v7;
	_ =	sdelay $0x8  }
0x38: {  	v7 =	vpop (erf)  }
0x39: {  	v6 =	vmul.f32 v7, v6;
	_ =	sdelay $0x1  }
0x3a: {  	v7 =	vmul.f32 v6, v6;
	_ =	sdelay $0x1  }
0x3b: {  	v8 =	vmul.f32 $1.111111120e-01, v7;
	_ =	sdelay $0x1  }
0x3c: {  	v8 =	vadd.f32 $1.428571490e-01, v8;
	_ =	sdelay $0x1  }
0x3d: {  	v8 =	vmul.f32 v8, v7;
	_ =	sdelay $0x1  }
0x3e: {  	v8 =	vadd.f32 $2.000000030e-01, v8;
	_ =	sdelay $0x1  }
0x3f: {  	v8 =	vmul.f32 v8, v7;
	_ =	sdelay $0x1  }
0x40: {  	v8 =	vadd.f32 $3.333333430e-01, v8;
	_ =	sdelay $0x1  }
0x41: {  	v7 =	vmul.f32 v8, v7;
	_ =	sdelay $0x1  }
0x42: {  	v6 =	vadd.f32 v6, v6;
	v8 =	vor.u32 s16, v0;
	v7 =	vadd.f32 $1.000000000e+00, v7  }
0x43: {  	v8 =	vand.u32 v1, v8  }
0x44: {  	v3 =	vsub.f32 v3, v5;
	v5 =	vor.u32 s16, v2;
	s16 =	smov.u32 s18;
	v6 =	vmul.f32 v7, v6;
	_ =	sdelay $0x1  }
0x45: {  	v3 =	vsub.f32 v3, v6;
	v4 =	vsub.f32 v4, v6;
	_ =	sdelay $0x1  }
.Ltmp1:
0x46: {  	[tilespmem:v8+s13+$0x0] =	vst.idx.msk $0xffff, v3;
	(pc) =	sbr.rel @p0 .LBB2_4-.Ltmp1, $4  }
0x47: {  	s17 =	sadd.s32 $0x10, s17;
	[tilespmem:v5+s13+$0x0] =	vst.idx.msk $0xffff, v4  }
0x48: {  	s19 =	sadd.s32 $0x10, s19;
	v4 =	vld [tilespmem:s17+$0x0]  }
0x49: {  	v3 =	vld [tilespmem:s19+$0x0]  }
0x4a: {  	s18 =	sadd.s32 $0x20, s18  }
0x4b: {  	_ =	sdelay $0x2  }
0x4c: {  	v5 =	vmax.f32 v3, v4;
	v6 =	vmin.f32 v3, v4  }
0x4d: {  	v6 =	vsub.f32 v6, v5;
	_ =	sdelay $0x1  }
0x4e: {  	v6 =	vmul.f32 $1.442695020e+00, v6;
	_ =	sdelay $0x1  }
0x4f: {  	(erf) = vpow2.f32 v6;
	_ =	sdelay $0x8  }
0x50: {  	v6 =	vpop (erf)  }
0x51: {  	v7 =	vadd.f32 $2.000000000e+00, v6;
	_ =	sdelay $0x1  }
0x52: {  	(erf) = vrcp.f32 v7;
	_ =	sdelay $0x8  }
0x53: {  	v7 =	vpop (erf)  }
0x54: {  	v6 =	vmul.f32 v7, v6;
	_ =	sdelay $0x1  }
0x55: {  	v7 =	vmul.f32 v6, v6;
	_ =	sdelay $0x1  }
0x56: {  	v8 =	vmul.f32 $1.111111120e-01, v7;
	_ =	sdelay $0x1  }
0x57: {  	v8 =	vadd.f32 $1.428571490e-01, v8;
	_ =	sdelay $0x1  }
0x58: {  	v8 =	vmul.f32 v8, v7;
	_ =	sdelay $0x1  }
0x59: {  	v8 =	vadd.f32 $2.000000030e-01, v8;
	_ =	sdelay $0x1  }
0x5a: {  	v8 =	vmul.f32 v8, v7;
	_ =	sdelay $0x1  }
0x5b: {  	v8 =	vadd.f32 $3.333333430e-01, v8;
	_ =	sdelay $0x1  }
0x5c: {  	v7 =	vmul.f32 v8, v7;
	_ =	sdelay $0x1  }
0x5d: {  	v61 =	vor.u32 s16, v0;
	v6 =	vadd.f32 v6, v6;
	v7 =	vadd.f32 $1.000000000e+00, v7  }
0x5e: {  	v8 =	vand.u32 v1, v61  }
0x5f: {  	v62 =	vor.u32 s16, v2;
	v3 =	vsub.f32 v3, v5;
	v6 =	vmul.f32 v7, v6  }
0x60: {  	v63 =	vsub.f32 v4, v5  }
0x61: {  	v3 =	vsub.f32 v3, v6  }
0x62: {  	s15 =	sadd.s32 $0x1, s15;
	v4 =	vsub.f32 v63, v6  }
0x63: {  	p0 =	sne.s32 s15, s8;
	[tilespmem:v8+s13+$0x0] =	vst.idx.msk $0xffff, v3  }
.Ltmp2:
0x64: {  	[tilespmem:v62+s13+$0x0] =	vst.idx.msk $0xffff, v4;
	(pc) =	sbr.rel @p0 .LBB2_1-.Ltmp2, $4  }
0x65: {  	[hbm4b:s7+s2] =	stream.linear.scatter [tilespmem:s13], [sflag:$0x2], $0x280, $0x38;
	[tilespmem:$0x780] =	vst v63  }
0x66: {  	_ =	swait.ge [sflag:s14], $0x280  }
0x67: {  	[sflag:s14] =	ssyncset.done $0x0  }
0x68: {  	[sflag:s14] =	ssyncadd.s32 $0xFFFFFD80  }
0x69: {  	_ =	sfence.sel $0x180000  }
0x6a: {  	[bflag:$0x0] =	sbarrier.arrive $0xFFFF  }
0x6b: {  	p0 =	sne.s32 s0, $0x0;
	_ =	strace $0x90000050  }
0x6c: {  	s0 =	sadd.s32 @!p0 $0x100000, s1;
	[bflag:$0x2] =	sbarrier.arrive $0xFFFF  }
0x6d: {  	[sflag:s0] =	ssyncadd.tile.s32 @!p0 $0x1;
	_ =	shalt  }
.Lfunc_end2:
_tile_overlayer_lowered:
.L_overlay_start_2:
0x6e: {  	(tag) =	ssettag $0x2  }
0x6f: {  	s0 =	rddreg [dreg:$0x0];
	s2 =	stileid.u32  }
0x70: {  	s1 =	rddreg [dreg:$0x1];
	p0 =	sne.s32 s2, $0x0  }
0x71: {  	s3 =	rddreg [dreg:$0x2];
	[bflag:$0x3] =	sbarrier.arrive $0xFFFF;
	s2 =	simm.s32 @!p0 $0x1C02  }
0x72: {  	[timem:s3], [sflag:s2] =	dma.local @!p0 [hbm:s0], s1  }
0x73: {  	s0 =	simm.s32 @!p0 $0x2  }
0x74: {  	_ =	swait.ge @!p0 [sflag:s0], s1  }
0x75: {  	s1 =	ssub.s32 @!p0 $0x0, s1;
	[sflag:s0] =	ssyncset.done @!p0 $0x0  }
0x76: {  	[sflag:s0] =	ssyncadd.s32 @!p0 s1  }
0x77: {  	[bflag:$0x3] =	sbarrier.arrive $0xFFFF  }
0x78: {  	_ =	shalt  }

// kernel: kernel.8.cloned.1.call-start
scs
__scs_entry_jumppad:
0x0: {  	(pc) =	sbr.rel $0x88, $3  }
0x1: {  	(tag) =	ssettag $0x0;
	lr =	simm.s32 $0x1  }
0x2: {  	[smem:$0x3F9B] =	sst lr;
	_ =	strace $0xD0000000  }
0x3: {  	_ = 	snop  }
0x4: {  	_ = 	snop  }
0x5: {  	_ = 	snop  }
0x6: {  	_ = 	snop  }
0x7: {  	_ = 	snop  }
__scs_overlays_trampoline_lowered:
0x8: {  	[smem:$0x3FAA] =	sst s0  }
0x9: {  	[smem:$0x3FAB] =	sst s1  }
0xa: {  	[smem:$0x3FAC] =	sst s2  }
0xb: {  	[smem:$0x3FAD] =	sst s3  }
0xc: {  	[smem:$0x3FAE] =	sst s4  }
0xd: {  	[smem:$0x3FAF] =	sst s5  }
0xe: {  	[smem:$0x3FB0] =	sst s6  }
0xf: {  	[smem:$0x3FB1] =	sst s7  }
0x10: {  	[smem:$0x3FB2] =	sst s8  }
0x11: {  	[smem:$0x3FB3] =	sst s9;
	s0 =	simm.s32 @!p0 $0x0  }
0x12: {  	s1 =	sld [smem:$0x3F99];
	s0 =	simm.s32 @p0 $0x1  }
0x13: {  	[smem:$0x3FB4] =	sst s0;
	s0 =	simm.s32 @!p1 $0x0  }
0x14: {  	s2 =	sld [smem:$0x3F98];
	s0 =	simm.s32 @p1 $0x1  }
0x15: {  	[smem:$0x3FB5] =	sst s0;
	s0 =	simm.s32 @!p2 $0x0  }
0x16: {  	s3 =	sld [smem:$0x3FDB];
	s0 =	simm.s32 @p2 $0x1  }
0x17: {  	s4 =	simm.s32 $0x1BF5;
	[smem:$0x3FB7] =	sst s0  }
0x18: {  	s0 =	sld [smem:$0x3F9A];
	_ =	swait.ge [sflag:s4], $0x0  }
0x19: {  	s7 =	sld [smem:$0x3F9B]  }
0x1a: {  	s8 =	sadd.s32 $0xFFFFE003, lr  }
0x1b: {  	s9 =	sadd.s32 $0xFFFFFEF7, lr;
	s5 =	simm.s32 $0xFFFFFFFF;
	p2 =	slt.u32 s8, $0xFFFFF086  }
0x1c: {  	p1 =	slt.u32 s9, $0xF7A;
	s5 =	simm.s32 @!p2 $0x0  }
0x1d: {  	s5 =	simm.s32 @p1 $0x1;
	p0 =	seq.s32 s7, s2  }
0x1e: {  	s7 =	smul.u32 @!p0 $0xF7A, s2;
	p2 =	seq.s32 @!p0 s5, $0x0  }
0x1f: {  	s9 =	smul.u32 $0xF7A, s1;
	s8 =	simm.s32 @!p0 $0x1BF5;
	p2 =	por !p2, p0  }
0x20: {  	[sflag:s8] =	ssyncset.s32 @!p0 $0xFFFFF086;
	s6 =	sadd.s32 @!p0 s3, s7;
	s7 =	simm.s32 @!p0 $0x108  }
0x21: {  	s3 =	sadd.s32 s3, s9;
	s6 =	sadd.s32 @!p0 $0x88, s6;
	s7 =	simm.s32 @p2 $0x1082  }
0x22: {  	[simem:s7], [sflag:s8] =	dma.local @!p0 [hbm:s6], $0xF7A  }
0x23: {  	s9 =	sor.u32 $0xD0000000, s2;
	s6 =	simm.s32 $0x108;
	_ =	swait.ge @!p0 [sflag:s8], $0x0  }
0x24: {  	s3 =	sadd.s32 $0x88, s3;
	s6 =	simm.s32 @!p1 $0x1082;
	[sflag:s4] =	ssyncset.s32 $0xFFFFF086  }
0x25: {  	[simem:s6], [sflag:s4] =	dma.local [hbm:s3], $0xF7A  }
0x26: {  	[smem:$0x3F9B] =	sst s1;
	(tag) =	ssettag s2;
	_ =	strace s9  }
0x27: {  	s1 =	sld [smem:$0x3FAB]  }
0x28: {  	s2 =	sld [smem:$0x3FAC]  }
0x29: {  	s4 =	sld [smem:$0x3FAE]  }
0x2a: {  	p0 =	seq.s32 s5, $0x0;
	s5 =	sld [smem:$0x3FAF]  }
0x2b: {  	s6 =	sld [smem:$0x3FB0]  }
0x2c: {  	s7 =	sld [smem:$0x3FB1]  }
0x2d: {  	s3 =	simm.s32 $0x108;
	s8 =	sld [smem:$0x3FB2]  }
0x2e: {  	s3 =	simm.s32 @!p0 $0x1082;
	s9 =	sld [smem:$0x3FB3]  }
0x2f: {  	lr =	sadd.s32 s0, s3;
	s0 =	sld [smem:$0x3FAA]  }
0x30: {  	s3 =	sld [smem:$0x3FAD]  }
0x31: {  	[smem:$0x3FB6] =	sst s10  }
0x32: {  	s10 =	sld [smem:$0x3FB4];
	_ =	sdelay $0x3  }
0x33: {  	p0 =	seq.s32 s10, $0x1;
	s10 =	sld [smem:$0x3FB6];
	_ =	sdelay $0x3  }
0x34: {  	[smem:$0x3FB6] =	sst s10  }
0x35: {  	s10 =	sld [smem:$0x3FB5];
	_ =	sdelay $0x3  }
0x36: {  	p1 =	seq.s32 s10, $0x1;
	s10 =	sld [smem:$0x3FB6];
	_ =	sdelay $0x3  }
0x37: {  	[smem:$0x3FB6] =	sst s10  }
0x38: {  	s10 =	sld [smem:$0x3FB7]  }
0x39: {  	_ = 	snop;
	(pc) =	sbr.ind lr, $3  }
0x3a: {  	_ = 	snop  }
0x3b: {  	_ = 	snop  }
0x3c: {  	p2 =	seq.s32 s10, $0x1;
	s10 =	sld [smem:$0x3FB6]  }
0x3d: {  	_ =	shalt  }
0x3e: {  	_ =	shalt  }
0x3f: {  	_ =	shalt  }
0x40: {  	_ =	shalt  }
0x41: {  	_ =	shalt  }
0x42: {  	_ =	shalt  }
0x43: {  	_ =	shalt  }
0x44: {  	_ =	shalt  }
0x45: {  	_ =	shalt  }
0x46: {  	_ =	shalt  }
0x47: {  	_ =	shalt  }
0x48: {  	_ =	shalt  }
0x49: {  	_ =	shalt  }
0x4a: {  	_ =	shalt  }
0x4b: {  	_ =	shalt  }
0x4c: {  	_ =	shalt  }
0x4d: {  	_ =	shalt  }
0x4e: {  	_ =	shalt  }
0x4f: {  	_ =	shalt  }
0x50: {  	_ =	shalt  }
0x51: {  	_ =	shalt  }
0x52: {  	_ =	shalt  }
0x53: {  	_ =	shalt  }
0x54: {  	_ =	shalt  }
0x55: {  	_ =	shalt  }
0x56: {  	_ =	shalt  }
0x57: {  	_ =	shalt  }
0x58: {  	_ =	shalt  }
0x59: {  	_ =	shalt  }
0x5a: {  	_ =	shalt  }
0x5b: {  	_ =	shalt  }
0x5c: {  	_ =	shalt  }
0x5d: {  	_ =	shalt  }
0x5e: {  	_ =	shalt  }
0x5f: {  	_ =	shalt  }
0x60: {  	_ =	shalt  }
0x61: {  	_ =	shalt  }
0x62: {  	_ =	shalt  }
0x63: {  	_ =	shalt  }
0x64: {  	_ =	shalt  }
0x65: {  	_ =	shalt  }
0x66: {  	_ =	shalt  }
0x67: {  	_ =	shalt  }
0x68: {  	_ =	shalt  }
0x69: {  	_ =	shalt  }
0x6a: {  	_ =	shalt  }
0x6b: {  	_ =	shalt  }
0x6c: {  	_ =	shalt  }
0x6d: {  	_ =	shalt  }
0x6e: {  	_ =	shalt  }
0x6f: {  	_ =	shalt  }
0x70: {  	_ =	shalt  }
0x71: {  	_ =	shalt  }
0x72: {  	_ =	shalt  }
0x73: {  	_ =	shalt  }
0x74: {  	_ =	shalt  }
0x75: {  	_ =	shalt  }
0x76: {  	_ =	shalt  }
0x77: {  	_ =	shalt  }
0x78: {  	_ =	shalt  }
0x79: {  	_ =	shalt  }
0x7a: {  	_ =	shalt  }
0x7b: {  	_ =	shalt  }
0x7c: {  	_ =	shalt  }
0x7d: {  	_ =	shalt  }
0x7e: {  	_ =	shalt  }
0x7f: {  	_ =	shalt  }
0x80: {  	_ =	shalt  }
0x81: {  	_ =	shalt  }
0x82: {  	_ =	shalt  }
0x83: {  	_ =	shalt  }
0x84: {  	_ =	shalt  }
0x85: {  	_ =	shalt  }
0x86: {  	_ =	shalt  }
0x87: {  	_ =	shalt  }
.Lfunc_end0:
.L_simem_size_0:
called_computation_lowered:
.L_overlay_start_0:
0x88: {  	s2 =	sld [smem:$0x3FD9]  }
0x89: {  	s3 =	sld [smem:$0x3FFE];
	_ =	sdelay $0x1  }
0x8a: {  	s1 =	srdreg.scid  }
0x8b: {  	s0 =	sand.u32 $0x1, s1  }
0x8c: {  	s16 =	sshll.u32 s0, $0xA;
	s2 =	sadd.s32 s3, s2  }
0x8d: {  	s2 =	sadd.s32 s2, s16  }
0x8e: {  	[smem:$0x3FC2] =	sst s2  }
0x8f: {  	_ = 	snop  }
0x90: {  	(tm) =	ssettm $0x1  }
0x91: {  	s17 =	sld [smem:$0x3FFB];
	_ =	sdelay $0x3  }
0x92: {  	_ =	strace s17  }
0x93: {  	s2 =	sld [smem:$0x3FFC];
	_ =	sdelay $0x3  }
0x94: {  	_ =	strace s2  }
0x95: {  	s2 =	sld [smem:$0x3FFD];
	_ =	sdelay $0x3  }
0x96: {  	_ =	strace s2  }
0x97: {  	_ =	strace $0x8FFFFFFF  }
0x98: {  	s18 =	sld [smem:$0x3FDB];
	_ =	sdelay $0x1  }
0x99: {  	s19 =	simm.s32 $_scs_section_size  }
0x9a: {  	s4 =	simm.s32 $_size__tile_overlayer_lowered;
	s5 =	simm.s32 $_tile_overlayer_lowered  }
0x9b: {  	s22 =	simm.s32 $0x1BFF;
	s21 =	sshll.u32 s5, $0x1;
	s2 =	sadd.s32 s19, s18  }
0x9c: {  	s6 =	simm.s32 $0x0;
	s20 =	sshll.u32 s4, $0x1;
	s4 =	sadd.s32 s21, s2  }
0x9d: {  	[timem:s6], [sflag:s22] =	dma.local [hbm:s4], s20  }
0x9e: {  	_ =	swait.ge [sflag:s22], s20  }
0x9f: {  	s3 =	ssub.s32 $0x0, s20;
	[sflag:s22] =	ssyncset.done $0x0  }
0xa0: {  	[sflag:s22] =	ssyncadd.s32 s3;
	_ =	sdelay $0x1  }
0xa1: {  	s23 =	simm.s32 $0x1B8B  }
0xa2: {  	_ =	swait.ge [sflag:s23], $0x1  }
0xa3: {  	[sflag:s23] =	ssyncset.done $0x0  }
0xa4: {  	s25 =	simm.s32 $0x1B8E;
	s24 =	sld [smem:$0x3FFE];
	[sflag:s23] =	ssyncadd.s32 $0xFFFFFFFF  }
0xa5: {  	s26 =	simm.s32 $execute0_lowered;
	[smem:$0x3FD2] =	sst s25  }
0xa6: {  	s4 =	sshll.u32 s26, $0x1;
	_ =	strace $0x80000046;
	[dreg:$0x1] =	wrdreg $0xFFFFFFFF  }
0xa7: {  	s28 =	simm.s32 $_size_execute0_lowered;
	s2 =	sadd.s32 s2, s4;
	[dreg:$0x0] =	wrdreg $0x0  }
0xa8: {  	s4 =	sshll.u32 s28, $0x1;
	[dreg:$0x2] =	wrdreg s2  }
0xa9: {  	[dreg:$0x3] =	wrdreg s4  }
0xaa: {  	[dreg:$0x4] =	wrdreg $0xC0  }
0xab: {  	_ =	task [dreg:s6], $0x5FFFF  }
0xac: {  	[dreg:$0x1] =	wrdreg $0xFFFFFFFF  }
0xad: {  	[dreg:$0x0] =	wrdreg $0x60  }
0xae: {  	[dreg:$0x2] =	wrdreg s24  }
0xaf: {  	[dreg:$0x3] =	wrdreg $0x31600  }
0xb0: {  	[dreg:$0x4] =	wrdreg $0x9  }
0xb1: {  	_ =	task.clear_ibuf [dreg:s6], $0x5FFFF;
	_ =	strace $0x90000046  }
0xb2: {  	s29 =	simm.s32 $0x9;
	_ =	strace $0x80000048  }
0xb3: {  	_ =	swait.ge [sflag:s29], $0x1  }
0xb4: {  	[sflag:s29] =	ssyncadd.s32 $0xFFFFFFFF  }
0xb5: {  	_ =	strace $0x90000048  }
0xb6: {  	_ =	sfence  }
0xb7: {  	s30 =	sld [smem:$0x0];
	_ =	sdelay $0x2  }
0xb8: {  	s31 =	sshll.u32 s1, $0xD;
	s1 =	sshrl.u32 s1, $0x2  }
0xb9: {  	s3 =	sand.u32 $0x4000, s31;
	s1 =	sadd.s32 s1, s30  }
0xba: {  	s0 =	sor.u32 s3, s0;
	s1 =	sshll.u32 s1, $0x11  }
0xbb: {  	s0 =	sor.u32 s1, s0  }
0xbc: {  	s0 =	sadd.s32 $0x8F2B, s0  }
0xbd: {  	[sflag:s0] =	ssyncadd.remote.s32 $0x1  }
0xbe: {  	_ =	sfence.sel $0xFFFF  }
0xbf: {  	[dreg:$0x0] =	wrdreg $0xFFFFFFFF;
	(pc) =	sbr.abs _section_cstart, $3  }
0xc0: {  	[dreg:$0x1] =	wrdreg $0xFFFFFFFF  }
0xc1: {  	_ =	task.clear_ibuf [dreg:s6], $0x2FFFF;
	_ =	strace $0x9FFFFFFF  }
0xc2: {  	(tm) =	ssettm $0x7FFFFFFF  }
0xc3: {  	_ =	shalt  }
tec
execute0_lowered:
.L_overlay_start_1:
0x0: {  	(tag) =	ssettag $0x1  }
0x1: {  	s4 =	rddreg [dreg:$0x0]  }
0x2: {  	s2 =	rddreg [dreg:$0x1]  }
0x3: {  	s0 =	rddreg [dreg:$0x2]  }
0x4: {  	s3 =	srdreg.scid;
	s1 =	stileid.u32;
	s12 =	simm.s32 $0x7D0  }
0x5: {  	s13 =	simm.s32 $0xFA0;
	s14 =	simm.s32 $0x1770;
	s15 =	simm.s32 $0x1F40  }
0x6: {  	s16 =	simm.s32 $0x2EE0;
	s17 =	simm.s32 $0x2;
	s18 =	simm.s32 $0x1  }
0x7: {  	s19 =	simm.s32 $0x2710;
	s20 =	simm.s32 $0x0;
	s5 =	sand.u32 $0x1, s3  }
0x8: {  	s6 =	sshll.u32 s1, $0x1;
	s9 =	smul.u32 $0x280, s1;
	s3 =	simm.s32 $0x0  }
0x9: {  	s6 =	sor.u32 s5, s6;
	s7 =	smul.u32 $0x2800, s5;
	s5 =	ssub.s32 $0x2, s5  }
0xa: {  	[smem:$0x7FF] =	sst s3;
	s6 =	smul.u32 $0x2710, s6;
	s31 =	sshrl.u32 s5, $0x1  }
0xb: {  	_ =	strace $0x80000047;
	s7 =	sadd.s32 s9, s7;
	s11 =	ssub.s32 s5, s31  }
0xc: {  	s9 =	sadd.s32 s9, s2;
	s6 =	sshrl.u32 s6, $0x3;
	s7 =	sshrl.u32 s7, $0x3  }
0xd: {  	s11 =	smax.u32 s11, $0x1;
	s8 =	sadd.s32 s6, s4;
	s10 =	sadd.s32 s7, s4  }
0xe: {  	s4 =	sadd.s32 $0x2A00, s8;
	s5 =	sadd.s32 $0x2AFA, s8;
	s6 =	sadd.s32 $0x2BF4, s8  }
0xf: {  	v0 =	vimm.f32 $0.0e+00;
	v1 =	vimm.f32 $1.000000000e+00;
	s7 =	sadd.s32 $0x2CEE, s8;
	s8 =	sadd.s32 $0x2DE8, s8;
	s10 =	sadd.s32 $0x16600, s10  }
.LBB2_1:
0x10: {  	[tilespmem:s3], [sflag:$0x1] =	stream.linear.gather [hbm4b:s4+s3], $0x7D0, $0x38;
	[tilespmem:$0x33E0] =	vst v63  }
0x11: {  	_ = 	snop  }
0x12: {  	[tilespmem:s12], [sflag:$0x1] =	stream.linear.gather [hbm4b:s5+s3], $0x7D0, $0x38;
	[tilespmem:$0x33E0] =	vst v63  }
0x13: {  	_ = 	snop  }
0x14: {  	[tilespmem:s13], [sflag:$0x1] =	stream.linear.gather [hbm4b:s6+s3], $0x7D0, $0x38;
	[tilespmem:$0x33E0] =	vst v63  }
0x15: {  	_ = 	snop  }
0x16: {  	[tilespmem:s14], [sflag:$0x1] =	stream.linear.gather [hbm4b:s7+s3], $0x7D0, $0x38;
	[tilespmem:$0x33E0] =	vst v63  }
0x17: {  	_ = 	snop  }
0x18: {  	[tilespmem:s15], [sflag:$0x1] =	stream.linear.gather [hbm4b:s8+s3], $0x7D0, $0x38;
	[tilespmem:$0x33E0] =	vst v63  }
0x19: {  	[tilespmem:$0x2EE0] =	vst v0  }
0x1a: {  	[tilespmem:$0x2EF0] =	vst v0  }
0x1b: {  	[tilespmem:$0x2F00] =	vst v0  }
0x1c: {  	[tilespmem:$0x2F10] =	vst v0  }
0x1d: {  	[tilespmem:$0x2F20] =	vst v0  }
0x1e: {  	[tilespmem:$0x2F30] =	vst v0  }
0x1f: {  	[tilespmem:$0x2F40] =	vst v0  }
0x20: {  	[tilespmem:$0x2F50] =	vst v0  }
0x21: {  	[tilespmem:$0x2F60] =	vst v0  }
0x22: {  	[tilespmem:$0x2F70] =	vst v0  }
0x23: {  	[tilespmem:$0x2F80] =	vst v0  }
0x24: {  	[tilespmem:$0x2F90] =	vst v0  }
0x25: {  	[tilespmem:$0x2FA0] =	vst v0  }
0x26: {  	[tilespmem:$0x2FB0] =	vst v0  }
0x27: {  	[tilespmem:$0x2FC0] =	vst v0  }
0x28: {  	[tilespmem:$0x2FD0] =	vst v0  }
0x29: {  	[tilespmem:$0x2FE0] =	vst v0  }
0x2a: {  	[tilespmem:$0x2FF0] =	vst v0  }
0x2b: {  	[tilespmem:$0x3000] =	vst v0  }
0x2c: {  	[tilespmem:$0x3010] =	vst v0  }
0x2d: {  	[tilespmem:$0x3020] =	vst v0  }
0x2e: {  	[tilespmem:$0x3030] =	vst v0  }
0x2f: {  	[tilespmem:$0x3040] =	vst v0  }
0x30: {  	[tilespmem:$0x3050] =	vst v0  }
0x31: {  	[tilespmem:$0x3060] =	vst v0  }
0x32: {  	[tilespmem:$0x3070] =	vst v0  }
0x33: {  	[tilespmem:$0x3080] =	vst v0  }
0x34: {  	[tilespmem:$0x3090] =	vst v0  }
0x35: {  	[tilespmem:$0x30A0] =	vst v0  }
0x36: {  	[tilespmem:$0x30B0] =	vst v0  }
0x37: {  	[tilespmem:$0x30C0] =	vst v0  }
0x38: {  	[tilespmem:$0x30D0] =	vst v0  }
0x39: {  	[tilespmem:$0x30E0] =	vst v0  }
0x3a: {  	[tilespmem:$0x30F0] =	vst v0  }
0x3b: {  	[tilespmem:$0x3100] =	vst v0  }
0x3c: {  	[tilespmem:$0x3110] =	vst v0  }
0x3d: {  	[tilespmem:$0x3120] =	vst v0  }
0x3e: {  	[tilespmem:$0x3130] =	vst v0  }
0x3f: {  	[tilespmem:$0x3140] =	vst v0  }
0x40: {  	s21 =	simm.s32 $0x40;
	s22 =	simm.s32 $0x0;
	[tilespmem:$0x3150] =	vst v0  }
.LBB2_2:
0x41: {  	p0 =	sne.s32 s21, $0x1F00;
	[tilespmem:s22+$0x2710] =	vst v1;
	s22 =	smov.u32 s21;
	s21 =	sadd.s32 $0x40, s21  }
.Ltmp0:
0x42: {  	(pc) =	sbr.rel @p0 .LBB2_2-.Ltmp0, $2  }
0x43: {  	_ =	sdelay $0x2  }
0x44: {  	s22 =	sshra.s32 s22, $0x2  }
0x45: {  	[tilespmem:s22+$0x2710] =	vst v1  }
0x46: {  	[spmem:s9] =	stream.linear.scatter [tilespmem:s16], [sflag:$0x2], $0x280, $0x38;
	[tilespmem:$0x33E0] =	vst v63  }
0x47: {  	_ =	swait.ge [sflag:s17], $0x280  }
0x48: {  	[sflag:s17] =	ssyncset.done $0x0  }
0x49: {  	[sflag:s17] =	ssyncadd.s32 $0xFFFFFD80  }
0x4a: {  	_ =	swait.ge [sflag:s18], $0x7D0  }
0x4b: {  	[sflag:s18] =	ssyncset.done $0x0  }
0x4c: {  	[sflag:s18] =	ssyncadd.s32 $0xFFFFF830  }
0x4d: {  	_ =	swait.ge [sflag:s18], $0x7D0  }
0x4e: {  	[sflag:s18] =	ssyncset.done $0x0  }
0x4f: {  	[sflag:s18] =	ssyncadd.s32 $0xFFFFF830  }
0x50: {  	_ =	swait.ge [sflag:s18], $0x7D0  }
0x51: {  	[sflag:s18] =	ssyncset.done $0x0  }
0x52: {  	[sflag:s18] =	ssyncadd.s32 $0xFFFFF830  }
0x53: {  	_ =	swait.ge [sflag:s18], $0x7D0  }
0x54: {  	[sflag:s18] =	ssyncset.done $0x0  }
0x55: {  	[sflag:s18] =	ssyncadd.s32 $0xFFFFF830  }
0x56: {  	_ =	swait.ge [sflag:s18], $0x7D0  }
0x57: {  	[sflag:s18] =	ssyncset.done $0x0  }
0x58: {  	[sflag:s18] =	ssyncadd.s32 $0xFFFFF830  }
0x59: {  	[bflag:$0x0] =	sbarrier.arrive $0xFFFF  }
0x5a: {  	[spmem:s2] =	stream.indirect.scatter.add.f32 [tilespmem:s19], [sflag:$0x2], $0x1, s3, s12, $0xb8;
	[tilespmem:$0x33E0] =	vst v63  }
0x5b: {  	_ =	swait.ge [sflag:s17], $0x7D0  }
0x5c: {  	[sflag:s17] =	ssyncset.done $0x0  }
0x5d: {  	[sflag:s17] =	ssyncadd.s32 $0xFFFFF830  }
0x5e: {  	[spmem:s2] =	stream.indirect.scatter.add.f32 [tilespmem:s19], [sflag:$0x2], $0x1, s12, s12, $0xb8;
	[tilespmem:$0x33E0] =	vst v63  }
0x5f: {  	_ =	swait.ge [sflag:s17], $0x7D0  }
0x60: {  	[sflag:s17] =	ssyncset.done $0x0  }
0x61: {  	[sflag:s17] =	ssyncadd.s32 $0xFFFFF830  }
0x62: {  	[spmem:s2] =	stream.indirect.scatter.add.f32 [tilespmem:s19], [sflag:$0x2], $0x1, s13, s12, $0xb8;
	[tilespmem:$0x33E0] =	vst v63  }
0x63: {  	_ =	swait.ge [sflag:s17], $0x7D0  }
0x64: {  	[sflag:s17] =	ssyncset.done $0x0  }
0x65: {  	[sflag:s17] =	ssyncadd.s32 $0xFFFFF830  }
0x66: {  	[spmem:s2] =	stream.indirect.scatter.add.f32 [tilespmem:s19], [sflag:$0x2], $0x1, s14, s12, $0xb8;
	[tilespmem:$0x33E0] =	vst v63  }
0x67: {  	_ =	swait.ge [sflag:s17], $0x7D0  }
0x68: {  	[sflag:s17] =	ssyncset.done $0x0  }
0x69: {  	[sflag:s17] =	ssyncadd.s32 $0xFFFFF830  }
0x6a: {  	[spmem:s2] =	stream.indirect.scatter.add.f32 [tilespmem:s19], [sflag:$0x2], $0x1, s15, s12, $0xb8;
	[tilespmem:$0x33E0] =	vst v63  }
0x6b: {  	_ =	swait.ge [sflag:s17], $0x7D0  }
0x6c: {  	[sflag:s17] =	ssyncset.done $0x0  }
0x6d: {  	[sflag:s17] =	ssyncadd.s32 $0xFFFFF830  }
0x6e: {  	[bflag:$0x0] =	sbarrier.arrive $0xFFFF  }
0x6f: {  	[tilespmem:s16], [sflag:$0x2] =	stream.linear.gather [spmem:s9], $0x280, $0x38;
	[tilespmem:$0x33E0] =	vst v63  }
0x70: {  	s20 =	sadd.s32 $0x1, s20;
	_ =	swait.ge [sflag:s17], $0x280  }
0x71: {  	p0 =	sne.s32 s20, s11;
	[sflag:s17] =	ssyncset.done $0x0  }
.Ltmp1:
0x72: {  	[sflag:s17] =	ssyncadd.s32 $0xFFFFFD80;
	(pc) =	sbr.rel @p0 .LBB2_1-.Ltmp1, $4  }
0x73: {  	[hbm4b:s10+s3] =	stream.linear.scatter [tilespmem:s16], [sflag:$0x2], $0x280, $0x38;
	[tilespmem:$0x33E0] =	vst v63  }
0x74: {  	_ =	swait.ge [sflag:s17], $0x280  }
0x75: {  	[sflag:s17] =	ssyncset.done $0x0  }
0x76: {  	[sflag:s17] =	ssyncadd.s32 $0xFFFFFD80  }
0x77: {  	_ =	sfence.sel $0x180000  }
0x78: {  	[bflag:$0x0] =	sbarrier.arrive $0xFFFF  }
0x79: {  	p0 =	sne.s32 s1, $0x0;
	_ =	strace $0x90000047  }
0x7a: {  	s0 =	sadd.s32 @!p0 $0x100000, s0;
	[bflag:$0x2] =	sbarrier.arrive $0xFFFF  }
0x7b: {  	[sflag:s0] =	ssyncadd.tile.s32 @!p0 $0x1;
	_ =	shalt  }
.Lfunc_end2:
_tile_overlayer_lowered:
.L_overlay_start_2:
0x7c: {  	(tag) =	ssettag $0x2  }
0x7d: {  	s0 =	rddreg [dreg:$0x0];
	s2 =	stileid.u32  }
0x7e: {  	s1 =	rddreg [dreg:$0x1];
	p0 =	sne.s32 s2, $0x0  }
0x7f: {  	s3 =	rddreg [dreg:$0x2];
	[bflag:$0x3] =	sbarrier.arrive $0xFFFF;
	s2 =	simm.s32 @!p0 $0x1C02  }
0x80: {  	[timem:s3], [sflag:s2] =	dma.local @!p0 [hbm:s0], s1  }
0x81: {  	s0 =	simm.s32 @!p0 $0x2  }
0x82: {  	_ =	swait.ge @!p0 [sflag:s0], s1  }
0x83: {  	s1 =	ssub.s32 @!p0 $0x0, s1;
	[sflag:s0] =	ssyncset.done @!p0 $0x0  }
0x84: {  	[sflag:s0] =	ssyncadd.s32 @!p0 s1  }
0x85: {  	[bflag:$0x3] =	sbarrier.arrive $0xFFFF  }
0x86: {  	_ =	shalt  }

</sc_bundles>
